<compile_context>
chip_gen: v7x
topology: tpu7x:2x2x1
jax: 0.10.2.dev20260603
libtpu: 0.0.44.dev20260713+nightly
codegen_flags: <defaults>
</compile_context>

<pallas_src>
import functools

import jax
import jax.numpy as jnp
from jax import lax
from jax.experimental import pallas as pl
from jax.experimental.pallas import tpu as pltpu
from jax.experimental.pallas import tpu_sc as plsc

NUM_CLASSES = 1000
BATCH = 1024
SEQ = 26
NUM_CORES = 2
NUM_SUBCORES = 16
KCH = 40
NKC = NUM_CLASSES // KCH
GROUPS = BATCH // 16
BUFGROUPS = KCH * BATCH // 16
KDIV_MAGIC = 1639

_mesh = plsc.VectorSubcoreMesh(core_axis_name="c", subcore_axis_name="s")


@functools.partial(
    pl.kernel,
    out_type=jax.ShapeDtypeStruct((SEQ, NUM_CLASSES, BATCH), jnp.float32),
    mesh=_mesh,
    scratch_types=[
        pltpu.VMEM((1, KCH, BATCH), jnp.float32),
        pltpu.VMEM((1, KCH, BATCH), jnp.float32),
        pltpu.VMEM((BATCH,), jnp.int32),
        pltpu.VMEM((BATCH,), jnp.int32),
        pltpu.VMEM((BATCH,), jnp.int32),
        pltpu.SemaphoreType.DMA,
        pltpu.SemaphoreType.DMA,
    ],
    compiler_params=pltpu.CompilerParams(
        needs_layout_passes=False,
        disable_bounds_checks=True,
        disable_semaphore_checks=True,
    ),
)
def _onehot_sc(xt_hbm, zeros_hbm, out_hbm,
               buf0, buf1, col, kcv, relv, sem0, sem1):
    wid = lax.axis_index("s") * NUM_CORES + lax.axis_index("c")

    @pl.when(wid < SEQ)
    def _():
        s = wid
        z0 = pltpu.async_copy(zeros_hbm, buf0, sem0)
        pltpu.sync_copy(xt_hbm.at[pl.ds(s * BATCH, BATCH)], col)

        lane = lax.iota(jnp.int32, 16)
        ones16 = jnp.full((16,), 1.0, jnp.float32)
        zeros16 = jnp.zeros((16,), jnp.float32)
        zeroidx16 = jnp.zeros((16,), jnp.int32)

        def zero_fill(g, _):
            buf1[0, g >> 6, pl.ds((g & 63) * 16, 16)] = zeros16
            return 0

        lax.fori_loop(0, BUFGROUPS, zero_fill, 0, unroll=8)

        def bucket(g, _):
            kv = col[pl.ds(g * 16, 16)]
            kc = (kv * KDIV_MAGIC) >> 16
            kcv[pl.ds(g * 16, 16)] = kc
            relv[pl.ds(g * 16, 16)] = kv - kc * KCH
            return 0

        lax.fori_loop(0, GROUPS, bucket, 0, unroll=4)
        z0.wait()

        bufs = (buf0, buf1)
        sems = (sem0, sem1)

        def sweep(buf, set_kc, clear_kc):
            def body(g, _):
                kc = kcv[pl.ds(g * 16, 16)]
                rel = relv[pl.ds(g * 16, 16)]
                blane = g * 16 + lane
                is_set = kc == set_kc
                if clear_kc is not None:
                    val = jnp.where(is_set, ones16, zeros16)
                    plsc.store_scatter(buf, [zeroidx16, rel, blane],
                                       val, mask=is_set | (kc == clear_kc))
                else:
                    plsc.store_scatter(buf, [zeroidx16, rel, blane],
                                       ones16, mask=is_set)
                return 0

            lax.fori_loop(0, GROUPS, body, 0, unroll=4)

        pending = [None, None]
        for kc in range(NKC):
            b = kc % 2
            if pending[b] is not None:
                pending[b].wait()
            sweep(bufs[b], kc, kc - 2 if kc >= 2 else None)
            dst = out_hbm.at[pl.ds(s, 1), pl.ds(kc * KCH, KCH),
                             pl.ds(0, BATCH)]
            pending[b] = pltpu.async_copy(bufs[b], dst, sems[b])
        for b in (0, 1):
            pending[b].wait()


def kernel(x):
    xt = x.astype(jnp.int32).T.reshape(SEQ * BATCH)
    zeros = jnp.zeros((1, KCH, BATCH), jnp.float32)
    y = _onehot_sc(xt, zeros)
    return jnp.transpose(y, (2, 0, 1))

# --- scband reference (transcript-rebuilt; emitter-appended) ---
"""Pipeline reference for scband-one-hot-layer-14139032338842 (READ-ONLY COPY).

The authoritative reference and input builder live on the scoring server;
editing this copy changes nothing except your own understanding.
"""

import jax, jax.numpy as jnp
import numpy as np

NUM_CLASSES = 1000

def setup_inputs(seed: int = 0) -> dict:
    key = jax.random.key(seed)
    x = jax.random.randint(key, (1024, 26), 0, NUM_CLASSES, dtype=jnp.int64)
    return {"x": x}

def reference(x):
    # Faithful translation of F.one_hot(x.to(torch.int64), num_classes).float()
    x = x.astype(jnp.int64)
    x_onehot = jax.nn.one_hot(x, NUM_CLASSES, dtype=jnp.float32)
    return x_onehot

if __name__ == "__main__":
    import jax
    _d = setup_inputs()
    print(jax.jit(kernel)(*tuple(_d.values())))

</pallas_src>

<mosaic_0001>
#map = affine_map<(d0, d1) -> (0)>
#map1 = affine_map<(d0, d1) -> (0, 0, 0)>
module attributes {stable_mosaic.version = 14 : i64} {
  func.func @_onehot_sc(%arg0: i32, %arg1: i32, %arg2: memref<26624xi32, #tpu.memory_space<hbm>>, %arg3: memref<1x40x1024xf32, #tpu.memory_space<hbm>>, %arg4: memref<26x1000x1024xf32, #tpu.memory_space<hbm>>, %arg5: memref<1x40x1024xf32, #tpu.memory_space<vmem>>, %arg6: memref<1x40x1024xf32, #tpu.memory_space<vmem>>, %arg7: memref<1024xi32, #tpu.memory_space<vmem>>, %arg8: memref<1024xi32, #tpu.memory_space<vmem>>, %arg9: memref<1024xi32, #tpu.memory_space<vmem>>, %arg10: memref<!tpu.dma_semaphore, #tpu.memory_space<semaphore_mem>>, %arg11: memref<!tpu.dma_semaphore, #tpu.memory_space<semaphore_mem>>) attributes {dimension_semantics = [#tpu.dimension_semantics<core_parallel>, #tpu.dimension_semantics<subcore_parallel>], iteration_bounds = array<i64: 2, 16>, scalar_prefetch = 0 : i64, scratch_operands = 7 : i64, tpu.core_type = #tpu.core_type<sc_vector_subcore>, window_params = [{transform_indices = #map}, {transform_indices = #map1}, {transform_indices = #map1}]} {
    %mul3A = arith.constant 2 : i32
    %mul3A_0 = arith.muli %arg1, %mul3A : i32
    %add3A = arith.addi %mul3A_0, %arg0 : i32
    %lt3A = arith.constant 26 : i32
    %lt3A_1 = arith.cmpi slt, %add3A, %lt3A : i32
    %convert_element_type3A = arith.extui %lt3A_1 : i1 to i32
    %cond3A = arith.constant 0 : i32
    %cond3A_2 = arith.cmpi ne, %convert_element_type3A, %cond3A : i32
    scf.if %cond3A_2 {
      tpu.enqueue_dma source(%arg3 : memref<1x40x1024xf32, #tpu.memory_space<hbm>>) target(%arg5 : memref<1x40x1024xf32, #tpu.memory_space<vmem>>) target_semaphore(%arg10 : memref<!tpu.dma_semaphore, #tpu.memory_space<semaphore_mem>>)
      %mul3A_3 = arith.constant 1024 : i32
      %mul3A_4 = arith.muli %add3A, %mul3A_3 : i32
      "tpu.region"() ({
        %run_scoped3A = tpu.sem_alloc : memref<!tpu.dma_semaphore, #tpu.memory_space<semaphore_mem>>
        %dma_start3A_496 = tpu.memref_slice %arg2[%mul3A_4] : memref<26624xi32, #tpu.memory_space<hbm>> -> memref<1024xi32, #tpu.memory_space<hbm>>
        %dma_start3A_497 = tpu.memref_slice %arg2[%mul3A_4] : memref<26624xi32, #tpu.memory_space<hbm>> -> memref<1024xi32, #tpu.memory_space<hbm>>
        tpu.enqueue_dma source(%dma_start3A_497 : memref<1024xi32, #tpu.memory_space<hbm>>) target(%arg7 : memref<1024xi32, #tpu.memory_space<vmem>>) target_semaphore(%run_scoped3A : memref<!tpu.dma_semaphore, #tpu.memory_space<semaphore_mem>>)
        %dma_wait3A_498 = tpu.memref_slice %arg2[%mul3A_4] : memref<26624xi32, #tpu.memory_space<hbm>> -> memref<1024xi32, #tpu.memory_space<hbm>>
        %dma_wait3A_499 = tpu.memref_slice %arg2[%mul3A_4] : memref<26624xi32, #tpu.memory_space<hbm>> -> memref<1024xi32, #tpu.memory_space<hbm>>
        tpu.wait_dma2 semaphore(%run_scoped3A : memref<!tpu.dma_semaphore, #tpu.memory_space<semaphore_mem>>) src(%dma_wait3A_499 : memref<1024xi32, #tpu.memory_space<hbm>>) dst(%arg7 : memref<1024xi32, #tpu.memory_space<vmem>>)
        tpu.yield
      }) : () -> ()
      %iota3A = tpu.iota {dimensions = array<i32: 0>} : vector<16xi32>
      %broadcast_in_dim3A = arith.constant 1.000000e+00 : f32
      %broadcast_in_dim3A_5 = vector.broadcast %broadcast_in_dim3A : f32 to vector<16xf32>
      %broadcast_in_dim3A_6 = arith.constant 0.000000e+00 : f32
      %broadcast_in_dim3A_7 = vector.broadcast %broadcast_in_dim3A_6 : f32 to vector<16xf32>
      %broadcast_in_dim3A_8 = arith.constant 0 : i32
      %broadcast_in_dim3A_9 = vector.broadcast %broadcast_in_dim3A_8 : i32 to vector<16xi32>
      %scan3A = arith.constant 0 : i32
      %scan3A_10 = arith.constant 0 : i32
      %scan3A_11 = arith.constant 2560 : i32
      %scan3A_12 = arith.addi %scan3A_10, %scan3A_11 : i32
      %scan3A_13 = arith.constant 8 : i32
      %scan3A_14 = scf.for %scan3A_496 = %scan3A_10 to %scan3A_12 step %scan3A_13 iter_args(%scan3A_497 = %scan3A) -> (i32)  : i32 {
        %shift_right_arithmetic3A = arith.constant 6 : i32
        %shift_right_arithmetic3A_498 = arith.shrsi %scan3A_496, %shift_right_arithmetic3A : i32
        %and3A = arith.constant 63 : i32
        %and3A_499 = arith.andi %scan3A_496, %and3A : i32
        %mul3A_500 = arith.constant 16 : i32
        %mul3A_501 = arith.muli %and3A_499, %mul3A_500 : i32
        %swap3A = arith.constant 0 : i32
        %swap3A_502 = arith.index_cast %swap3A : i32 to index
        %swap3A_503 = arith.index_cast %shift_right_arithmetic3A_498 : i32 to index
        %swap3A_504 = arith.index_cast %mul3A_501 : i32 to index
        %swap3A_505 = tpu.vector_load %arg6[%swap3A_502, %swap3A_503, %swap3A_504] {strides = array<i32>} : memref<1x40x1024xf32, #tpu.memory_space<vmem>>, vector<16xf32>,
        tpu.vector_store %arg6[%swap3A_502, %swap3A_503, %swap3A_504], %broadcast_in_dim3A_7 {strides = array<i32>} : memref<1x40x1024xf32, #tpu.memory_space<vmem>>, vector<16xf32>,
        %scan3A_506 = arith.constant 0 : i32
        %scan3A_507 = arith.constant 1 : i32
        %scan3A_508 = arith.addi %scan3A_496, %scan3A_507 : i32
        %shift_right_arithmetic3A_509 = arith.constant 6 : i32
        %shift_right_arithmetic3A_510 = arith.shrsi %scan3A_508, %shift_right_arithmetic3A_509 : i32
        %and3A_511 = arith.constant 63 : i32
        %and3A_512 = arith.andi %scan3A_508, %and3A_511 : i32
        %mul3A_513 = arith.constant 16 : i32
        %mul3A_514 = arith.muli %and3A_512, %mul3A_513 : i32
        %swap3A_515 = arith.constant 0 : i32
        %swap3A_516 = arith.index_cast %swap3A_515 : i32 to index
        %swap3A_517 = arith.index_cast %shift_right_arithmetic3A_510 : i32 to index
        %swap3A_518 = arith.index_cast %mul3A_514 : i32 to index
        %swap3A_519 = tpu.vector_load %arg6[%swap3A_516, %swap3A_517, %swap3A_518] {strides = array<i32>} : memref<1x40x1024xf32, #tpu.memory_space<vmem>>, vector<16xf32>,
        tpu.vector_store %arg6[%swap3A_516, %swap3A_517, %swap3A_518], %broadcast_in_dim3A_7 {strides = array<i32>} : memref<1x40x1024xf32, #tpu.memory_space<vmem>>, vector<16xf32>,
        %scan3A_520 = arith.constant 0 : i32
        %scan3A_521 = arith.constant 2 : i32
        %scan3A_522 = arith.addi %scan3A_496, %scan3A_521 : i32
        %shift_right_arithmetic3A_523 = arith.constant 6 : i32
        %shift_right_arithmetic3A_524 = arith.shrsi %scan3A_522, %shift_right_arithmetic3A_523 : i32
        %and3A_525 = arith.constant 63 : i32
        %and3A_526 = arith.andi %scan3A_522, %and3A_525 : i32
        %mul3A_527 = arith.constant 16 : i32
        %mul3A_528 = arith.muli %and3A_526, %mul3A_527 : i32
        %swap3A_529 = arith.constant 0 : i32
        %swap3A_530 = arith.index_cast %swap3A_529 : i32 to index
        %swap3A_531 = arith.index_cast %shift_right_arithmetic3A_524 : i32 to index
        %swap3A_532 = arith.index_cast %mul3A_528 : i32 to index
        %swap3A_533 = tpu.vector_load %arg6[%swap3A_530, %swap3A_531, %swap3A_532] {strides = array<i32>} : memref<1x40x1024xf32, #tpu.memory_space<vmem>>, vector<16xf32>,
        tpu.vector_store %arg6[%swap3A_530, %swap3A_531, %swap3A_532], %broadcast_in_dim3A_7 {strides = array<i32>} : memref<1x40x1024xf32, #tpu.memory_space<vmem>>, vector<16xf32>,
        %scan3A_534 = arith.constant 0 : i32
        %scan3A_535 = arith.constant 3 : i32
        %scan3A_536 = arith.addi %scan3A_496, %scan3A_535 : i32
        %shift_right_arithmetic3A_537 = arith.constant 6 : i32
        %shift_right_arithmetic3A_538 = arith.shrsi %scan3A_536, %shift_right_arithmetic3A_537 : i32
        %and3A_539 = arith.constant 63 : i32
        %and3A_540 = arith.andi %scan3A_536, %and3A_539 : i32
        %mul3A_541 = arith.constant 16 : i32
        %mul3A_542 = arith.muli %and3A_540, %mul3A_541 : i32
        %swap3A_543 = arith.constant 0 : i32
        %swap3A_544 = arith.index_cast %swap3A_543 : i32 to index
        %swap3A_545 = arith.index_cast %shift_right_arithmetic3A_538 : i32 to index
        %swap3A_546 = arith.index_cast %mul3A_542 : i32 to index
        %swap3A_547 = tpu.vector_load %arg6[%swap3A_544, %swap3A_545, %swap3A_546] {strides = array<i32>} : memref<1x40x1024xf32, #tpu.memory_space<vmem>>, vector<16xf32>,
        tpu.vector_store %arg6[%swap3A_544, %swap3A_545, %swap3A_546], %broadcast_in_dim3A_7 {strides = array<i32>} : memref<1x40x1024xf32, #tpu.memory_space<vmem>>, vector<16xf32>,
        %scan3A_548 = arith.constant 0 : i32
        %scan3A_549 = arith.constant 4 : i32
        %scan3A_550 = arith.addi %scan3A_496, %scan3A_549 : i32
        %shift_right_arithmetic3A_551 = arith.constant 6 : i32
        %shift_right_arithmetic3A_552 = arith.shrsi %scan3A_550, %shift_right_arithmetic3A_551 : i32
        %and3A_553 = arith.constant 63 : i32
        %and3A_554 = arith.andi %scan3A_550, %and3A_553 : i32
        %mul3A_555 = arith.constant 16 : i32
        %mul3A_556 = arith.muli %and3A_554, %mul3A_555 : i32
        %swap3A_557 = arith.constant 0 : i32
        %swap3A_558 = arith.index_cast %swap3A_557 : i32 to index
        %swap3A_559 = arith.index_cast %shift_right_arithmetic3A_552 : i32 to index
        %swap3A_560 = arith.index_cast %mul3A_556 : i32 to index
        %swap3A_561 = tpu.vector_load %arg6[%swap3A_558, %swap3A_559, %swap3A_560] {strides = array<i32>} : memref<1x40x1024xf32, #tpu.memory_space<vmem>>, vector<16xf32>,
        tpu.vector_store %arg6[%swap3A_558, %swap3A_559, %swap3A_560], %broadcast_in_dim3A_7 {strides = array<i32>} : memref<1x40x1024xf32, #tpu.memory_space<vmem>>, vector<16xf32>,
        %scan3A_562 = arith.constant 0 : i32
        %scan3A_563 = arith.constant 5 : i32
        %scan3A_564 = arith.addi %scan3A_496, %scan3A_563 : i32
        %shift_right_arithmetic3A_565 = arith.constant 6 : i32
        %shift_right_arithmetic3A_566 = arith.shrsi %scan3A_564, %shift_right_arithmetic3A_565 : i32
        %and3A_567 = arith.constant 63 : i32
        %and3A_568 = arith.andi %scan3A_564, %and3A_567 : i32
        %mul3A_569 = arith.constant 16 : i32
        %mul3A_570 = arith.muli %and3A_568, %mul3A_569 : i32
        %swap3A_571 = arith.constant 0 : i32
        %swap3A_572 = arith.index_cast %swap3A_571 : i32 to index
        %swap3A_573 = arith.index_cast %shift_right_arithmetic3A_566 : i32 to index
        %swap3A_574 = arith.index_cast %mul3A_570 : i32 to index
        %swap3A_575 = tpu.vector_load %arg6[%swap3A_572, %swap3A_573, %swap3A_574] {strides = array<i32>} : memref<1x40x1024xf32, #tpu.memory_space<vmem>>, vector<16xf32>,
        tpu.vector_store %arg6[%swap3A_572, %swap3A_573, %swap3A_574], %broadcast_in_dim3A_7 {strides = array<i32>} : memref<1x40x1024xf32, #tpu.memory_space<vmem>>, vector<16xf32>,
        %scan3A_576 = arith.constant 0 : i32
        %scan3A_577 = arith.constant 6 : i32
        %scan3A_578 = arith.addi %scan3A_496, %scan3A_577 : i32
        %shift_right_arithmetic3A_579 = arith.constant 6 : i32
        %shift_right_arithmetic3A_580 = arith.shrsi %scan3A_578, %shift_right_arithmetic3A_579 : i32
        %and3A_581 = arith.constant 63 : i32
        %and3A_582 = arith.andi %scan3A_578, %and3A_581 : i32
        %mul3A_583 = arith.constant 16 : i32
        %mul3A_584 = arith.muli %and3A_582, %mul3A_583 : i32
        %swap3A_585 = arith.constant 0 : i32
        %swap3A_586 = arith.index_cast %swap3A_585 : i32 to index
        %swap3A_587 = arith.index_cast %shift_right_arithmetic3A_580 : i32 to index
        %swap3A_588 = arith.index_cast %mul3A_584 : i32 to index
        %swap3A_589 = tpu.vector_load %arg6[%swap3A_586, %swap3A_587, %swap3A_588] {strides = array<i32>} : memref<1x40x1024xf32, #tpu.memory_space<vmem>>, vector<16xf32>,
        tpu.vector_store %arg6[%swap3A_586, %swap3A_587, %swap3A_588], %broadcast_in_dim3A_7 {strides = array<i32>} : memref<1x40x1024xf32, #tpu.memory_space<vmem>>, vector<16xf32>,
        %scan3A_590 = arith.constant 0 : i32
        %scan3A_591 = arith.constant 7 : i32
        %scan3A_592 = arith.addi %scan3A_496, %scan3A_591 : i32
        %shift_right_arithmetic3A_593 = arith.constant 6 : i32
        %shift_right_arithmetic3A_594 = arith.shrsi %scan3A_592, %shift_right_arithmetic3A_593 : i32
        %and3A_595 = arith.constant 63 : i32
        %and3A_596 = arith.andi %scan3A_592, %and3A_595 : i32
        %mul3A_597 = arith.constant 16 : i32
        %mul3A_598 = arith.muli %and3A_596, %mul3A_597 : i32
        %swap3A_599 = arith.constant 0 : i32
        %swap3A_600 = arith.index_cast %swap3A_599 : i32 to index
        %swap3A_601 = arith.index_cast %shift_right_arithmetic3A_594 : i32 to index
        %swap3A_602 = arith.index_cast %mul3A_598 : i32 to index
        %swap3A_603 = tpu.vector_load %arg6[%swap3A_600, %swap3A_601, %swap3A_602] {strides = array<i32>} : memref<1x40x1024xf32, #tpu.memory_space<vmem>>, vector<16xf32>,
        tpu.vector_store %arg6[%swap3A_600, %swap3A_601, %swap3A_602], %broadcast_in_dim3A_7 {strides = array<i32>} : memref<1x40x1024xf32, #tpu.memory_space<vmem>>, vector<16xf32>,
        %scan3A_604 = arith.constant 0 : i32
        scf.yield %scan3A_604 : i32
      }
      %scan3A_15 = arith.constant 2560 : i32
      %scan3A_16 = arith.constant 0 : i32
      %scan3A_17 = arith.constant 0 : i32
      %scan3A_18 = arith.constant 64 : i32
      %scan3A_19 = arith.addi %scan3A_17, %scan3A_18 : i32
      %scan3A_20 = arith.constant 4 : i32
      %scan3A_21 = scf.for %scan3A_496 = %scan3A_17 to %scan3A_19 step %scan3A_20 iter_args(%scan3A_497 = %scan3A_16) -> (i32)  : i32 {
        %mul3A_498 = arith.constant 16 : i32
        %mul3A_499 = arith.muli %scan3A_496, %mul3A_498 : i32
        %get3A = arith.index_cast %mul3A_499 : i32 to index
        %get3A_500 = tpu.vector_load %arg7[%get3A] {strides = array<i32>} : memref<1024xi32, #tpu.memory_space<vmem>>, vector<16xi32>,
        %mul3A_501 = arith.constant 1639 : i32
        %mul3A_502 = vector.broadcast %mul3A_501 : i32 to vector<16xi32>
        %mul3A_503 = arith.muli %get3A_500, %mul3A_502 : vector<16xi32>
        %shift_right_arithmetic3A = arith.constant 16 : i32
        %shift_right_arithmetic3A_504 = vector.broadcast %shift_right_arithmetic3A : i32 to vector<16xi32>
        %shift_right_arithmetic3A_505 = arith.shrsi %mul3A_503, %shift_right_arithmetic3A_504 : vector<16xi32>
        %mul3A_506 = arith.constant 16 : i32
        %mul3A_507 = arith.muli %scan3A_496, %mul3A_506 : i32
        %swap3A = arith.index_cast %mul3A_507 : i32 to index
        %swap3A_508 = tpu.vector_load %arg8[%swap3A] {strides = array<i32>} : memref<1024xi32, #tpu.memory_space<vmem>>, vector<16xi32>,
        tpu.vector_store %arg8[%swap3A], %shift_right_arithmetic3A_505 {strides = array<i32>} : memref<1024xi32, #tpu.memory_space<vmem>>, vector<16xi32>,
        %mul3A_509 = arith.constant 40 : i32
        %mul3A_510 = vector.broadcast %mul3A_509 : i32 to vector<16xi32>
        %mul3A_511 = arith.muli %shift_right_arithmetic3A_505, %mul3A_510 : vector<16xi32>
        %sub3A = arith.subi %get3A_500, %mul3A_511 : vector<16xi32>
        %mul3A_512 = arith.constant 16 : i32
        %mul3A_513 = arith.muli %scan3A_496, %mul3A_512 : i32
        %swap3A_514 = arith.index_cast %mul3A_513 : i32 to index
        %swap3A_515 = tpu.vector_load %arg9[%swap3A_514] {strides = array<i32>} : memref<1024xi32, #tpu.memory_space<vmem>>, vector<16xi32>,
        tpu.vector_store %arg9[%swap3A_514], %sub3A {strides = array<i32>} : memref<1024xi32, #tpu.memory_space<vmem>>, vector<16xi32>,
        %scan3A_516 = arith.constant 0 : i32
        %scan3A_517 = arith.constant 1 : i32
        %scan3A_518 = arith.addi %scan3A_496, %scan3A_517 : i32
        %mul3A_519 = arith.constant 16 : i32
        %mul3A_520 = arith.muli %scan3A_518, %mul3A_519 : i32
        %get3A_521 = arith.index_cast %mul3A_520 : i32 to index
        %get3A_522 = tpu.vector_load %arg7[%get3A_521] {strides = array<i32>} : memref<1024xi32, #tpu.memory_space<vmem>>, vector<16xi32>,
        %mul3A_523 = arith.constant 1639 : i32
        %mul3A_524 = vector.broadcast %mul3A_523 : i32 to vector<16xi32>
        %mul3A_525 = arith.muli %get3A_522, %mul3A_524 : vector<16xi32>
        %shift_right_arithmetic3A_526 = arith.constant 16 : i32
        %shift_right_arithmetic3A_527 = vector.broadcast %shift_right_arithmetic3A_526 : i32 to vector<16xi32>
        %shift_right_arithmetic3A_528 = arith.shrsi %mul3A_525, %shift_right_arithmetic3A_527 : vector<16xi32>
        %mul3A_529 = arith.constant 16 : i32
        %mul3A_530 = arith.muli %scan3A_518, %mul3A_529 : i32
        %swap3A_531 = arith.index_cast %mul3A_530 : i32 to index
        %swap3A_532 = tpu.vector_load %arg8[%swap3A_531] {strides = array<i32>} : memref<1024xi32, #tpu.memory_space<vmem>>, vector<16xi32>,
        tpu.vector_store %arg8[%swap3A_531], %shift_right_arithmetic3A_528 {strides = array<i32>} : memref<1024xi32, #tpu.memory_space<vmem>>, vector<16xi32>,
        %mul3A_533 = arith.constant 40 : i32
        %mul3A_534 = vector.broadcast %mul3A_533 : i32 to vector<16xi32>
        %mul3A_535 = arith.muli %shift_right_arithmetic3A_528, %mul3A_534 : vector<16xi32>
        %sub3A_536 = arith.subi %get3A_522, %mul3A_535 : vector<16xi32>
        %mul3A_537 = arith.constant 16 : i32
        %mul3A_538 = arith.muli %scan3A_518, %mul3A_537 : i32
        %swap3A_539 = arith.index_cast %mul3A_538 : i32 to index
        %swap3A_540 = tpu.vector_load %arg9[%swap3A_539] {strides = array<i32>} : memref<1024xi32, #tpu.memory_space<vmem>>, vector<16xi32>,
        tpu.vector_store %arg9[%swap3A_539], %sub3A_536 {strides = array<i32>} : memref<1024xi32, #tpu.memory_space<vmem>>, vector<16xi32>,
        %scan3A_541 = arith.constant 0 : i32
        %scan3A_542 = arith.constant 2 : i32
        %scan3A_543 = arith.addi %scan3A_496, %scan3A_542 : i32
        %mul3A_544 = arith.constant 16 : i32
        %mul3A_545 = arith.muli %scan3A_543, %mul3A_544 : i32
        %get3A_546 = arith.index_cast %mul3A_545 : i32 to index
        %get3A_547 = tpu.vector_load %arg7[%get3A_546] {strides = array<i32>} : memref<1024xi32, #tpu.memory_space<vmem>>, vector<16xi32>,
        %mul3A_548 = arith.constant 1639 : i32
        %mul3A_549 = vector.broadcast %mul3A_548 : i32 to vector<16xi32>
        %mul3A_550 = arith.muli %get3A_547, %mul3A_549 : vector<16xi32>
        %shift_right_arithmetic3A_551 = arith.constant 16 : i32
        %shift_right_arithmetic3A_552 = vector.broadcast %shift_right_arithmetic3A_551 : i32 to vector<16xi32>
        %shift_right_arithmetic3A_553 = arith.shrsi %mul3A_550, %shift_right_arithmetic3A_552 : vector<16xi32>
        %mul3A_554 = arith.constant 16 : i32
        %mul3A_555 = arith.muli %scan3A_543, %mul3A_554 : i32
        %swap3A_556 = arith.index_cast %mul3A_555 : i32 to index
        %swap3A_557 = tpu.vector_load %arg8[%swap3A_556] {strides = array<i32>} : memref<1024xi32, #tpu.memory_space<vmem>>, vector<16xi32>,
        tpu.vector_store %arg8[%swap3A_556], %shift_right_arithmetic3A_553 {strides = array<i32>} : memref<1024xi32, #tpu.memory_space<vmem>>, vector<16xi32>,
        %mul3A_558 = arith.constant 40 : i32
        %mul3A_559 = vector.broadcast %mul3A_558 : i32 to vector<16xi32>
        %mul3A_560 = arith.muli %shift_right_arithmetic3A_553, %mul3A_559 : vector<16xi32>
        %sub3A_561 = arith.subi %get3A_547, %mul3A_560 : vector<16xi32>
        %mul3A_562 = arith.constant 16 : i32
        %mul3A_563 = arith.muli %scan3A_543, %mul3A_562 : i32
        %swap3A_564 = arith.index_cast %mul3A_563 : i32 to index
        %swap3A_565 = tpu.vector_load %arg9[%swap3A_564] {strides = array<i32>} : memref<1024xi32, #tpu.memory_space<vmem>>, vector<16xi32>,
        tpu.vector_store %arg9[%swap3A_564], %sub3A_561 {strides = array<i32>} : memref<1024xi32, #tpu.memory_space<vmem>>, vector<16xi32>,
        %scan3A_566 = arith.constant 0 : i32
        %scan3A_567 = arith.constant 3 : i32
        %scan3A_568 = arith.addi %scan3A_496, %scan3A_567 : i32
        %mul3A_569 = arith.constant 16 : i32
        %mul3A_570 = arith.muli %scan3A_568, %mul3A_569 : i32
        %get3A_571 = arith.index_cast %mul3A_570 : i32 to index
        %get3A_572 = tpu.vector_load %arg7[%get3A_571] {strides = array<i32>} : memref<1024xi32, #tpu.memory_space<vmem>>, vector<16xi32>,
        %mul3A_573 = arith.constant 1639 : i32
        %mul3A_574 = vector.broadcast %mul3A_573 : i32 to vector<16xi32>
        %mul3A_575 = arith.muli %get3A_572, %mul3A_574 : vector<16xi32>
        %shift_right_arithmetic3A_576 = arith.constant 16 : i32
        %shift_right_arithmetic3A_577 = vector.broadcast %shift_right_arithmetic3A_576 : i32 to vector<16xi32>
        %shift_right_arithmetic3A_578 = arith.shrsi %mul3A_575, %shift_right_arithmetic3A_577 : vector<16xi32>
        %mul3A_579 = arith.constant 16 : i32
        %mul3A_580 = arith.muli %scan3A_568, %mul3A_579 : i32
        %swap3A_581 = arith.index_cast %mul3A_580 : i32 to index
        %swap3A_582 = tpu.vector_load %arg8[%swap3A_581] {strides = array<i32>} : memref<1024xi32, #tpu.memory_space<vmem>>, vector<16xi32>,
        tpu.vector_store %arg8[%swap3A_581], %shift_right_arithmetic3A_578 {strides = array<i32>} : memref<1024xi32, #tpu.memory_space<vmem>>, vector<16xi32>,
        %mul3A_583 = arith.constant 40 : i32
        %mul3A_584 = vector.broadcast %mul3A_583 : i32 to vector<16xi32>
        %mul3A_585 = arith.muli %shift_right_arithmetic3A_578, %mul3A_584 : vector<16xi32>
        %sub3A_586 = arith.subi %get3A_572, %mul3A_585 : vector<16xi32>
        %mul3A_587 = arith.constant 16 : i32
        %mul3A_588 = arith.muli %scan3A_568, %mul3A_587 : i32
        %swap3A_589 = arith.index_cast %mul3A_588 : i32 to index
        %swap3A_590 = tpu.vector_load %arg9[%swap3A_589] {strides = array<i32>} : memref<1024xi32, #tpu.memory_space<vmem>>, vector<16xi32>,
        tpu.vector_store %arg9[%swap3A_589], %sub3A_586 {strides = array<i32>} : memref<1024xi32, #tpu.memory_space<vmem>>, vector<16xi32>,
        %scan3A_591 = arith.constant 0 : i32
        scf.yield %scan3A_591 : i32
      }
      %scan3A_22 = arith.constant 64 : i32
      tpu.wait_dma2 semaphore(%arg10 : memref<!tpu.dma_semaphore, #tpu.memory_space<semaphore_mem>>) src(%arg3 : memref<1x40x1024xf32, #tpu.memory_space<hbm>>) dst(%arg5 : memref<1x40x1024xf32, #tpu.memory_space<vmem>>)
      %scan3A_23 = arith.constant 0 : i32
      %scan3A_24 = arith.constant 0 : i32
      %scan3A_25 = arith.constant 64 : i32
      %scan3A_26 = arith.addi %scan3A_24, %scan3A_25 : i32
      %scan3A_27 = arith.constant 4 : i32
      %scan3A_28 = scf.for %scan3A_496 = %scan3A_24 to %scan3A_26 step %scan3A_27 iter_args(%scan3A_497 = %scan3A_23) -> (i32)  : i32 {
        %mul3A_498 = arith.constant 16 : i32
        %mul3A_499 = arith.muli %scan3A_496, %mul3A_498 : i32
        %get3A = arith.index_cast %mul3A_499 : i32 to index
        %get3A_500 = tpu.vector_load %arg8[%get3A] {strides = array<i32>} : memref<1024xi32, #tpu.memory_space<vmem>>, vector<16xi32>,
        %mul3A_501 = arith.constant 16 : i32
        %mul3A_502 = arith.muli %scan3A_496, %mul3A_501 : i32
        %get3A_503 = arith.index_cast %mul3A_502 : i32 to index
        %get3A_504 = tpu.vector_load %arg9[%get3A_503] {strides = array<i32>} : memref<1024xi32, #tpu.memory_space<vmem>>, vector<16xi32>,
        %mul3A_505 = arith.constant 16 : i32
        %mul3A_506 = arith.muli %scan3A_496, %mul3A_505 : i32
        %add3A_507 = vector.broadcast %mul3A_506 : i32 to vector<16xi32>
        %add3A_508 = arith.addi %add3A_507, %iota3A : vector<16xi32>
        %eq3A = arith.constant 0 : i32
        %eq3A_509 = vector.broadcast %eq3A : i32 to vector<16xi32>
        %eq3A_510 = arith.cmpi eq, %get3A_500, %eq3A_509 : vector<16xi32>
        tpu.vector_store_idx %arg5[%broadcast_in_dim3A_9, %get3A_504, %add3A_508], %broadcast_in_dim3A_5 masked %eq3A_510 : memref<1x40x1024xf32, #tpu.memory_space<vmem>>[vector<16xi32>, vector<16xi32>, vector<16xi32>], vector<16xf32>, vector<16xi1>
        %scan3A_511 = arith.constant 0 : i32
        %scan3A_512 = arith.constant 1 : i32
        %scan3A_513 = arith.addi %scan3A_496, %scan3A_512 : i32
        %mul3A_514 = arith.constant 16 : i32
        %mul3A_515 = arith.muli %scan3A_513, %mul3A_514 : i32
        %get3A_516 = arith.index_cast %mul3A_515 : i32 to index
        %get3A_517 = tpu.vector_load %arg8[%get3A_516] {strides = array<i32>} : memref<1024xi32, #tpu.memory_space<vmem>>, vector<16xi32>,
        %mul3A_518 = arith.constant 16 : i32
        %mul3A_519 = arith.muli %scan3A_513, %mul3A_518 : i32
        %get3A_520 = arith.index_cast %mul3A_519 : i32 to index
        %get3A_521 = tpu.vector_load %arg9[%get3A_520] {strides = array<i32>} : memref<1024xi32, #tpu.memory_space<vmem>>, vector<16xi32>,
        %mul3A_522 = arith.constant 16 : i32
        %mul3A_523 = arith.muli %scan3A_513, %mul3A_522 : i32
        %add3A_524 = vector.broadcast %mul3A_523 : i32 to vector<16xi32>
        %add3A_525 = arith.addi %add3A_524, %iota3A : vector<16xi32>
        %eq3A_526 = arith.constant 0 : i32
        %eq3A_527 = vector.broadcast %eq3A_526 : i32 to vector<16xi32>
        %eq3A_528 = arith.cmpi eq, %get3A_517, %eq3A_527 : vector<16xi32>
        tpu.vector_store_idx %arg5[%broadcast_in_dim3A_9, %get3A_521, %add3A_525], %broadcast_in_dim3A_5 masked %eq3A_528 : memref<1x40x1024xf32, #tpu.memory_space<vmem>>[vector<16xi32>, vector<16xi32>, vector<16xi32>], vector<16xf32>, vector<16xi1>
        %scan3A_529 = arith.constant 0 : i32
        %scan3A_530 = arith.constant 2 : i32
        %scan3A_531 = arith.addi %scan3A_496, %scan3A_530 : i32
        %mul3A_532 = arith.constant 16 : i32
        %mul3A_533 = arith.muli %scan3A_531, %mul3A_532 : i32
        %get3A_534 = arith.index_cast %mul3A_533 : i32 to index
        %get3A_535 = tpu.vector_load %arg8[%get3A_534] {strides = array<i32>} : memref<1024xi32, #tpu.memory_space<vmem>>, vector<16xi32>,
        %mul3A_536 = arith.constant 16 : i32
        %mul3A_537 = arith.muli %scan3A_531, %mul3A_536 : i32
        %get3A_538 = arith.index_cast %mul3A_537 : i32 to index
        %get3A_539 = tpu.vector_load %arg9[%get3A_538] {strides = array<i32>} : memref<1024xi32, #tpu.memory_space<vmem>>, vector<16xi32>,
        %mul3A_540 = arith.constant 16 : i32
        %mul3A_541 = arith.muli %scan3A_531, %mul3A_540 : i32
        %add3A_542 = vector.broadcast %mul3A_541 : i32 to vector<16xi32>
        %add3A_543 = arith.addi %add3A_542, %iota3A : vector<16xi32>
        %eq3A_544 = arith.constant 0 : i32
        %eq3A_545 = vector.broadcast %eq3A_544 : i32 to vector<16xi32>
        %eq3A_546 = arith.cmpi eq, %get3A_535, %eq3A_545 : vector<16xi32>
        tpu.vector_store_idx %arg5[%broadcast_in_dim3A_9, %get3A_539, %add3A_543], %broadcast_in_dim3A_5 masked %eq3A_546 : memref<1x40x1024xf32, #tpu.memory_space<vmem>>[vector<16xi32>, vector<16xi32>, vector<16xi32>], vector<16xf32>, vector<16xi1>
        %scan3A_547 = arith.constant 0 : i32
        %scan3A_548 = arith.constant 3 : i32
        %scan3A_549 = arith.addi %scan3A_496, %scan3A_548 : i32
        %mul3A_550 = arith.constant 16 : i32
        %mul3A_551 = arith.muli %scan3A_549, %mul3A_550 : i32
        %get3A_552 = arith.index_cast %mul3A_551 : i32 to index
        %get3A_553 = tpu.vector_load %arg8[%get3A_552] {strides = array<i32>} : memref<1024xi32, #tpu.memory_space<vmem>>, vector<16xi32>,
        %mul3A_554 = arith.constant 16 : i32
        %mul3A_555 = arith.muli %scan3A_549, %mul3A_554 : i32
        %get3A_556 = arith.index_cast %mul3A_555 : i32 to index
        %get3A_557 = tpu.vector_load %arg9[%get3A_556] {strides = array<i32>} : memref<1024xi32, #tpu.memory_space<vmem>>, vector<16xi32>,
        %mul3A_558 = arith.constant 16 : i32
        %mul3A_559 = arith.muli %scan3A_549, %mul3A_558 : i32
        %add3A_560 = vector.broadcast %mul3A_559 : i32 to vector<16xi32>
        %add3A_561 = arith.addi %add3A_560, %iota3A : vector<16xi32>
        %eq3A_562 = arith.constant 0 : i32
        %eq3A_563 = vector.broadcast %eq3A_562 : i32 to vector<16xi32>
        %eq3A_564 = arith.cmpi eq, %get3A_553, %eq3A_563 : vector<16xi32>
        tpu.vector_store_idx %arg5[%broadcast_in_dim3A_9, %get3A_557, %add3A_561], %broadcast_in_dim3A_5 masked %eq3A_564 : memref<1x40x1024xf32, #tpu.memory_space<vmem>>[vector<16xi32>, vector<16xi32>, vector<16xi32>], vector<16xf32>, vector<16xi1>
        %scan3A_565 = arith.constant 0 : i32
        scf.yield %scan3A_565 : i32
      }
      %scan3A_29 = arith.constant 64 : i32
      %dma_start3A = arith.constant 0 : i32
      %dma_start3A_30 = arith.constant 0 : i32
      %dma_start3A_31 = tpu.memref_slice %arg4[%add3A, %dma_start3A, %dma_start3A_30] : memref<26x1000x1024xf32, #tpu.memory_space<hbm>> -> memref<1x40x1024xf32, #tpu.memory_space<hbm>>
      %dma_start3A_32 = arith.constant 0 : i32
      %dma_start3A_33 = arith.constant 0 : i32
      %dma_start3A_34 = tpu.memref_slice %arg4[%add3A, %dma_start3A_32, %dma_start3A_33] : memref<26x1000x1024xf32, #tpu.memory_space<hbm>> -> memref<1x40x1024xf32, #tpu.memory_space<hbm>>
      tpu.enqueue_dma source(%arg5 : memref<1x40x1024xf32, #tpu.memory_space<vmem>>) target(%dma_start3A_34 : memref<1x40x1024xf32, #tpu.memory_space<hbm>>) target_semaphore(%arg10 : memref<!tpu.dma_semaphore, #tpu.memory_space<semaphore_mem>>)
      %scan3A_35 = arith.constant 0 : i32
      %scan3A_36 = arith.constant 0 : i32
      %scan3A_37 = arith.constant 64 : i32
      %scan3A_38 = arith.addi %scan3A_36, %scan3A_37 : i32
      %scan3A_39 = arith.constant 4 : i32
      %scan3A_40 = scf.for %scan3A_496 = %scan3A_36 to %scan3A_38 step %scan3A_39 iter_args(%scan3A_497 = %scan3A_35) -> (i32)  : i32 {
        %mul3A_498 = arith.constant 16 : i32
        %mul3A_499 = arith.muli %scan3A_496, %mul3A_498 : i32
        %get3A = arith.index_cast %mul3A_499 : i32 to index
        %get3A_500 = tpu.vector_load %arg8[%get3A] {strides = array<i32>} : memref<1024xi32, #tpu.memory_space<vmem>>, vector<16xi32>,
        %mul3A_501 = arith.constant 16 : i32
        %mul3A_502 = arith.muli %scan3A_496, %mul3A_501 : i32
        %get3A_503 = arith.index_cast %mul3A_502 : i32 to index
        %get3A_504 = tpu.vector_load %arg9[%get3A_503] {strides = array<i32>} : memref<1024xi32, #tpu.memory_space<vmem>>, vector<16xi32>,
        %mul3A_505 = arith.constant 16 : i32
        %mul3A_506 = arith.muli %scan3A_496, %mul3A_505 : i32
        %add3A_507 = vector.broadcast %mul3A_506 : i32 to vector<16xi32>
        %add3A_508 = arith.addi %add3A_507, %iota3A : vector<16xi32>
        %eq3A = arith.constant 1 : i32
        %eq3A_509 = vector.broadcast %eq3A : i32 to vector<16xi32>
        %eq3A_510 = arith.cmpi eq, %get3A_500, %eq3A_509 : vector<16xi32>
        tpu.vector_store_idx %arg6[%broadcast_in_dim3A_9, %get3A_504, %add3A_508], %broadcast_in_dim3A_5 masked %eq3A_510 : memref<1x40x1024xf32, #tpu.memory_space<vmem>>[vector<16xi32>, vector<16xi32>, vector<16xi32>], vector<16xf32>, vector<16xi1>
        %scan3A_511 = arith.constant 0 : i32
        %scan3A_512 = arith.constant 1 : i32
        %scan3A_513 = arith.addi %scan3A_496, %scan3A_512 : i32
        %mul3A_514 = arith.constant 16 : i32
        %mul3A_515 = arith.muli %scan3A_513, %mul3A_514 : i32
        %get3A_516 = arith.index_cast %mul3A_515 : i32 to index
        %get3A_517 = tpu.vector_load %arg8[%get3A_516] {strides = array<i32>} : memref<1024xi32, #tpu.memory_space<vmem>>, vector<16xi32>,
        %mul3A_518 = arith.constant 16 : i32
        %mul3A_519 = arith.muli %scan3A_513, %mul3A_518 : i32
        %get3A_520 = arith.index_cast %mul3A_519 : i32 to index
        %get3A_521 = tpu.vector_load %arg9[%get3A_520] {strides = array<i32>} : memref<1024xi32, #tpu.memory_space<vmem>>, vector<16xi32>,
        %mul3A_522 = arith.constant 16 : i32
        %mul3A_523 = arith.muli %scan3A_513, %mul3A_522 : i32
        %add3A_524 = vector.broadcast %mul3A_523 : i32 to vector<16xi32>
        %add3A_525 = arith.addi %add3A_524, %iota3A : vector<16xi32>
        %eq3A_526 = arith.constant 1 : i32
        %eq3A_527 = vector.broadcast %eq3A_526 : i32 to vector<16xi32>
        %eq3A_528 = arith.cmpi eq, %get3A_517, %eq3A_527 : vector<16xi32>
        tpu.vector_store_idx %arg6[%broadcast_in_dim3A_9, %get3A_521, %add3A_525], %broadcast_in_dim3A_5 masked %eq3A_528 : memref<1x40x1024xf32, #tpu.memory_space<vmem>>[vector<16xi32>, vector<16xi32>, vector<16xi32>], vector<16xf32>, vector<16xi1>
        %scan3A_529 = arith.constant 0 : i32
        %scan3A_530 = arith.constant 2 : i32
        %scan3A_531 = arith.addi %scan3A_496, %scan3A_530 : i32
        %mul3A_532 = arith.constant 16 : i32
        %mul3A_533 = arith.muli %scan3A_531, %mul3A_532 : i32
        %get3A_534 = arith.index_cast %mul3A_533 : i32 to index
        %get3A_535 = tpu.vector_load %arg8[%get3A_534] {strides = array<i32>} : memref<1024xi32, #tpu.memory_space<vmem>>, vector<16xi32>,
        %mul3A_536 = arith.constant 16 : i32
        %mul3A_537 = arith.muli %scan3A_531, %mul3A_536 : i32
        %get3A_538 = arith.index_cast %mul3A_537 : i32 to index
        %get3A_539 = tpu.vector_load %arg9[%get3A_538] {strides = array<i32>} : memref<1024xi32, #tpu.memory_space<vmem>>, vector<16xi32>,
        %mul3A_540 = arith.constant 16 : i32
        %mul3A_541 = arith.muli %scan3A_531, %mul3A_540 : i32
        %add3A_542 = vector.broadcast %mul3A_541 : i32 to vector<16xi32>
        %add3A_543 = arith.addi %add3A_542, %iota3A : vector<16xi32>
        %eq3A_544 = arith.constant 1 : i32
        %eq3A_545 = vector.broadcast %eq3A_544 : i32 to vector<16xi32>
        %eq3A_546 = arith.cmpi eq, %get3A_535, %eq3A_545 : vector<16xi32>
        tpu.vector_store_idx %arg6[%broadcast_in_dim3A_9, %get3A_539, %add3A_543], %broadcast_in_dim3A_5 masked %eq3A_546 : memref<1x40x1024xf32, #tpu.memory_space<vmem>>[vector<16xi32>, vector<16xi32>, vector<16xi32>], vector<16xf32>, vector<16xi1>
        %scan3A_547 = arith.constant 0 : i32
        %scan3A_548 = arith.constant 3 : i32
        %scan3A_549 = arith.addi %scan3A_496, %scan3A_548 : i32
        %mul3A_550 = arith.constant 16 : i32
        %mul3A_551 = arith.muli %scan3A_549, %mul3A_550 : i32
        %get3A_552 = arith.index_cast %mul3A_551 : i32 to index
        %get3A_553 = tpu.vector_load %arg8[%get3A_552] {strides = array<i32>} : memref<1024xi32, #tpu.memory_space<vmem>>, vector<16xi32>,
        %mul3A_554 = arith.constant 16 : i32
        %mul3A_555 = arith.muli %scan3A_549, %mul3A_554 : i32
        %get3A_556 = arith.index_cast %mul3A_555 : i32 to index
        %get3A_557 = tpu.vector_load %arg9[%get3A_556] {strides = array<i32>} : memref<1024xi32, #tpu.memory_space<vmem>>, vector<16xi32>,
        %mul3A_558 = arith.constant 16 : i32
        %mul3A_559 = arith.muli %scan3A_549, %mul3A_558 : i32
        %add3A_560 = vector.broadcast %mul3A_559 : i32 to vector<16xi32>
        %add3A_561 = arith.addi %add3A_560, %iota3A : vector<16xi32>
        %eq3A_562 = arith.constant 1 : i32
        %eq3A_563 = vector.broadcast %eq3A_562 : i32 to vector<16xi32>
        %eq3A_564 = arith.cmpi eq, %get3A_553, %eq3A_563 : vector<16xi32>
        tpu.vector_store_idx %arg6[%broadcast_in_dim3A_9, %get3A_557, %add3A_561], %broadcast_in_dim3A_5 masked %eq3A_564 : memref<1x40x1024xf32, #tpu.memory_space<vmem>>[vector<16xi32>, vector<16xi32>, vector<16xi32>], vector<16xf32>, vector<16xi1>
        %scan3A_565 = arith.constant 0 : i32
        scf.yield %scan3A_565 : i32
      }
      %scan3A_41 = arith.constant 64 : i32
      %dma_start3A_42 = arith.constant 40 : i32
      %dma_start3A_43 = arith.constant 0 : i32
      %dma_start3A_44 = tpu.memref_slice %arg4[%add3A, %dma_start3A_42, %dma_start3A_43] : memref<26x1000x1024xf32, #tpu.memory_space<hbm>> -> memref<1x40x1024xf32, #tpu.memory_space<hbm>>
      %dma_start3A_45 = arith.constant 40 : i32
      %dma_start3A_46 = arith.constant 0 : i32
      %dma_start3A_47 = tpu.memref_slice %arg4[%add3A, %dma_start3A_45, %dma_start3A_46] : memref<26x1000x1024xf32, #tpu.memory_space<hbm>> -> memref<1x40x1024xf32, #tpu.memory_space<hbm>>
      tpu.enqueue_dma source(%arg6 : memref<1x40x1024xf32, #tpu.memory_space<vmem>>) target(%dma_start3A_47 : memref<1x40x1024xf32, #tpu.memory_space<hbm>>) target_semaphore(%arg11 : memref<!tpu.dma_semaphore, #tpu.memory_space<semaphore_mem>>)
      %dma_wait3A = arith.constant 0 : i32
      %dma_wait3A_48 = arith.constant 0 : i32
      %dma_wait3A_49 = tpu.memref_slice %arg4[%add3A, %dma_wait3A, %dma_wait3A_48] : memref<26x1000x1024xf32, #tpu.memory_space<hbm>> -> memref<1x40x1024xf32, #tpu.memory_space<hbm>>
      %dma_wait3A_50 = arith.constant 0 : i32
      %dma_wait3A_51 = arith.constant 0 : i32
      %dma_wait3A_52 = tpu.memref_slice %arg4[%add3A, %dma_wait3A_50, %dma_wait3A_51] : memref<26x1000x1024xf32, #tpu.memory_space<hbm>> -> memref<1x40x1024xf32, #tpu.memory_space<hbm>>
      tpu.wait_dma2 semaphore(%arg10 : memref<!tpu.dma_semaphore, #tpu.memory_space<semaphore_mem>>) src(%arg5 : memref<1x40x1024xf32, #tpu.memory_space<vmem>>) dst(%dma_wait3A_52 : memref<1x40x1024xf32, #tpu.memory_space<hbm>>)
      %scan3A_53 = arith.constant 0 : i32
      %scan3A_54 = arith.constant 0 : i32
      %scan3A_55 = arith.constant 64 : i32
      %scan3A_56 = arith.addi %scan3A_54, %scan3A_55 : i32
      %scan3A_57 = arith.constant 4 : i32
      %scan3A_58 = scf.for %scan3A_496 = %scan3A_54 to %scan3A_56 step %scan3A_57 iter_args(%scan3A_497 = %scan3A_53) -> (i32)  : i32 {
        %mul3A_498 = arith.constant 16 : i32
        %mul3A_499 = arith.muli %scan3A_496, %mul3A_498 : i32
        %get3A = arith.index_cast %mul3A_499 : i32 to index
        %get3A_500 = tpu.vector_load %arg8[%get3A] {strides = array<i32>} : memref<1024xi32, #tpu.memory_space<vmem>>, vector<16xi32>,
        %mul3A_501 = arith.constant 16 : i32
        %mul3A_502 = arith.muli %scan3A_496, %mul3A_501 : i32
        %get3A_503 = arith.index_cast %mul3A_502 : i32 to index
        %get3A_504 = tpu.vector_load %arg9[%get3A_503] {strides = array<i32>} : memref<1024xi32, #tpu.memory_space<vmem>>, vector<16xi32>,
        %mul3A_505 = arith.constant 16 : i32
        %mul3A_506 = arith.muli %scan3A_496, %mul3A_505 : i32
        %add3A_507 = vector.broadcast %mul3A_506 : i32 to vector<16xi32>
        %add3A_508 = arith.addi %add3A_507, %iota3A : vector<16xi32>
        %eq3A = arith.constant 2 : i32
        %eq3A_509 = vector.broadcast %eq3A : i32 to vector<16xi32>
        %eq3A_510 = arith.cmpi eq, %get3A_500, %eq3A_509 : vector<16xi32>
        %select_n3A = arith.select %eq3A_510, %broadcast_in_dim3A_5, %broadcast_in_dim3A_7 : vector<16xi1>, vector<16xf32>
        %eq3A_511 = arith.constant 0 : i32
        %eq3A_512 = vector.broadcast %eq3A_511 : i32 to vector<16xi32>
        %eq3A_513 = arith.cmpi eq, %get3A_500, %eq3A_512 : vector<16xi32>
        %or3A = arith.ori %eq3A_510, %eq3A_513 : vector<16xi1>
        tpu.vector_store_idx %arg5[%broadcast_in_dim3A_9, %get3A_504, %add3A_508], %select_n3A masked %or3A : memref<1x40x1024xf32, #tpu.memory_space<vmem>>[vector<16xi32>, vector<16xi32>, vector<16xi32>], vector<16xf32>, vector<16xi1>
        %scan3A_514 = arith.constant 0 : i32
        %scan3A_515 = arith.constant 1 : i32
        %scan3A_516 = arith.addi %scan3A_496, %scan3A_515 : i32
        %mul3A_517 = arith.constant 16 : i32
        %mul3A_518 = arith.muli %scan3A_516, %mul3A_517 : i32
        %get3A_519 = arith.index_cast %mul3A_518 : i32 to index
        %get3A_520 = tpu.vector_load %arg8[%get3A_519] {strides = array<i32>} : memref<1024xi32, #tpu.memory_space<vmem>>, vector<16xi32>,
        %mul3A_521 = arith.constant 16 : i32
        %mul3A_522 = arith.muli %scan3A_516, %mul3A_521 : i32
        %get3A_523 = arith.index_cast %mul3A_522 : i32 to index
        %get3A_524 = tpu.vector_load %arg9[%get3A_523] {strides = array<i32>} : memref<1024xi32, #tpu.memory_space<vmem>>, vector<16xi32>,
        %mul3A_525 = arith.constant 16 : i32
        %mul3A_526 = arith.muli %scan3A_516, %mul3A_525 : i32
        %add3A_527 = vector.broadcast %mul3A_526 : i32 to vector<16xi32>
        %add3A_528 = arith.addi %add3A_527, %iota3A : vector<16xi32>
        %eq3A_529 = arith.constant 2 : i32
        %eq3A_530 = vector.broadcast %eq3A_529 : i32 to vector<16xi32>
        %eq3A_531 = arith.cmpi eq, %get3A_520, %eq3A_530 : vector<16xi32>
        %select_n3A_532 = arith.select %eq3A_531, %broadcast_in_dim3A_5, %broadcast_in_dim3A_7 : vector<16xi1>, vector<16xf32>
        %eq3A_533 = arith.constant 0 : i32
        %eq3A_534 = vector.broadcast %eq3A_533 : i32 to vector<16xi32>
        %eq3A_535 = arith.cmpi eq, %get3A_520, %eq3A_534 : vector<16xi32>
        %or3A_536 = arith.ori %eq3A_531, %eq3A_535 : vector<16xi1>
        tpu.vector_store_idx %arg5[%broadcast_in_dim3A_9, %get3A_524, %add3A_528], %select_n3A_532 masked %or3A_536 : memref<1x40x1024xf32, #tpu.memory_space<vmem>>[vector<16xi32>, vector<16xi32>, vector<16xi32>], vector<16xf32>, vector<16xi1>
        %scan3A_537 = arith.constant 0 : i32
        %scan3A_538 = arith.constant 2 : i32
        %scan3A_539 = arith.addi %scan3A_496, %scan3A_538 : i32
        %mul3A_540 = arith.constant 16 : i32
        %mul3A_541 = arith.muli %scan3A_539, %mul3A_540 : i32
        %get3A_542 = arith.index_cast %mul3A_541 : i32 to index
        %get3A_543 = tpu.vector_load %arg8[%get3A_542] {strides = array<i32>} : memref<1024xi32, #tpu.memory_space<vmem>>, vector<16xi32>,
        %mul3A_544 = arith.constant 16 : i32
        %mul3A_545 = arith.muli %scan3A_539, %mul3A_544 : i32
        %get3A_546 = arith.index_cast %mul3A_545 : i32 to index
        %get3A_547 = tpu.vector_load %arg9[%get3A_546] {strides = array<i32>} : memref<1024xi32, #tpu.memory_space<vmem>>, vector<16xi32>,
        %mul3A_548 = arith.constant 16 : i32
        %mul3A_549 = arith.muli %scan3A_539, %mul3A_548 : i32
        %add3A_550 = vector.broadcast %mul3A_549 : i32 to vector<16xi32>
        %add3A_551 = arith.addi %add3A_550, %iota3A : vector<16xi32>
        %eq3A_552 = arith.constant 2 : i32
        %eq3A_553 = vector.broadcast %eq3A_552 : i32 to vector<16xi32>
        %eq3A_554 = arith.cmpi eq, %get3A_543, %eq3A_553 : vector<16xi32>
        %select_n3A_555 = arith.select %eq3A_554, %broadcast_in_dim3A_5, %broadcast_in_dim3A_7 : vector<16xi1>, vector<16xf32>
        %eq3A_556 = arith.constant 0 : i32
        %eq3A_557 = vector.broadcast %eq3A_556 : i32 to vector<16xi32>
        %eq3A_558 = arith.cmpi eq, %get3A_543, %eq3A_557 : vector<16xi32>
        %or3A_559 = arith.ori %eq3A_554, %eq3A_558 : vector<16xi1>
        tpu.vector_store_idx %arg5[%broadcast_in_dim3A_9, %get3A_547, %add3A_551], %select_n3A_555 masked %or3A_559 : memref<1x40x1024xf32, #tpu.memory_space<vmem>>[vector<16xi32>, vector<16xi32>, vector<16xi32>], vector<16xf32>, vector<16xi1>
        %scan3A_560 = arith.constant 0 : i32
        %scan3A_561 = arith.constant 3 : i32
        %scan3A_562 = arith.addi %scan3A_496, %scan3A_561 : i32
        %mul3A_563 = arith.constant 16 : i32
        %mul3A_564 = arith.muli %scan3A_562, %mul3A_563 : i32
        %get3A_565 = arith.index_cast %mul3A_564 : i32 to index
        %get3A_566 = tpu.vector_load %arg8[%get3A_565] {strides = array<i32>} : memref<1024xi32, #tpu.memory_space<vmem>>, vector<16xi32>,
        %mul3A_567 = arith.constant 16 : i32
        %mul3A_568 = arith.muli %scan3A_562, %mul3A_567 : i32
        %get3A_569 = arith.index_cast %mul3A_568 : i32 to index
        %get3A_570 = tpu.vector_load %arg9[%get3A_569] {strides = array<i32>} : memref<1024xi32, #tpu.memory_space<vmem>>, vector<16xi32>,
        %mul3A_571 = arith.constant 16 : i32
        %mul3A_572 = arith.muli %scan3A_562, %mul3A_571 : i32
        %add3A_573 = vector.broadcast %mul3A_572 : i32 to vector<16xi32>
        %add3A_574 = arith.addi %add3A_573, %iota3A : vector<16xi32>
        %eq3A_575 = arith.constant 2 : i32
        %eq3A_576 = vector.broadcast %eq3A_575 : i32 to vector<16xi32>
        %eq3A_577 = arith.cmpi eq, %get3A_566, %eq3A_576 : vector<16xi32>
        %select_n3A_578 = arith.select %eq3A_577, %broadcast_in_dim3A_5, %broadcast_in_dim3A_7 : vector<16xi1>, vector<16xf32>
        %eq3A_579 = arith.constant 0 : i32
        %eq3A_580 = vector.broadcast %eq3A_579 : i32 to vector<16xi32>
        %eq3A_581 = arith.cmpi eq, %get3A_566, %eq3A_580 : vector<16xi32>
        %or3A_582 = arith.ori %eq3A_577, %eq3A_581 : vector<16xi1>
        tpu.vector_store_idx %arg5[%broadcast_in_dim3A_9, %get3A_570, %add3A_574], %select_n3A_578 masked %or3A_582 : memref<1x40x1024xf32, #tpu.memory_space<vmem>>[vector<16xi32>, vector<16xi32>, vector<16xi32>], vector<16xf32>, vector<16xi1>
        %scan3A_583 = arith.constant 0 : i32
        scf.yield %scan3A_583 : i32
      }
      %scan3A_59 = arith.constant 64 : i32
      %dma_start3A_60 = arith.constant 80 : i32
      %dma_start3A_61 = arith.constant 0 : i32
      %dma_start3A_62 = tpu.memref_slice %arg4[%add3A, %dma_start3A_60, %dma_start3A_61] : memref<26x1000x1024xf32, #tpu.memory_space<hbm>> -> memref<1x40x1024xf32, #tpu.memory_space<hbm>>
      %dma_start3A_63 = arith.constant 80 : i32
      %dma_start3A_64 = arith.constant 0 : i32
      %dma_start3A_65 = tpu.memref_slice %arg4[%add3A, %dma_start3A_63, %dma_start3A_64] : memref<26x1000x1024xf32, #tpu.memory_space<hbm>> -> memref<1x40x1024xf32, #tpu.memory_space<hbm>>
      tpu.enqueue_dma source(%arg5 : memref<1x40x1024xf32, #tpu.memory_space<vmem>>) target(%dma_start3A_65 : memref<1x40x1024xf32, #tpu.memory_space<hbm>>) target_semaphore(%arg10 : memref<!tpu.dma_semaphore, #tpu.memory_space<semaphore_mem>>)
      %dma_wait3A_66 = arith.constant 40 : i32
      %dma_wait3A_67 = arith.constant 0 : i32
      %dma_wait3A_68 = tpu.memref_slice %arg4[%add3A, %dma_wait3A_66, %dma_wait3A_67] : memref<26x1000x1024xf32, #tpu.memory_space<hbm>> -> memref<1x40x1024xf32, #tpu.memory_space<hbm>>
      %dma_wait3A_69 = arith.constant 40 : i32
      %dma_wait3A_70 = arith.constant 0 : i32
      %dma_wait3A_71 = tpu.memref_slice %arg4[%add3A, %dma_wait3A_69, %dma_wait3A_70] : memref<26x1000x1024xf32, #tpu.memory_space<hbm>> -> memref<1x40x1024xf32, #tpu.memory_space<hbm>>
      tpu.wait_dma2 semaphore(%arg11 : memref<!tpu.dma_semaphore, #tpu.memory_space<semaphore_mem>>) src(%arg6 : memref<1x40x1024xf32, #tpu.memory_space<vmem>>) dst(%dma_wait3A_71 : memref<1x40x1024xf32, #tpu.memory_space<hbm>>)
      %scan3A_72 = arith.constant 0 : i32
      %scan3A_73 = arith.constant 0 : i32
      %scan3A_74 = arith.constant 64 : i32
      %scan3A_75 = arith.addi %scan3A_73, %scan3A_74 : i32
      %scan3A_76 = arith.constant 4 : i32
      %scan3A_77 = scf.for %scan3A_496 = %scan3A_73 to %scan3A_75 step %scan3A_76 iter_args(%scan3A_497 = %scan3A_72) -> (i32)  : i32 {
        %mul3A_498 = arith.constant 16 : i32
        %mul3A_499 = arith.muli %scan3A_496, %mul3A_498 : i32
        %get3A = arith.index_cast %mul3A_499 : i32 to index
        %get3A_500 = tpu.vector_load %arg8[%get3A] {strides = array<i32>} : memref<1024xi32, #tpu.memory_space<vmem>>, vector<16xi32>,
        %mul3A_501 = arith.constant 16 : i32
        %mul3A_502 = arith.muli %scan3A_496, %mul3A_501 : i32
        %get3A_503 = arith.index_cast %mul3A_502 : i32 to index
        %get3A_504 = tpu.vector_load %arg9[%get3A_503] {strides = array<i32>} : memref<1024xi32, #tpu.memory_space<vmem>>, vector<16xi32>,
        %mul3A_505 = arith.constant 16 : i32
        %mul3A_506 = arith.muli %scan3A_496, %mul3A_505 : i32
        %add3A_507 = vector.broadcast %mul3A_506 : i32 to vector<16xi32>
        %add3A_508 = arith.addi %add3A_507, %iota3A : vector<16xi32>
        %eq3A = arith.constant 3 : i32
        %eq3A_509 = vector.broadcast %eq3A : i32 to vector<16xi32>
        %eq3A_510 = arith.cmpi eq, %get3A_500, %eq3A_509 : vector<16xi32>
        %select_n3A = arith.select %eq3A_510, %broadcast_in_dim3A_5, %broadcast_in_dim3A_7 : vector<16xi1>, vector<16xf32>
        %eq3A_511 = arith.constant 1 : i32
        %eq3A_512 = vector.broadcast %eq3A_511 : i32 to vector<16xi32>
        %eq3A_513 = arith.cmpi eq, %get3A_500, %eq3A_512 : vector<16xi32>
        %or3A = arith.ori %eq3A_510, %eq3A_513 : vector<16xi1>
        tpu.vector_store_idx %arg6[%broadcast_in_dim3A_9, %get3A_504, %add3A_508], %select_n3A masked %or3A : memref<1x40x1024xf32, #tpu.memory_space<vmem>>[vector<16xi32>, vector<16xi32>, vector<16xi32>], vector<16xf32>, vector<16xi1>
        %scan3A_514 = arith.constant 0 : i32
        %scan3A_515 = arith.constant 1 : i32
        %scan3A_516 = arith.addi %scan3A_496, %scan3A_515 : i32
        %mul3A_517 = arith.constant 16 : i32
        %mul3A_518 = arith.muli %scan3A_516, %mul3A_517 : i32
        %get3A_519 = arith.index_cast %mul3A_518 : i32 to index
        %get3A_520 = tpu.vector_load %arg8[%get3A_519] {strides = array<i32>} : memref<1024xi32, #tpu.memory_space<vmem>>, vector<16xi32>,
        %mul3A_521 = arith.constant 16 : i32
        %mul3A_522 = arith.muli %scan3A_516, %mul3A_521 : i32
        %get3A_523 = arith.index_cast %mul3A_522 : i32 to index
        %get3A_524 = tpu.vector_load %arg9[%get3A_523] {strides = array<i32>} : memref<1024xi32, #tpu.memory_space<vmem>>, vector<16xi32>,
        %mul3A_525 = arith.constant 16 : i32
        %mul3A_526 = arith.muli %scan3A_516, %mul3A_525 : i32
        %add3A_527 = vector.broadcast %mul3A_526 : i32 to vector<16xi32>
        %add3A_528 = arith.addi %add3A_527, %iota3A : vector<16xi32>
        %eq3A_529 = arith.constant 3 : i32
        %eq3A_530 = vector.broadcast %eq3A_529 : i32 to vector<16xi32>
        %eq3A_531 = arith.cmpi eq, %get3A_520, %eq3A_530 : vector<16xi32>
        %select_n3A_532 = arith.select %eq3A_531, %broadcast_in_dim3A_5, %broadcast_in_dim3A_7 : vector<16xi1>, vector<16xf32>
        %eq3A_533 = arith.constant 1 : i32
        %eq3A_534 = vector.broadcast %eq3A_533 : i32 to vector<16xi32>
        %eq3A_535 = arith.cmpi eq, %get3A_520, %eq3A_534 : vector<16xi32>
        %or3A_536 = arith.ori %eq3A_531, %eq3A_535 : vector<16xi1>
        tpu.vector_store_idx %arg6[%broadcast_in_dim3A_9, %get3A_524, %add3A_528], %select_n3A_532 masked %or3A_536 : memref<1x40x1024xf32, #tpu.memory_space<vmem>>[vector<16xi32>, vector<16xi32>, vector<16xi32>], vector<16xf32>, vector<16xi1>
        %scan3A_537 = arith.constant 0 : i32
        %scan3A_538 = arith.constant 2 : i32
        %scan3A_539 = arith.addi %scan3A_496, %scan3A_538 : i32
        %mul3A_540 = arith.constant 16 : i32
        %mul3A_541 = arith.muli %scan3A_539, %mul3A_540 : i32
        %get3A_542 = arith.index_cast %mul3A_541 : i32 to index
        %get3A_543 = tpu.vector_load %arg8[%get3A_542] {strides = array<i32>} : memref<1024xi32, #tpu.memory_space<vmem>>, vector<16xi32>,
        %mul3A_544 = arith.constant 16 : i32
        %mul3A_545 = arith.muli %scan3A_539, %mul3A_544 : i32
        %get3A_546 = arith.index_cast %mul3A_545 : i32 to index
        %get3A_547 = tpu.vector_load %arg9[%get3A_546] {strides = array<i32>} : memref<1024xi32, #tpu.memory_space<vmem>>, vector<16xi32>,
        %mul3A_548 = arith.constant 16 : i32
        %mul3A_549 = arith.muli %scan3A_539, %mul3A_548 : i32
        %add3A_550 = vector.broadcast %mul3A_549 : i32 to vector<16xi32>
        %add3A_551 = arith.addi %add3A_550, %iota3A : vector<16xi32>
        %eq3A_552 = arith.constant 3 : i32
        %eq3A_553 = vector.broadcast %eq3A_552 : i32 to vector<16xi32>
        %eq3A_554 = arith.cmpi eq, %get3A_543, %eq3A_553 : vector<16xi32>
        %select_n3A_555 = arith.select %eq3A_554, %broadcast_in_dim3A_5, %broadcast_in_dim3A_7 : vector<16xi1>, vector<16xf32>
        %eq3A_556 = arith.constant 1 : i32
        %eq3A_557 = vector.broadcast %eq3A_556 : i32 to vector<16xi32>
        %eq3A_558 = arith.cmpi eq, %get3A_543, %eq3A_557 : vector<16xi32>
        %or3A_559 = arith.ori %eq3A_554, %eq3A_558 : vector<16xi1>
        tpu.vector_store_idx %arg6[%broadcast_in_dim3A_9, %get3A_547, %add3A_551], %select_n3A_555 masked %or3A_559 : memref<1x40x1024xf32, #tpu.memory_space<vmem>>[vector<16xi32>, vector<16xi32>, vector<16xi32>], vector<16xf32>, vector<16xi1>
        %scan3A_560 = arith.constant 0 : i32
        %scan3A_561 = arith.constant 3 : i32
        %scan3A_562 = arith.addi %scan3A_496, %scan3A_561 : i32
        %mul3A_563 = arith.constant 16 : i32
        %mul3A_564 = arith.muli %scan3A_562, %mul3A_563 : i32
        %get3A_565 = arith.index_cast %mul3A_564 : i32 to index
        %get3A_566 = tpu.vector_load %arg8[%get3A_565] {strides = array<i32>} : memref<1024xi32, #tpu.memory_space<vmem>>, vector<16xi32>,
        %mul3A_567 = arith.constant 16 : i32
        %mul3A_568 = arith.muli %scan3A_562, %mul3A_567 : i32
        %get3A_569 = arith.index_cast %mul3A_568 : i32 to index
        %get3A_570 = tpu.vector_load %arg9[%get3A_569] {strides = array<i32>} : memref<1024xi32, #tpu.memory_space<vmem>>, vector<16xi32>,
        %mul3A_571 = arith.constant 16 : i32
        %mul3A_572 = arith.muli %scan3A_562, %mul3A_571 : i32
        %add3A_573 = vector.broadcast %mul3A_572 : i32 to vector<16xi32>
        %add3A_574 = arith.addi %add3A_573, %iota3A : vector<16xi32>
        %eq3A_575 = arith.constant 3 : i32
        %eq3A_576 = vector.broadcast %eq3A_575 : i32 to vector<16xi32>
        %eq3A_577 = arith.cmpi eq, %get3A_566, %eq3A_576 : vector<16xi32>
        %select_n3A_578 = arith.select %eq3A_577, %broadcast_in_dim3A_5, %broadcast_in_dim3A_7 : vector<16xi1>, vector<16xf32>
        %eq3A_579 = arith.constant 1 : i32
        %eq3A_580 = vector.broadcast %eq3A_579 : i32 to vector<16xi32>
        %eq3A_581 = arith.cmpi eq, %get3A_566, %eq3A_580 : vector<16xi32>
        %or3A_582 = arith.ori %eq3A_577, %eq3A_581 : vector<16xi1>
        tpu.vector_store_idx %arg6[%broadcast_in_dim3A_9, %get3A_570, %add3A_574], %select_n3A_578 masked %or3A_582 : memref<1x40x1024xf32, #tpu.memory_space<vmem>>[vector<16xi32>, vector<16xi32>, vector<16xi32>], vector<16xf32>, vector<16xi1>
        %scan3A_583 = arith.constant 0 : i32
        scf.yield %scan3A_583 : i32
      }
      %scan3A_78 = arith.constant 64 : i32
      %dma_start3A_79 = arith.constant 120 : i32
      %dma_start3A_80 = arith.constant 0 : i32
      %dma_start3A_81 = tpu.memref_slice %arg4[%add3A, %dma_start3A_79, %dma_start3A_80] : memref<26x1000x1024xf32, #tpu.memory_space<hbm>> -> memref<1x40x1024xf32, #tpu.memory_space<hbm>>
      %dma_start3A_82 = arith.constant 120 : i32
      %dma_start3A_83 = arith.constant 0 : i32
      %dma_start3A_84 = tpu.memref_slice %arg4[%add3A, %dma_start3A_82, %dma_start3A_83] : memref<26x1000x1024xf32, #tpu.memory_space<hbm>> -> memref<1x40x1024xf32, #tpu.memory_space<hbm>>
      tpu.enqueue_dma source(%arg6 : memref<1x40x1024xf32, #tpu.memory_space<vmem>>) target(%dma_start3A_84 : memref<1x40x1024xf32, #tpu.memory_space<hbm>>) target_semaphore(%arg11 : memref<!tpu.dma_semaphore, #tpu.memory_space<semaphore_mem>>)
      %dma_wait3A_85 = arith.constant 80 : i32
      %dma_wait3A_86 = arith.constant 0 : i32
      %dma_wait3A_87 = tpu.memref_slice %arg4[%add3A, %dma_wait3A_85, %dma_wait3A_86] : memref<26x1000x1024xf32, #tpu.memory_space<hbm>> -> memref<1x40x1024xf32, #tpu.memory_space<hbm>>
      %dma_wait3A_88 = arith.constant 80 : i32
      %dma_wait3A_89 = arith.constant 0 : i32
      %dma_wait3A_90 = tpu.memref_slice %arg4[%add3A, %dma_wait3A_88, %dma_wait3A_89] : memref<26x1000x1024xf32, #tpu.memory_space<hbm>> -> memref<1x40x1024xf32, #tpu.memory_space<hbm>>
      tpu.wait_dma2 semaphore(%arg10 : memref<!tpu.dma_semaphore, #tpu.memory_space<semaphore_mem>>) src(%arg5 : memref<1x40x1024xf32, #tpu.memory_space<vmem>>) dst(%dma_wait3A_90 : memref<1x40x1024xf32, #tpu.memory_space<hbm>>)
      %scan3A_91 = arith.constant 0 : i32
      %scan3A_92 = arith.constant 0 : i32
      %scan3A_93 = arith.constant 64 : i32
      %scan3A_94 = arith.addi %scan3A_92, %scan3A_93 : i32
      %scan3A_95 = arith.constant 4 : i32
      %scan3A_96 = scf.for %scan3A_496 = %scan3A_92 to %scan3A_94 step %scan3A_95 iter_args(%scan3A_497 = %scan3A_91) -> (i32)  : i32 {
        %mul3A_498 = arith.constant 16 : i32
        %mul3A_499 = arith.muli %scan3A_496, %mul3A_498 : i32
        %get3A = arith.index_cast %mul3A_499 : i32 to index
        %get3A_500 = tpu.vector_load %arg8[%get3A] {strides = array<i32>} : memref<1024xi32, #tpu.memory_space<vmem>>, vector<16xi32>,
        %mul3A_501 = arith.constant 16 : i32
        %mul3A_502 = arith.muli %scan3A_496, %mul3A_501 : i32
        %get3A_503 = arith.index_cast %mul3A_502 : i32 to index
        %get3A_504 = tpu.vector_load %arg9[%get3A_503] {strides = array<i32>} : memref<1024xi32, #tpu.memory_space<vmem>>, vector<16xi32>,
        %mul3A_505 = arith.constant 16 : i32
        %mul3A_506 = arith.muli %scan3A_496, %mul3A_505 : i32
        %add3A_507 = vector.broadcast %mul3A_506 : i32 to vector<16xi32>
        %add3A_508 = arith.addi %add3A_507, %iota3A : vector<16xi32>
        %eq3A = arith.constant 4 : i32
        %eq3A_509 = vector.broadcast %eq3A : i32 to vector<16xi32>
        %eq3A_510 = arith.cmpi eq, %get3A_500, %eq3A_509 : vector<16xi32>
        %select_n3A = arith.select %eq3A_510, %broadcast_in_dim3A_5, %broadcast_in_dim3A_7 : vector<16xi1>, vector<16xf32>
        %eq3A_511 = arith.constant 2 : i32
        %eq3A_512 = vector.broadcast %eq3A_511 : i32 to vector<16xi32>
        %eq3A_513 = arith.cmpi eq, %get3A_500, %eq3A_512 : vector<16xi32>
        %or3A = arith.ori %eq3A_510, %eq3A_513 : vector<16xi1>
        tpu.vector_store_idx %arg5[%broadcast_in_dim3A_9, %get3A_504, %add3A_508], %select_n3A masked %or3A : memref<1x40x1024xf32, #tpu.memory_space<vmem>>[vector<16xi32>, vector<16xi32>, vector<16xi32>], vector<16xf32>, vector<16xi1>
        %scan3A_514 = arith.constant 0 : i32
        %scan3A_515 = arith.constant 1 : i32
        %scan3A_516 = arith.addi %scan3A_496, %scan3A_515 : i32
        %mul3A_517 = arith.constant 16 : i32
        %mul3A_518 = arith.muli %scan3A_516, %mul3A_517 : i32
        %get3A_519 = arith.index_cast %mul3A_518 : i32 to index
        %get3A_520 = tpu.vector_load %arg8[%get3A_519] {strides = array<i32>} : memref<1024xi32, #tpu.memory_space<vmem>>, vector<16xi32>,
        %mul3A_521 = arith.constant 16 : i32
        %mul3A_522 = arith.muli %scan3A_516, %mul3A_521 : i32
        %get3A_523 = arith.index_cast %mul3A_522 : i32 to index
        %get3A_524 = tpu.vector_load %arg9[%get3A_523] {strides = array<i32>} : memref<1024xi32, #tpu.memory_space<vmem>>, vector<16xi32>,
        %mul3A_525 = arith.constant 16 : i32
        %mul3A_526 = arith.muli %scan3A_516, %mul3A_525 : i32
        %add3A_527 = vector.broadcast %mul3A_526 : i32 to vector<16xi32>
        %add3A_528 = arith.addi %add3A_527, %iota3A : vector<16xi32>
        %eq3A_529 = arith.constant 4 : i32
        %eq3A_530 = vector.broadcast %eq3A_529 : i32 to vector<16xi32>
        %eq3A_531 = arith.cmpi eq, %get3A_520, %eq3A_530 : vector<16xi32>
        %select_n3A_532 = arith.select %eq3A_531, %broadcast_in_dim3A_5, %broadcast_in_dim3A_7 : vector<16xi1>, vector<16xf32>
        %eq3A_533 = arith.constant 2 : i32
        %eq3A_534 = vector.broadcast %eq3A_533 : i32 to vector<16xi32>
        %eq3A_535 = arith.cmpi eq, %get3A_520, %eq3A_534 : vector<16xi32>
        %or3A_536 = arith.ori %eq3A_531, %eq3A_535 : vector<16xi1>
        tpu.vector_store_idx %arg5[%broadcast_in_dim3A_9, %get3A_524, %add3A_528], %select_n3A_532 masked %or3A_536 : memref<1x40x1024xf32, #tpu.memory_space<vmem>>[vector<16xi32>, vector<16xi32>, vector<16xi32>], vector<16xf32>, vector<16xi1>
        %scan3A_537 = arith.constant 0 : i32
        %scan3A_538 = arith.constant 2 : i32
        %scan3A_539 = arith.addi %scan3A_496, %scan3A_538 : i32
        %mul3A_540 = arith.constant 16 : i32
        %mul3A_541 = arith.muli %scan3A_539, %mul3A_540 : i32
        %get3A_542 = arith.index_cast %mul3A_541 : i32 to index
        %get3A_543 = tpu.vector_load %arg8[%get3A_542] {strides = array<i32>} : memref<1024xi32, #tpu.memory_space<vmem>>, vector<16xi32>,
        %mul3A_544 = arith.constant 16 : i32
        %mul3A_545 = arith.muli %scan3A_539, %mul3A_544 : i32
        %get3A_546 = arith.index_cast %mul3A_545 : i32 to index
        %get3A_547 = tpu.vector_load %arg9[%get3A_546] {strides = array<i32>} : memref<1024xi32, #tpu.memory_space<vmem>>, vector<16xi32>,
        %mul3A_548 = arith.constant 16 : i32
        %mul3A_549 = arith.muli %scan3A_539, %mul3A_548 : i32
        %add3A_550 = vector.broadcast %mul3A_549 : i32 to vector<16xi32>
        %add3A_551 = arith.addi %add3A_550, %iota3A : vector<16xi32>
        %eq3A_552 = arith.constant 4 : i32
        %eq3A_553 = vector.broadcast %eq3A_552 : i32 to vector<16xi32>
        %eq3A_554 = arith.cmpi eq, %get3A_543, %eq3A_553 : vector<16xi32>
        %select_n3A_555 = arith.select %eq3A_554, %broadcast_in_dim3A_5, %broadcast_in_dim3A_7 : vector<16xi1>, vector<16xf32>
        %eq3A_556 = arith.constant 2 : i32
        %eq3A_557 = vector.broadcast %eq3A_556 : i32 to vector<16xi32>
        %eq3A_558 = arith.cmpi eq, %get3A_543, %eq3A_557 : vector<16xi32>
        %or3A_559 = arith.ori %eq3A_554, %eq3A_558 : vector<16xi1>
        tpu.vector_store_idx %arg5[%broadcast_in_dim3A_9, %get3A_547, %add3A_551], %select_n3A_555 masked %or3A_559 : memref<1x40x1024xf32, #tpu.memory_space<vmem>>[vector<16xi32>, vector<16xi32>, vector<16xi32>], vector<16xf32>, vector<16xi1>
        %scan3A_560 = arith.constant 0 : i32
        %scan3A_561 = arith.constant 3 : i32
        %scan3A_562 = arith.addi %scan3A_496, %scan3A_561 : i32
        %mul3A_563 = arith.constant 16 : i32
        %mul3A_564 = arith.muli %scan3A_562, %mul3A_563 : i32
        %get3A_565 = arith.index_cast %mul3A_564 : i32 to index
        %get3A_566 = tpu.vector_load %arg8[%get3A_565] {strides = array<i32>} : memref<1024xi32, #tpu.memory_space<vmem>>, vector<16xi32>,
        %mul3A_567 = arith.constant 16 : i32
        %mul3A_568 = arith.muli %scan3A_562, %mul3A_567 : i32
        %get3A_569 = arith.index_cast %mul3A_568 : i32 to index
        %get3A_570 = tpu.vector_load %arg9[%get3A_569] {strides = array<i32>} : memref<1024xi32, #tpu.memory_space<vmem>>, vector<16xi32>,
        %mul3A_571 = arith.constant 16 : i32
        %mul3A_572 = arith.muli %scan3A_562, %mul3A_571 : i32
        %add3A_573 = vector.broadcast %mul3A_572 : i32 to vector<16xi32>
        %add3A_574 = arith.addi %add3A_573, %iota3A : vector<16xi32>
        %eq3A_575 = arith.constant 4 : i32
        %eq3A_576 = vector.broadcast %eq3A_575 : i32 to vector<16xi32>
        %eq3A_577 = arith.cmpi eq, %get3A_566, %eq3A_576 : vector<16xi32>
        %select_n3A_578 = arith.select %eq3A_577, %broadcast_in_dim3A_5, %broadcast_in_dim3A_7 : vector<16xi1>, vector<16xf32>
        %eq3A_579 = arith.constant 2 : i32
        %eq3A_580 = vector.broadcast %eq3A_579 : i32 to vector<16xi32>
        %eq3A_581 = arith.cmpi eq, %get3A_566, %eq3A_580 : vector<16xi32>
        %or3A_582 = arith.ori %eq3A_577, %eq3A_581 : vector<16xi1>
        tpu.vector_store_idx %arg5[%broadcast_in_dim3A_9, %get3A_570, %add3A_574], %select_n3A_578 masked %or3A_582 : memref<1x40x1024xf32, #tpu.memory_space<vmem>>[vector<16xi32>, vector<16xi32>, vector<16xi32>], vector<16xf32>, vector<16xi1>
        %scan3A_583 = arith.constant 0 : i32
        scf.yield %scan3A_583 : i32
      }
      %scan3A_97 = arith.constant 64 : i32
      %dma_start3A_98 = arith.constant 160 : i32
      %dma_start3A_99 = arith.constant 0 : i32
      %dma_start3A_100 = tpu.memref_slice %arg4[%add3A, %dma_start3A_98, %dma_start3A_99] : memref<26x1000x1024xf32, #tpu.memory_space<hbm>> -> memref<1x40x1024xf32, #tpu.memory_space<hbm>>
      %dma_start3A_101 = arith.constant 160 : i32
      %dma_start3A_102 = arith.constant 0 : i32
      %dma_start3A_103 = tpu.memref_slice %arg4[%add3A, %dma_start3A_101, %dma_start3A_102] : memref<26x1000x1024xf32, #tpu.memory_space<hbm>> -> memref<1x40x1024xf32, #tpu.memory_space<hbm>>
      tpu.enqueue_dma source(%arg5 : memref<1x40x1024xf32, #tpu.memory_space<vmem>>) target(%dma_start3A_103 : memref<1x40x1024xf32, #tpu.memory_space<hbm>>) target_semaphore(%arg10 : memref<!tpu.dma_semaphore, #tpu.memory_space<semaphore_mem>>)
      %dma_wait3A_104 = arith.constant 120 : i32
      %dma_wait3A_105 = arith.constant 0 : i32
      %dma_wait3A_106 = tpu.memref_slice %arg4[%add3A, %dma_wait3A_104, %dma_wait3A_105] : memref<26x1000x1024xf32, #tpu.memory_space<hbm>> -> memref<1x40x1024xf32, #tpu.memory_space<hbm>>
      %dma_wait3A_107 = arith.constant 120 : i32
      %dma_wait3A_108 = arith.constant 0 : i32
      %dma_wait3A_109 = tpu.memref_slice %arg4[%add3A, %dma_wait3A_107, %dma_wait3A_108] : memref<26x1000x1024xf32, #tpu.memory_space<hbm>> -> memref<1x40x1024xf32, #tpu.memory_space<hbm>>
      tpu.wait_dma2 semaphore(%arg11 : memref<!tpu.dma_semaphore, #tpu.memory_space<semaphore_mem>>) src(%arg6 : memref<1x40x1024xf32, #tpu.memory_space<vmem>>) dst(%dma_wait3A_109 : memref<1x40x1024xf32, #tpu.memory_space<hbm>>)
      %scan3A_110 = arith.constant 0 : i32
      %scan3A_111 = arith.constant 0 : i32
      %scan3A_112 = arith.constant 64 : i32
      %scan3A_113 = arith.addi %scan3A_111, %scan3A_112 : i32
      %scan3A_114 = arith.constant 4 : i32
      %scan3A_115 = scf.for %scan3A_496 = %scan3A_111 to %scan3A_113 step %scan3A_114 iter_args(%scan3A_497 = %scan3A_110) -> (i32)  : i32 {
        %mul3A_498 = arith.constant 16 : i32
        %mul3A_499 = arith.muli %scan3A_496, %mul3A_498 : i32
        %get3A = arith.index_cast %mul3A_499 : i32 to index
        %get3A_500 = tpu.vector_load %arg8[%get3A] {strides = array<i32>} : memref<1024xi32, #tpu.memory_space<vmem>>, vector<16xi32>,
        %mul3A_501 = arith.constant 16 : i32
        %mul3A_502 = arith.muli %scan3A_496, %mul3A_501 : i32
        %get3A_503 = arith.index_cast %mul3A_502 : i32 to index
        %get3A_504 = tpu.vector_load %arg9[%get3A_503] {strides = array<i32>} : memref<1024xi32, #tpu.memory_space<vmem>>, vector<16xi32>,
        %mul3A_505 = arith.constant 16 : i32
        %mul3A_506 = arith.muli %scan3A_496, %mul3A_505 : i32
        %add3A_507 = vector.broadcast %mul3A_506 : i32 to vector<16xi32>
        %add3A_508 = arith.addi %add3A_507, %iota3A : vector<16xi32>
        %eq3A = arith.constant 5 : i32
        %eq3A_509 = vector.broadcast %eq3A : i32 to vector<16xi32>
        %eq3A_510 = arith.cmpi eq, %get3A_500, %eq3A_509 : vector<16xi32>
        %select_n3A = arith.select %eq3A_510, %broadcast_in_dim3A_5, %broadcast_in_dim3A_7 : vector<16xi1>, vector<16xf32>
        %eq3A_511 = arith.constant 3 : i32
        %eq3A_512 = vector.broadcast %eq3A_511 : i32 to vector<16xi32>
        %eq3A_513 = arith.cmpi eq, %get3A_500, %eq3A_512 : vector<16xi32>
        %or3A = arith.ori %eq3A_510, %eq3A_513 : vector<16xi1>
        tpu.vector_store_idx %arg6[%broadcast_in_dim3A_9, %get3A_504, %add3A_508], %select_n3A masked %or3A : memref<1x40x1024xf32, #tpu.memory_space<vmem>>[vector<16xi32>, vector<16xi32>, vector<16xi32>], vector<16xf32>, vector<16xi1>
        %scan3A_514 = arith.constant 0 : i32
        %scan3A_515 = arith.constant 1 : i32
        %scan3A_516 = arith.addi %scan3A_496, %scan3A_515 : i32
        %mul3A_517 = arith.constant 16 : i32
        %mul3A_518 = arith.muli %scan3A_516, %mul3A_517 : i32
        %get3A_519 = arith.index_cast %mul3A_518 : i32 to index
        %get3A_520 = tpu.vector_load %arg8[%get3A_519] {strides = array<i32>} : memref<1024xi32, #tpu.memory_space<vmem>>, vector<16xi32>,
        %mul3A_521 = arith.constant 16 : i32
        %mul3A_522 = arith.muli %scan3A_516, %mul3A_521 : i32
        %get3A_523 = arith.index_cast %mul3A_522 : i32 to index
        %get3A_524 = tpu.vector_load %arg9[%get3A_523] {strides = array<i32>} : memref<1024xi32, #tpu.memory_space<vmem>>, vector<16xi32>,
        %mul3A_525 = arith.constant 16 : i32
        %mul3A_526 = arith.muli %scan3A_516, %mul3A_525 : i32
        %add3A_527 = vector.broadcast %mul3A_526 : i32 to vector<16xi32>
        %add3A_528 = arith.addi %add3A_527, %iota3A : vector<16xi32>
        %eq3A_529 = arith.constant 5 : i32
        %eq3A_530 = vector.broadcast %eq3A_529 : i32 to vector<16xi32>
        %eq3A_531 = arith.cmpi eq, %get3A_520, %eq3A_530 : vector<16xi32>
        %select_n3A_532 = arith.select %eq3A_531, %broadcast_in_dim3A_5, %broadcast_in_dim3A_7 : vector<16xi1>, vector<16xf32>
        %eq3A_533 = arith.constant 3 : i32
        %eq3A_534 = vector.broadcast %eq3A_533 : i32 to vector<16xi32>
        %eq3A_535 = arith.cmpi eq, %get3A_520, %eq3A_534 : vector<16xi32>
        %or3A_536 = arith.ori %eq3A_531, %eq3A_535 : vector<16xi1>
        tpu.vector_store_idx %arg6[%broadcast_in_dim3A_9, %get3A_524, %add3A_528], %select_n3A_532 masked %or3A_536 : memref<1x40x1024xf32, #tpu.memory_space<vmem>>[vector<16xi32>, vector<16xi32>, vector<16xi32>], vector<16xf32>, vector<16xi1>
        %scan3A_537 = arith.constant 0 : i32
        %scan3A_538 = arith.constant 2 : i32
        %scan3A_539 = arith.addi %scan3A_496, %scan3A_538 : i32
        %mul3A_540 = arith.constant 16 : i32
        %mul3A_541 = arith.muli %scan3A_539, %mul3A_540 : i32
        %get3A_542 = arith.index_cast %mul3A_541 : i32 to index
        %get3A_543 = tpu.vector_load %arg8[%get3A_542] {strides = array<i32>} : memref<1024xi32, #tpu.memory_space<vmem>>, vector<16xi32>,
        %mul3A_544 = arith.constant 16 : i32
        %mul3A_545 = arith.muli %scan3A_539, %mul3A_544 : i32
        %get3A_546 = arith.index_cast %mul3A_545 : i32 to index
        %get3A_547 = tpu.vector_load %arg9[%get3A_546] {strides = array<i32>} : memref<1024xi32, #tpu.memory_space<vmem>>, vector<16xi32>,
        %mul3A_548 = arith.constant 16 : i32
        %mul3A_549 = arith.muli %scan3A_539, %mul3A_548 : i32
        %add3A_550 = vector.broadcast %mul3A_549 : i32 to vector<16xi32>
        %add3A_551 = arith.addi %add3A_550, %iota3A : vector<16xi32>
        %eq3A_552 = arith.constant 5 : i32
        %eq3A_553 = vector.broadcast %eq3A_552 : i32 to vector<16xi32>
        %eq3A_554 = arith.cmpi eq, %get3A_543, %eq3A_553 : vector<16xi32>
        %select_n3A_555 = arith.select %eq3A_554, %broadcast_in_dim3A_5, %broadcast_in_dim3A_7 : vector<16xi1>, vector<16xf32>
        %eq3A_556 = arith.constant 3 : i32
        %eq3A_557 = vector.broadcast %eq3A_556 : i32 to vector<16xi32>
        %eq3A_558 = arith.cmpi eq, %get3A_543, %eq3A_557 : vector<16xi32>
        %or3A_559 = arith.ori %eq3A_554, %eq3A_558 : vector<16xi1>
        tpu.vector_store_idx %arg6[%broadcast_in_dim3A_9, %get3A_547, %add3A_551], %select_n3A_555 masked %or3A_559 : memref<1x40x1024xf32, #tpu.memory_space<vmem>>[vector<16xi32>, vector<16xi32>, vector<16xi32>], vector<16xf32>, vector<16xi1>
        %scan3A_560 = arith.constant 0 : i32
        %scan3A_561 = arith.constant 3 : i32
        %scan3A_562 = arith.addi %scan3A_496, %scan3A_561 : i32
        %mul3A_563 = arith.constant 16 : i32
        %mul3A_564 = arith.muli %scan3A_562, %mul3A_563 : i32
        %get3A_565 = arith.index_cast %mul3A_564 : i32 to index
        %get3A_566 = tpu.vector_load %arg8[%get3A_565] {strides = array<i32>} : memref<1024xi32, #tpu.memory_space<vmem>>, vector<16xi32>,
        %mul3A_567 = arith.constant 16 : i32
        %mul3A_568 = arith.muli %scan3A_562, %mul3A_567 : i32
        %get3A_569 = arith.index_cast %mul3A_568 : i32 to index
        %get3A_570 = tpu.vector_load %arg9[%get3A_569] {strides = array<i32>} : memref<1024xi32, #tpu.memory_space<vmem>>, vector<16xi32>,
        %mul3A_571 = arith.constant 16 : i32
        %mul3A_572 = arith.muli %scan3A_562, %mul3A_571 : i32
        %add3A_573 = vector.broadcast %mul3A_572 : i32 to vector<16xi32>
        %add3A_574 = arith.addi %add3A_573, %iota3A : vector<16xi32>
        %eq3A_575 = arith.constant 5 : i32
        %eq3A_576 = vector.broadcast %eq3A_575 : i32 to vector<16xi32>
        %eq3A_577 = arith.cmpi eq, %get3A_566, %eq3A_576 : vector<16xi32>
        %select_n3A_578 = arith.select %eq3A_577, %broadcast_in_dim3A_5, %broadcast_in_dim3A_7 : vector<16xi1>, vector<16xf32>
        %eq3A_579 = arith.constant 3 : i32
        %eq3A_580 = vector.broadcast %eq3A_579 : i32 to vector<16xi32>
        %eq3A_581 = arith.cmpi eq, %get3A_566, %eq3A_580 : vector<16xi32>
        %or3A_582 = arith.ori %eq3A_577, %eq3A_581 : vector<16xi1>
        tpu.vector_store_idx %arg6[%broadcast_in_dim3A_9, %get3A_570, %add3A_574], %select_n3A_578 masked %or3A_582 : memref<1x40x1024xf32, #tpu.memory_space<vmem>>[vector<16xi32>, vector<16xi32>, vector<16xi32>], vector<16xf32>, vector<16xi1>
        %scan3A_583 = arith.constant 0 : i32
        scf.yield %scan3A_583 : i32
      }
      %scan3A_116 = arith.constant 64 : i32
      %dma_start3A_117 = arith.constant 200 : i32
      %dma_start3A_118 = arith.constant 0 : i32
      %dma_start3A_119 = tpu.memref_slice %arg4[%add3A, %dma_start3A_117, %dma_start3A_118] : memref<26x1000x1024xf32, #tpu.memory_space<hbm>> -> memref<1x40x1024xf32, #tpu.memory_space<hbm>>
      %dma_start3A_120 = arith.constant 200 : i32
      %dma_start3A_121 = arith.constant 0 : i32
      %dma_start3A_122 = tpu.memref_slice %arg4[%add3A, %dma_start3A_120, %dma_start3A_121] : memref<26x1000x1024xf32, #tpu.memory_space<hbm>> -> memref<1x40x1024xf32, #tpu.memory_space<hbm>>
      tpu.enqueue_dma source(%arg6 : memref<1x40x1024xf32, #tpu.memory_space<vmem>>) target(%dma_start3A_122 : memref<1x40x1024xf32, #tpu.memory_space<hbm>>) target_semaphore(%arg11 : memref<!tpu.dma_semaphore, #tpu.memory_space<semaphore_mem>>)
      %dma_wait3A_123 = arith.constant 160 : i32
      %dma_wait3A_124 = arith.constant 0 : i32
      %dma_wait3A_125 = tpu.memref_slice %arg4[%add3A, %dma_wait3A_123, %dma_wait3A_124] : memref<26x1000x1024xf32, #tpu.memory_space<hbm>> -> memref<1x40x1024xf32, #tpu.memory_space<hbm>>
      %dma_wait3A_126 = arith.constant 160 : i32
      %dma_wait3A_127 = arith.constant 0 : i32
      %dma_wait3A_128 = tpu.memref_slice %arg4[%add3A, %dma_wait3A_126, %dma_wait3A_127] : memref<26x1000x1024xf32, #tpu.memory_space<hbm>> -> memref<1x40x1024xf32, #tpu.memory_space<hbm>>
      tpu.wait_dma2 semaphore(%arg10 : memref<!tpu.dma_semaphore, #tpu.memory_space<semaphore_mem>>) src(%arg5 : memref<1x40x1024xf32, #tpu.memory_space<vmem>>) dst(%dma_wait3A_128 : memref<1x40x1024xf32, #tpu.memory_space<hbm>>)
      %scan3A_129 = arith.constant 0 : i32
      %scan3A_130 = arith.constant 0 : i32
      %scan3A_131 = arith.constant 64 : i32
      %scan3A_132 = arith.addi %scan3A_130, %scan3A_131 : i32
      %scan3A_133 = arith.constant 4 : i32
      %scan3A_134 = scf.for %scan3A_496 = %scan3A_130 to %scan3A_132 step %scan3A_133 iter_args(%scan3A_497 = %scan3A_129) -> (i32)  : i32 {
        %mul3A_498 = arith.constant 16 : i32
        %mul3A_499 = arith.muli %scan3A_496, %mul3A_498 : i32
        %get3A = arith.index_cast %mul3A_499 : i32 to index
        %get3A_500 = tpu.vector_load %arg8[%get3A] {strides = array<i32>} : memref<1024xi32, #tpu.memory_space<vmem>>, vector<16xi32>,
        %mul3A_501 = arith.constant 16 : i32
        %mul3A_502 = arith.muli %scan3A_496, %mul3A_501 : i32
        %get3A_503 = arith.index_cast %mul3A_502 : i32 to index
        %get3A_504 = tpu.vector_load %arg9[%get3A_503] {strides = array<i32>} : memref<1024xi32, #tpu.memory_space<vmem>>, vector<16xi32>,
        %mul3A_505 = arith.constant 16 : i32
        %mul3A_506 = arith.muli %scan3A_496, %mul3A_505 : i32
        %add3A_507 = vector.broadcast %mul3A_506 : i32 to vector<16xi32>
        %add3A_508 = arith.addi %add3A_507, %iota3A : vector<16xi32>
        %eq3A = arith.constant 6 : i32
        %eq3A_509 = vector.broadcast %eq3A : i32 to vector<16xi32>
        %eq3A_510 = arith.cmpi eq, %get3A_500, %eq3A_509 : vector<16xi32>
        %select_n3A = arith.select %eq3A_510, %broadcast_in_dim3A_5, %broadcast_in_dim3A_7 : vector<16xi1>, vector<16xf32>
        %eq3A_511 = arith.constant 4 : i32
        %eq3A_512 = vector.broadcast %eq3A_511 : i32 to vector<16xi32>
        %eq3A_513 = arith.cmpi eq, %get3A_500, %eq3A_512 : vector<16xi32>
        %or3A = arith.ori %eq3A_510, %eq3A_513 : vector<16xi1>
        tpu.vector_store_idx %arg5[%broadcast_in_dim3A_9, %get3A_504, %add3A_508], %select_n3A masked %or3A : memref<1x40x1024xf32, #tpu.memory_space<vmem>>[vector<16xi32>, vector<16xi32>, vector<16xi32>], vector<16xf32>, vector<16xi1>
        %scan3A_514 = arith.constant 0 : i32
        %scan3A_515 = arith.constant 1 : i32
        %scan3A_516 = arith.addi %scan3A_496, %scan3A_515 : i32
        %mul3A_517 = arith.constant 16 : i32
        %mul3A_518 = arith.muli %scan3A_516, %mul3A_517 : i32
        %get3A_519 = arith.index_cast %mul3A_518 : i32 to index
        %get3A_520 = tpu.vector_load %arg8[%get3A_519] {strides = array<i32>} : memref<1024xi32, #tpu.memory_space<vmem>>, vector<16xi32>,
        %mul3A_521 = arith.constant 16 : i32
        %mul3A_522 = arith.muli %scan3A_516, %mul3A_521 : i32
        %get3A_523 = arith.index_cast %mul3A_522 : i32 to index
        %get3A_524 = tpu.vector_load %arg9[%get3A_523] {strides = array<i32>} : memref<1024xi32, #tpu.memory_space<vmem>>, vector<16xi32>,
        %mul3A_525 = arith.constant 16 : i32
        %mul3A_526 = arith.muli %scan3A_516, %mul3A_525 : i32
        %add3A_527 = vector.broadcast %mul3A_526 : i32 to vector<16xi32>
        %add3A_528 = arith.addi %add3A_527, %iota3A : vector<16xi32>
        %eq3A_529 = arith.constant 6 : i32
        %eq3A_530 = vector.broadcast %eq3A_529 : i32 to vector<16xi32>
        %eq3A_531 = arith.cmpi eq, %get3A_520, %eq3A_530 : vector<16xi32>
        %select_n3A_532 = arith.select %eq3A_531, %broadcast_in_dim3A_5, %broadcast_in_dim3A_7 : vector<16xi1>, vector<16xf32>
        %eq3A_533 = arith.constant 4 : i32
        %eq3A_534 = vector.broadcast %eq3A_533 : i32 to vector<16xi32>
        %eq3A_535 = arith.cmpi eq, %get3A_520, %eq3A_534 : vector<16xi32>
        %or3A_536 = arith.ori %eq3A_531, %eq3A_535 : vector<16xi1>
        tpu.vector_store_idx %arg5[%broadcast_in_dim3A_9, %get3A_524, %add3A_528], %select_n3A_532 masked %or3A_536 : memref<1x40x1024xf32, #tpu.memory_space<vmem>>[vector<16xi32>, vector<16xi32>, vector<16xi32>], vector<16xf32>, vector<16xi1>
        %scan3A_537 = arith.constant 0 : i32
        %scan3A_538 = arith.constant 2 : i32
        %scan3A_539 = arith.addi %scan3A_496, %scan3A_538 : i32
        %mul3A_540 = arith.constant 16 : i32
        %mul3A_541 = arith.muli %scan3A_539, %mul3A_540 : i32
        %get3A_542 = arith.index_cast %mul3A_541 : i32 to index
        %get3A_543 = tpu.vector_load %arg8[%get3A_542] {strides = array<i32>} : memref<1024xi32, #tpu.memory_space<vmem>>, vector<16xi32>,
        %mul3A_544 = arith.constant 16 : i32
        %mul3A_545 = arith.muli %scan3A_539, %mul3A_544 : i32
        %get3A_546 = arith.index_cast %mul3A_545 : i32 to index
        %get3A_547 = tpu.vector_load %arg9[%get3A_546] {strides = array<i32>} : memref<1024xi32, #tpu.memory_space<vmem>>, vector<16xi32>,
        %mul3A_548 = arith.constant 16 : i32
        %mul3A_549 = arith.muli %scan3A_539, %mul3A_548 : i32
        %add3A_550 = vector.broadcast %mul3A_549 : i32 to vector<16xi32>
        %add3A_551 = arith.addi %add3A_550, %iota3A : vector<16xi32>
        %eq3A_552 = arith.constant 6 : i32
        %eq3A_553 = vector.broadcast %eq3A_552 : i32 to vector<16xi32>
        %eq3A_554 = arith.cmpi eq, %get3A_543, %eq3A_553 : vector<16xi32>
        %select_n3A_555 = arith.select %eq3A_554, %broadcast_in_dim3A_5, %broadcast_in_dim3A_7 : vector<16xi1>, vector<16xf32>
        %eq3A_556 = arith.constant 4 : i32
        %eq3A_557 = vector.broadcast %eq3A_556 : i32 to vector<16xi32>
        %eq3A_558 = arith.cmpi eq, %get3A_543, %eq3A_557 : vector<16xi32>
        %or3A_559 = arith.ori %eq3A_554, %eq3A_558 : vector<16xi1>
        tpu.vector_store_idx %arg5[%broadcast_in_dim3A_9, %get3A_547, %add3A_551], %select_n3A_555 masked %or3A_559 : memref<1x40x1024xf32, #tpu.memory_space<vmem>>[vector<16xi32>, vector<16xi32>, vector<16xi32>], vector<16xf32>, vector<16xi1>
        %scan3A_560 = arith.constant 0 : i32
        %scan3A_561 = arith.constant 3 : i32
        %scan3A_562 = arith.addi %scan3A_496, %scan3A_561 : i32
        %mul3A_563 = arith.constant 16 : i32
        %mul3A_564 = arith.muli %scan3A_562, %mul3A_563 : i32
        %get3A_565 = arith.index_cast %mul3A_564 : i32 to index
        %get3A_566 = tpu.vector_load %arg8[%get3A_565] {strides = array<i32>} : memref<1024xi32, #tpu.memory_space<vmem>>, vector<16xi32>,
        %mul3A_567 = arith.constant 16 : i32
        %mul3A_568 = arith.muli %scan3A_562, %mul3A_567 : i32
        %get3A_569 = arith.index_cast %mul3A_568 : i32 to index
        %get3A_570 = tpu.vector_load %arg9[%get3A_569] {strides = array<i32>} : memref<1024xi32, #tpu.memory_space<vmem>>, vector<16xi32>,
        %mul3A_571 = arith.constant 16 : i32
        %mul3A_572 = arith.muli %scan3A_562, %mul3A_571 : i32
        %add3A_573 = vector.broadcast %mul3A_572 : i32 to vector<16xi32>
        %add3A_574 = arith.addi %add3A_573, %iota3A : vector<16xi32>
        %eq3A_575 = arith.constant 6 : i32
        %eq3A_576 = vector.broadcast %eq3A_575 : i32 to vector<16xi32>
        %eq3A_577 = arith.cmpi eq, %get3A_566, %eq3A_576 : vector<16xi32>
        %select_n3A_578 = arith.select %eq3A_577, %broadcast_in_dim3A_5, %broadcast_in_dim3A_7 : vector<16xi1>, vector<16xf32>
        %eq3A_579 = arith.constant 4 : i32
        %eq3A_580 = vector.broadcast %eq3A_579 : i32 to vector<16xi32>
        %eq3A_581 = arith.cmpi eq, %get3A_566, %eq3A_580 : vector<16xi32>
        %or3A_582 = arith.ori %eq3A_577, %eq3A_581 : vector<16xi1>
        tpu.vector_store_idx %arg5[%broadcast_in_dim3A_9, %get3A_570, %add3A_574], %select_n3A_578 masked %or3A_582 : memref<1x40x1024xf32, #tpu.memory_space<vmem>>[vector<16xi32>, vector<16xi32>, vector<16xi32>], vector<16xf32>, vector<16xi1>
        %scan3A_583 = arith.constant 0 : i32
        scf.yield %scan3A_583 : i32
      }
      %scan3A_135 = arith.constant 64 : i32
      %dma_start3A_136 = arith.constant 240 : i32
      %dma_start3A_137 = arith.constant 0 : i32
      %dma_start3A_138 = tpu.memref_slice %arg4[%add3A, %dma_start3A_136, %dma_start3A_137] : memref<26x1000x1024xf32, #tpu.memory_space<hbm>> -> memref<1x40x1024xf32, #tpu.memory_space<hbm>>
      %dma_start3A_139 = arith.constant 240 : i32
      %dma_start3A_140 = arith.constant 0 : i32
      %dma_start3A_141 = tpu.memref_slice %arg4[%add3A, %dma_start3A_139, %dma_start3A_140] : memref<26x1000x1024xf32, #tpu.memory_space<hbm>> -> memref<1x40x1024xf32, #tpu.memory_space<hbm>>
      tpu.enqueue_dma source(%arg5 : memref<1x40x1024xf32, #tpu.memory_space<vmem>>) target(%dma_start3A_141 : memref<1x40x1024xf32, #tpu.memory_space<hbm>>) target_semaphore(%arg10 : memref<!tpu.dma_semaphore, #tpu.memory_space<semaphore_mem>>)
      %dma_wait3A_142 = arith.constant 200 : i32
      %dma_wait3A_143 = arith.constant 0 : i32
      %dma_wait3A_144 = tpu.memref_slice %arg4[%add3A, %dma_wait3A_142, %dma_wait3A_143] : memref<26x1000x1024xf32, #tpu.memory_space<hbm>> -> memref<1x40x1024xf32, #tpu.memory_space<hbm>>
      %dma_wait3A_145 = arith.constant 200 : i32
      %dma_wait3A_146 = arith.constant 0 : i32
      %dma_wait3A_147 = tpu.memref_slice %arg4[%add3A, %dma_wait3A_145, %dma_wait3A_146] : memref<26x1000x1024xf32, #tpu.memory_space<hbm>> -> memref<1x40x1024xf32, #tpu.memory_space<hbm>>
      tpu.wait_dma2 semaphore(%arg11 : memref<!tpu.dma_semaphore, #tpu.memory_space<semaphore_mem>>) src(%arg6 : memref<1x40x1024xf32, #tpu.memory_space<vmem>>) dst(%dma_wait3A_147 : memref<1x40x1024xf32, #tpu.memory_space<hbm>>)
      %scan3A_148 = arith.constant 0 : i32
      %scan3A_149 = arith.constant 0 : i32
      %scan3A_150 = arith.constant 64 : i32
      %scan3A_151 = arith.addi %scan3A_149, %scan3A_150 : i32
      %scan3A_152 = arith.constant 4 : i32
      %scan3A_153 = scf.for %scan3A_496 = %scan3A_149 to %scan3A_151 step %scan3A_152 iter_args(%scan3A_497 = %scan3A_148) -> (i32)  : i32 {
        %mul3A_498 = arith.constant 16 : i32
        %mul3A_499 = arith.muli %scan3A_496, %mul3A_498 : i32
        %get3A = arith.index_cast %mul3A_499 : i32 to index
        %get3A_500 = tpu.vector_load %arg8[%get3A] {strides = array<i32>} : memref<1024xi32, #tpu.memory_space<vmem>>, vector<16xi32>,
        %mul3A_501 = arith.constant 16 : i32
        %mul3A_502 = arith.muli %scan3A_496, %mul3A_501 : i32
        %get3A_503 = arith.index_cast %mul3A_502 : i32 to index
        %get3A_504 = tpu.vector_load %arg9[%get3A_503] {strides = array<i32>} : memref<1024xi32, #tpu.memory_space<vmem>>, vector<16xi32>,
        %mul3A_505 = arith.constant 16 : i32
        %mul3A_506 = arith.muli %scan3A_496, %mul3A_505 : i32
        %add3A_507 = vector.broadcast %mul3A_506 : i32 to vector<16xi32>
        %add3A_508 = arith.addi %add3A_507, %iota3A : vector<16xi32>
        %eq3A = arith.constant 7 : i32
        %eq3A_509 = vector.broadcast %eq3A : i32 to vector<16xi32>
        %eq3A_510 = arith.cmpi eq, %get3A_500, %eq3A_509 : vector<16xi32>
        %select_n3A = arith.select %eq3A_510, %broadcast_in_dim3A_5, %broadcast_in_dim3A_7 : vector<16xi1>, vector<16xf32>
        %eq3A_511 = arith.constant 5 : i32
        %eq3A_512 = vector.broadcast %eq3A_511 : i32 to vector<16xi32>
        %eq3A_513 = arith.cmpi eq, %get3A_500, %eq3A_512 : vector<16xi32>
        %or3A = arith.ori %eq3A_510, %eq3A_513 : vector<16xi1>
        tpu.vector_store_idx %arg6[%broadcast_in_dim3A_9, %get3A_504, %add3A_508], %select_n3A masked %or3A : memref<1x40x1024xf32, #tpu.memory_space<vmem>>[vector<16xi32>, vector<16xi32>, vector<16xi32>], vector<16xf32>, vector<16xi1>
        %scan3A_514 = arith.constant 0 : i32
        %scan3A_515 = arith.constant 1 : i32
        %scan3A_516 = arith.addi %scan3A_496, %scan3A_515 : i32
        %mul3A_517 = arith.constant 16 : i32
        %mul3A_518 = arith.muli %scan3A_516, %mul3A_517 : i32
        %get3A_519 = arith.index_cast %mul3A_518 : i32 to index
        %get3A_520 = tpu.vector_load %arg8[%get3A_519] {strides = array<i32>} : memref<1024xi32, #tpu.memory_space<vmem>>, vector<16xi32>,
        %mul3A_521 = arith.constant 16 : i32
        %mul3A_522 = arith.muli %scan3A_516, %mul3A_521 : i32
        %get3A_523 = arith.index_cast %mul3A_522 : i32 to index
        %get3A_524 = tpu.vector_load %arg9[%get3A_523] {strides = array<i32>} : memref<1024xi32, #tpu.memory_space<vmem>>, vector<16xi32>,
        %mul3A_525 = arith.constant 16 : i32
        %mul3A_526 = arith.muli %scan3A_516, %mul3A_525 : i32
        %add3A_527 = vector.broadcast %mul3A_526 : i32 to vector<16xi32>
        %add3A_528 = arith.addi %add3A_527, %iota3A : vector<16xi32>
        %eq3A_529 = arith.constant 7 : i32
        %eq3A_530 = vector.broadcast %eq3A_529 : i32 to vector<16xi32>
        %eq3A_531 = arith.cmpi eq, %get3A_520, %eq3A_530 : vector<16xi32>
        %select_n3A_532 = arith.select %eq3A_531, %broadcast_in_dim3A_5, %broadcast_in_dim3A_7 : vector<16xi1>, vector<16xf32>
        %eq3A_533 = arith.constant 5 : i32
        %eq3A_534 = vector.broadcast %eq3A_533 : i32 to vector<16xi32>
        %eq3A_535 = arith.cmpi eq, %get3A_520, %eq3A_534 : vector<16xi32>
        %or3A_536 = arith.ori %eq3A_531, %eq3A_535 : vector<16xi1>
        tpu.vector_store_idx %arg6[%broadcast_in_dim3A_9, %get3A_524, %add3A_528], %select_n3A_532 masked %or3A_536 : memref<1x40x1024xf32, #tpu.memory_space<vmem>>[vector<16xi32>, vector<16xi32>, vector<16xi32>], vector<16xf32>, vector<16xi1>
        %scan3A_537 = arith.constant 0 : i32
        %scan3A_538 = arith.constant 2 : i32
        %scan3A_539 = arith.addi %scan3A_496, %scan3A_538 : i32
        %mul3A_540 = arith.constant 16 : i32
        %mul3A_541 = arith.muli %scan3A_539, %mul3A_540 : i32
        %get3A_542 = arith.index_cast %mul3A_541 : i32 to index
        %get3A_543 = tpu.vector_load %arg8[%get3A_542] {strides = array<i32>} : memref<1024xi32, #tpu.memory_space<vmem>>, vector<16xi32>,
        %mul3A_544 = arith.constant 16 : i32
        %mul3A_545 = arith.muli %scan3A_539, %mul3A_544 : i32
        %get3A_546 = arith.index_cast %mul3A_545 : i32 to index
        %get3A_547 = tpu.vector_load %arg9[%get3A_546] {strides = array<i32>} : memref<1024xi32, #tpu.memory_space<vmem>>, vector<16xi32>,
        %mul3A_548 = arith.constant 16 : i32
        %mul3A_549 = arith.muli %scan3A_539, %mul3A_548 : i32
        %add3A_550 = vector.broadcast %mul3A_549 : i32 to vector<16xi32>
        %add3A_551 = arith.addi %add3A_550, %iota3A : vector<16xi32>
        %eq3A_552 = arith.constant 7 : i32
        %eq3A_553 = vector.broadcast %eq3A_552 : i32 to vector<16xi32>
        %eq3A_554 = arith.cmpi eq, %get3A_543, %eq3A_553 : vector<16xi32>
        %select_n3A_555 = arith.select %eq3A_554, %broadcast_in_dim3A_5, %broadcast_in_dim3A_7 : vector<16xi1>, vector<16xf32>
        %eq3A_556 = arith.constant 5 : i32
        %eq3A_557 = vector.broadcast %eq3A_556 : i32 to vector<16xi32>
        %eq3A_558 = arith.cmpi eq, %get3A_543, %eq3A_557 : vector<16xi32>
        %or3A_559 = arith.ori %eq3A_554, %eq3A_558 : vector<16xi1>
        tpu.vector_store_idx %arg6[%broadcast_in_dim3A_9, %get3A_547, %add3A_551], %select_n3A_555 masked %or3A_559 : memref<1x40x1024xf32, #tpu.memory_space<vmem>>[vector<16xi32>, vector<16xi32>, vector<16xi32>], vector<16xf32>, vector<16xi1>
        %scan3A_560 = arith.constant 0 : i32
        %scan3A_561 = arith.constant 3 : i32
        %scan3A_562 = arith.addi %scan3A_496, %scan3A_561 : i32
        %mul3A_563 = arith.constant 16 : i32
        %mul3A_564 = arith.muli %scan3A_562, %mul3A_563 : i32
        %get3A_565 = arith.index_cast %mul3A_564 : i32 to index
        %get3A_566 = tpu.vector_load %arg8[%get3A_565] {strides = array<i32>} : memref<1024xi32, #tpu.memory_space<vmem>>, vector<16xi32>,
        %mul3A_567 = arith.constant 16 : i32
        %mul3A_568 = arith.muli %scan3A_562, %mul3A_567 : i32
        %get3A_569 = arith.index_cast %mul3A_568 : i32 to index
        %get3A_570 = tpu.vector_load %arg9[%get3A_569] {strides = array<i32>} : memref<1024xi32, #tpu.memory_space<vmem>>, vector<16xi32>,
        %mul3A_571 = arith.constant 16 : i32
        %mul3A_572 = arith.muli %scan3A_562, %mul3A_571 : i32
        %add3A_573 = vector.broadcast %mul3A_572 : i32 to vector<16xi32>
        %add3A_574 = arith.addi %add3A_573, %iota3A : vector<16xi32>
        %eq3A_575 = arith.constant 7 : i32
        %eq3A_576 = vector.broadcast %eq3A_575 : i32 to vector<16xi32>
        %eq3A_577 = arith.cmpi eq, %get3A_566, %eq3A_576 : vector<16xi32>
        %select_n3A_578 = arith.select %eq3A_577, %broadcast_in_dim3A_5, %broadcast_in_dim3A_7 : vector<16xi1>, vector<16xf32>
        %eq3A_579 = arith.constant 5 : i32
        %eq3A_580 = vector.broadcast %eq3A_579 : i32 to vector<16xi32>
        %eq3A_581 = arith.cmpi eq, %get3A_566, %eq3A_580 : vector<16xi32>
        %or3A_582 = arith.ori %eq3A_577, %eq3A_581 : vector<16xi1>
        tpu.vector_store_idx %arg6[%broadcast_in_dim3A_9, %get3A_570, %add3A_574], %select_n3A_578 masked %or3A_582 : memref<1x40x1024xf32, #tpu.memory_space<vmem>>[vector<16xi32>, vector<16xi32>, vector<16xi32>], vector<16xf32>, vector<16xi1>
        %scan3A_583 = arith.constant 0 : i32
        scf.yield %scan3A_583 : i32
      }
      %scan3A_154 = arith.constant 64 : i32
      %dma_start3A_155 = arith.constant 280 : i32
      %dma_start3A_156 = arith.constant 0 : i32
      %dma_start3A_157 = tpu.memref_slice %arg4[%add3A, %dma_start3A_155, %dma_start3A_156] : memref<26x1000x1024xf32, #tpu.memory_space<hbm>> -> memref<1x40x1024xf32, #tpu.memory_space<hbm>>
      %dma_start3A_158 = arith.constant 280 : i32
      %dma_start3A_159 = arith.constant 0 : i32
      %dma_start3A_160 = tpu.memref_slice %arg4[%add3A, %dma_start3A_158, %dma_start3A_159] : memref<26x1000x1024xf32, #tpu.memory_space<hbm>> -> memref<1x40x1024xf32, #tpu.memory_space<hbm>>
      tpu.enqueue_dma source(%arg6 : memref<1x40x1024xf32, #tpu.memory_space<vmem>>) target(%dma_start3A_160 : memref<1x40x1024xf32, #tpu.memory_space<hbm>>) target_semaphore(%arg11 : memref<!tpu.dma_semaphore, #tpu.memory_space<semaphore_mem>>)
      %dma_wait3A_161 = arith.constant 240 : i32
      %dma_wait3A_162 = arith.constant 0 : i32
      %dma_wait3A_163 = tpu.memref_slice %arg4[%add3A, %dma_wait3A_161, %dma_wait3A_162] : memref<26x1000x1024xf32, #tpu.memory_space<hbm>> -> memref<1x40x1024xf32, #tpu.memory_space<hbm>>
      %dma_wait3A_164 = arith.constant 240 : i32
      %dma_wait3A_165 = arith.constant 0 : i32
      %dma_wait3A_166 = tpu.memref_slice %arg4[%add3A, %dma_wait3A_164, %dma_wait3A_165] : memref<26x1000x1024xf32, #tpu.memory_space<hbm>> -> memref<1x40x1024xf32, #tpu.memory_space<hbm>>
      tpu.wait_dma2 semaphore(%arg10 : memref<!tpu.dma_semaphore, #tpu.memory_space<semaphore_mem>>) src(%arg5 : memref<1x40x1024xf32, #tpu.memory_space<vmem>>) dst(%dma_wait3A_166 : memref<1x40x1024xf32, #tpu.memory_space<hbm>>)
      %scan3A_167 = arith.constant 0 : i32
      %scan3A_168 = arith.constant 0 : i32
      %scan3A_169 = arith.constant 64 : i32
      %scan3A_170 = arith.addi %scan3A_168, %scan3A_169 : i32
      %scan3A_171 = arith.constant 4 : i32
      %scan3A_172 = scf.for %scan3A_496 = %scan3A_168 to %scan3A_170 step %scan3A_171 iter_args(%scan3A_497 = %scan3A_167) -> (i32)  : i32 {
        %mul3A_498 = arith.constant 16 : i32
        %mul3A_499 = arith.muli %scan3A_496, %mul3A_498 : i32
        %get3A = arith.index_cast %mul3A_499 : i32 to index
        %get3A_500 = tpu.vector_load %arg8[%get3A] {strides = array<i32>} : memref<1024xi32, #tpu.memory_space<vmem>>, vector<16xi32>,
        %mul3A_501 = arith.constant 16 : i32
        %mul3A_502 = arith.muli %scan3A_496, %mul3A_501 : i32
        %get3A_503 = arith.index_cast %mul3A_502 : i32 to index
        %get3A_504 = tpu.vector_load %arg9[%get3A_503] {strides = array<i32>} : memref<1024xi32, #tpu.memory_space<vmem>>, vector<16xi32>,
        %mul3A_505 = arith.constant 16 : i32
        %mul3A_506 = arith.muli %scan3A_496, %mul3A_505 : i32
        %add3A_507 = vector.broadcast %mul3A_506 : i32 to vector<16xi32>
        %add3A_508 = arith.addi %add3A_507, %iota3A : vector<16xi32>
        %eq3A = arith.constant 8 : i32
        %eq3A_509 = vector.broadcast %eq3A : i32 to vector<16xi32>
        %eq3A_510 = arith.cmpi eq, %get3A_500, %eq3A_509 : vector<16xi32>
        %select_n3A = arith.select %eq3A_510, %broadcast_in_dim3A_5, %broadcast_in_dim3A_7 : vector<16xi1>, vector<16xf32>
        %eq3A_511 = arith.constant 6 : i32
        %eq3A_512 = vector.broadcast %eq3A_511 : i32 to vector<16xi32>
        %eq3A_513 = arith.cmpi eq, %get3A_500, %eq3A_512 : vector<16xi32>
        %or3A = arith.ori %eq3A_510, %eq3A_513 : vector<16xi1>
        tpu.vector_store_idx %arg5[%broadcast_in_dim3A_9, %get3A_504, %add3A_508], %select_n3A masked %or3A : memref<1x40x1024xf32, #tpu.memory_space<vmem>>[vector<16xi32>, vector<16xi32>, vector<16xi32>], vector<16xf32>, vector<16xi1>
        %scan3A_514 = arith.constant 0 : i32
        %scan3A_515 = arith.constant 1 : i32
        %scan3A_516 = arith.addi %scan3A_496, %scan3A_515 : i32
        %mul3A_517 = arith.constant 16 : i32
        %mul3A_518 = arith.muli %scan3A_516, %mul3A_517 : i32
        %get3A_519 = arith.index_cast %mul3A_518 : i32 to index
        %get3A_520 = tpu.vector_load %arg8[%get3A_519] {strides = array<i32>} : memref<1024xi32, #tpu.memory_space<vmem>>, vector<16xi32>,
        %mul3A_521 = arith.constant 16 : i32
        %mul3A_522 = arith.muli %scan3A_516, %mul3A_521 : i32
        %get3A_523 = arith.index_cast %mul3A_522 : i32 to index
        %get3A_524 = tpu.vector_load %arg9[%get3A_523] {strides = array<i32>} : memref<1024xi32, #tpu.memory_space<vmem>>, vector<16xi32>,
        %mul3A_525 = arith.constant 16 : i32
        %mul3A_526 = arith.muli %scan3A_516, %mul3A_525 : i32
        %add3A_527 = vector.broadcast %mul3A_526 : i32 to vector<16xi32>
        %add3A_528 = arith.addi %add3A_527, %iota3A : vector<16xi32>
        %eq3A_529 = arith.constant 8 : i32
        %eq3A_530 = vector.broadcast %eq3A_529 : i32 to vector<16xi32>
        %eq3A_531 = arith.cmpi eq, %get3A_520, %eq3A_530 : vector<16xi32>
        %select_n3A_532 = arith.select %eq3A_531, %broadcast_in_dim3A_5, %broadcast_in_dim3A_7 : vector<16xi1>, vector<16xf32>
        %eq3A_533 = arith.constant 6 : i32
        %eq3A_534 = vector.broadcast %eq3A_533 : i32 to vector<16xi32>
        %eq3A_535 = arith.cmpi eq, %get3A_520, %eq3A_534 : vector<16xi32>
        %or3A_536 = arith.ori %eq3A_531, %eq3A_535 : vector<16xi1>
        tpu.vector_store_idx %arg5[%broadcast_in_dim3A_9, %get3A_524, %add3A_528], %select_n3A_532 masked %or3A_536 : memref<1x40x1024xf32, #tpu.memory_space<vmem>>[vector<16xi32>, vector<16xi32>, vector<16xi32>], vector<16xf32>, vector<16xi1>
        %scan3A_537 = arith.constant 0 : i32
        %scan3A_538 = arith.constant 2 : i32
        %scan3A_539 = arith.addi %scan3A_496, %scan3A_538 : i32
        %mul3A_540 = arith.constant 16 : i32
        %mul3A_541 = arith.muli %scan3A_539, %mul3A_540 : i32
        %get3A_542 = arith.index_cast %mul3A_541 : i32 to index
        %get3A_543 = tpu.vector_load %arg8[%get3A_542] {strides = array<i32>} : memref<1024xi32, #tpu.memory_space<vmem>>, vector<16xi32>,
        %mul3A_544 = arith.constant 16 : i32
        %mul3A_545 = arith.muli %scan3A_539, %mul3A_544 : i32
        %get3A_546 = arith.index_cast %mul3A_545 : i32 to index
        %get3A_547 = tpu.vector_load %arg9[%get3A_546] {strides = array<i32>} : memref<1024xi32, #tpu.memory_space<vmem>>, vector<16xi32>,
        %mul3A_548 = arith.constant 16 : i32
        %mul3A_549 = arith.muli %scan3A_539, %mul3A_548 : i32
        %add3A_550 = vector.broadcast %mul3A_549 : i32 to vector<16xi32>
        %add3A_551 = arith.addi %add3A_550, %iota3A : vector<16xi32>
        %eq3A_552 = arith.constant 8 : i32
        %eq3A_553 = vector.broadcast %eq3A_552 : i32 to vector<16xi32>
        %eq3A_554 = arith.cmpi eq, %get3A_543, %eq3A_553 : vector<16xi32>
        %select_n3A_555 = arith.select %eq3A_554, %broadcast_in_dim3A_5, %broadcast_in_dim3A_7 : vector<16xi1>, vector<16xf32>
        %eq3A_556 = arith.constant 6 : i32
        %eq3A_557 = vector.broadcast %eq3A_556 : i32 to vector<16xi32>
        %eq3A_558 = arith.cmpi eq, %get3A_543, %eq3A_557 : vector<16xi32>
        %or3A_559 = arith.ori %eq3A_554, %eq3A_558 : vector<16xi1>
        tpu.vector_store_idx %arg5[%broadcast_in_dim3A_9, %get3A_547, %add3A_551], %select_n3A_555 masked %or3A_559 : memref<1x40x1024xf32, #tpu.memory_space<vmem>>[vector<16xi32>, vector<16xi32>, vector<16xi32>], vector<16xf32>, vector<16xi1>
        %scan3A_560 = arith.constant 0 : i32
        %scan3A_561 = arith.constant 3 : i32
        %scan3A_562 = arith.addi %scan3A_496, %scan3A_561 : i32
        %mul3A_563 = arith.constant 16 : i32
        %mul3A_564 = arith.muli %scan3A_562, %mul3A_563 : i32
        %get3A_565 = arith.index_cast %mul3A_564 : i32 to index
        %get3A_566 = tpu.vector_load %arg8[%get3A_565] {strides = array<i32>} : memref<1024xi32, #tpu.memory_space<vmem>>, vector<16xi32>,
        %mul3A_567 = arith.constant 16 : i32
        %mul3A_568 = arith.muli %scan3A_562, %mul3A_567 : i32
        %get3A_569 = arith.index_cast %mul3A_568 : i32 to index
        %get3A_570 = tpu.vector_load %arg9[%get3A_569] {strides = array<i32>} : memref<1024xi32, #tpu.memory_space<vmem>>, vector<16xi32>,
        %mul3A_571 = arith.constant 16 : i32
        %mul3A_572 = arith.muli %scan3A_562, %mul3A_571 : i32
        %add3A_573 = vector.broadcast %mul3A_572 : i32 to vector<16xi32>
        %add3A_574 = arith.addi %add3A_573, %iota3A : vector<16xi32>
        %eq3A_575 = arith.constant 8 : i32
        %eq3A_576 = vector.broadcast %eq3A_575 : i32 to vector<16xi32>
        %eq3A_577 = arith.cmpi eq, %get3A_566, %eq3A_576 : vector<16xi32>
        %select_n3A_578 = arith.select %eq3A_577, %broadcast_in_dim3A_5, %broadcast_in_dim3A_7 : vector<16xi1>, vector<16xf32>
        %eq3A_579 = arith.constant 6 : i32
        %eq3A_580 = vector.broadcast %eq3A_579 : i32 to vector<16xi32>
        %eq3A_581 = arith.cmpi eq, %get3A_566, %eq3A_580 : vector<16xi32>
        %or3A_582 = arith.ori %eq3A_577, %eq3A_581 : vector<16xi1>
        tpu.vector_store_idx %arg5[%broadcast_in_dim3A_9, %get3A_570, %add3A_574], %select_n3A_578 masked %or3A_582 : memref<1x40x1024xf32, #tpu.memory_space<vmem>>[vector<16xi32>, vector<16xi32>, vector<16xi32>], vector<16xf32>, vector<16xi1>
        %scan3A_583 = arith.constant 0 : i32
        scf.yield %scan3A_583 : i32
      }
      %scan3A_173 = arith.constant 64 : i32
      %dma_start3A_174 = arith.constant 320 : i32
      %dma_start3A_175 = arith.constant 0 : i32
      %dma_start3A_176 = tpu.memref_slice %arg4[%add3A, %dma_start3A_174, %dma_start3A_175] : memref<26x1000x1024xf32, #tpu.memory_space<hbm>> -> memref<1x40x1024xf32, #tpu.memory_space<hbm>>
      %dma_start3A_177 = arith.constant 320 : i32
      %dma_start3A_178 = arith.constant 0 : i32
      %dma_start3A_179 = tpu.memref_slice %arg4[%add3A, %dma_start3A_177, %dma_start3A_178] : memref<26x1000x1024xf32, #tpu.memory_space<hbm>> -> memref<1x40x1024xf32, #tpu.memory_space<hbm>>
      tpu.enqueue_dma source(%arg5 : memref<1x40x1024xf32, #tpu.memory_space<vmem>>) target(%dma_start3A_179 : memref<1x40x1024xf32, #tpu.memory_space<hbm>>) target_semaphore(%arg10 : memref<!tpu.dma_semaphore, #tpu.memory_space<semaphore_mem>>)
      %dma_wait3A_180 = arith.constant 280 : i32
      %dma_wait3A_181 = arith.constant 0 : i32
      %dma_wait3A_182 = tpu.memref_slice %arg4[%add3A, %dma_wait3A_180, %dma_wait3A_181] : memref<26x1000x1024xf32, #tpu.memory_space<hbm>> -> memref<1x40x1024xf32, #tpu.memory_space<hbm>>
      %dma_wait3A_183 = arith.constant 280 : i32
      %dma_wait3A_184 = arith.constant 0 : i32
      %dma_wait3A_185 = tpu.memref_slice %arg4[%add3A, %dma_wait3A_183, %dma_wait3A_184] : memref<26x1000x1024xf32, #tpu.memory_space<hbm>> -> memref<1x40x1024xf32, #tpu.memory_space<hbm>>
      tpu.wait_dma2 semaphore(%arg11 : memref<!tpu.dma_semaphore, #tpu.memory_space<semaphore_mem>>) src(%arg6 : memref<1x40x1024xf32, #tpu.memory_space<vmem>>) dst(%dma_wait3A_185 : memref<1x40x1024xf32, #tpu.memory_space<hbm>>)
      %scan3A_186 = arith.constant 0 : i32
      %scan3A_187 = arith.constant 0 : i32
      %scan3A_188 = arith.constant 64 : i32
      %scan3A_189 = arith.addi %scan3A_187, %scan3A_188 : i32
      %scan3A_190 = arith.constant 4 : i32
      %scan3A_191 = scf.for %scan3A_496 = %scan3A_187 to %scan3A_189 step %scan3A_190 iter_args(%scan3A_497 = %scan3A_186) -> (i32)  : i32 {
        %mul3A_498 = arith.constant 16 : i32
        %mul3A_499 = arith.muli %scan3A_496, %mul3A_498 : i32
        %get3A = arith.index_cast %mul3A_499 : i32 to index
        %get3A_500 = tpu.vector_load %arg8[%get3A] {strides = array<i32>} : memref<1024xi32, #tpu.memory_space<vmem>>, vector<16xi32>,
        %mul3A_501 = arith.constant 16 : i32
        %mul3A_502 = arith.muli %scan3A_496, %mul3A_501 : i32
        %get3A_503 = arith.index_cast %mul3A_502 : i32 to index
        %get3A_504 = tpu.vector_load %arg9[%get3A_503] {strides = array<i32>} : memref<1024xi32, #tpu.memory_space<vmem>>, vector<16xi32>,
        %mul3A_505 = arith.constant 16 : i32
        %mul3A_506 = arith.muli %scan3A_496, %mul3A_505 : i32
        %add3A_507 = vector.broadcast %mul3A_506 : i32 to vector<16xi32>
        %add3A_508 = arith.addi %add3A_507, %iota3A : vector<16xi32>
        %eq3A = arith.constant 9 : i32
        %eq3A_509 = vector.broadcast %eq3A : i32 to vector<16xi32>
        %eq3A_510 = arith.cmpi eq, %get3A_500, %eq3A_509 : vector<16xi32>
        %select_n3A = arith.select %eq3A_510, %broadcast_in_dim3A_5, %broadcast_in_dim3A_7 : vector<16xi1>, vector<16xf32>
        %eq3A_511 = arith.constant 7 : i32
        %eq3A_512 = vector.broadcast %eq3A_511 : i32 to vector<16xi32>
        %eq3A_513 = arith.cmpi eq, %get3A_500, %eq3A_512 : vector<16xi32>
        %or3A = arith.ori %eq3A_510, %eq3A_513 : vector<16xi1>
        tpu.vector_store_idx %arg6[%broadcast_in_dim3A_9, %get3A_504, %add3A_508], %select_n3A masked %or3A : memref<1x40x1024xf32, #tpu.memory_space<vmem>>[vector<16xi32>, vector<16xi32>, vector<16xi32>], vector<16xf32>, vector<16xi1>
        %scan3A_514 = arith.constant 0 : i32
        %scan3A_515 = arith.constant 1 : i32
        %scan3A_516 = arith.addi %scan3A_496, %scan3A_515 : i32
        %mul3A_517 = arith.constant 16 : i32
        %mul3A_518 = arith.muli %scan3A_516, %mul3A_517 : i32
        %get3A_519 = arith.index_cast %mul3A_518 : i32 to index
        %get3A_520 = tpu.vector_load %arg8[%get3A_519] {strides = array<i32>} : memref<1024xi32, #tpu.memory_space<vmem>>, vector<16xi32>,
        %mul3A_521 = arith.constant 16 : i32
        %mul3A_522 = arith.muli %scan3A_516, %mul3A_521 : i32
        %get3A_523 = arith.index_cast %mul3A_522 : i32 to index
        %get3A_524 = tpu.vector_load %arg9[%get3A_523] {strides = array<i32>} : memref<1024xi32, #tpu.memory_space<vmem>>, vector<16xi32>,
        %mul3A_525 = arith.constant 16 : i32
        %mul3A_526 = arith.muli %scan3A_516, %mul3A_525 : i32
        %add3A_527 = vector.broadcast %mul3A_526 : i32 to vector<16xi32>
        %add3A_528 = arith.addi %add3A_527, %iota3A : vector<16xi32>
        %eq3A_529 = arith.constant 9 : i32
        %eq3A_530 = vector.broadcast %eq3A_529 : i32 to vector<16xi32>
        %eq3A_531 = arith.cmpi eq, %get3A_520, %eq3A_530 : vector<16xi32>
        %select_n3A_532 = arith.select %eq3A_531, %broadcast_in_dim3A_5, %broadcast_in_dim3A_7 : vector<16xi1>, vector<16xf32>
        %eq3A_533 = arith.constant 7 : i32
        %eq3A_534 = vector.broadcast %eq3A_533 : i32 to vector<16xi32>
        %eq3A_535 = arith.cmpi eq, %get3A_520, %eq3A_534 : vector<16xi32>
        %or3A_536 = arith.ori %eq3A_531, %eq3A_535 : vector<16xi1>
        tpu.vector_store_idx %arg6[%broadcast_in_dim3A_9, %get3A_524, %add3A_528], %select_n3A_532 masked %or3A_536 : memref<1x40x1024xf32, #tpu.memory_space<vmem>>[vector<16xi32>, vector<16xi32>, vector<16xi32>], vector<16xf32>, vector<16xi1>
        %scan3A_537 = arith.constant 0 : i32
        %scan3A_538 = arith.constant 2 : i32
        %scan3A_539 = arith.addi %scan3A_496, %scan3A_538 : i32
        %mul3A_540 = arith.constant 16 : i32
        %mul3A_541 = arith.muli %scan3A_539, %mul3A_540 : i32
        %get3A_542 = arith.index_cast %mul3A_541 : i32 to index
        %get3A_543 = tpu.vector_load %arg8[%get3A_542] {strides = array<i32>} : memref<1024xi32, #tpu.memory_space<vmem>>, vector<16xi32>,
        %mul3A_544 = arith.constant 16 : i32
        %mul3A_545 = arith.muli %scan3A_539, %mul3A_544 : i32
        %get3A_546 = arith.index_cast %mul3A_545 : i32 to index
        %get3A_547 = tpu.vector_load %arg9[%get3A_546] {strides = array<i32>} : memref<1024xi32, #tpu.memory_space<vmem>>, vector<16xi32>,
        %mul3A_548 = arith.constant 16 : i32
        %mul3A_549 = arith.muli %scan3A_539, %mul3A_548 : i32
        %add3A_550 = vector.broadcast %mul3A_549 : i32 to vector<16xi32>
        %add3A_551 = arith.addi %add3A_550, %iota3A : vector<16xi32>
        %eq3A_552 = arith.constant 9 : i32
        %eq3A_553 = vector.broadcast %eq3A_552 : i32 to vector<16xi32>
        %eq3A_554 = arith.cmpi eq, %get3A_543, %eq3A_553 : vector<16xi32>
        %select_n3A_555 = arith.select %eq3A_554, %broadcast_in_dim3A_5, %broadcast_in_dim3A_7 : vector<16xi1>, vector<16xf32>
        %eq3A_556 = arith.constant 7 : i32
        %eq3A_557 = vector.broadcast %eq3A_556 : i32 to vector<16xi32>
        %eq3A_558 = arith.cmpi eq, %get3A_543, %eq3A_557 : vector<16xi32>
        %or3A_559 = arith.ori %eq3A_554, %eq3A_558 : vector<16xi1>
        tpu.vector_store_idx %arg6[%broadcast_in_dim3A_9, %get3A_547, %add3A_551], %select_n3A_555 masked %or3A_559 : memref<1x40x1024xf32, #tpu.memory_space<vmem>>[vector<16xi32>, vector<16xi32>, vector<16xi32>], vector<16xf32>, vector<16xi1>
        %scan3A_560 = arith.constant 0 : i32
        %scan3A_561 = arith.constant 3 : i32
        %scan3A_562 = arith.addi %scan3A_496, %scan3A_561 : i32
        %mul3A_563 = arith.constant 16 : i32
        %mul3A_564 = arith.muli %scan3A_562, %mul3A_563 : i32
        %get3A_565 = arith.index_cast %mul3A_564 : i32 to index
        %get3A_566 = tpu.vector_load %arg8[%get3A_565] {strides = array<i32>} : memref<1024xi32, #tpu.memory_space<vmem>>, vector<16xi32>,
        %mul3A_567 = arith.constant 16 : i32
        %mul3A_568 = arith.muli %scan3A_562, %mul3A_567 : i32
        %get3A_569 = arith.index_cast %mul3A_568 : i32 to index
        %get3A_570 = tpu.vector_load %arg9[%get3A_569] {strides = array<i32>} : memref<1024xi32, #tpu.memory_space<vmem>>, vector<16xi32>,
        %mul3A_571 = arith.constant 16 : i32
        %mul3A_572 = arith.muli %scan3A_562, %mul3A_571 : i32
        %add3A_573 = vector.broadcast %mul3A_572 : i32 to vector<16xi32>
        %add3A_574 = arith.addi %add3A_573, %iota3A : vector<16xi32>
        %eq3A_575 = arith.constant 9 : i32
        %eq3A_576 = vector.broadcast %eq3A_575 : i32 to vector<16xi32>
        %eq3A_577 = arith.cmpi eq, %get3A_566, %eq3A_576 : vector<16xi32>
        %select_n3A_578 = arith.select %eq3A_577, %broadcast_in_dim3A_5, %broadcast_in_dim3A_7 : vector<16xi1>, vector<16xf32>
        %eq3A_579 = arith.constant 7 : i32
        %eq3A_580 = vector.broadcast %eq3A_579 : i32 to vector<16xi32>
        %eq3A_581 = arith.cmpi eq, %get3A_566, %eq3A_580 : vector<16xi32>
        %or3A_582 = arith.ori %eq3A_577, %eq3A_581 : vector<16xi1>
        tpu.vector_store_idx %arg6[%broadcast_in_dim3A_9, %get3A_570, %add3A_574], %select_n3A_578 masked %or3A_582 : memref<1x40x1024xf32, #tpu.memory_space<vmem>>[vector<16xi32>, vector<16xi32>, vector<16xi32>], vector<16xf32>, vector<16xi1>
        %scan3A_583 = arith.constant 0 : i32
        scf.yield %scan3A_583 : i32
      }
      %scan3A_192 = arith.constant 64 : i32
      %dma_start3A_193 = arith.constant 360 : i32
      %dma_start3A_194 = arith.constant 0 : i32
      %dma_start3A_195 = tpu.memref_slice %arg4[%add3A, %dma_start3A_193, %dma_start3A_194] : memref<26x1000x1024xf32, #tpu.memory_space<hbm>> -> memref<1x40x1024xf32, #tpu.memory_space<hbm>>
      %dma_start3A_196 = arith.constant 360 : i32
      %dma_start3A_197 = arith.constant 0 : i32
      %dma_start3A_198 = tpu.memref_slice %arg4[%add3A, %dma_start3A_196, %dma_start3A_197] : memref<26x1000x1024xf32, #tpu.memory_space<hbm>> -> memref<1x40x1024xf32, #tpu.memory_space<hbm>>
      tpu.enqueue_dma source(%arg6 : memref<1x40x1024xf32, #tpu.memory_space<vmem>>) target(%dma_start3A_198 : memref<1x40x1024xf32, #tpu.memory_space<hbm>>) target_semaphore(%arg11 : memref<!tpu.dma_semaphore, #tpu.memory_space<semaphore_mem>>)
      %dma_wait3A_199 = arith.constant 320 : i32
      %dma_wait3A_200 = arith.constant 0 : i32
      %dma_wait3A_201 = tpu.memref_slice %arg4[%add3A, %dma_wait3A_199, %dma_wait3A_200] : memref<26x1000x1024xf32, #tpu.memory_space<hbm>> -> memref<1x40x1024xf32, #tpu.memory_space<hbm>>
      %dma_wait3A_202 = arith.constant 320 : i32
      %dma_wait3A_203 = arith.constant 0 : i32
      %dma_wait3A_204 = tpu.memref_slice %arg4[%add3A, %dma_wait3A_202, %dma_wait3A_203] : memref<26x1000x1024xf32, #tpu.memory_space<hbm>> -> memref<1x40x1024xf32, #tpu.memory_space<hbm>>
      tpu.wait_dma2 semaphore(%arg10 : memref<!tpu.dma_semaphore, #tpu.memory_space<semaphore_mem>>) src(%arg5 : memref<1x40x1024xf32, #tpu.memory_space<vmem>>) dst(%dma_wait3A_204 : memref<1x40x1024xf32, #tpu.memory_space<hbm>>)
      %scan3A_205 = arith.constant 0 : i32
      %scan3A_206 = arith.constant 0 : i32
      %scan3A_207 = arith.constant 64 : i32
      %scan3A_208 = arith.addi %scan3A_206, %scan3A_207 : i32
      %scan3A_209 = arith.constant 4 : i32
      %scan3A_210 = scf.for %scan3A_496 = %scan3A_206 to %scan3A_208 step %scan3A_209 iter_args(%scan3A_497 = %scan3A_205) -> (i32)  : i32 {
        %mul3A_498 = arith.constant 16 : i32
        %mul3A_499 = arith.muli %scan3A_496, %mul3A_498 : i32
        %get3A = arith.index_cast %mul3A_499 : i32 to index
        %get3A_500 = tpu.vector_load %arg8[%get3A] {strides = array<i32>} : memref<1024xi32, #tpu.memory_space<vmem>>, vector<16xi32>,
        %mul3A_501 = arith.constant 16 : i32
        %mul3A_502 = arith.muli %scan3A_496, %mul3A_501 : i32
        %get3A_503 = arith.index_cast %mul3A_502 : i32 to index
        %get3A_504 = tpu.vector_load %arg9[%get3A_503] {strides = array<i32>} : memref<1024xi32, #tpu.memory_space<vmem>>, vector<16xi32>,
        %mul3A_505 = arith.constant 16 : i32
        %mul3A_506 = arith.muli %scan3A_496, %mul3A_505 : i32
        %add3A_507 = vector.broadcast %mul3A_506 : i32 to vector<16xi32>
        %add3A_508 = arith.addi %add3A_507, %iota3A : vector<16xi32>
        %eq3A = arith.constant 10 : i32
        %eq3A_509 = vector.broadcast %eq3A : i32 to vector<16xi32>
        %eq3A_510 = arith.cmpi eq, %get3A_500, %eq3A_509 : vector<16xi32>
        %select_n3A = arith.select %eq3A_510, %broadcast_in_dim3A_5, %broadcast_in_dim3A_7 : vector<16xi1>, vector<16xf32>
        %eq3A_511 = arith.constant 8 : i32
        %eq3A_512 = vector.broadcast %eq3A_511 : i32 to vector<16xi32>
        %eq3A_513 = arith.cmpi eq, %get3A_500, %eq3A_512 : vector<16xi32>
        %or3A = arith.ori %eq3A_510, %eq3A_513 : vector<16xi1>
        tpu.vector_store_idx %arg5[%broadcast_in_dim3A_9, %get3A_504, %add3A_508], %select_n3A masked %or3A : memref<1x40x1024xf32, #tpu.memory_space<vmem>>[vector<16xi32>, vector<16xi32>, vector<16xi32>], vector<16xf32>, vector<16xi1>
        %scan3A_514 = arith.constant 0 : i32
        %scan3A_515 = arith.constant 1 : i32
        %scan3A_516 = arith.addi %scan3A_496, %scan3A_515 : i32
        %mul3A_517 = arith.constant 16 : i32
        %mul3A_518 = arith.muli %scan3A_516, %mul3A_517 : i32
        %get3A_519 = arith.index_cast %mul3A_518 : i32 to index
        %get3A_520 = tpu.vector_load %arg8[%get3A_519] {strides = array<i32>} : memref<1024xi32, #tpu.memory_space<vmem>>, vector<16xi32>,
        %mul3A_521 = arith.constant 16 : i32
        %mul3A_522 = arith.muli %scan3A_516, %mul3A_521 : i32
        %get3A_523 = arith.index_cast %mul3A_522 : i32 to index
        %get3A_524 = tpu.vector_load %arg9[%get3A_523] {strides = array<i32>} : memref<1024xi32, #tpu.memory_space<vmem>>, vector<16xi32>,
        %mul3A_525 = arith.constant 16 : i32
        %mul3A_526 = arith.muli %scan3A_516, %mul3A_525 : i32
        %add3A_527 = vector.broadcast %mul3A_526 : i32 to vector<16xi32>
        %add3A_528 = arith.addi %add3A_527, %iota3A : vector<16xi32>
        %eq3A_529 = arith.constant 10 : i32
        %eq3A_530 = vector.broadcast %eq3A_529 : i32 to vector<16xi32>
        %eq3A_531 = arith.cmpi eq, %get3A_520, %eq3A_530 : vector<16xi32>
        %select_n3A_532 = arith.select %eq3A_531, %broadcast_in_dim3A_5, %broadcast_in_dim3A_7 : vector<16xi1>, vector<16xf32>
        %eq3A_533 = arith.constant 8 : i32
        %eq3A_534 = vector.broadcast %eq3A_533 : i32 to vector<16xi32>
        %eq3A_535 = arith.cmpi eq, %get3A_520, %eq3A_534 : vector<16xi32>
        %or3A_536 = arith.ori %eq3A_531, %eq3A_535 : vector<16xi1>
        tpu.vector_store_idx %arg5[%broadcast_in_dim3A_9, %get3A_524, %add3A_528], %select_n3A_532 masked %or3A_536 : memref<1x40x1024xf32, #tpu.memory_space<vmem>>[vector<16xi32>, vector<16xi32>, vector<16xi32>], vector<16xf32>, vector<16xi1>
        %scan3A_537 = arith.constant 0 : i32
        %scan3A_538 = arith.constant 2 : i32
        %scan3A_539 = arith.addi %scan3A_496, %scan3A_538 : i32
        %mul3A_540 = arith.constant 16 : i32
        %mul3A_541 = arith.muli %scan3A_539, %mul3A_540 : i32
        %get3A_542 = arith.index_cast %mul3A_541 : i32 to index
        %get3A_543 = tpu.vector_load %arg8[%get3A_542] {strides = array<i32>} : memref<1024xi32, #tpu.memory_space<vmem>>, vector<16xi32>,
        %mul3A_544 = arith.constant 16 : i32
        %mul3A_545 = arith.muli %scan3A_539, %mul3A_544 : i32
        %get3A_546 = arith.index_cast %mul3A_545 : i32 to index
        %get3A_547 = tpu.vector_load %arg9[%get3A_546] {strides = array<i32>} : memref<1024xi32, #tpu.memory_space<vmem>>, vector<16xi32>,
        %mul3A_548 = arith.constant 16 : i32
        %mul3A_549 = arith.muli %scan3A_539, %mul3A_548 : i32
        %add3A_550 = vector.broadcast %mul3A_549 : i32 to vector<16xi32>
        %add3A_551 = arith.addi %add3A_550, %iota3A : vector<16xi32>
        %eq3A_552 = arith.constant 10 : i32
        %eq3A_553 = vector.broadcast %eq3A_552 : i32 to vector<16xi32>
        %eq3A_554 = arith.cmpi eq, %get3A_543, %eq3A_553 : vector<16xi32>
        %select_n3A_555 = arith.select %eq3A_554, %broadcast_in_dim3A_5, %broadcast_in_dim3A_7 : vector<16xi1>, vector<16xf32>
        %eq3A_556 = arith.constant 8 : i32
        %eq3A_557 = vector.broadcast %eq3A_556 : i32 to vector<16xi32>
        %eq3A_558 = arith.cmpi eq, %get3A_543, %eq3A_557 : vector<16xi32>
        %or3A_559 = arith.ori %eq3A_554, %eq3A_558 : vector<16xi1>
        tpu.vector_store_idx %arg5[%broadcast_in_dim3A_9, %get3A_547, %add3A_551], %select_n3A_555 masked %or3A_559 : memref<1x40x1024xf32, #tpu.memory_space<vmem>>[vector<16xi32>, vector<16xi32>, vector<16xi32>], vector<16xf32>, vector<16xi1>
        %scan3A_560 = arith.constant 0 : i32
        %scan3A_561 = arith.constant 3 : i32
        %scan3A_562 = arith.addi %scan3A_496, %scan3A_561 : i32
        %mul3A_563 = arith.constant 16 : i32
        %mul3A_564 = arith.muli %scan3A_562, %mul3A_563 : i32
        %get3A_565 = arith.index_cast %mul3A_564 : i32 to index
        %get3A_566 = tpu.vector_load %arg8[%get3A_565] {strides = array<i32>} : memref<1024xi32, #tpu.memory_space<vmem>>, vector<16xi32>,
        %mul3A_567 = arith.constant 16 : i32
        %mul3A_568 = arith.muli %scan3A_562, %mul3A_567 : i32
        %get3A_569 = arith.index_cast %mul3A_568 : i32 to index
        %get3A_570 = tpu.vector_load %arg9[%get3A_569] {strides = array<i32>} : memref<1024xi32, #tpu.memory_space<vmem>>, vector<16xi32>,
        %mul3A_571 = arith.constant 16 : i32
        %mul3A_572 = arith.muli %scan3A_562, %mul3A_571 : i32
        %add3A_573 = vector.broadcast %mul3A_572 : i32 to vector<16xi32>
        %add3A_574 = arith.addi %add3A_573, %iota3A : vector<16xi32>
        %eq3A_575 = arith.constant 10 : i32
        %eq3A_576 = vector.broadcast %eq3A_575 : i32 to vector<16xi32>
        %eq3A_577 = arith.cmpi eq, %get3A_566, %eq3A_576 : vector<16xi32>
        %select_n3A_578 = arith.select %eq3A_577, %broadcast_in_dim3A_5, %broadcast_in_dim3A_7 : vector<16xi1>, vector<16xf32>
        %eq3A_579 = arith.constant 8 : i32
        %eq3A_580 = vector.broadcast %eq3A_579 : i32 to vector<16xi32>
        %eq3A_581 = arith.cmpi eq, %get3A_566, %eq3A_580 : vector<16xi32>
        %or3A_582 = arith.ori %eq3A_577, %eq3A_581 : vector<16xi1>
        tpu.vector_store_idx %arg5[%broadcast_in_dim3A_9, %get3A_570, %add3A_574], %select_n3A_578 masked %or3A_582 : memref<1x40x1024xf32, #tpu.memory_space<vmem>>[vector<16xi32>, vector<16xi32>, vector<16xi32>], vector<16xf32>, vector<16xi1>
        %scan3A_583 = arith.constant 0 : i32
        scf.yield %scan3A_583 : i32
      }
      %scan3A_211 = arith.constant 64 : i32
      %dma_start3A_212 = arith.constant 400 : i32
      %dma_start3A_213 = arith.constant 0 : i32
      %dma_start3A_214 = tpu.memref_slice %arg4[%add3A, %dma_start3A_212, %dma_start3A_213] : memref<26x1000x1024xf32, #tpu.memory_space<hbm>> -> memref<1x40x1024xf32, #tpu.memory_space<hbm>>
      %dma_start3A_215 = arith.constant 400 : i32
      %dma_start3A_216 = arith.constant 0 : i32
      %dma_start3A_217 = tpu.memref_slice %arg4[%add3A, %dma_start3A_215, %dma_start3A_216] : memref<26x1000x1024xf32, #tpu.memory_space<hbm>> -> memref<1x40x1024xf32, #tpu.memory_space<hbm>>
      tpu.enqueue_dma source(%arg5 : memref<1x40x1024xf32, #tpu.memory_space<vmem>>) target(%dma_start3A_217 : memref<1x40x1024xf32, #tpu.memory_space<hbm>>) target_semaphore(%arg10 : memref<!tpu.dma_semaphore, #tpu.memory_space<semaphore_mem>>)
      %dma_wait3A_218 = arith.constant 360 : i32
      %dma_wait3A_219 = arith.constant 0 : i32
      %dma_wait3A_220 = tpu.memref_slice %arg4[%add3A, %dma_wait3A_218, %dma_wait3A_219] : memref<26x1000x1024xf32, #tpu.memory_space<hbm>> -> memref<1x40x1024xf32, #tpu.memory_space<hbm>>
      %dma_wait3A_221 = arith.constant 360 : i32
      %dma_wait3A_222 = arith.constant 0 : i32
      %dma_wait3A_223 = tpu.memref_slice %arg4[%add3A, %dma_wait3A_221, %dma_wait3A_222] : memref<26x1000x1024xf32, #tpu.memory_space<hbm>> -> memref<1x40x1024xf32, #tpu.memory_space<hbm>>
      tpu.wait_dma2 semaphore(%arg11 : memref<!tpu.dma_semaphore, #tpu.memory_space<semaphore_mem>>) src(%arg6 : memref<1x40x1024xf32, #tpu.memory_space<vmem>>) dst(%dma_wait3A_223 : memref<1x40x1024xf32, #tpu.memory_space<hbm>>)
      %scan3A_224 = arith.constant 0 : i32
      %scan3A_225 = arith.constant 0 : i32
      %scan3A_226 = arith.constant 64 : i32
      %scan3A_227 = arith.addi %scan3A_225, %scan3A_226 : i32
      %scan3A_228 = arith.constant 4 : i32
      %scan3A_229 = scf.for %scan3A_496 = %scan3A_225 to %scan3A_227 step %scan3A_228 iter_args(%scan3A_497 = %scan3A_224) -> (i32)  : i32 {
        %mul3A_498 = arith.constant 16 : i32
        %mul3A_499 = arith.muli %scan3A_496, %mul3A_498 : i32
        %get3A = arith.index_cast %mul3A_499 : i32 to index
        %get3A_500 = tpu.vector_load %arg8[%get3A] {strides = array<i32>} : memref<1024xi32, #tpu.memory_space<vmem>>, vector<16xi32>,
        %mul3A_501 = arith.constant 16 : i32
        %mul3A_502 = arith.muli %scan3A_496, %mul3A_501 : i32
        %get3A_503 = arith.index_cast %mul3A_502 : i32 to index
        %get3A_504 = tpu.vector_load %arg9[%get3A_503] {strides = array<i32>} : memref<1024xi32, #tpu.memory_space<vmem>>, vector<16xi32>,
        %mul3A_505 = arith.constant 16 : i32
        %mul3A_506 = arith.muli %scan3A_496, %mul3A_505 : i32
        %add3A_507 = vector.broadcast %mul3A_506 : i32 to vector<16xi32>
        %add3A_508 = arith.addi %add3A_507, %iota3A : vector<16xi32>
        %eq3A = arith.constant 11 : i32
        %eq3A_509 = vector.broadcast %eq3A : i32 to vector<16xi32>
        %eq3A_510 = arith.cmpi eq, %get3A_500, %eq3A_509 : vector<16xi32>
        %select_n3A = arith.select %eq3A_510, %broadcast_in_dim3A_5, %broadcast_in_dim3A_7 : vector<16xi1>, vector<16xf32>
        %eq3A_511 = arith.constant 9 : i32
        %eq3A_512 = vector.broadcast %eq3A_511 : i32 to vector<16xi32>
        %eq3A_513 = arith.cmpi eq, %get3A_500, %eq3A_512 : vector<16xi32>
        %or3A = arith.ori %eq3A_510, %eq3A_513 : vector<16xi1>
        tpu.vector_store_idx %arg6[%broadcast_in_dim3A_9, %get3A_504, %add3A_508], %select_n3A masked %or3A : memref<1x40x1024xf32, #tpu.memory_space<vmem>>[vector<16xi32>, vector<16xi32>, vector<16xi32>], vector<16xf32>, vector<16xi1>
        %scan3A_514 = arith.constant 0 : i32
        %scan3A_515 = arith.constant 1 : i32
        %scan3A_516 = arith.addi %scan3A_496, %scan3A_515 : i32
        %mul3A_517 = arith.constant 16 : i32
        %mul3A_518 = arith.muli %scan3A_516, %mul3A_517 : i32
        %get3A_519 = arith.index_cast %mul3A_518 : i32 to index
        %get3A_520 = tpu.vector_load %arg8[%get3A_519] {strides = array<i32>} : memref<1024xi32, #tpu.memory_space<vmem>>, vector<16xi32>,
        %mul3A_521 = arith.constant 16 : i32
        %mul3A_522 = arith.muli %scan3A_516, %mul3A_521 : i32
        %get3A_523 = arith.index_cast %mul3A_522 : i32 to index
        %get3A_524 = tpu.vector_load %arg9[%get3A_523] {strides = array<i32>} : memref<1024xi32, #tpu.memory_space<vmem>>, vector<16xi32>,
        %mul3A_525 = arith.constant 16 : i32
        %mul3A_526 = arith.muli %scan3A_516, %mul3A_525 : i32
        %add3A_527 = vector.broadcast %mul3A_526 : i32 to vector<16xi32>
        %add3A_528 = arith.addi %add3A_527, %iota3A : vector<16xi32>
        %eq3A_529 = arith.constant 11 : i32
        %eq3A_530 = vector.broadcast %eq3A_529 : i32 to vector<16xi32>
        %eq3A_531 = arith.cmpi eq, %get3A_520, %eq3A_530 : vector<16xi32>
        %select_n3A_532 = arith.select %eq3A_531, %broadcast_in_dim3A_5, %broadcast_in_dim3A_7 : vector<16xi1>, vector<16xf32>
        %eq3A_533 = arith.constant 9 : i32
        %eq3A_534 = vector.broadcast %eq3A_533 : i32 to vector<16xi32>
        %eq3A_535 = arith.cmpi eq, %get3A_520, %eq3A_534 : vector<16xi32>
        %or3A_536 = arith.ori %eq3A_531, %eq3A_535 : vector<16xi1>
        tpu.vector_store_idx %arg6[%broadcast_in_dim3A_9, %get3A_524, %add3A_528], %select_n3A_532 masked %or3A_536 : memref<1x40x1024xf32, #tpu.memory_space<vmem>>[vector<16xi32>, vector<16xi32>, vector<16xi32>], vector<16xf32>, vector<16xi1>
        %scan3A_537 = arith.constant 0 : i32
        %scan3A_538 = arith.constant 2 : i32
        %scan3A_539 = arith.addi %scan3A_496, %scan3A_538 : i32
        %mul3A_540 = arith.constant 16 : i32
        %mul3A_541 = arith.muli %scan3A_539, %mul3A_540 : i32
        %get3A_542 = arith.index_cast %mul3A_541 : i32 to index
        %get3A_543 = tpu.vector_load %arg8[%get3A_542] {strides = array<i32>} : memref<1024xi32, #tpu.memory_space<vmem>>, vector<16xi32>,
        %mul3A_544 = arith.constant 16 : i32
        %mul3A_545 = arith.muli %scan3A_539, %mul3A_544 : i32
        %get3A_546 = arith.index_cast %mul3A_545 : i32 to index
        %get3A_547 = tpu.vector_load %arg9[%get3A_546] {strides = array<i32>} : memref<1024xi32, #tpu.memory_space<vmem>>, vector<16xi32>,
        %mul3A_548 = arith.constant 16 : i32
        %mul3A_549 = arith.muli %scan3A_539, %mul3A_548 : i32
        %add3A_550 = vector.broadcast %mul3A_549 : i32 to vector<16xi32>
        %add3A_551 = arith.addi %add3A_550, %iota3A : vector<16xi32>
        %eq3A_552 = arith.constant 11 : i32
        %eq3A_553 = vector.broadcast %eq3A_552 : i32 to vector<16xi32>
        %eq3A_554 = arith.cmpi eq, %get3A_543, %eq3A_553 : vector<16xi32>
        %select_n3A_555 = arith.select %eq3A_554, %broadcast_in_dim3A_5, %broadcast_in_dim3A_7 : vector<16xi1>, vector<16xf32>
        %eq3A_556 = arith.constant 9 : i32
        %eq3A_557 = vector.broadcast %eq3A_556 : i32 to vector<16xi32>
        %eq3A_558 = arith.cmpi eq, %get3A_543, %eq3A_557 : vector<16xi32>
        %or3A_559 = arith.ori %eq3A_554, %eq3A_558 : vector<16xi1>
        tpu.vector_store_idx %arg6[%broadcast_in_dim3A_9, %get3A_547, %add3A_551], %select_n3A_555 masked %or3A_559 : memref<1x40x1024xf32, #tpu.memory_space<vmem>>[vector<16xi32>, vector<16xi32>, vector<16xi32>], vector<16xf32>, vector<16xi1>
        %scan3A_560 = arith.constant 0 : i32
        %scan3A_561 = arith.constant 3 : i32
        %scan3A_562 = arith.addi %scan3A_496, %scan3A_561 : i32
        %mul3A_563 = arith.constant 16 : i32
        %mul3A_564 = arith.muli %scan3A_562, %mul3A_563 : i32
        %get3A_565 = arith.index_cast %mul3A_564 : i32 to index
        %get3A_566 = tpu.vector_load %arg8[%get3A_565] {strides = array<i32>} : memref<1024xi32, #tpu.memory_space<vmem>>, vector<16xi32>,
        %mul3A_567 = arith.constant 16 : i32
        %mul3A_568 = arith.muli %scan3A_562, %mul3A_567 : i32
        %get3A_569 = arith.index_cast %mul3A_568 : i32 to index
        %get3A_570 = tpu.vector_load %arg9[%get3A_569] {strides = array<i32>} : memref<1024xi32, #tpu.memory_space<vmem>>, vector<16xi32>,
        %mul3A_571 = arith.constant 16 : i32
        %mul3A_572 = arith.muli %scan3A_562, %mul3A_571 : i32
        %add3A_573 = vector.broadcast %mul3A_572 : i32 to vector<16xi32>
        %add3A_574 = arith.addi %add3A_573, %iota3A : vector<16xi32>
        %eq3A_575 = arith.constant 11 : i32
        %eq3A_576 = vector.broadcast %eq3A_575 : i32 to vector<16xi32>
        %eq3A_577 = arith.cmpi eq, %get3A_566, %eq3A_576 : vector<16xi32>
        %select_n3A_578 = arith.select %eq3A_577, %broadcast_in_dim3A_5, %broadcast_in_dim3A_7 : vector<16xi1>, vector<16xf32>
        %eq3A_579 = arith.constant 9 : i32
        %eq3A_580 = vector.broadcast %eq3A_579 : i32 to vector<16xi32>
        %eq3A_581 = arith.cmpi eq, %get3A_566, %eq3A_580 : vector<16xi32>
        %or3A_582 = arith.ori %eq3A_577, %eq3A_581 : vector<16xi1>
        tpu.vector_store_idx %arg6[%broadcast_in_dim3A_9, %get3A_570, %add3A_574], %select_n3A_578 masked %or3A_582 : memref<1x40x1024xf32, #tpu.memory_space<vmem>>[vector<16xi32>, vector<16xi32>, vector<16xi32>], vector<16xf32>, vector<16xi1>
        %scan3A_583 = arith.constant 0 : i32
        scf.yield %scan3A_583 : i32
      }
      %scan3A_230 = arith.constant 64 : i32
      %dma_start3A_231 = arith.constant 440 : i32
      %dma_start3A_232 = arith.constant 0 : i32
      %dma_start3A_233 = tpu.memref_slice %arg4[%add3A, %dma_start3A_231, %dma_start3A_232] : memref<26x1000x1024xf32, #tpu.memory_space<hbm>> -> memref<1x40x1024xf32, #tpu.memory_space<hbm>>
      %dma_start3A_234 = arith.constant 440 : i32
      %dma_start3A_235 = arith.constant 0 : i32
      %dma_start3A_236 = tpu.memref_slice %arg4[%add3A, %dma_start3A_234, %dma_start3A_235] : memref<26x1000x1024xf32, #tpu.memory_space<hbm>> -> memref<1x40x1024xf32, #tpu.memory_space<hbm>>
      tpu.enqueue_dma source(%arg6 : memref<1x40x1024xf32, #tpu.memory_space<vmem>>) target(%dma_start3A_236 : memref<1x40x1024xf32, #tpu.memory_space<hbm>>) target_semaphore(%arg11 : memref<!tpu.dma_semaphore, #tpu.memory_space<semaphore_mem>>)
      %dma_wait3A_237 = arith.constant 400 : i32
      %dma_wait3A_238 = arith.constant 0 : i32
      %dma_wait3A_239 = tpu.memref_slice %arg4[%add3A, %dma_wait3A_237, %dma_wait3A_238] : memref<26x1000x1024xf32, #tpu.memory_space<hbm>> -> memref<1x40x1024xf32, #tpu.memory_space<hbm>>
      %dma_wait3A_240 = arith.constant 400 : i32
      %dma_wait3A_241 = arith.constant 0 : i32
      %dma_wait3A_242 = tpu.memref_slice %arg4[%add3A, %dma_wait3A_240, %dma_wait3A_241] : memref<26x1000x1024xf32, #tpu.memory_space<hbm>> -> memref<1x40x1024xf32, #tpu.memory_space<hbm>>
      tpu.wait_dma2 semaphore(%arg10 : memref<!tpu.dma_semaphore, #tpu.memory_space<semaphore_mem>>) src(%arg5 : memref<1x40x1024xf32, #tpu.memory_space<vmem>>) dst(%dma_wait3A_242 : memref<1x40x1024xf32, #tpu.memory_space<hbm>>)
      %scan3A_243 = arith.constant 0 : i32
      %scan3A_244 = arith.constant 0 : i32
      %scan3A_245 = arith.constant 64 : i32
      %scan3A_246 = arith.addi %scan3A_244, %scan3A_245 : i32
      %scan3A_247 = arith.constant 4 : i32
      %scan3A_248 = scf.for %scan3A_496 = %scan3A_244 to %scan3A_246 step %scan3A_247 iter_args(%scan3A_497 = %scan3A_243) -> (i32)  : i32 {
        %mul3A_498 = arith.constant 16 : i32
        %mul3A_499 = arith.muli %scan3A_496, %mul3A_498 : i32
        %get3A = arith.index_cast %mul3A_499 : i32 to index
        %get3A_500 = tpu.vector_load %arg8[%get3A] {strides = array<i32>} : memref<1024xi32, #tpu.memory_space<vmem>>, vector<16xi32>,
        %mul3A_501 = arith.constant 16 : i32
        %mul3A_502 = arith.muli %scan3A_496, %mul3A_501 : i32
        %get3A_503 = arith.index_cast %mul3A_502 : i32 to index
        %get3A_504 = tpu.vector_load %arg9[%get3A_503] {strides = array<i32>} : memref<1024xi32, #tpu.memory_space<vmem>>, vector<16xi32>,
        %mul3A_505 = arith.constant 16 : i32
        %mul3A_506 = arith.muli %scan3A_496, %mul3A_505 : i32
        %add3A_507 = vector.broadcast %mul3A_506 : i32 to vector<16xi32>
        %add3A_508 = arith.addi %add3A_507, %iota3A : vector<16xi32>
        %eq3A = arith.constant 12 : i32
        %eq3A_509 = vector.broadcast %eq3A : i32 to vector<16xi32>
        %eq3A_510 = arith.cmpi eq, %get3A_500, %eq3A_509 : vector<16xi32>
        %select_n3A = arith.select %eq3A_510, %broadcast_in_dim3A_5, %broadcast_in_dim3A_7 : vector<16xi1>, vector<16xf32>
        %eq3A_511 = arith.constant 10 : i32
        %eq3A_512 = vector.broadcast %eq3A_511 : i32 to vector<16xi32>
        %eq3A_513 = arith.cmpi eq, %get3A_500, %eq3A_512 : vector<16xi32>
        %or3A = arith.ori %eq3A_510, %eq3A_513 : vector<16xi1>
        tpu.vector_store_idx %arg5[%broadcast_in_dim3A_9, %get3A_504, %add3A_508], %select_n3A masked %or3A : memref<1x40x1024xf32, #tpu.memory_space<vmem>>[vector<16xi32>, vector<16xi32>, vector<16xi32>], vector<16xf32>, vector<16xi1>
        %scan3A_514 = arith.constant 0 : i32
        %scan3A_515 = arith.constant 1 : i32
        %scan3A_516 = arith.addi %scan3A_496, %scan3A_515 : i32
        %mul3A_517 = arith.constant 16 : i32
        %mul3A_518 = arith.muli %scan3A_516, %mul3A_517 : i32
        %get3A_519 = arith.index_cast %mul3A_518 : i32 to index
        %get3A_520 = tpu.vector_load %arg8[%get3A_519] {strides = array<i32>} : memref<1024xi32, #tpu.memory_space<vmem>>, vector<16xi32>,
        %mul3A_521 = arith.constant 16 : i32
        %mul3A_522 = arith.muli %scan3A_516, %mul3A_521 : i32
        %get3A_523 = arith.index_cast %mul3A_522 : i32 to index
        %get3A_524 = tpu.vector_load %arg9[%get3A_523] {strides = array<i32>} : memref<1024xi32, #tpu.memory_space<vmem>>, vector<16xi32>,
        %mul3A_525 = arith.constant 16 : i32
        %mul3A_526 = arith.muli %scan3A_516, %mul3A_525 : i32
        %add3A_527 = vector.broadcast %mul3A_526 : i32 to vector<16xi32>
        %add3A_528 = arith.addi %add3A_527, %iota3A : vector<16xi32>
        %eq3A_529 = arith.constant 12 : i32
        %eq3A_530 = vector.broadcast %eq3A_529 : i32 to vector<16xi32>
        %eq3A_531 = arith.cmpi eq, %get3A_520, %eq3A_530 : vector<16xi32>
        %select_n3A_532 = arith.select %eq3A_531, %broadcast_in_dim3A_5, %broadcast_in_dim3A_7 : vector<16xi1>, vector<16xf32>
        %eq3A_533 = arith.constant 10 : i32
        %eq3A_534 = vector.broadcast %eq3A_533 : i32 to vector<16xi32>
        %eq3A_535 = arith.cmpi eq, %get3A_520, %eq3A_534 : vector<16xi32>
        %or3A_536 = arith.ori %eq3A_531, %eq3A_535 : vector<16xi1>
        tpu.vector_store_idx %arg5[%broadcast_in_dim3A_9, %get3A_524, %add3A_528], %select_n3A_532 masked %or3A_536 : memref<1x40x1024xf32, #tpu.memory_space<vmem>>[vector<16xi32>, vector<16xi32>, vector<16xi32>], vector<16xf32>, vector<16xi1>
        %scan3A_537 = arith.constant 0 : i32
        %scan3A_538 = arith.constant 2 : i32
        %scan3A_539 = arith.addi %scan3A_496, %scan3A_538 : i32
        %mul3A_540 = arith.constant 16 : i32
        %mul3A_541 = arith.muli %scan3A_539, %mul3A_540 : i32
        %get3A_542 = arith.index_cast %mul3A_541 : i32 to index
        %get3A_543 = tpu.vector_load %arg8[%get3A_542] {strides = array<i32>} : memref<1024xi32, #tpu.memory_space<vmem>>, vector<16xi32>,
        %mul3A_544 = arith.constant 16 : i32
        %mul3A_545 = arith.muli %scan3A_539, %mul3A_544 : i32
        %get3A_546 = arith.index_cast %mul3A_545 : i32 to index
        %get3A_547 = tpu.vector_load %arg9[%get3A_546] {strides = array<i32>} : memref<1024xi32, #tpu.memory_space<vmem>>, vector<16xi32>,
        %mul3A_548 = arith.constant 16 : i32
        %mul3A_549 = arith.muli %scan3A_539, %mul3A_548 : i32
        %add3A_550 = vector.broadcast %mul3A_549 : i32 to vector<16xi32>
        %add3A_551 = arith.addi %add3A_550, %iota3A : vector<16xi32>
        %eq3A_552 = arith.constant 12 : i32
        %eq3A_553 = vector.broadcast %eq3A_552 : i32 to vector<16xi32>
        %eq3A_554 = arith.cmpi eq, %get3A_543, %eq3A_553 : vector<16xi32>
        %select_n3A_555 = arith.select %eq3A_554, %broadcast_in_dim3A_5, %broadcast_in_dim3A_7 : vector<16xi1>, vector<16xf32>
        %eq3A_556 = arith.constant 10 : i32
        %eq3A_557 = vector.broadcast %eq3A_556 : i32 to vector<16xi32>
        %eq3A_558 = arith.cmpi eq, %get3A_543, %eq3A_557 : vector<16xi32>
        %or3A_559 = arith.ori %eq3A_554, %eq3A_558 : vector<16xi1>
        tpu.vector_store_idx %arg5[%broadcast_in_dim3A_9, %get3A_547, %add3A_551], %select_n3A_555 masked %or3A_559 : memref<1x40x1024xf32, #tpu.memory_space<vmem>>[vector<16xi32>, vector<16xi32>, vector<16xi32>], vector<16xf32>, vector<16xi1>
        %scan3A_560 = arith.constant 0 : i32
        %scan3A_561 = arith.constant 3 : i32
        %scan3A_562 = arith.addi %scan3A_496, %scan3A_561 : i32
        %mul3A_563 = arith.constant 16 : i32
        %mul3A_564 = arith.muli %scan3A_562, %mul3A_563 : i32
        %get3A_565 = arith.index_cast %mul3A_564 : i32 to index
        %get3A_566 = tpu.vector_load %arg8[%get3A_565] {strides = array<i32>} : memref<1024xi32, #tpu.memory_space<vmem>>, vector<16xi32>,
        %mul3A_567 = arith.constant 16 : i32
        %mul3A_568 = arith.muli %scan3A_562, %mul3A_567 : i32
        %get3A_569 = arith.index_cast %mul3A_568 : i32 to index
        %get3A_570 = tpu.vector_load %arg9[%get3A_569] {strides = array<i32>} : memref<1024xi32, #tpu.memory_space<vmem>>, vector<16xi32>,
        %mul3A_571 = arith.constant 16 : i32
        %mul3A_572 = arith.muli %scan3A_562, %mul3A_571 : i32
        %add3A_573 = vector.broadcast %mul3A_572 : i32 to vector<16xi32>
        %add3A_574 = arith.addi %add3A_573, %iota3A : vector<16xi32>
        %eq3A_575 = arith.constant 12 : i32
        %eq3A_576 = vector.broadcast %eq3A_575 : i32 to vector<16xi32>
        %eq3A_577 = arith.cmpi eq, %get3A_566, %eq3A_576 : vector<16xi32>
        %select_n3A_578 = arith.select %eq3A_577, %broadcast_in_dim3A_5, %broadcast_in_dim3A_7 : vector<16xi1>, vector<16xf32>
        %eq3A_579 = arith.constant 10 : i32
        %eq3A_580 = vector.broadcast %eq3A_579 : i32 to vector<16xi32>
        %eq3A_581 = arith.cmpi eq, %get3A_566, %eq3A_580 : vector<16xi32>
        %or3A_582 = arith.ori %eq3A_577, %eq3A_581 : vector<16xi1>
        tpu.vector_store_idx %arg5[%broadcast_in_dim3A_9, %get3A_570, %add3A_574], %select_n3A_578 masked %or3A_582 : memref<1x40x1024xf32, #tpu.memory_space<vmem>>[vector<16xi32>, vector<16xi32>, vector<16xi32>], vector<16xf32>, vector<16xi1>
        %scan3A_583 = arith.constant 0 : i32
        scf.yield %scan3A_583 : i32
      }
      %scan3A_249 = arith.constant 64 : i32
      %dma_start3A_250 = arith.constant 480 : i32
      %dma_start3A_251 = arith.constant 0 : i32
      %dma_start3A_252 = tpu.memref_slice %arg4[%add3A, %dma_start3A_250, %dma_start3A_251] : memref<26x1000x1024xf32, #tpu.memory_space<hbm>> -> memref<1x40x1024xf32, #tpu.memory_space<hbm>>
      %dma_start3A_253 = arith.constant 480 : i32
      %dma_start3A_254 = arith.constant 0 : i32
      %dma_start3A_255 = tpu.memref_slice %arg4[%add3A, %dma_start3A_253, %dma_start3A_254] : memref<26x1000x1024xf32, #tpu.memory_space<hbm>> -> memref<1x40x1024xf32, #tpu.memory_space<hbm>>
      tpu.enqueue_dma source(%arg5 : memref<1x40x1024xf32, #tpu.memory_space<vmem>>) target(%dma_start3A_255 : memref<1x40x1024xf32, #tpu.memory_space<hbm>>) target_semaphore(%arg10 : memref<!tpu.dma_semaphore, #tpu.memory_space<semaphore_mem>>)
      %dma_wait3A_256 = arith.constant 440 : i32
      %dma_wait3A_257 = arith.constant 0 : i32
      %dma_wait3A_258 = tpu.memref_slice %arg4[%add3A, %dma_wait3A_256, %dma_wait3A_257] : memref<26x1000x1024xf32, #tpu.memory_space<hbm>> -> memref<1x40x1024xf32, #tpu.memory_space<hbm>>
      %dma_wait3A_259 = arith.constant 440 : i32
      %dma_wait3A_260 = arith.constant 0 : i32
      %dma_wait3A_261 = tpu.memref_slice %arg4[%add3A, %dma_wait3A_259, %dma_wait3A_260] : memref<26x1000x1024xf32, #tpu.memory_space<hbm>> -> memref<1x40x1024xf32, #tpu.memory_space<hbm>>
      tpu.wait_dma2 semaphore(%arg11 : memref<!tpu.dma_semaphore, #tpu.memory_space<semaphore_mem>>) src(%arg6 : memref<1x40x1024xf32, #tpu.memory_space<vmem>>) dst(%dma_wait3A_261 : memref<1x40x1024xf32, #tpu.memory_space<hbm>>)
      %scan3A_262 = arith.constant 0 : i32
      %scan3A_263 = arith.constant 0 : i32
      %scan3A_264 = arith.constant 64 : i32
      %scan3A_265 = arith.addi %scan3A_263, %scan3A_264 : i32
      %scan3A_266 = arith.constant 4 : i32
      %scan3A_267 = scf.for %scan3A_496 = %scan3A_263 to %scan3A_265 step %scan3A_266 iter_args(%scan3A_497 = %scan3A_262) -> (i32)  : i32 {
        %mul3A_498 = arith.constant 16 : i32
        %mul3A_499 = arith.muli %scan3A_496, %mul3A_498 : i32
        %get3A = arith.index_cast %mul3A_499 : i32 to index
        %get3A_500 = tpu.vector_load %arg8[%get3A] {strides = array<i32>} : memref<1024xi32, #tpu.memory_space<vmem>>, vector<16xi32>,
        %mul3A_501 = arith.constant 16 : i32
        %mul3A_502 = arith.muli %scan3A_496, %mul3A_501 : i32
        %get3A_503 = arith.index_cast %mul3A_502 : i32 to index
        %get3A_504 = tpu.vector_load %arg9[%get3A_503] {strides = array<i32>} : memref<1024xi32, #tpu.memory_space<vmem>>, vector<16xi32>,
        %mul3A_505 = arith.constant 16 : i32
        %mul3A_506 = arith.muli %scan3A_496, %mul3A_505 : i32
        %add3A_507 = vector.broadcast %mul3A_506 : i32 to vector<16xi32>
        %add3A_508 = arith.addi %add3A_507, %iota3A : vector<16xi32>
        %eq3A = arith.constant 13 : i32
        %eq3A_509 = vector.broadcast %eq3A : i32 to vector<16xi32>
        %eq3A_510 = arith.cmpi eq, %get3A_500, %eq3A_509 : vector<16xi32>
        %select_n3A = arith.select %eq3A_510, %broadcast_in_dim3A_5, %broadcast_in_dim3A_7 : vector<16xi1>, vector<16xf32>
        %eq3A_511 = arith.constant 11 : i32
        %eq3A_512 = vector.broadcast %eq3A_511 : i32 to vector<16xi32>
        %eq3A_513 = arith.cmpi eq, %get3A_500, %eq3A_512 : vector<16xi32>
        %or3A = arith.ori %eq3A_510, %eq3A_513 : vector<16xi1>
        tpu.vector_store_idx %arg6[%broadcast_in_dim3A_9, %get3A_504, %add3A_508], %select_n3A masked %or3A : memref<1x40x1024xf32, #tpu.memory_space<vmem>>[vector<16xi32>, vector<16xi32>, vector<16xi32>], vector<16xf32>, vector<16xi1>
        %scan3A_514 = arith.constant 0 : i32
        %scan3A_515 = arith.constant 1 : i32
        %scan3A_516 = arith.addi %scan3A_496, %scan3A_515 : i32
        %mul3A_517 = arith.constant 16 : i32
        %mul3A_518 = arith.muli %scan3A_516, %mul3A_517 : i32
        %get3A_519 = arith.index_cast %mul3A_518 : i32 to index
        %get3A_520 = tpu.vector_load %arg8[%get3A_519] {strides = array<i32>} : memref<1024xi32, #tpu.memory_space<vmem>>, vector<16xi32>,
        %mul3A_521 = arith.constant 16 : i32
        %mul3A_522 = arith.muli %scan3A_516, %mul3A_521 : i32
        %get3A_523 = arith.index_cast %mul3A_522 : i32 to index
        %get3A_524 = tpu.vector_load %arg9[%get3A_523] {strides = array<i32>} : memref<1024xi32, #tpu.memory_space<vmem>>, vector<16xi32>,
        %mul3A_525 = arith.constant 16 : i32
        %mul3A_526 = arith.muli %scan3A_516, %mul3A_525 : i32
        %add3A_527 = vector.broadcast %mul3A_526 : i32 to vector<16xi32>
        %add3A_528 = arith.addi %add3A_527, %iota3A : vector<16xi32>
        %eq3A_529 = arith.constant 13 : i32
        %eq3A_530 = vector.broadcast %eq3A_529 : i32 to vector<16xi32>
        %eq3A_531 = arith.cmpi eq, %get3A_520, %eq3A_530 : vector<16xi32>
        %select_n3A_532 = arith.select %eq3A_531, %broadcast_in_dim3A_5, %broadcast_in_dim3A_7 : vector<16xi1>, vector<16xf32>
        %eq3A_533 = arith.constant 11 : i32
        %eq3A_534 = vector.broadcast %eq3A_533 : i32 to vector<16xi32>
        %eq3A_535 = arith.cmpi eq, %get3A_520, %eq3A_534 : vector<16xi32>
        %or3A_536 = arith.ori %eq3A_531, %eq3A_535 : vector<16xi1>
        tpu.vector_store_idx %arg6[%broadcast_in_dim3A_9, %get3A_524, %add3A_528], %select_n3A_532 masked %or3A_536 : memref<1x40x1024xf32, #tpu.memory_space<vmem>>[vector<16xi32>, vector<16xi32>, vector<16xi32>], vector<16xf32>, vector<16xi1>
        %scan3A_537 = arith.constant 0 : i32
        %scan3A_538 = arith.constant 2 : i32
        %scan3A_539 = arith.addi %scan3A_496, %scan3A_538 : i32
        %mul3A_540 = arith.constant 16 : i32
        %mul3A_541 = arith.muli %scan3A_539, %mul3A_540 : i32
        %get3A_542 = arith.index_cast %mul3A_541 : i32 to index
        %get3A_543 = tpu.vector_load %arg8[%get3A_542] {strides = array<i32>} : memref<1024xi32, #tpu.memory_space<vmem>>, vector<16xi32>,
        %mul3A_544 = arith.constant 16 : i32
        %mul3A_545 = arith.muli %scan3A_539, %mul3A_544 : i32
        %get3A_546 = arith.index_cast %mul3A_545 : i32 to index
        %get3A_547 = tpu.vector_load %arg9[%get3A_546] {strides = array<i32>} : memref<1024xi32, #tpu.memory_space<vmem>>, vector<16xi32>,
        %mul3A_548 = arith.constant 16 : i32
        %mul3A_549 = arith.muli %scan3A_539, %mul3A_548 : i32
        %add3A_550 = vector.broadcast %mul3A_549 : i32 to vector<16xi32>
        %add3A_551 = arith.addi %add3A_550, %iota3A : vector<16xi32>
        %eq3A_552 = arith.constant 13 : i32
        %eq3A_553 = vector.broadcast %eq3A_552 : i32 to vector<16xi32>
        %eq3A_554 = arith.cmpi eq, %get3A_543, %eq3A_553 : vector<16xi32>
        %select_n3A_555 = arith.select %eq3A_554, %broadcast_in_dim3A_5, %broadcast_in_dim3A_7 : vector<16xi1>, vector<16xf32>
        %eq3A_556 = arith.constant 11 : i32
        %eq3A_557 = vector.broadcast %eq3A_556 : i32 to vector<16xi32>
        %eq3A_558 = arith.cmpi eq, %get3A_543, %eq3A_557 : vector<16xi32>
        %or3A_559 = arith.ori %eq3A_554, %eq3A_558 : vector<16xi1>
        tpu.vector_store_idx %arg6[%broadcast_in_dim3A_9, %get3A_547, %add3A_551], %select_n3A_555 masked %or3A_559 : memref<1x40x1024xf32, #tpu.memory_space<vmem>>[vector<16xi32>, vector<16xi32>, vector<16xi32>], vector<16xf32>, vector<16xi1>
        %scan3A_560 = arith.constant 0 : i32
        %scan3A_561 = arith.constant 3 : i32
        %scan3A_562 = arith.addi %scan3A_496, %scan3A_561 : i32
        %mul3A_563 = arith.constant 16 : i32
        %mul3A_564 = arith.muli %scan3A_562, %mul3A_563 : i32
        %get3A_565 = arith.index_cast %mul3A_564 : i32 to index
        %get3A_566 = tpu.vector_load %arg8[%get3A_565] {strides = array<i32>} : memref<1024xi32, #tpu.memory_space<vmem>>, vector<16xi32>,
        %mul3A_567 = arith.constant 16 : i32
        %mul3A_568 = arith.muli %scan3A_562, %mul3A_567 : i32
        %get3A_569 = arith.index_cast %mul3A_568 : i32 to index
        %get3A_570 = tpu.vector_load %arg9[%get3A_569] {strides = array<i32>} : memref<1024xi32, #tpu.memory_space<vmem>>, vector<16xi32>,
        %mul3A_571 = arith.constant 16 : i32
        %mul3A_572 = arith.muli %scan3A_562, %mul3A_571 : i32
        %add3A_573 = vector.broadcast %mul3A_572 : i32 to vector<16xi32>
        %add3A_574 = arith.addi %add3A_573, %iota3A : vector<16xi32>
        %eq3A_575 = arith.constant 13 : i32
        %eq3A_576 = vector.broadcast %eq3A_575 : i32 to vector<16xi32>
        %eq3A_577 = arith.cmpi eq, %get3A_566, %eq3A_576 : vector<16xi32>
        %select_n3A_578 = arith.select %eq3A_577, %broadcast_in_dim3A_5, %broadcast_in_dim3A_7 : vector<16xi1>, vector<16xf32>
        %eq3A_579 = arith.constant 11 : i32
        %eq3A_580 = vector.broadcast %eq3A_579 : i32 to vector<16xi32>
        %eq3A_581 = arith.cmpi eq, %get3A_566, %eq3A_580 : vector<16xi32>
        %or3A_582 = arith.ori %eq3A_577, %eq3A_581 : vector<16xi1>
        tpu.vector_store_idx %arg6[%broadcast_in_dim3A_9, %get3A_570, %add3A_574], %select_n3A_578 masked %or3A_582 : memref<1x40x1024xf32, #tpu.memory_space<vmem>>[vector<16xi32>, vector<16xi32>, vector<16xi32>], vector<16xf32>, vector<16xi1>
        %scan3A_583 = arith.constant 0 : i32
        scf.yield %scan3A_583 : i32
      }
      %scan3A_268 = arith.constant 64 : i32
      %dma_start3A_269 = arith.constant 520 : i32
      %dma_start3A_270 = arith.constant 0 : i32
      %dma_start3A_271 = tpu.memref_slice %arg4[%add3A, %dma_start3A_269, %dma_start3A_270] : memref<26x1000x1024xf32, #tpu.memory_space<hbm>> -> memref<1x40x1024xf32, #tpu.memory_space<hbm>>
      %dma_start3A_272 = arith.constant 520 : i32
      %dma_start3A_273 = arith.constant 0 : i32
      %dma_start3A_274 = tpu.memref_slice %arg4[%add3A, %dma_start3A_272, %dma_start3A_273] : memref<26x1000x1024xf32, #tpu.memory_space<hbm>> -> memref<1x40x1024xf32, #tpu.memory_space<hbm>>
      tpu.enqueue_dma source(%arg6 : memref<1x40x1024xf32, #tpu.memory_space<vmem>>) target(%dma_start3A_274 : memref<1x40x1024xf32, #tpu.memory_space<hbm>>) target_semaphore(%arg11 : memref<!tpu.dma_semaphore, #tpu.memory_space<semaphore_mem>>)
      %dma_wait3A_275 = arith.constant 480 : i32
      %dma_wait3A_276 = arith.constant 0 : i32
      %dma_wait3A_277 = tpu.memref_slice %arg4[%add3A, %dma_wait3A_275, %dma_wait3A_276] : memref<26x1000x1024xf32, #tpu.memory_space<hbm>> -> memref<1x40x1024xf32, #tpu.memory_space<hbm>>
      %dma_wait3A_278 = arith.constant 480 : i32
      %dma_wait3A_279 = arith.constant 0 : i32
      %dma_wait3A_280 = tpu.memref_slice %arg4[%add3A, %dma_wait3A_278, %dma_wait3A_279] : memref<26x1000x1024xf32, #tpu.memory_space<hbm>> -> memref<1x40x1024xf32, #tpu.memory_space<hbm>>
      tpu.wait_dma2 semaphore(%arg10 : memref<!tpu.dma_semaphore, #tpu.memory_space<semaphore_mem>>) src(%arg5 : memref<1x40x1024xf32, #tpu.memory_space<vmem>>) dst(%dma_wait3A_280 : memref<1x40x1024xf32, #tpu.memory_space<hbm>>)
      %scan3A_281 = arith.constant 0 : i32
      %scan3A_282 = arith.constant 0 : i32
      %scan3A_283 = arith.constant 64 : i32
      %scan3A_284 = arith.addi %scan3A_282, %scan3A_283 : i32
      %scan3A_285 = arith.constant 4 : i32
      %scan3A_286 = scf.for %scan3A_496 = %scan3A_282 to %scan3A_284 step %scan3A_285 iter_args(%scan3A_497 = %scan3A_281) -> (i32)  : i32 {
        %mul3A_498 = arith.constant 16 : i32
        %mul3A_499 = arith.muli %scan3A_496, %mul3A_498 : i32
        %get3A = arith.index_cast %mul3A_499 : i32 to index
        %get3A_500 = tpu.vector_load %arg8[%get3A] {strides = array<i32>} : memref<1024xi32, #tpu.memory_space<vmem>>, vector<16xi32>,
        %mul3A_501 = arith.constant 16 : i32
        %mul3A_502 = arith.muli %scan3A_496, %mul3A_501 : i32
        %get3A_503 = arith.index_cast %mul3A_502 : i32 to index
        %get3A_504 = tpu.vector_load %arg9[%get3A_503] {strides = array<i32>} : memref<1024xi32, #tpu.memory_space<vmem>>, vector<16xi32>,
        %mul3A_505 = arith.constant 16 : i32
        %mul3A_506 = arith.muli %scan3A_496, %mul3A_505 : i32
        %add3A_507 = vector.broadcast %mul3A_506 : i32 to vector<16xi32>
        %add3A_508 = arith.addi %add3A_507, %iota3A : vector<16xi32>
        %eq3A = arith.constant 14 : i32
        %eq3A_509 = vector.broadcast %eq3A : i32 to vector<16xi32>
        %eq3A_510 = arith.cmpi eq, %get3A_500, %eq3A_509 : vector<16xi32>
        %select_n3A = arith.select %eq3A_510, %broadcast_in_dim3A_5, %broadcast_in_dim3A_7 : vector<16xi1>, vector<16xf32>
        %eq3A_511 = arith.constant 12 : i32
        %eq3A_512 = vector.broadcast %eq3A_511 : i32 to vector<16xi32>
        %eq3A_513 = arith.cmpi eq, %get3A_500, %eq3A_512 : vector<16xi32>
        %or3A = arith.ori %eq3A_510, %eq3A_513 : vector<16xi1>
        tpu.vector_store_idx %arg5[%broadcast_in_dim3A_9, %get3A_504, %add3A_508], %select_n3A masked %or3A : memref<1x40x1024xf32, #tpu.memory_space<vmem>>[vector<16xi32>, vector<16xi32>, vector<16xi32>], vector<16xf32>, vector<16xi1>
        %scan3A_514 = arith.constant 0 : i32
        %scan3A_515 = arith.constant 1 : i32
        %scan3A_516 = arith.addi %scan3A_496, %scan3A_515 : i32
        %mul3A_517 = arith.constant 16 : i32
        %mul3A_518 = arith.muli %scan3A_516, %mul3A_517 : i32
        %get3A_519 = arith.index_cast %mul3A_518 : i32 to index
        %get3A_520 = tpu.vector_load %arg8[%get3A_519] {strides = array<i32>} : memref<1024xi32, #tpu.memory_space<vmem>>, vector<16xi32>,
        %mul3A_521 = arith.constant 16 : i32
        %mul3A_522 = arith.muli %scan3A_516, %mul3A_521 : i32
        %get3A_523 = arith.index_cast %mul3A_522 : i32 to index
        %get3A_524 = tpu.vector_load %arg9[%get3A_523] {strides = array<i32>} : memref<1024xi32, #tpu.memory_space<vmem>>, vector<16xi32>,
        %mul3A_525 = arith.constant 16 : i32
        %mul3A_526 = arith.muli %scan3A_516, %mul3A_525 : i32
        %add3A_527 = vector.broadcast %mul3A_526 : i32 to vector<16xi32>
        %add3A_528 = arith.addi %add3A_527, %iota3A : vector<16xi32>
        %eq3A_529 = arith.constant 14 : i32
        %eq3A_530 = vector.broadcast %eq3A_529 : i32 to vector<16xi32>
        %eq3A_531 = arith.cmpi eq, %get3A_520, %eq3A_530 : vector<16xi32>
        %select_n3A_532 = arith.select %eq3A_531, %broadcast_in_dim3A_5, %broadcast_in_dim3A_7 : vector<16xi1>, vector<16xf32>
        %eq3A_533 = arith.constant 12 : i32
        %eq3A_534 = vector.broadcast %eq3A_533 : i32 to vector<16xi32>
        %eq3A_535 = arith.cmpi eq, %get3A_520, %eq3A_534 : vector<16xi32>
        %or3A_536 = arith.ori %eq3A_531, %eq3A_535 : vector<16xi1>
        tpu.vector_store_idx %arg5[%broadcast_in_dim3A_9, %get3A_524, %add3A_528], %select_n3A_532 masked %or3A_536 : memref<1x40x1024xf32, #tpu.memory_space<vmem>>[vector<16xi32>, vector<16xi32>, vector<16xi32>], vector<16xf32>, vector<16xi1>
        %scan3A_537 = arith.constant 0 : i32
        %scan3A_538 = arith.constant 2 : i32
        %scan3A_539 = arith.addi %scan3A_496, %scan3A_538 : i32
        %mul3A_540 = arith.constant 16 : i32
        %mul3A_541 = arith.muli %scan3A_539, %mul3A_540 : i32
        %get3A_542 = arith.index_cast %mul3A_541 : i32 to index
        %get3A_543 = tpu.vector_load %arg8[%get3A_542] {strides = array<i32>} : memref<1024xi32, #tpu.memory_space<vmem>>, vector<16xi32>,
        %mul3A_544 = arith.constant 16 : i32
        %mul3A_545 = arith.muli %scan3A_539, %mul3A_544 : i32
        %get3A_546 = arith.index_cast %mul3A_545 : i32 to index
        %get3A_547 = tpu.vector_load %arg9[%get3A_546] {strides = array<i32>} : memref<1024xi32, #tpu.memory_space<vmem>>, vector<16xi32>,
        %mul3A_548 = arith.constant 16 : i32
        %mul3A_549 = arith.muli %scan3A_539, %mul3A_548 : i32
        %add3A_550 = vector.broadcast %mul3A_549 : i32 to vector<16xi32>
        %add3A_551 = arith.addi %add3A_550, %iota3A : vector<16xi32>
        %eq3A_552 = arith.constant 14 : i32
        %eq3A_553 = vector.broadcast %eq3A_552 : i32 to vector<16xi32>
        %eq3A_554 = arith.cmpi eq, %get3A_543, %eq3A_553 : vector<16xi32>
        %select_n3A_555 = arith.select %eq3A_554, %broadcast_in_dim3A_5, %broadcast_in_dim3A_7 : vector<16xi1>, vector<16xf32>
        %eq3A_556 = arith.constant 12 : i32
        %eq3A_557 = vector.broadcast %eq3A_556 : i32 to vector<16xi32>
        %eq3A_558 = arith.cmpi eq, %get3A_543, %eq3A_557 : vector<16xi32>
        %or3A_559 = arith.ori %eq3A_554, %eq3A_558 : vector<16xi1>
        tpu.vector_store_idx %arg5[%broadcast_in_dim3A_9, %get3A_547, %add3A_551], %select_n3A_555 masked %or3A_559 : memref<1x40x1024xf32, #tpu.memory_space<vmem>>[vector<16xi32>, vector<16xi32>, vector<16xi32>], vector<16xf32>, vector<16xi1>
        %scan3A_560 = arith.constant 0 : i32
        %scan3A_561 = arith.constant 3 : i32
        %scan3A_562 = arith.addi %scan3A_496, %scan3A_561 : i32
        %mul3A_563 = arith.constant 16 : i32
        %mul3A_564 = arith.muli %scan3A_562, %mul3A_563 : i32
        %get3A_565 = arith.index_cast %mul3A_564 : i32 to index
        %get3A_566 = tpu.vector_load %arg8[%get3A_565] {strides = array<i32>} : memref<1024xi32, #tpu.memory_space<vmem>>, vector<16xi32>,
        %mul3A_567 = arith.constant 16 : i32
        %mul3A_568 = arith.muli %scan3A_562, %mul3A_567 : i32
        %get3A_569 = arith.index_cast %mul3A_568 : i32 to index
        %get3A_570 = tpu.vector_load %arg9[%get3A_569] {strides = array<i32>} : memref<1024xi32, #tpu.memory_space<vmem>>, vector<16xi32>,
        %mul3A_571 = arith.constant 16 : i32
        %mul3A_572 = arith.muli %scan3A_562, %mul3A_571 : i32
        %add3A_573 = vector.broadcast %mul3A_572 : i32 to vector<16xi32>
        %add3A_574 = arith.addi %add3A_573, %iota3A : vector<16xi32>
        %eq3A_575 = arith.constant 14 : i32
        %eq3A_576 = vector.broadcast %eq3A_575 : i32 to vector<16xi32>
        %eq3A_577 = arith.cmpi eq, %get3A_566, %eq3A_576 : vector<16xi32>
        %select_n3A_578 = arith.select %eq3A_577, %broadcast_in_dim3A_5, %broadcast_in_dim3A_7 : vector<16xi1>, vector<16xf32>
        %eq3A_579 = arith.constant 12 : i32
        %eq3A_580 = vector.broadcast %eq3A_579 : i32 to vector<16xi32>
        %eq3A_581 = arith.cmpi eq, %get3A_566, %eq3A_580 : vector<16xi32>
        %or3A_582 = arith.ori %eq3A_577, %eq3A_581 : vector<16xi1>
        tpu.vector_store_idx %arg5[%broadcast_in_dim3A_9, %get3A_570, %add3A_574], %select_n3A_578 masked %or3A_582 : memref<1x40x1024xf32, #tpu.memory_space<vmem>>[vector<16xi32>, vector<16xi32>, vector<16xi32>], vector<16xf32>, vector<16xi1>
        %scan3A_583 = arith.constant 0 : i32
        scf.yield %scan3A_583 : i32
      }
      %scan3A_287 = arith.constant 64 : i32
      %dma_start3A_288 = arith.constant 560 : i32
      %dma_start3A_289 = arith.constant 0 : i32
      %dma_start3A_290 = tpu.memref_slice %arg4[%add3A, %dma_start3A_288, %dma_start3A_289] : memref<26x1000x1024xf32, #tpu.memory_space<hbm>> -> memref<1x40x1024xf32, #tpu.memory_space<hbm>>
      %dma_start3A_291 = arith.constant 560 : i32
      %dma_start3A_292 = arith.constant 0 : i32
      %dma_start3A_293 = tpu.memref_slice %arg4[%add3A, %dma_start3A_291, %dma_start3A_292] : memref<26x1000x1024xf32, #tpu.memory_space<hbm>> -> memref<1x40x1024xf32, #tpu.memory_space<hbm>>
      tpu.enqueue_dma source(%arg5 : memref<1x40x1024xf32, #tpu.memory_space<vmem>>) target(%dma_start3A_293 : memref<1x40x1024xf32, #tpu.memory_space<hbm>>) target_semaphore(%arg10 : memref<!tpu.dma_semaphore, #tpu.memory_space<semaphore_mem>>)
      %dma_wait3A_294 = arith.constant 520 : i32
      %dma_wait3A_295 = arith.constant 0 : i32
      %dma_wait3A_296 = tpu.memref_slice %arg4[%add3A, %dma_wait3A_294, %dma_wait3A_295] : memref<26x1000x1024xf32, #tpu.memory_space<hbm>> -> memref<1x40x1024xf32, #tpu.memory_space<hbm>>
      %dma_wait3A_297 = arith.constant 520 : i32
      %dma_wait3A_298 = arith.constant 0 : i32
      %dma_wait3A_299 = tpu.memref_slice %arg4[%add3A, %dma_wait3A_297, %dma_wait3A_298] : memref<26x1000x1024xf32, #tpu.memory_space<hbm>> -> memref<1x40x1024xf32, #tpu.memory_space<hbm>>
      tpu.wait_dma2 semaphore(%arg11 : memref<!tpu.dma_semaphore, #tpu.memory_space<semaphore_mem>>) src(%arg6 : memref<1x40x1024xf32, #tpu.memory_space<vmem>>) dst(%dma_wait3A_299 : memref<1x40x1024xf32, #tpu.memory_space<hbm>>)
      %scan3A_300 = arith.constant 0 : i32
      %scan3A_301 = arith.constant 0 : i32
      %scan3A_302 = arith.constant 64 : i32
      %scan3A_303 = arith.addi %scan3A_301, %scan3A_302 : i32
      %scan3A_304 = arith.constant 4 : i32
      %scan3A_305 = scf.for %scan3A_496 = %scan3A_301 to %scan3A_303 step %scan3A_304 iter_args(%scan3A_497 = %scan3A_300) -> (i32)  : i32 {
        %mul3A_498 = arith.constant 16 : i32
        %mul3A_499 = arith.muli %scan3A_496, %mul3A_498 : i32
        %get3A = arith.index_cast %mul3A_499 : i32 to index
        %get3A_500 = tpu.vector_load %arg8[%get3A] {strides = array<i32>} : memref<1024xi32, #tpu.memory_space<vmem>>, vector<16xi32>,
        %mul3A_501 = arith.constant 16 : i32
        %mul3A_502 = arith.muli %scan3A_496, %mul3A_501 : i32
        %get3A_503 = arith.index_cast %mul3A_502 : i32 to index
        %get3A_504 = tpu.vector_load %arg9[%get3A_503] {strides = array<i32>} : memref<1024xi32, #tpu.memory_space<vmem>>, vector<16xi32>,
        %mul3A_505 = arith.constant 16 : i32
        %mul3A_506 = arith.muli %scan3A_496, %mul3A_505 : i32
        %add3A_507 = vector.broadcast %mul3A_506 : i32 to vector<16xi32>
        %add3A_508 = arith.addi %add3A_507, %iota3A : vector<16xi32>
        %eq3A = arith.constant 15 : i32
        %eq3A_509 = vector.broadcast %eq3A : i32 to vector<16xi32>
        %eq3A_510 = arith.cmpi eq, %get3A_500, %eq3A_509 : vector<16xi32>
        %select_n3A = arith.select %eq3A_510, %broadcast_in_dim3A_5, %broadcast_in_dim3A_7 : vector<16xi1>, vector<16xf32>
        %eq3A_511 = arith.constant 13 : i32
        %eq3A_512 = vector.broadcast %eq3A_511 : i32 to vector<16xi32>
        %eq3A_513 = arith.cmpi eq, %get3A_500, %eq3A_512 : vector<16xi32>
        %or3A = arith.ori %eq3A_510, %eq3A_513 : vector<16xi1>
        tpu.vector_store_idx %arg6[%broadcast_in_dim3A_9, %get3A_504, %add3A_508], %select_n3A masked %or3A : memref<1x40x1024xf32, #tpu.memory_space<vmem>>[vector<16xi32>, vector<16xi32>, vector<16xi32>], vector<16xf32>, vector<16xi1>
        %scan3A_514 = arith.constant 0 : i32
        %scan3A_515 = arith.constant 1 : i32
        %scan3A_516 = arith.addi %scan3A_496, %scan3A_515 : i32
        %mul3A_517 = arith.constant 16 : i32
        %mul3A_518 = arith.muli %scan3A_516, %mul3A_517 : i32
        %get3A_519 = arith.index_cast %mul3A_518 : i32 to index
        %get3A_520 = tpu.vector_load %arg8[%get3A_519] {strides = array<i32>} : memref<1024xi32, #tpu.memory_space<vmem>>, vector<16xi32>,
        %mul3A_521 = arith.constant 16 : i32
        %mul3A_522 = arith.muli %scan3A_516, %mul3A_521 : i32
        %get3A_523 = arith.index_cast %mul3A_522 : i32 to index
        %get3A_524 = tpu.vector_load %arg9[%get3A_523] {strides = array<i32>} : memref<1024xi32, #tpu.memory_space<vmem>>, vector<16xi32>,
        %mul3A_525 = arith.constant 16 : i32
        %mul3A_526 = arith.muli %scan3A_516, %mul3A_525 : i32
        %add3A_527 = vector.broadcast %mul3A_526 : i32 to vector<16xi32>
        %add3A_528 = arith.addi %add3A_527, %iota3A : vector<16xi32>
        %eq3A_529 = arith.constant 15 : i32
        %eq3A_530 = vector.broadcast %eq3A_529 : i32 to vector<16xi32>
        %eq3A_531 = arith.cmpi eq, %get3A_520, %eq3A_530 : vector<16xi32>
        %select_n3A_532 = arith.select %eq3A_531, %broadcast_in_dim3A_5, %broadcast_in_dim3A_7 : vector<16xi1>, vector<16xf32>
        %eq3A_533 = arith.constant 13 : i32
        %eq3A_534 = vector.broadcast %eq3A_533 : i32 to vector<16xi32>
        %eq3A_535 = arith.cmpi eq, %get3A_520, %eq3A_534 : vector<16xi32>
        %or3A_536 = arith.ori %eq3A_531, %eq3A_535 : vector<16xi1>
        tpu.vector_store_idx %arg6[%broadcast_in_dim3A_9, %get3A_524, %add3A_528], %select_n3A_532 masked %or3A_536 : memref<1x40x1024xf32, #tpu.memory_space<vmem>>[vector<16xi32>, vector<16xi32>, vector<16xi32>], vector<16xf32>, vector<16xi1>
        %scan3A_537 = arith.constant 0 : i32
        %scan3A_538 = arith.constant 2 : i32
        %scan3A_539 = arith.addi %scan3A_496, %scan3A_538 : i32
        %mul3A_540 = arith.constant 16 : i32
        %mul3A_541 = arith.muli %scan3A_539, %mul3A_540 : i32
        %get3A_542 = arith.index_cast %mul3A_541 : i32 to index
        %get3A_543 = tpu.vector_load %arg8[%get3A_542] {strides = array<i32>} : memref<1024xi32, #tpu.memory_space<vmem>>, vector<16xi32>,
        %mul3A_544 = arith.constant 16 : i32
        %mul3A_545 = arith.muli %scan3A_539, %mul3A_544 : i32
        %get3A_546 = arith.index_cast %mul3A_545 : i32 to index
        %get3A_547 = tpu.vector_load %arg9[%get3A_546] {strides = array<i32>} : memref<1024xi32, #tpu.memory_space<vmem>>, vector<16xi32>,
        %mul3A_548 = arith.constant 16 : i32
        %mul3A_549 = arith.muli %scan3A_539, %mul3A_548 : i32
        %add3A_550 = vector.broadcast %mul3A_549 : i32 to vector<16xi32>
        %add3A_551 = arith.addi %add3A_550, %iota3A : vector<16xi32>
        %eq3A_552 = arith.constant 15 : i32
        %eq3A_553 = vector.broadcast %eq3A_552 : i32 to vector<16xi32>
        %eq3A_554 = arith.cmpi eq, %get3A_543, %eq3A_553 : vector<16xi32>
        %select_n3A_555 = arith.select %eq3A_554, %broadcast_in_dim3A_5, %broadcast_in_dim3A_7 : vector<16xi1>, vector<16xf32>
        %eq3A_556 = arith.constant 13 : i32
        %eq3A_557 = vector.broadcast %eq3A_556 : i32 to vector<16xi32>
        %eq3A_558 = arith.cmpi eq, %get3A_543, %eq3A_557 : vector<16xi32>
        %or3A_559 = arith.ori %eq3A_554, %eq3A_558 : vector<16xi1>
        tpu.vector_store_idx %arg6[%broadcast_in_dim3A_9, %get3A_547, %add3A_551], %select_n3A_555 masked %or3A_559 : memref<1x40x1024xf32, #tpu.memory_space<vmem>>[vector<16xi32>, vector<16xi32>, vector<16xi32>], vector<16xf32>, vector<16xi1>
        %scan3A_560 = arith.constant 0 : i32
        %scan3A_561 = arith.constant 3 : i32
        %scan3A_562 = arith.addi %scan3A_496, %scan3A_561 : i32
        %mul3A_563 = arith.constant 16 : i32
        %mul3A_564 = arith.muli %scan3A_562, %mul3A_563 : i32
        %get3A_565 = arith.index_cast %mul3A_564 : i32 to index
        %get3A_566 = tpu.vector_load %arg8[%get3A_565] {strides = array<i32>} : memref<1024xi32, #tpu.memory_space<vmem>>, vector<16xi32>,
        %mul3A_567 = arith.constant 16 : i32
        %mul3A_568 = arith.muli %scan3A_562, %mul3A_567 : i32
        %get3A_569 = arith.index_cast %mul3A_568 : i32 to index
        %get3A_570 = tpu.vector_load %arg9[%get3A_569] {strides = array<i32>} : memref<1024xi32, #tpu.memory_space<vmem>>, vector<16xi32>,
        %mul3A_571 = arith.constant 16 : i32
        %mul3A_572 = arith.muli %scan3A_562, %mul3A_571 : i32
        %add3A_573 = vector.broadcast %mul3A_572 : i32 to vector<16xi32>
        %add3A_574 = arith.addi %add3A_573, %iota3A : vector<16xi32>
        %eq3A_575 = arith.constant 15 : i32
        %eq3A_576 = vector.broadcast %eq3A_575 : i32 to vector<16xi32>
        %eq3A_577 = arith.cmpi eq, %get3A_566, %eq3A_576 : vector<16xi32>
        %select_n3A_578 = arith.select %eq3A_577, %broadcast_in_dim3A_5, %broadcast_in_dim3A_7 : vector<16xi1>, vector<16xf32>
        %eq3A_579 = arith.constant 13 : i32
        %eq3A_580 = vector.broadcast %eq3A_579 : i32 to vector<16xi32>
        %eq3A_581 = arith.cmpi eq, %get3A_566, %eq3A_580 : vector<16xi32>
        %or3A_582 = arith.ori %eq3A_577, %eq3A_581 : vector<16xi1>
        tpu.vector_store_idx %arg6[%broadcast_in_dim3A_9, %get3A_570, %add3A_574], %select_n3A_578 masked %or3A_582 : memref<1x40x1024xf32, #tpu.memory_space<vmem>>[vector<16xi32>, vector<16xi32>, vector<16xi32>], vector<16xf32>, vector<16xi1>
        %scan3A_583 = arith.constant 0 : i32
        scf.yield %scan3A_583 : i32
      }
      %scan3A_306 = arith.constant 64 : i32
      %dma_start3A_307 = arith.constant 600 : i32
      %dma_start3A_308 = arith.constant 0 : i32
      %dma_start3A_309 = tpu.memref_slice %arg4[%add3A, %dma_start3A_307, %dma_start3A_308] : memref<26x1000x1024xf32, #tpu.memory_space<hbm>> -> memref<1x40x1024xf32, #tpu.memory_space<hbm>>
      %dma_start3A_310 = arith.constant 600 : i32
      %dma_start3A_311 = arith.constant 0 : i32
      %dma_start3A_312 = tpu.memref_slice %arg4[%add3A, %dma_start3A_310, %dma_start3A_311] : memref<26x1000x1024xf32, #tpu.memory_space<hbm>> -> memref<1x40x1024xf32, #tpu.memory_space<hbm>>
      tpu.enqueue_dma source(%arg6 : memref<1x40x1024xf32, #tpu.memory_space<vmem>>) target(%dma_start3A_312 : memref<1x40x1024xf32, #tpu.memory_space<hbm>>) target_semaphore(%arg11 : memref<!tpu.dma_semaphore, #tpu.memory_space<semaphore_mem>>)
      %dma_wait3A_313 = arith.constant 560 : i32
      %dma_wait3A_314 = arith.constant 0 : i32
      %dma_wait3A_315 = tpu.memref_slice %arg4[%add3A, %dma_wait3A_313, %dma_wait3A_314] : memref<26x1000x1024xf32, #tpu.memory_space<hbm>> -> memref<1x40x1024xf32, #tpu.memory_space<hbm>>
      %dma_wait3A_316 = arith.constant 560 : i32
      %dma_wait3A_317 = arith.constant 0 : i32
      %dma_wait3A_318 = tpu.memref_slice %arg4[%add3A, %dma_wait3A_316, %dma_wait3A_317] : memref<26x1000x1024xf32, #tpu.memory_space<hbm>> -> memref<1x40x1024xf32, #tpu.memory_space<hbm>>
      tpu.wait_dma2 semaphore(%arg10 : memref<!tpu.dma_semaphore, #tpu.memory_space<semaphore_mem>>) src(%arg5 : memref<1x40x1024xf32, #tpu.memory_space<vmem>>) dst(%dma_wait3A_318 : memref<1x40x1024xf32, #tpu.memory_space<hbm>>)
      %scan3A_319 = arith.constant 0 : i32
      %scan3A_320 = arith.constant 0 : i32
      %scan3A_321 = arith.constant 64 : i32
      %scan3A_322 = arith.addi %scan3A_320, %scan3A_321 : i32
      %scan3A_323 = arith.constant 4 : i32
      %scan3A_324 = scf.for %scan3A_496 = %scan3A_320 to %scan3A_322 step %scan3A_323 iter_args(%scan3A_497 = %scan3A_319) -> (i32)  : i32 {
        %mul3A_498 = arith.constant 16 : i32
        %mul3A_499 = arith.muli %scan3A_496, %mul3A_498 : i32
        %get3A = arith.index_cast %mul3A_499 : i32 to index
        %get3A_500 = tpu.vector_load %arg8[%get3A] {strides = array<i32>} : memref<1024xi32, #tpu.memory_space<vmem>>, vector<16xi32>,
        %mul3A_501 = arith.constant 16 : i32
        %mul3A_502 = arith.muli %scan3A_496, %mul3A_501 : i32
        %get3A_503 = arith.index_cast %mul3A_502 : i32 to index
        %get3A_504 = tpu.vector_load %arg9[%get3A_503] {strides = array<i32>} : memref<1024xi32, #tpu.memory_space<vmem>>, vector<16xi32>,
        %mul3A_505 = arith.constant 16 : i32
        %mul3A_506 = arith.muli %scan3A_496, %mul3A_505 : i32
        %add3A_507 = vector.broadcast %mul3A_506 : i32 to vector<16xi32>
        %add3A_508 = arith.addi %add3A_507, %iota3A : vector<16xi32>
        %eq3A = arith.constant 16 : i32
        %eq3A_509 = vector.broadcast %eq3A : i32 to vector<16xi32>
        %eq3A_510 = arith.cmpi eq, %get3A_500, %eq3A_509 : vector<16xi32>
        %select_n3A = arith.select %eq3A_510, %broadcast_in_dim3A_5, %broadcast_in_dim3A_7 : vector<16xi1>, vector<16xf32>
        %eq3A_511 = arith.constant 14 : i32
        %eq3A_512 = vector.broadcast %eq3A_511 : i32 to vector<16xi32>
        %eq3A_513 = arith.cmpi eq, %get3A_500, %eq3A_512 : vector<16xi32>
        %or3A = arith.ori %eq3A_510, %eq3A_513 : vector<16xi1>
        tpu.vector_store_idx %arg5[%broadcast_in_dim3A_9, %get3A_504, %add3A_508], %select_n3A masked %or3A : memref<1x40x1024xf32, #tpu.memory_space<vmem>>[vector<16xi32>, vector<16xi32>, vector<16xi32>], vector<16xf32>, vector<16xi1>
        %scan3A_514 = arith.constant 0 : i32
        %scan3A_515 = arith.constant 1 : i32
        %scan3A_516 = arith.addi %scan3A_496, %scan3A_515 : i32
        %mul3A_517 = arith.constant 16 : i32
        %mul3A_518 = arith.muli %scan3A_516, %mul3A_517 : i32
        %get3A_519 = arith.index_cast %mul3A_518 : i32 to index
        %get3A_520 = tpu.vector_load %arg8[%get3A_519] {strides = array<i32>} : memref<1024xi32, #tpu.memory_space<vmem>>, vector<16xi32>,
        %mul3A_521 = arith.constant 16 : i32
        %mul3A_522 = arith.muli %scan3A_516, %mul3A_521 : i32
        %get3A_523 = arith.index_cast %mul3A_522 : i32 to index
        %get3A_524 = tpu.vector_load %arg9[%get3A_523] {strides = array<i32>} : memref<1024xi32, #tpu.memory_space<vmem>>, vector<16xi32>,
        %mul3A_525 = arith.constant 16 : i32
        %mul3A_526 = arith.muli %scan3A_516, %mul3A_525 : i32
        %add3A_527 = vector.broadcast %mul3A_526 : i32 to vector<16xi32>
        %add3A_528 = arith.addi %add3A_527, %iota3A : vector<16xi32>
        %eq3A_529 = arith.constant 16 : i32
        %eq3A_530 = vector.broadcast %eq3A_529 : i32 to vector<16xi32>
        %eq3A_531 = arith.cmpi eq, %get3A_520, %eq3A_530 : vector<16xi32>
        %select_n3A_532 = arith.select %eq3A_531, %broadcast_in_dim3A_5, %broadcast_in_dim3A_7 : vector<16xi1>, vector<16xf32>
        %eq3A_533 = arith.constant 14 : i32
        %eq3A_534 = vector.broadcast %eq3A_533 : i32 to vector<16xi32>
        %eq3A_535 = arith.cmpi eq, %get3A_520, %eq3A_534 : vector<16xi32>
        %or3A_536 = arith.ori %eq3A_531, %eq3A_535 : vector<16xi1>
        tpu.vector_store_idx %arg5[%broadcast_in_dim3A_9, %get3A_524, %add3A_528], %select_n3A_532 masked %or3A_536 : memref<1x40x1024xf32, #tpu.memory_space<vmem>>[vector<16xi32>, vector<16xi32>, vector<16xi32>], vector<16xf32>, vector<16xi1>
        %scan3A_537 = arith.constant 0 : i32
        %scan3A_538 = arith.constant 2 : i32
        %scan3A_539 = arith.addi %scan3A_496, %scan3A_538 : i32
        %mul3A_540 = arith.constant 16 : i32
        %mul3A_541 = arith.muli %scan3A_539, %mul3A_540 : i32
        %get3A_542 = arith.index_cast %mul3A_541 : i32 to index
        %get3A_543 = tpu.vector_load %arg8[%get3A_542] {strides = array<i32>} : memref<1024xi32, #tpu.memory_space<vmem>>, vector<16xi32>,
        %mul3A_544 = arith.constant 16 : i32
        %mul3A_545 = arith.muli %scan3A_539, %mul3A_544 : i32
        %get3A_546 = arith.index_cast %mul3A_545 : i32 to index
        %get3A_547 = tpu.vector_load %arg9[%get3A_546] {strides = array<i32>} : memref<1024xi32, #tpu.memory_space<vmem>>, vector<16xi32>,
        %mul3A_548 = arith.constant 16 : i32
        %mul3A_549 = arith.muli %scan3A_539, %mul3A_548 : i32
        %add3A_550 = vector.broadcast %mul3A_549 : i32 to vector<16xi32>
        %add3A_551 = arith.addi %add3A_550, %iota3A : vector<16xi32>
        %eq3A_552 = arith.constant 16 : i32
        %eq3A_553 = vector.broadcast %eq3A_552 : i32 to vector<16xi32>
        %eq3A_554 = arith.cmpi eq, %get3A_543, %eq3A_553 : vector<16xi32>
        %select_n3A_555 = arith.select %eq3A_554, %broadcast_in_dim3A_5, %broadcast_in_dim3A_7 : vector<16xi1>, vector<16xf32>
        %eq3A_556 = arith.constant 14 : i32
        %eq3A_557 = vector.broadcast %eq3A_556 : i32 to vector<16xi32>
        %eq3A_558 = arith.cmpi eq, %get3A_543, %eq3A_557 : vector<16xi32>
        %or3A_559 = arith.ori %eq3A_554, %eq3A_558 : vector<16xi1>
        tpu.vector_store_idx %arg5[%broadcast_in_dim3A_9, %get3A_547, %add3A_551], %select_n3A_555 masked %or3A_559 : memref<1x40x1024xf32, #tpu.memory_space<vmem>>[vector<16xi32>, vector<16xi32>, vector<16xi32>], vector<16xf32>, vector<16xi1>
        %scan3A_560 = arith.constant 0 : i32
        %scan3A_561 = arith.constant 3 : i32
        %scan3A_562 = arith.addi %scan3A_496, %scan3A_561 : i32
        %mul3A_563 = arith.constant 16 : i32
        %mul3A_564 = arith.muli %scan3A_562, %mul3A_563 : i32
        %get3A_565 = arith.index_cast %mul3A_564 : i32 to index
        %get3A_566 = tpu.vector_load %arg8[%get3A_565] {strides = array<i32>} : memref<1024xi32, #tpu.memory_space<vmem>>, vector<16xi32>,
        %mul3A_567 = arith.constant 16 : i32
        %mul3A_568 = arith.muli %scan3A_562, %mul3A_567 : i32
        %get3A_569 = arith.index_cast %mul3A_568 : i32 to index
        %get3A_570 = tpu.vector_load %arg9[%get3A_569] {strides = array<i32>} : memref<1024xi32, #tpu.memory_space<vmem>>, vector<16xi32>,
        %mul3A_571 = arith.constant 16 : i32
        %mul3A_572 = arith.muli %scan3A_562, %mul3A_571 : i32
        %add3A_573 = vector.broadcast %mul3A_572 : i32 to vector<16xi32>
        %add3A_574 = arith.addi %add3A_573, %iota3A : vector<16xi32>
        %eq3A_575 = arith.constant 16 : i32
        %eq3A_576 = vector.broadcast %eq3A_575 : i32 to vector<16xi32>
        %eq3A_577 = arith.cmpi eq, %get3A_566, %eq3A_576 : vector<16xi32>
        %select_n3A_578 = arith.select %eq3A_577, %broadcast_in_dim3A_5, %broadcast_in_dim3A_7 : vector<16xi1>, vector<16xf32>
        %eq3A_579 = arith.constant 14 : i32
        %eq3A_580 = vector.broadcast %eq3A_579 : i32 to vector<16xi32>
        %eq3A_581 = arith.cmpi eq, %get3A_566, %eq3A_580 : vector<16xi32>
        %or3A_582 = arith.ori %eq3A_577, %eq3A_581 : vector<16xi1>
        tpu.vector_store_idx %arg5[%broadcast_in_dim3A_9, %get3A_570, %add3A_574], %select_n3A_578 masked %or3A_582 : memref<1x40x1024xf32, #tpu.memory_space<vmem>>[vector<16xi32>, vector<16xi32>, vector<16xi32>], vector<16xf32>, vector<16xi1>
        %scan3A_583 = arith.constant 0 : i32
        scf.yield %scan3A_583 : i32
      }
      %scan3A_325 = arith.constant 64 : i32
      %dma_start3A_326 = arith.constant 640 : i32
      %dma_start3A_327 = arith.constant 0 : i32
      %dma_start3A_328 = tpu.memref_slice %arg4[%add3A, %dma_start3A_326, %dma_start3A_327] : memref<26x1000x1024xf32, #tpu.memory_space<hbm>> -> memref<1x40x1024xf32, #tpu.memory_space<hbm>>
      %dma_start3A_329 = arith.constant 640 : i32
      %dma_start3A_330 = arith.constant 0 : i32
      %dma_start3A_331 = tpu.memref_slice %arg4[%add3A, %dma_start3A_329, %dma_start3A_330] : memref<26x1000x1024xf32, #tpu.memory_space<hbm>> -> memref<1x40x1024xf32, #tpu.memory_space<hbm>>
      tpu.enqueue_dma source(%arg5 : memref<1x40x1024xf32, #tpu.memory_space<vmem>>) target(%dma_start3A_331 : memref<1x40x1024xf32, #tpu.memory_space<hbm>>) target_semaphore(%arg10 : memref<!tpu.dma_semaphore, #tpu.memory_space<semaphore_mem>>)
      %dma_wait3A_332 = arith.constant 600 : i32
      %dma_wait3A_333 = arith.constant 0 : i32
      %dma_wait3A_334 = tpu.memref_slice %arg4[%add3A, %dma_wait3A_332, %dma_wait3A_333] : memref<26x1000x1024xf32, #tpu.memory_space<hbm>> -> memref<1x40x1024xf32, #tpu.memory_space<hbm>>
      %dma_wait3A_335 = arith.constant 600 : i32
      %dma_wait3A_336 = arith.constant 0 : i32
      %dma_wait3A_337 = tpu.memref_slice %arg4[%add3A, %dma_wait3A_335, %dma_wait3A_336] : memref<26x1000x1024xf32, #tpu.memory_space<hbm>> -> memref<1x40x1024xf32, #tpu.memory_space<hbm>>
      tpu.wait_dma2 semaphore(%arg11 : memref<!tpu.dma_semaphore, #tpu.memory_space<semaphore_mem>>) src(%arg6 : memref<1x40x1024xf32, #tpu.memory_space<vmem>>) dst(%dma_wait3A_337 : memref<1x40x1024xf32, #tpu.memory_space<hbm>>)
      %scan3A_338 = arith.constant 0 : i32
      %scan3A_339 = arith.constant 0 : i32
      %scan3A_340 = arith.constant 64 : i32
      %scan3A_341 = arith.addi %scan3A_339, %scan3A_340 : i32
      %scan3A_342 = arith.constant 4 : i32
      %scan3A_343 = scf.for %scan3A_496 = %scan3A_339 to %scan3A_341 step %scan3A_342 iter_args(%scan3A_497 = %scan3A_338) -> (i32)  : i32 {
        %mul3A_498 = arith.constant 16 : i32
        %mul3A_499 = arith.muli %scan3A_496, %mul3A_498 : i32
        %get3A = arith.index_cast %mul3A_499 : i32 to index
        %get3A_500 = tpu.vector_load %arg8[%get3A] {strides = array<i32>} : memref<1024xi32, #tpu.memory_space<vmem>>, vector<16xi32>,
        %mul3A_501 = arith.constant 16 : i32
        %mul3A_502 = arith.muli %scan3A_496, %mul3A_501 : i32
        %get3A_503 = arith.index_cast %mul3A_502 : i32 to index
        %get3A_504 = tpu.vector_load %arg9[%get3A_503] {strides = array<i32>} : memref<1024xi32, #tpu.memory_space<vmem>>, vector<16xi32>,
        %mul3A_505 = arith.constant 16 : i32
        %mul3A_506 = arith.muli %scan3A_496, %mul3A_505 : i32
        %add3A_507 = vector.broadcast %mul3A_506 : i32 to vector<16xi32>
        %add3A_508 = arith.addi %add3A_507, %iota3A : vector<16xi32>
        %eq3A = arith.constant 17 : i32
        %eq3A_509 = vector.broadcast %eq3A : i32 to vector<16xi32>
        %eq3A_510 = arith.cmpi eq, %get3A_500, %eq3A_509 : vector<16xi32>
        %select_n3A = arith.select %eq3A_510, %broadcast_in_dim3A_5, %broadcast_in_dim3A_7 : vector<16xi1>, vector<16xf32>
        %eq3A_511 = arith.constant 15 : i32
        %eq3A_512 = vector.broadcast %eq3A_511 : i32 to vector<16xi32>
        %eq3A_513 = arith.cmpi eq, %get3A_500, %eq3A_512 : vector<16xi32>
        %or3A = arith.ori %eq3A_510, %eq3A_513 : vector<16xi1>
        tpu.vector_store_idx %arg6[%broadcast_in_dim3A_9, %get3A_504, %add3A_508], %select_n3A masked %or3A : memref<1x40x1024xf32, #tpu.memory_space<vmem>>[vector<16xi32>, vector<16xi32>, vector<16xi32>], vector<16xf32>, vector<16xi1>
        %scan3A_514 = arith.constant 0 : i32
        %scan3A_515 = arith.constant 1 : i32
        %scan3A_516 = arith.addi %scan3A_496, %scan3A_515 : i32
        %mul3A_517 = arith.constant 16 : i32
        %mul3A_518 = arith.muli %scan3A_516, %mul3A_517 : i32
        %get3A_519 = arith.index_cast %mul3A_518 : i32 to index
        %get3A_520 = tpu.vector_load %arg8[%get3A_519] {strides = array<i32>} : memref<1024xi32, #tpu.memory_space<vmem>>, vector<16xi32>,
        %mul3A_521 = arith.constant 16 : i32
        %mul3A_522 = arith.muli %scan3A_516, %mul3A_521 : i32
        %get3A_523 = arith.index_cast %mul3A_522 : i32 to index
        %get3A_524 = tpu.vector_load %arg9[%get3A_523] {strides = array<i32>} : memref<1024xi32, #tpu.memory_space<vmem>>, vector<16xi32>,
        %mul3A_525 = arith.constant 16 : i32
        %mul3A_526 = arith.muli %scan3A_516, %mul3A_525 : i32
        %add3A_527 = vector.broadcast %mul3A_526 : i32 to vector<16xi32>
        %add3A_528 = arith.addi %add3A_527, %iota3A : vector<16xi32>
        %eq3A_529 = arith.constant 17 : i32
        %eq3A_530 = vector.broadcast %eq3A_529 : i32 to vector<16xi32>
        %eq3A_531 = arith.cmpi eq, %get3A_520, %eq3A_530 : vector<16xi32>
        %select_n3A_532 = arith.select %eq3A_531, %broadcast_in_dim3A_5, %broadcast_in_dim3A_7 : vector<16xi1>, vector<16xf32>
        %eq3A_533 = arith.constant 15 : i32
        %eq3A_534 = vector.broadcast %eq3A_533 : i32 to vector<16xi32>
        %eq3A_535 = arith.cmpi eq, %get3A_520, %eq3A_534 : vector<16xi32>
        %or3A_536 = arith.ori %eq3A_531, %eq3A_535 : vector<16xi1>
        tpu.vector_store_idx %arg6[%broadcast_in_dim3A_9, %get3A_524, %add3A_528], %select_n3A_532 masked %or3A_536 : memref<1x40x1024xf32, #tpu.memory_space<vmem>>[vector<16xi32>, vector<16xi32>, vector<16xi32>], vector<16xf32>, vector<16xi1>
        %scan3A_537 = arith.constant 0 : i32
        %scan3A_538 = arith.constant 2 : i32
        %scan3A_539 = arith.addi %scan3A_496, %scan3A_538 : i32
        %mul3A_540 = arith.constant 16 : i32
        %mul3A_541 = arith.muli %scan3A_539, %mul3A_540 : i32
        %get3A_542 = arith.index_cast %mul3A_541 : i32 to index
        %get3A_543 = tpu.vector_load %arg8[%get3A_542] {strides = array<i32>} : memref<1024xi32, #tpu.memory_space<vmem>>, vector<16xi32>,
        %mul3A_544 = arith.constant 16 : i32
        %mul3A_545 = arith.muli %scan3A_539, %mul3A_544 : i32
        %get3A_546 = arith.index_cast %mul3A_545 : i32 to index
        %get3A_547 = tpu.vector_load %arg9[%get3A_546] {strides = array<i32>} : memref<1024xi32, #tpu.memory_space<vmem>>, vector<16xi32>,
        %mul3A_548 = arith.constant 16 : i32
        %mul3A_549 = arith.muli %scan3A_539, %mul3A_548 : i32
        %add3A_550 = vector.broadcast %mul3A_549 : i32 to vector<16xi32>
        %add3A_551 = arith.addi %add3A_550, %iota3A : vector<16xi32>
        %eq3A_552 = arith.constant 17 : i32
        %eq3A_553 = vector.broadcast %eq3A_552 : i32 to vector<16xi32>
        %eq3A_554 = arith.cmpi eq, %get3A_543, %eq3A_553 : vector<16xi32>
        %select_n3A_555 = arith.select %eq3A_554, %broadcast_in_dim3A_5, %broadcast_in_dim3A_7 : vector<16xi1>, vector<16xf32>
        %eq3A_556 = arith.constant 15 : i32
        %eq3A_557 = vector.broadcast %eq3A_556 : i32 to vector<16xi32>
        %eq3A_558 = arith.cmpi eq, %get3A_543, %eq3A_557 : vector<16xi32>
        %or3A_559 = arith.ori %eq3A_554, %eq3A_558 : vector<16xi1>
        tpu.vector_store_idx %arg6[%broadcast_in_dim3A_9, %get3A_547, %add3A_551], %select_n3A_555 masked %or3A_559 : memref<1x40x1024xf32, #tpu.memory_space<vmem>>[vector<16xi32>, vector<16xi32>, vector<16xi32>], vector<16xf32>, vector<16xi1>
        %scan3A_560 = arith.constant 0 : i32
        %scan3A_561 = arith.constant 3 : i32
        %scan3A_562 = arith.addi %scan3A_496, %scan3A_561 : i32
        %mul3A_563 = arith.constant 16 : i32
        %mul3A_564 = arith.muli %scan3A_562, %mul3A_563 : i32
        %get3A_565 = arith.index_cast %mul3A_564 : i32 to index
        %get3A_566 = tpu.vector_load %arg8[%get3A_565] {strides = array<i32>} : memref<1024xi32, #tpu.memory_space<vmem>>, vector<16xi32>,
        %mul3A_567 = arith.constant 16 : i32
        %mul3A_568 = arith.muli %scan3A_562, %mul3A_567 : i32
        %get3A_569 = arith.index_cast %mul3A_568 : i32 to index
        %get3A_570 = tpu.vector_load %arg9[%get3A_569] {strides = array<i32>} : memref<1024xi32, #tpu.memory_space<vmem>>, vector<16xi32>,
        %mul3A_571 = arith.constant 16 : i32
        %mul3A_572 = arith.muli %scan3A_562, %mul3A_571 : i32
        %add3A_573 = vector.broadcast %mul3A_572 : i32 to vector<16xi32>
        %add3A_574 = arith.addi %add3A_573, %iota3A : vector<16xi32>
        %eq3A_575 = arith.constant 17 : i32
        %eq3A_576 = vector.broadcast %eq3A_575 : i32 to vector<16xi32>
        %eq3A_577 = arith.cmpi eq, %get3A_566, %eq3A_576 : vector<16xi32>
        %select_n3A_578 = arith.select %eq3A_577, %broadcast_in_dim3A_5, %broadcast_in_dim3A_7 : vector<16xi1>, vector<16xf32>
        %eq3A_579 = arith.constant 15 : i32
        %eq3A_580 = vector.broadcast %eq3A_579 : i32 to vector<16xi32>
        %eq3A_581 = arith.cmpi eq, %get3A_566, %eq3A_580 : vector<16xi32>
        %or3A_582 = arith.ori %eq3A_577, %eq3A_581 : vector<16xi1>
        tpu.vector_store_idx %arg6[%broadcast_in_dim3A_9, %get3A_570, %add3A_574], %select_n3A_578 masked %or3A_582 : memref<1x40x1024xf32, #tpu.memory_space<vmem>>[vector<16xi32>, vector<16xi32>, vector<16xi32>], vector<16xf32>, vector<16xi1>
        %scan3A_583 = arith.constant 0 : i32
        scf.yield %scan3A_583 : i32
      }
      %scan3A_344 = arith.constant 64 : i32
      %dma_start3A_345 = arith.constant 680 : i32
      %dma_start3A_346 = arith.constant 0 : i32
      %dma_start3A_347 = tpu.memref_slice %arg4[%add3A, %dma_start3A_345, %dma_start3A_346] : memref<26x1000x1024xf32, #tpu.memory_space<hbm>> -> memref<1x40x1024xf32, #tpu.memory_space<hbm>>
      %dma_start3A_348 = arith.constant 680 : i32
      %dma_start3A_349 = arith.constant 0 : i32
      %dma_start3A_350 = tpu.memref_slice %arg4[%add3A, %dma_start3A_348, %dma_start3A_349] : memref<26x1000x1024xf32, #tpu.memory_space<hbm>> -> memref<1x40x1024xf32, #tpu.memory_space<hbm>>
      tpu.enqueue_dma source(%arg6 : memref<1x40x1024xf32, #tpu.memory_space<vmem>>) target(%dma_start3A_350 : memref<1x40x1024xf32, #tpu.memory_space<hbm>>) target_semaphore(%arg11 : memref<!tpu.dma_semaphore, #tpu.memory_space<semaphore_mem>>)
      %dma_wait3A_351 = arith.constant 640 : i32
      %dma_wait3A_352 = arith.constant 0 : i32
      %dma_wait3A_353 = tpu.memref_slice %arg4[%add3A, %dma_wait3A_351, %dma_wait3A_352] : memref<26x1000x1024xf32, #tpu.memory_space<hbm>> -> memref<1x40x1024xf32, #tpu.memory_space<hbm>>
      %dma_wait3A_354 = arith.constant 640 : i32
      %dma_wait3A_355 = arith.constant 0 : i32
      %dma_wait3A_356 = tpu.memref_slice %arg4[%add3A, %dma_wait3A_354, %dma_wait3A_355] : memref<26x1000x1024xf32, #tpu.memory_space<hbm>> -> memref<1x40x1024xf32, #tpu.memory_space<hbm>>
      tpu.wait_dma2 semaphore(%arg10 : memref<!tpu.dma_semaphore, #tpu.memory_space<semaphore_mem>>) src(%arg5 : memref<1x40x1024xf32, #tpu.memory_space<vmem>>) dst(%dma_wait3A_356 : memref<1x40x1024xf32, #tpu.memory_space<hbm>>)
      %scan3A_357 = arith.constant 0 : i32
      %scan3A_358 = arith.constant 0 : i32
      %scan3A_359 = arith.constant 64 : i32
      %scan3A_360 = arith.addi %scan3A_358, %scan3A_359 : i32
      %scan3A_361 = arith.constant 4 : i32
      %scan3A_362 = scf.for %scan3A_496 = %scan3A_358 to %scan3A_360 step %scan3A_361 iter_args(%scan3A_497 = %scan3A_357) -> (i32)  : i32 {
        %mul3A_498 = arith.constant 16 : i32
        %mul3A_499 = arith.muli %scan3A_496, %mul3A_498 : i32
        %get3A = arith.index_cast %mul3A_499 : i32 to index
        %get3A_500 = tpu.vector_load %arg8[%get3A] {strides = array<i32>} : memref<1024xi32, #tpu.memory_space<vmem>>, vector<16xi32>,
        %mul3A_501 = arith.constant 16 : i32
        %mul3A_502 = arith.muli %scan3A_496, %mul3A_501 : i32
        %get3A_503 = arith.index_cast %mul3A_502 : i32 to index
        %get3A_504 = tpu.vector_load %arg9[%get3A_503] {strides = array<i32>} : memref<1024xi32, #tpu.memory_space<vmem>>, vector<16xi32>,
        %mul3A_505 = arith.constant 16 : i32
        %mul3A_506 = arith.muli %scan3A_496, %mul3A_505 : i32
        %add3A_507 = vector.broadcast %mul3A_506 : i32 to vector<16xi32>
        %add3A_508 = arith.addi %add3A_507, %iota3A : vector<16xi32>
        %eq3A = arith.constant 18 : i32
        %eq3A_509 = vector.broadcast %eq3A : i32 to vector<16xi32>
        %eq3A_510 = arith.cmpi eq, %get3A_500, %eq3A_509 : vector<16xi32>
        %select_n3A = arith.select %eq3A_510, %broadcast_in_dim3A_5, %broadcast_in_dim3A_7 : vector<16xi1>, vector<16xf32>
        %eq3A_511 = arith.constant 16 : i32
        %eq3A_512 = vector.broadcast %eq3A_511 : i32 to vector<16xi32>
        %eq3A_513 = arith.cmpi eq, %get3A_500, %eq3A_512 : vector<16xi32>
        %or3A = arith.ori %eq3A_510, %eq3A_513 : vector<16xi1>
        tpu.vector_store_idx %arg5[%broadcast_in_dim3A_9, %get3A_504, %add3A_508], %select_n3A masked %or3A : memref<1x40x1024xf32, #tpu.memory_space<vmem>>[vector<16xi32>, vector<16xi32>, vector<16xi32>], vector<16xf32>, vector<16xi1>
        %scan3A_514 = arith.constant 0 : i32
        %scan3A_515 = arith.constant 1 : i32
        %scan3A_516 = arith.addi %scan3A_496, %scan3A_515 : i32
        %mul3A_517 = arith.constant 16 : i32
        %mul3A_518 = arith.muli %scan3A_516, %mul3A_517 : i32
        %get3A_519 = arith.index_cast %mul3A_518 : i32 to index
        %get3A_520 = tpu.vector_load %arg8[%get3A_519] {strides = array<i32>} : memref<1024xi32, #tpu.memory_space<vmem>>, vector<16xi32>,
        %mul3A_521 = arith.constant 16 : i32
        %mul3A_522 = arith.muli %scan3A_516, %mul3A_521 : i32
        %get3A_523 = arith.index_cast %mul3A_522 : i32 to index
        %get3A_524 = tpu.vector_load %arg9[%get3A_523] {strides = array<i32>} : memref<1024xi32, #tpu.memory_space<vmem>>, vector<16xi32>,
        %mul3A_525 = arith.constant 16 : i32
        %mul3A_526 = arith.muli %scan3A_516, %mul3A_525 : i32
        %add3A_527 = vector.broadcast %mul3A_526 : i32 to vector<16xi32>
        %add3A_528 = arith.addi %add3A_527, %iota3A : vector<16xi32>
        %eq3A_529 = arith.constant 18 : i32
        %eq3A_530 = vector.broadcast %eq3A_529 : i32 to vector<16xi32>
        %eq3A_531 = arith.cmpi eq, %get3A_520, %eq3A_530 : vector<16xi32>
        %select_n3A_532 = arith.select %eq3A_531, %broadcast_in_dim3A_5, %broadcast_in_dim3A_7 : vector<16xi1>, vector<16xf32>
        %eq3A_533 = arith.constant 16 : i32
        %eq3A_534 = vector.broadcast %eq3A_533 : i32 to vector<16xi32>
        %eq3A_535 = arith.cmpi eq, %get3A_520, %eq3A_534 : vector<16xi32>
        %or3A_536 = arith.ori %eq3A_531, %eq3A_535 : vector<16xi1>
        tpu.vector_store_idx %arg5[%broadcast_in_dim3A_9, %get3A_524, %add3A_528], %select_n3A_532 masked %or3A_536 : memref<1x40x1024xf32, #tpu.memory_space<vmem>>[vector<16xi32>, vector<16xi32>, vector<16xi32>], vector<16xf32>, vector<16xi1>
        %scan3A_537 = arith.constant 0 : i32
        %scan3A_538 = arith.constant 2 : i32
        %scan3A_539 = arith.addi %scan3A_496, %scan3A_538 : i32
        %mul3A_540 = arith.constant 16 : i32
        %mul3A_541 = arith.muli %scan3A_539, %mul3A_540 : i32
        %get3A_542 = arith.index_cast %mul3A_541 : i32 to index
        %get3A_543 = tpu.vector_load %arg8[%get3A_542] {strides = array<i32>} : memref<1024xi32, #tpu.memory_space<vmem>>, vector<16xi32>,
        %mul3A_544 = arith.constant 16 : i32
        %mul3A_545 = arith.muli %scan3A_539, %mul3A_544 : i32
        %get3A_546 = arith.index_cast %mul3A_545 : i32 to index
        %get3A_547 = tpu.vector_load %arg9[%get3A_546] {strides = array<i32>} : memref<1024xi32, #tpu.memory_space<vmem>>, vector<16xi32>,
        %mul3A_548 = arith.constant 16 : i32
        %mul3A_549 = arith.muli %scan3A_539, %mul3A_548 : i32
        %add3A_550 = vector.broadcast %mul3A_549 : i32 to vector<16xi32>
        %add3A_551 = arith.addi %add3A_550, %iota3A : vector<16xi32>
        %eq3A_552 = arith.constant 18 : i32
        %eq3A_553 = vector.broadcast %eq3A_552 : i32 to vector<16xi32>
        %eq3A_554 = arith.cmpi eq, %get3A_543, %eq3A_553 : vector<16xi32>
        %select_n3A_555 = arith.select %eq3A_554, %broadcast_in_dim3A_5, %broadcast_in_dim3A_7 : vector<16xi1>, vector<16xf32>
        %eq3A_556 = arith.constant 16 : i32
        %eq3A_557 = vector.broadcast %eq3A_556 : i32 to vector<16xi32>
        %eq3A_558 = arith.cmpi eq, %get3A_543, %eq3A_557 : vector<16xi32>
        %or3A_559 = arith.ori %eq3A_554, %eq3A_558 : vector<16xi1>
        tpu.vector_store_idx %arg5[%broadcast_in_dim3A_9, %get3A_547, %add3A_551], %select_n3A_555 masked %or3A_559 : memref<1x40x1024xf32, #tpu.memory_space<vmem>>[vector<16xi32>, vector<16xi32>, vector<16xi32>], vector<16xf32>, vector<16xi1>
        %scan3A_560 = arith.constant 0 : i32
        %scan3A_561 = arith.constant 3 : i32
        %scan3A_562 = arith.addi %scan3A_496, %scan3A_561 : i32
        %mul3A_563 = arith.constant 16 : i32
        %mul3A_564 = arith.muli %scan3A_562, %mul3A_563 : i32
        %get3A_565 = arith.index_cast %mul3A_564 : i32 to index
        %get3A_566 = tpu.vector_load %arg8[%get3A_565] {strides = array<i32>} : memref<1024xi32, #tpu.memory_space<vmem>>, vector<16xi32>,
        %mul3A_567 = arith.constant 16 : i32
        %mul3A_568 = arith.muli %scan3A_562, %mul3A_567 : i32
        %get3A_569 = arith.index_cast %mul3A_568 : i32 to index
        %get3A_570 = tpu.vector_load %arg9[%get3A_569] {strides = array<i32>} : memref<1024xi32, #tpu.memory_space<vmem>>, vector<16xi32>,
        %mul3A_571 = arith.constant 16 : i32
        %mul3A_572 = arith.muli %scan3A_562, %mul3A_571 : i32
        %add3A_573 = vector.broadcast %mul3A_572 : i32 to vector<16xi32>
        %add3A_574 = arith.addi %add3A_573, %iota3A : vector<16xi32>
        %eq3A_575 = arith.constant 18 : i32
        %eq3A_576 = vector.broadcast %eq3A_575 : i32 to vector<16xi32>
        %eq3A_577 = arith.cmpi eq, %get3A_566, %eq3A_576 : vector<16xi32>
        %select_n3A_578 = arith.select %eq3A_577, %broadcast_in_dim3A_5, %broadcast_in_dim3A_7 : vector<16xi1>, vector<16xf32>
        %eq3A_579 = arith.constant 16 : i32
        %eq3A_580 = vector.broadcast %eq3A_579 : i32 to vector<16xi32>
        %eq3A_581 = arith.cmpi eq, %get3A_566, %eq3A_580 : vector<16xi32>
        %or3A_582 = arith.ori %eq3A_577, %eq3A_581 : vector<16xi1>
        tpu.vector_store_idx %arg5[%broadcast_in_dim3A_9, %get3A_570, %add3A_574], %select_n3A_578 masked %or3A_582 : memref<1x40x1024xf32, #tpu.memory_space<vmem>>[vector<16xi32>, vector<16xi32>, vector<16xi32>], vector<16xf32>, vector<16xi1>
        %scan3A_583 = arith.constant 0 : i32
        scf.yield %scan3A_583 : i32
      }
      %scan3A_363 = arith.constant 64 : i32
      %dma_start3A_364 = arith.constant 720 : i32
      %dma_start3A_365 = arith.constant 0 : i32
      %dma_start3A_366 = tpu.memref_slice %arg4[%add3A, %dma_start3A_364, %dma_start3A_365] : memref<26x1000x1024xf32, #tpu.memory_space<hbm>> -> memref<1x40x1024xf32, #tpu.memory_space<hbm>>
      %dma_start3A_367 = arith.constant 720 : i32
      %dma_start3A_368 = arith.constant 0 : i32
      %dma_start3A_369 = tpu.memref_slice %arg4[%add3A, %dma_start3A_367, %dma_start3A_368] : memref<26x1000x1024xf32, #tpu.memory_space<hbm>> -> memref<1x40x1024xf32, #tpu.memory_space<hbm>>
      tpu.enqueue_dma source(%arg5 : memref<1x40x1024xf32, #tpu.memory_space<vmem>>) target(%dma_start3A_369 : memref<1x40x1024xf32, #tpu.memory_space<hbm>>) target_semaphore(%arg10 : memref<!tpu.dma_semaphore, #tpu.memory_space<semaphore_mem>>)
      %dma_wait3A_370 = arith.constant 680 : i32
      %dma_wait3A_371 = arith.constant 0 : i32
      %dma_wait3A_372 = tpu.memref_slice %arg4[%add3A, %dma_wait3A_370, %dma_wait3A_371] : memref<26x1000x1024xf32, #tpu.memory_space<hbm>> -> memref<1x40x1024xf32, #tpu.memory_space<hbm>>
      %dma_wait3A_373 = arith.constant 680 : i32
      %dma_wait3A_374 = arith.constant 0 : i32
      %dma_wait3A_375 = tpu.memref_slice %arg4[%add3A, %dma_wait3A_373, %dma_wait3A_374] : memref<26x1000x1024xf32, #tpu.memory_space<hbm>> -> memref<1x40x1024xf32, #tpu.memory_space<hbm>>
      tpu.wait_dma2 semaphore(%arg11 : memref<!tpu.dma_semaphore, #tpu.memory_space<semaphore_mem>>) src(%arg6 : memref<1x40x1024xf32, #tpu.memory_space<vmem>>) dst(%dma_wait3A_375 : memref<1x40x1024xf32, #tpu.memory_space<hbm>>)
      %scan3A_376 = arith.constant 0 : i32
      %scan3A_377 = arith.constant 0 : i32
      %scan3A_378 = arith.constant 64 : i32
      %scan3A_379 = arith.addi %scan3A_377, %scan3A_378 : i32
      %scan3A_380 = arith.constant 4 : i32
      %scan3A_381 = scf.for %scan3A_496 = %scan3A_377 to %scan3A_379 step %scan3A_380 iter_args(%scan3A_497 = %scan3A_376) -> (i32)  : i32 {
        %mul3A_498 = arith.constant 16 : i32
        %mul3A_499 = arith.muli %scan3A_496, %mul3A_498 : i32
        %get3A = arith.index_cast %mul3A_499 : i32 to index
        %get3A_500 = tpu.vector_load %arg8[%get3A] {strides = array<i32>} : memref<1024xi32, #tpu.memory_space<vmem>>, vector<16xi32>,
        %mul3A_501 = arith.constant 16 : i32
        %mul3A_502 = arith.muli %scan3A_496, %mul3A_501 : i32
        %get3A_503 = arith.index_cast %mul3A_502 : i32 to index
        %get3A_504 = tpu.vector_load %arg9[%get3A_503] {strides = array<i32>} : memref<1024xi32, #tpu.memory_space<vmem>>, vector<16xi32>,
        %mul3A_505 = arith.constant 16 : i32
        %mul3A_506 = arith.muli %scan3A_496, %mul3A_505 : i32
        %add3A_507 = vector.broadcast %mul3A_506 : i32 to vector<16xi32>
        %add3A_508 = arith.addi %add3A_507, %iota3A : vector<16xi32>
        %eq3A = arith.constant 19 : i32
        %eq3A_509 = vector.broadcast %eq3A : i32 to vector<16xi32>
        %eq3A_510 = arith.cmpi eq, %get3A_500, %eq3A_509 : vector<16xi32>
        %select_n3A = arith.select %eq3A_510, %broadcast_in_dim3A_5, %broadcast_in_dim3A_7 : vector<16xi1>, vector<16xf32>
        %eq3A_511 = arith.constant 17 : i32
        %eq3A_512 = vector.broadcast %eq3A_511 : i32 to vector<16xi32>
        %eq3A_513 = arith.cmpi eq, %get3A_500, %eq3A_512 : vector<16xi32>
        %or3A = arith.ori %eq3A_510, %eq3A_513 : vector<16xi1>
        tpu.vector_store_idx %arg6[%broadcast_in_dim3A_9, %get3A_504, %add3A_508], %select_n3A masked %or3A : memref<1x40x1024xf32, #tpu.memory_space<vmem>>[vector<16xi32>, vector<16xi32>, vector<16xi32>], vector<16xf32>, vector<16xi1>
        %scan3A_514 = arith.constant 0 : i32
        %scan3A_515 = arith.constant 1 : i32
        %scan3A_516 = arith.addi %scan3A_496, %scan3A_515 : i32
        %mul3A_517 = arith.constant 16 : i32
        %mul3A_518 = arith.muli %scan3A_516, %mul3A_517 : i32
        %get3A_519 = arith.index_cast %mul3A_518 : i32 to index
        %get3A_520 = tpu.vector_load %arg8[%get3A_519] {strides = array<i32>} : memref<1024xi32, #tpu.memory_space<vmem>>, vector<16xi32>,
        %mul3A_521 = arith.constant 16 : i32
        %mul3A_522 = arith.muli %scan3A_516, %mul3A_521 : i32
        %get3A_523 = arith.index_cast %mul3A_522 : i32 to index
        %get3A_524 = tpu.vector_load %arg9[%get3A_523] {strides = array<i32>} : memref<1024xi32, #tpu.memory_space<vmem>>, vector<16xi32>,
        %mul3A_525 = arith.constant 16 : i32
        %mul3A_526 = arith.muli %scan3A_516, %mul3A_525 : i32
        %add3A_527 = vector.broadcast %mul3A_526 : i32 to vector<16xi32>
        %add3A_528 = arith.addi %add3A_527, %iota3A : vector<16xi32>
        %eq3A_529 = arith.constant 19 : i32
        %eq3A_530 = vector.broadcast %eq3A_529 : i32 to vector<16xi32>
        %eq3A_531 = arith.cmpi eq, %get3A_520, %eq3A_530 : vector<16xi32>
        %select_n3A_532 = arith.select %eq3A_531, %broadcast_in_dim3A_5, %broadcast_in_dim3A_7 : vector<16xi1>, vector<16xf32>
        %eq3A_533 = arith.constant 17 : i32
        %eq3A_534 = vector.broadcast %eq3A_533 : i32 to vector<16xi32>
        %eq3A_535 = arith.cmpi eq, %get3A_520, %eq3A_534 : vector<16xi32>
        %or3A_536 = arith.ori %eq3A_531, %eq3A_535 : vector<16xi1>
        tpu.vector_store_idx %arg6[%broadcast_in_dim3A_9, %get3A_524, %add3A_528], %select_n3A_532 masked %or3A_536 : memref<1x40x1024xf32, #tpu.memory_space<vmem>>[vector<16xi32>, vector<16xi32>, vector<16xi32>], vector<16xf32>, vector<16xi1>
        %scan3A_537 = arith.constant 0 : i32
        %scan3A_538 = arith.constant 2 : i32
        %scan3A_539 = arith.addi %scan3A_496, %scan3A_538 : i32
        %mul3A_540 = arith.constant 16 : i32
        %mul3A_541 = arith.muli %scan3A_539, %mul3A_540 : i32
        %get3A_542 = arith.index_cast %mul3A_541 : i32 to index
        %get3A_543 = tpu.vector_load %arg8[%get3A_542] {strides = array<i32>} : memref<1024xi32, #tpu.memory_space<vmem>>, vector<16xi32>,
        %mul3A_544 = arith.constant 16 : i32
        %mul3A_545 = arith.muli %scan3A_539, %mul3A_544 : i32
        %get3A_546 = arith.index_cast %mul3A_545 : i32 to index
        %get3A_547 = tpu.vector_load %arg9[%get3A_546] {strides = array<i32>} : memref<1024xi32, #tpu.memory_space<vmem>>, vector<16xi32>,
        %mul3A_548 = arith.constant 16 : i32
        %mul3A_549 = arith.muli %scan3A_539, %mul3A_548 : i32
        %add3A_550 = vector.broadcast %mul3A_549 : i32 to vector<16xi32>
        %add3A_551 = arith.addi %add3A_550, %iota3A : vector<16xi32>
        %eq3A_552 = arith.constant 19 : i32
        %eq3A_553 = vector.broadcast %eq3A_552 : i32 to vector<16xi32>
        %eq3A_554 = arith.cmpi eq, %get3A_543, %eq3A_553 : vector<16xi32>
        %select_n3A_555 = arith.select %eq3A_554, %broadcast_in_dim3A_5, %broadcast_in_dim3A_7 : vector<16xi1>, vector<16xf32>
        %eq3A_556 = arith.constant 17 : i32
        %eq3A_557 = vector.broadcast %eq3A_556 : i32 to vector<16xi32>
        %eq3A_558 = arith.cmpi eq, %get3A_543, %eq3A_557 : vector<16xi32>
        %or3A_559 = arith.ori %eq3A_554, %eq3A_558 : vector<16xi1>
        tpu.vector_store_idx %arg6[%broadcast_in_dim3A_9, %get3A_547, %add3A_551], %select_n3A_555 masked %or3A_559 : memref<1x40x1024xf32, #tpu.memory_space<vmem>>[vector<16xi32>, vector<16xi32>, vector<16xi32>], vector<16xf32>, vector<16xi1>
        %scan3A_560 = arith.constant 0 : i32
        %scan3A_561 = arith.constant 3 : i32
        %scan3A_562 = arith.addi %scan3A_496, %scan3A_561 : i32
        %mul3A_563 = arith.constant 16 : i32
        %mul3A_564 = arith.muli %scan3A_562, %mul3A_563 : i32
        %get3A_565 = arith.index_cast %mul3A_564 : i32 to index
        %get3A_566 = tpu.vector_load %arg8[%get3A_565] {strides = array<i32>} : memref<1024xi32, #tpu.memory_space<vmem>>, vector<16xi32>,
        %mul3A_567 = arith.constant 16 : i32
        %mul3A_568 = arith.muli %scan3A_562, %mul3A_567 : i32
        %get3A_569 = arith.index_cast %mul3A_568 : i32 to index
        %get3A_570 = tpu.vector_load %arg9[%get3A_569] {strides = array<i32>} : memref<1024xi32, #tpu.memory_space<vmem>>, vector<16xi32>,
        %mul3A_571 = arith.constant 16 : i32
        %mul3A_572 = arith.muli %scan3A_562, %mul3A_571 : i32
        %add3A_573 = vector.broadcast %mul3A_572 : i32 to vector<16xi32>
        %add3A_574 = arith.addi %add3A_573, %iota3A : vector<16xi32>
        %eq3A_575 = arith.constant 19 : i32
        %eq3A_576 = vector.broadcast %eq3A_575 : i32 to vector<16xi32>
        %eq3A_577 = arith.cmpi eq, %get3A_566, %eq3A_576 : vector<16xi32>
        %select_n3A_578 = arith.select %eq3A_577, %broadcast_in_dim3A_5, %broadcast_in_dim3A_7 : vector<16xi1>, vector<16xf32>
        %eq3A_579 = arith.constant 17 : i32
        %eq3A_580 = vector.broadcast %eq3A_579 : i32 to vector<16xi32>
        %eq3A_581 = arith.cmpi eq, %get3A_566, %eq3A_580 : vector<16xi32>
        %or3A_582 = arith.ori %eq3A_577, %eq3A_581 : vector<16xi1>
        tpu.vector_store_idx %arg6[%broadcast_in_dim3A_9, %get3A_570, %add3A_574], %select_n3A_578 masked %or3A_582 : memref<1x40x1024xf32, #tpu.memory_space<vmem>>[vector<16xi32>, vector<16xi32>, vector<16xi32>], vector<16xf32>, vector<16xi1>
        %scan3A_583 = arith.constant 0 : i32
        scf.yield %scan3A_583 : i32
      }
      %scan3A_382 = arith.constant 64 : i32
      %dma_start3A_383 = arith.constant 760 : i32
      %dma_start3A_384 = arith.constant 0 : i32
      %dma_start3A_385 = tpu.memref_slice %arg4[%add3A, %dma_start3A_383, %dma_start3A_384] : memref<26x1000x1024xf32, #tpu.memory_space<hbm>> -> memref<1x40x1024xf32, #tpu.memory_space<hbm>>
      %dma_start3A_386 = arith.constant 760 : i32
      %dma_start3A_387 = arith.constant 0 : i32
      %dma_start3A_388 = tpu.memref_slice %arg4[%add3A, %dma_start3A_386, %dma_start3A_387] : memref<26x1000x1024xf32, #tpu.memory_space<hbm>> -> memref<1x40x1024xf32, #tpu.memory_space<hbm>>
      tpu.enqueue_dma source(%arg6 : memref<1x40x1024xf32, #tpu.memory_space<vmem>>) target(%dma_start3A_388 : memref<1x40x1024xf32, #tpu.memory_space<hbm>>) target_semaphore(%arg11 : memref<!tpu.dma_semaphore, #tpu.memory_space<semaphore_mem>>)
      %dma_wait3A_389 = arith.constant 720 : i32
      %dma_wait3A_390 = arith.constant 0 : i32
      %dma_wait3A_391 = tpu.memref_slice %arg4[%add3A, %dma_wait3A_389, %dma_wait3A_390] : memref<26x1000x1024xf32, #tpu.memory_space<hbm>> -> memref<1x40x1024xf32, #tpu.memory_space<hbm>>
      %dma_wait3A_392 = arith.constant 720 : i32
      %dma_wait3A_393 = arith.constant 0 : i32
      %dma_wait3A_394 = tpu.memref_slice %arg4[%add3A, %dma_wait3A_392, %dma_wait3A_393] : memref<26x1000x1024xf32, #tpu.memory_space<hbm>> -> memref<1x40x1024xf32, #tpu.memory_space<hbm>>
      tpu.wait_dma2 semaphore(%arg10 : memref<!tpu.dma_semaphore, #tpu.memory_space<semaphore_mem>>) src(%arg5 : memref<1x40x1024xf32, #tpu.memory_space<vmem>>) dst(%dma_wait3A_394 : memref<1x40x1024xf32, #tpu.memory_space<hbm>>)
      %scan3A_395 = arith.constant 0 : i32
      %scan3A_396 = arith.constant 0 : i32
      %scan3A_397 = arith.constant 64 : i32
      %scan3A_398 = arith.addi %scan3A_396, %scan3A_397 : i32
      %scan3A_399 = arith.constant 4 : i32
      %scan3A_400 = scf.for %scan3A_496 = %scan3A_396 to %scan3A_398 step %scan3A_399 iter_args(%scan3A_497 = %scan3A_395) -> (i32)  : i32 {
        %mul3A_498 = arith.constant 16 : i32
        %mul3A_499 = arith.muli %scan3A_496, %mul3A_498 : i32
        %get3A = arith.index_cast %mul3A_499 : i32 to index
        %get3A_500 = tpu.vector_load %arg8[%get3A] {strides = array<i32>} : memref<1024xi32, #tpu.memory_space<vmem>>, vector<16xi32>,
        %mul3A_501 = arith.constant 16 : i32
        %mul3A_502 = arith.muli %scan3A_496, %mul3A_501 : i32
        %get3A_503 = arith.index_cast %mul3A_502 : i32 to index
        %get3A_504 = tpu.vector_load %arg9[%get3A_503] {strides = array<i32>} : memref<1024xi32, #tpu.memory_space<vmem>>, vector<16xi32>,
        %mul3A_505 = arith.constant 16 : i32
        %mul3A_506 = arith.muli %scan3A_496, %mul3A_505 : i32
        %add3A_507 = vector.broadcast %mul3A_506 : i32 to vector<16xi32>
        %add3A_508 = arith.addi %add3A_507, %iota3A : vector<16xi32>
        %eq3A = arith.constant 20 : i32
        %eq3A_509 = vector.broadcast %eq3A : i32 to vector<16xi32>
        %eq3A_510 = arith.cmpi eq, %get3A_500, %eq3A_509 : vector<16xi32>
        %select_n3A = arith.select %eq3A_510, %broadcast_in_dim3A_5, %broadcast_in_dim3A_7 : vector<16xi1>, vector<16xf32>
        %eq3A_511 = arith.constant 18 : i32
        %eq3A_512 = vector.broadcast %eq3A_511 : i32 to vector<16xi32>
        %eq3A_513 = arith.cmpi eq, %get3A_500, %eq3A_512 : vector<16xi32>
        %or3A = arith.ori %eq3A_510, %eq3A_513 : vector<16xi1>
        tpu.vector_store_idx %arg5[%broadcast_in_dim3A_9, %get3A_504, %add3A_508], %select_n3A masked %or3A : memref<1x40x1024xf32, #tpu.memory_space<vmem>>[vector<16xi32>, vector<16xi32>, vector<16xi32>], vector<16xf32>, vector<16xi1>
        %scan3A_514 = arith.constant 0 : i32
        %scan3A_515 = arith.constant 1 : i32
        %scan3A_516 = arith.addi %scan3A_496, %scan3A_515 : i32
        %mul3A_517 = arith.constant 16 : i32
        %mul3A_518 = arith.muli %scan3A_516, %mul3A_517 : i32
        %get3A_519 = arith.index_cast %mul3A_518 : i32 to index
        %get3A_520 = tpu.vector_load %arg8[%get3A_519] {strides = array<i32>} : memref<1024xi32, #tpu.memory_space<vmem>>, vector<16xi32>,
        %mul3A_521 = arith.constant 16 : i32
        %mul3A_522 = arith.muli %scan3A_516, %mul3A_521 : i32
        %get3A_523 = arith.index_cast %mul3A_522 : i32 to index
        %get3A_524 = tpu.vector_load %arg9[%get3A_523] {strides = array<i32>} : memref<1024xi32, #tpu.memory_space<vmem>>, vector<16xi32>,
        %mul3A_525 = arith.constant 16 : i32
        %mul3A_526 = arith.muli %scan3A_516, %mul3A_525 : i32
        %add3A_527 = vector.broadcast %mul3A_526 : i32 to vector<16xi32>
        %add3A_528 = arith.addi %add3A_527, %iota3A : vector<16xi32>
        %eq3A_529 = arith.constant 20 : i32
        %eq3A_530 = vector.broadcast %eq3A_529 : i32 to vector<16xi32>
        %eq3A_531 = arith.cmpi eq, %get3A_520, %eq3A_530 : vector<16xi32>
        %select_n3A_532 = arith.select %eq3A_531, %broadcast_in_dim3A_5, %broadcast_in_dim3A_7 : vector<16xi1>, vector<16xf32>
        %eq3A_533 = arith.constant 18 : i32
        %eq3A_534 = vector.broadcast %eq3A_533 : i32 to vector<16xi32>
        %eq3A_535 = arith.cmpi eq, %get3A_520, %eq3A_534 : vector<16xi32>
        %or3A_536 = arith.ori %eq3A_531, %eq3A_535 : vector<16xi1>
        tpu.vector_store_idx %arg5[%broadcast_in_dim3A_9, %get3A_524, %add3A_528], %select_n3A_532 masked %or3A_536 : memref<1x40x1024xf32, #tpu.memory_space<vmem>>[vector<16xi32>, vector<16xi32>, vector<16xi32>], vector<16xf32>, vector<16xi1>
        %scan3A_537 = arith.constant 0 : i32
        %scan3A_538 = arith.constant 2 : i32
        %scan3A_539 = arith.addi %scan3A_496, %scan3A_538 : i32
        %mul3A_540 = arith.constant 16 : i32
        %mul3A_541 = arith.muli %scan3A_539, %mul3A_540 : i32
        %get3A_542 = arith.index_cast %mul3A_541 : i32 to index
        %get3A_543 = tpu.vector_load %arg8[%get3A_542] {strides = array<i32>} : memref<1024xi32, #tpu.memory_space<vmem>>, vector<16xi32>,
        %mul3A_544 = arith.constant 16 : i32
        %mul3A_545 = arith.muli %scan3A_539, %mul3A_544 : i32
        %get3A_546 = arith.index_cast %mul3A_545 : i32 to index
        %get3A_547 = tpu.vector_load %arg9[%get3A_546] {strides = array<i32>} : memref<1024xi32, #tpu.memory_space<vmem>>, vector<16xi32>,
        %mul3A_548 = arith.constant 16 : i32
        %mul3A_549 = arith.muli %scan3A_539, %mul3A_548 : i32
        %add3A_550 = vector.broadcast %mul3A_549 : i32 to vector<16xi32>
        %add3A_551 = arith.addi %add3A_550, %iota3A : vector<16xi32>
        %eq3A_552 = arith.constant 20 : i32
        %eq3A_553 = vector.broadcast %eq3A_552 : i32 to vector<16xi32>
        %eq3A_554 = arith.cmpi eq, %get3A_543, %eq3A_553 : vector<16xi32>
        %select_n3A_555 = arith.select %eq3A_554, %broadcast_in_dim3A_5, %broadcast_in_dim3A_7 : vector<16xi1>, vector<16xf32>
        %eq3A_556 = arith.constant 18 : i32
        %eq3A_557 = vector.broadcast %eq3A_556 : i32 to vector<16xi32>
        %eq3A_558 = arith.cmpi eq, %get3A_543, %eq3A_557 : vector<16xi32>
        %or3A_559 = arith.ori %eq3A_554, %eq3A_558 : vector<16xi1>
        tpu.vector_store_idx %arg5[%broadcast_in_dim3A_9, %get3A_547, %add3A_551], %select_n3A_555 masked %or3A_559 : memref<1x40x1024xf32, #tpu.memory_space<vmem>>[vector<16xi32>, vector<16xi32>, vector<16xi32>], vector<16xf32>, vector<16xi1>
        %scan3A_560 = arith.constant 0 : i32
        %scan3A_561 = arith.constant 3 : i32
        %scan3A_562 = arith.addi %scan3A_496, %scan3A_561 : i32
        %mul3A_563 = arith.constant 16 : i32
        %mul3A_564 = arith.muli %scan3A_562, %mul3A_563 : i32
        %get3A_565 = arith.index_cast %mul3A_564 : i32 to index
        %get3A_566 = tpu.vector_load %arg8[%get3A_565] {strides = array<i32>} : memref<1024xi32, #tpu.memory_space<vmem>>, vector<16xi32>,
        %mul3A_567 = arith.constant 16 : i32
        %mul3A_568 = arith.muli %scan3A_562, %mul3A_567 : i32
        %get3A_569 = arith.index_cast %mul3A_568 : i32 to index
        %get3A_570 = tpu.vector_load %arg9[%get3A_569] {strides = array<i32>} : memref<1024xi32, #tpu.memory_space<vmem>>, vector<16xi32>,
        %mul3A_571 = arith.constant 16 : i32
        %mul3A_572 = arith.muli %scan3A_562, %mul3A_571 : i32
        %add3A_573 = vector.broadcast %mul3A_572 : i32 to vector<16xi32>
        %add3A_574 = arith.addi %add3A_573, %iota3A : vector<16xi32>
        %eq3A_575 = arith.constant 20 : i32
        %eq3A_576 = vector.broadcast %eq3A_575 : i32 to vector<16xi32>
        %eq3A_577 = arith.cmpi eq, %get3A_566, %eq3A_576 : vector<16xi32>
        %select_n3A_578 = arith.select %eq3A_577, %broadcast_in_dim3A_5, %broadcast_in_dim3A_7 : vector<16xi1>, vector<16xf32>
        %eq3A_579 = arith.constant 18 : i32
        %eq3A_580 = vector.broadcast %eq3A_579 : i32 to vector<16xi32>
        %eq3A_581 = arith.cmpi eq, %get3A_566, %eq3A_580 : vector<16xi32>
        %or3A_582 = arith.ori %eq3A_577, %eq3A_581 : vector<16xi1>
        tpu.vector_store_idx %arg5[%broadcast_in_dim3A_9, %get3A_570, %add3A_574], %select_n3A_578 masked %or3A_582 : memref<1x40x1024xf32, #tpu.memory_space<vmem>>[vector<16xi32>, vector<16xi32>, vector<16xi32>], vector<16xf32>, vector<16xi1>
        %scan3A_583 = arith.constant 0 : i32
        scf.yield %scan3A_583 : i32
      }
      %scan3A_401 = arith.constant 64 : i32
      %dma_start3A_402 = arith.constant 800 : i32
      %dma_start3A_403 = arith.constant 0 : i32
      %dma_start3A_404 = tpu.memref_slice %arg4[%add3A, %dma_start3A_402, %dma_start3A_403] : memref<26x1000x1024xf32, #tpu.memory_space<hbm>> -> memref<1x40x1024xf32, #tpu.memory_space<hbm>>
      %dma_start3A_405 = arith.constant 800 : i32
      %dma_start3A_406 = arith.constant 0 : i32
      %dma_start3A_407 = tpu.memref_slice %arg4[%add3A, %dma_start3A_405, %dma_start3A_406] : memref<26x1000x1024xf32, #tpu.memory_space<hbm>> -> memref<1x40x1024xf32, #tpu.memory_space<hbm>>
      tpu.enqueue_dma source(%arg5 : memref<1x40x1024xf32, #tpu.memory_space<vmem>>) target(%dma_start3A_407 : memref<1x40x1024xf32, #tpu.memory_space<hbm>>) target_semaphore(%arg10 : memref<!tpu.dma_semaphore, #tpu.memory_space<semaphore_mem>>)
      %dma_wait3A_408 = arith.constant 760 : i32
      %dma_wait3A_409 = arith.constant 0 : i32
      %dma_wait3A_410 = tpu.memref_slice %arg4[%add3A, %dma_wait3A_408, %dma_wait3A_409] : memref<26x1000x1024xf32, #tpu.memory_space<hbm>> -> memref<1x40x1024xf32, #tpu.memory_space<hbm>>
      %dma_wait3A_411 = arith.constant 760 : i32
      %dma_wait3A_412 = arith.constant 0 : i32
      %dma_wait3A_413 = tpu.memref_slice %arg4[%add3A, %dma_wait3A_411, %dma_wait3A_412] : memref<26x1000x1024xf32, #tpu.memory_space<hbm>> -> memref<1x40x1024xf32, #tpu.memory_space<hbm>>
      tpu.wait_dma2 semaphore(%arg11 : memref<!tpu.dma_semaphore, #tpu.memory_space<semaphore_mem>>) src(%arg6 : memref<1x40x1024xf32, #tpu.memory_space<vmem>>) dst(%dma_wait3A_413 : memref<1x40x1024xf32, #tpu.memory_space<hbm>>)
      %scan3A_414 = arith.constant 0 : i32
      %scan3A_415 = arith.constant 0 : i32
      %scan3A_416 = arith.constant 64 : i32
      %scan3A_417 = arith.addi %scan3A_415, %scan3A_416 : i32
      %scan3A_418 = arith.constant 4 : i32
      %scan3A_419 = scf.for %scan3A_496 = %scan3A_415 to %scan3A_417 step %scan3A_418 iter_args(%scan3A_497 = %scan3A_414) -> (i32)  : i32 {
        %mul3A_498 = arith.constant 16 : i32
        %mul3A_499 = arith.muli %scan3A_496, %mul3A_498 : i32
        %get3A = arith.index_cast %mul3A_499 : i32 to index
        %get3A_500 = tpu.vector_load %arg8[%get3A] {strides = array<i32>} : memref<1024xi32, #tpu.memory_space<vmem>>, vector<16xi32>,
        %mul3A_501 = arith.constant 16 : i32
        %mul3A_502 = arith.muli %scan3A_496, %mul3A_501 : i32
        %get3A_503 = arith.index_cast %mul3A_502 : i32 to index
        %get3A_504 = tpu.vector_load %arg9[%get3A_503] {strides = array<i32>} : memref<1024xi32, #tpu.memory_space<vmem>>, vector<16xi32>,
        %mul3A_505 = arith.constant 16 : i32
        %mul3A_506 = arith.muli %scan3A_496, %mul3A_505 : i32
        %add3A_507 = vector.broadcast %mul3A_506 : i32 to vector<16xi32>
        %add3A_508 = arith.addi %add3A_507, %iota3A : vector<16xi32>
        %eq3A = arith.constant 21 : i32
        %eq3A_509 = vector.broadcast %eq3A : i32 to vector<16xi32>
        %eq3A_510 = arith.cmpi eq, %get3A_500, %eq3A_509 : vector<16xi32>
        %select_n3A = arith.select %eq3A_510, %broadcast_in_dim3A_5, %broadcast_in_dim3A_7 : vector<16xi1>, vector<16xf32>
        %eq3A_511 = arith.constant 19 : i32
        %eq3A_512 = vector.broadcast %eq3A_511 : i32 to vector<16xi32>
        %eq3A_513 = arith.cmpi eq, %get3A_500, %eq3A_512 : vector<16xi32>
        %or3A = arith.ori %eq3A_510, %eq3A_513 : vector<16xi1>
        tpu.vector_store_idx %arg6[%broadcast_in_dim3A_9, %get3A_504, %add3A_508], %select_n3A masked %or3A : memref<1x40x1024xf32, #tpu.memory_space<vmem>>[vector<16xi32>, vector<16xi32>, vector<16xi32>], vector<16xf32>, vector<16xi1>
        %scan3A_514 = arith.constant 0 : i32
        %scan3A_515 = arith.constant 1 : i32
        %scan3A_516 = arith.addi %scan3A_496, %scan3A_515 : i32
        %mul3A_517 = arith.constant 16 : i32
        %mul3A_518 = arith.muli %scan3A_516, %mul3A_517 : i32
        %get3A_519 = arith.index_cast %mul3A_518 : i32 to index
        %get3A_520 = tpu.vector_load %arg8[%get3A_519] {strides = array<i32>} : memref<1024xi32, #tpu.memory_space<vmem>>, vector<16xi32>,
        %mul3A_521 = arith.constant 16 : i32
        %mul3A_522 = arith.muli %scan3A_516, %mul3A_521 : i32
        %get3A_523 = arith.index_cast %mul3A_522 : i32 to index
        %get3A_524 = tpu.vector_load %arg9[%get3A_523] {strides = array<i32>} : memref<1024xi32, #tpu.memory_space<vmem>>, vector<16xi32>,
        %mul3A_525 = arith.constant 16 : i32
        %mul3A_526 = arith.muli %scan3A_516, %mul3A_525 : i32
        %add3A_527 = vector.broadcast %mul3A_526 : i32 to vector<16xi32>
        %add3A_528 = arith.addi %add3A_527, %iota3A : vector<16xi32>
        %eq3A_529 = arith.constant 21 : i32
        %eq3A_530 = vector.broadcast %eq3A_529 : i32 to vector<16xi32>
        %eq3A_531 = arith.cmpi eq, %get3A_520, %eq3A_530 : vector<16xi32>
        %select_n3A_532 = arith.select %eq3A_531, %broadcast_in_dim3A_5, %broadcast_in_dim3A_7 : vector<16xi1>, vector<16xf32>
        %eq3A_533 = arith.constant 19 : i32
        %eq3A_534 = vector.broadcast %eq3A_533 : i32 to vector<16xi32>
        %eq3A_535 = arith.cmpi eq, %get3A_520, %eq3A_534 : vector<16xi32>
        %or3A_536 = arith.ori %eq3A_531, %eq3A_535 : vector<16xi1>
        tpu.vector_store_idx %arg6[%broadcast_in_dim3A_9, %get3A_524, %add3A_528], %select_n3A_532 masked %or3A_536 : memref<1x40x1024xf32, #tpu.memory_space<vmem>>[vector<16xi32>, vector<16xi32>, vector<16xi32>], vector<16xf32>, vector<16xi1>
        %scan3A_537 = arith.constant 0 : i32
        %scan3A_538 = arith.constant 2 : i32
        %scan3A_539 = arith.addi %scan3A_496, %scan3A_538 : i32
        %mul3A_540 = arith.constant 16 : i32
        %mul3A_541 = arith.muli %scan3A_539, %mul3A_540 : i32
        %get3A_542 = arith.index_cast %mul3A_541 : i32 to index
        %get3A_543 = tpu.vector_load %arg8[%get3A_542] {strides = array<i32>} : memref<1024xi32, #tpu.memory_space<vmem>>, vector<16xi32>,
        %mul3A_544 = arith.constant 16 : i32
        %mul3A_545 = arith.muli %scan3A_539, %mul3A_544 : i32
        %get3A_546 = arith.index_cast %mul3A_545 : i32 to index
        %get3A_547 = tpu.vector_load %arg9[%get3A_546] {strides = array<i32>} : memref<1024xi32, #tpu.memory_space<vmem>>, vector<16xi32>,
        %mul3A_548 = arith.constant 16 : i32
        %mul3A_549 = arith.muli %scan3A_539, %mul3A_548 : i32
        %add3A_550 = vector.broadcast %mul3A_549 : i32 to vector<16xi32>
        %add3A_551 = arith.addi %add3A_550, %iota3A : vector<16xi32>
        %eq3A_552 = arith.constant 21 : i32
        %eq3A_553 = vector.broadcast %eq3A_552 : i32 to vector<16xi32>
        %eq3A_554 = arith.cmpi eq, %get3A_543, %eq3A_553 : vector<16xi32>
        %select_n3A_555 = arith.select %eq3A_554, %broadcast_in_dim3A_5, %broadcast_in_dim3A_7 : vector<16xi1>, vector<16xf32>
        %eq3A_556 = arith.constant 19 : i32
        %eq3A_557 = vector.broadcast %eq3A_556 : i32 to vector<16xi32>
        %eq3A_558 = arith.cmpi eq, %get3A_543, %eq3A_557 : vector<16xi32>
        %or3A_559 = arith.ori %eq3A_554, %eq3A_558 : vector<16xi1>
        tpu.vector_store_idx %arg6[%broadcast_in_dim3A_9, %get3A_547, %add3A_551], %select_n3A_555 masked %or3A_559 : memref<1x40x1024xf32, #tpu.memory_space<vmem>>[vector<16xi32>, vector<16xi32>, vector<16xi32>], vector<16xf32>, vector<16xi1>
        %scan3A_560 = arith.constant 0 : i32
        %scan3A_561 = arith.constant 3 : i32
        %scan3A_562 = arith.addi %scan3A_496, %scan3A_561 : i32
        %mul3A_563 = arith.constant 16 : i32
        %mul3A_564 = arith.muli %scan3A_562, %mul3A_563 : i32
        %get3A_565 = arith.index_cast %mul3A_564 : i32 to index
        %get3A_566 = tpu.vector_load %arg8[%get3A_565] {strides = array<i32>} : memref<1024xi32, #tpu.memory_space<vmem>>, vector<16xi32>,
        %mul3A_567 = arith.constant 16 : i32
        %mul3A_568 = arith.muli %scan3A_562, %mul3A_567 : i32
        %get3A_569 = arith.index_cast %mul3A_568 : i32 to index
        %get3A_570 = tpu.vector_load %arg9[%get3A_569] {strides = array<i32>} : memref<1024xi32, #tpu.memory_space<vmem>>, vector<16xi32>,
        %mul3A_571 = arith.constant 16 : i32
        %mul3A_572 = arith.muli %scan3A_562, %mul3A_571 : i32
        %add3A_573 = vector.broadcast %mul3A_572 : i32 to vector<16xi32>
        %add3A_574 = arith.addi %add3A_573, %iota3A : vector<16xi32>
        %eq3A_575 = arith.constant 21 : i32
        %eq3A_576 = vector.broadcast %eq3A_575 : i32 to vector<16xi32>
        %eq3A_577 = arith.cmpi eq, %get3A_566, %eq3A_576 : vector<16xi32>
        %select_n3A_578 = arith.select %eq3A_577, %broadcast_in_dim3A_5, %broadcast_in_dim3A_7 : vector<16xi1>, vector<16xf32>
        %eq3A_579 = arith.constant 19 : i32
        %eq3A_580 = vector.broadcast %eq3A_579 : i32 to vector<16xi32>
        %eq3A_581 = arith.cmpi eq, %get3A_566, %eq3A_580 : vector<16xi32>
        %or3A_582 = arith.ori %eq3A_577, %eq3A_581 : vector<16xi1>
        tpu.vector_store_idx %arg6[%broadcast_in_dim3A_9, %get3A_570, %add3A_574], %select_n3A_578 masked %or3A_582 : memref<1x40x1024xf32, #tpu.memory_space<vmem>>[vector<16xi32>, vector<16xi32>, vector<16xi32>], vector<16xf32>, vector<16xi1>
        %scan3A_583 = arith.constant 0 : i32
        scf.yield %scan3A_583 : i32
      }
      %scan3A_420 = arith.constant 64 : i32
      %dma_start3A_421 = arith.constant 840 : i32
      %dma_start3A_422 = arith.constant 0 : i32
      %dma_start3A_423 = tpu.memref_slice %arg4[%add3A, %dma_start3A_421, %dma_start3A_422] : memref<26x1000x1024xf32, #tpu.memory_space<hbm>> -> memref<1x40x1024xf32, #tpu.memory_space<hbm>>
      %dma_start3A_424 = arith.constant 840 : i32
      %dma_start3A_425 = arith.constant 0 : i32
      %dma_start3A_426 = tpu.memref_slice %arg4[%add3A, %dma_start3A_424, %dma_start3A_425] : memref<26x1000x1024xf32, #tpu.memory_space<hbm>> -> memref<1x40x1024xf32, #tpu.memory_space<hbm>>
      tpu.enqueue_dma source(%arg6 : memref<1x40x1024xf32, #tpu.memory_space<vmem>>) target(%dma_start3A_426 : memref<1x40x1024xf32, #tpu.memory_space<hbm>>) target_semaphore(%arg11 : memref<!tpu.dma_semaphore, #tpu.memory_space<semaphore_mem>>)
      %dma_wait3A_427 = arith.constant 800 : i32
      %dma_wait3A_428 = arith.constant 0 : i32
      %dma_wait3A_429 = tpu.memref_slice %arg4[%add3A, %dma_wait3A_427, %dma_wait3A_428] : memref<26x1000x1024xf32, #tpu.memory_space<hbm>> -> memref<1x40x1024xf32, #tpu.memory_space<hbm>>
      %dma_wait3A_430 = arith.constant 800 : i32
      %dma_wait3A_431 = arith.constant 0 : i32
      %dma_wait3A_432 = tpu.memref_slice %arg4[%add3A, %dma_wait3A_430, %dma_wait3A_431] : memref<26x1000x1024xf32, #tpu.memory_space<hbm>> -> memref<1x40x1024xf32, #tpu.memory_space<hbm>>
      tpu.wait_dma2 semaphore(%arg10 : memref<!tpu.dma_semaphore, #tpu.memory_space<semaphore_mem>>) src(%arg5 : memref<1x40x1024xf32, #tpu.memory_space<vmem>>) dst(%dma_wait3A_432 : memref<1x40x1024xf32, #tpu.memory_space<hbm>>)
      %scan3A_433 = arith.constant 0 : i32
      %scan3A_434 = arith.constant 0 : i32
      %scan3A_435 = arith.constant 64 : i32
      %scan3A_436 = arith.addi %scan3A_434, %scan3A_435 : i32
      %scan3A_437 = arith.constant 4 : i32
      %scan3A_438 = scf.for %scan3A_496 = %scan3A_434 to %scan3A_436 step %scan3A_437 iter_args(%scan3A_497 = %scan3A_433) -> (i32)  : i32 {
        %mul3A_498 = arith.constant 16 : i32
        %mul3A_499 = arith.muli %scan3A_496, %mul3A_498 : i32
        %get3A = arith.index_cast %mul3A_499 : i32 to index
        %get3A_500 = tpu.vector_load %arg8[%get3A] {strides = array<i32>} : memref<1024xi32, #tpu.memory_space<vmem>>, vector<16xi32>,
        %mul3A_501 = arith.constant 16 : i32
        %mul3A_502 = arith.muli %scan3A_496, %mul3A_501 : i32
        %get3A_503 = arith.index_cast %mul3A_502 : i32 to index
        %get3A_504 = tpu.vector_load %arg9[%get3A_503] {strides = array<i32>} : memref<1024xi32, #tpu.memory_space<vmem>>, vector<16xi32>,
        %mul3A_505 = arith.constant 16 : i32
        %mul3A_506 = arith.muli %scan3A_496, %mul3A_505 : i32
        %add3A_507 = vector.broadcast %mul3A_506 : i32 to vector<16xi32>
        %add3A_508 = arith.addi %add3A_507, %iota3A : vector<16xi32>
        %eq3A = arith.constant 22 : i32
        %eq3A_509 = vector.broadcast %eq3A : i32 to vector<16xi32>
        %eq3A_510 = arith.cmpi eq, %get3A_500, %eq3A_509 : vector<16xi32>
        %select_n3A = arith.select %eq3A_510, %broadcast_in_dim3A_5, %broadcast_in_dim3A_7 : vector<16xi1>, vector<16xf32>
        %eq3A_511 = arith.constant 20 : i32
        %eq3A_512 = vector.broadcast %eq3A_511 : i32 to vector<16xi32>
        %eq3A_513 = arith.cmpi eq, %get3A_500, %eq3A_512 : vector<16xi32>
        %or3A = arith.ori %eq3A_510, %eq3A_513 : vector<16xi1>
        tpu.vector_store_idx %arg5[%broadcast_in_dim3A_9, %get3A_504, %add3A_508], %select_n3A masked %or3A : memref<1x40x1024xf32, #tpu.memory_space<vmem>>[vector<16xi32>, vector<16xi32>, vector<16xi32>], vector<16xf32>, vector<16xi1>
        %scan3A_514 = arith.constant 0 : i32
        %scan3A_515 = arith.constant 1 : i32
        %scan3A_516 = arith.addi %scan3A_496, %scan3A_515 : i32
        %mul3A_517 = arith.constant 16 : i32
        %mul3A_518 = arith.muli %scan3A_516, %mul3A_517 : i32
        %get3A_519 = arith.index_cast %mul3A_518 : i32 to index
        %get3A_520 = tpu.vector_load %arg8[%get3A_519] {strides = array<i32>} : memref<1024xi32, #tpu.memory_space<vmem>>, vector<16xi32>,
        %mul3A_521 = arith.constant 16 : i32
        %mul3A_522 = arith.muli %scan3A_516, %mul3A_521 : i32
        %get3A_523 = arith.index_cast %mul3A_522 : i32 to index
        %get3A_524 = tpu.vector_load %arg9[%get3A_523] {strides = array<i32>} : memref<1024xi32, #tpu.memory_space<vmem>>, vector<16xi32>,
        %mul3A_525 = arith.constant 16 : i32
        %mul3A_526 = arith.muli %scan3A_516, %mul3A_525 : i32
        %add3A_527 = vector.broadcast %mul3A_526 : i32 to vector<16xi32>
        %add3A_528 = arith.addi %add3A_527, %iota3A : vector<16xi32>
        %eq3A_529 = arith.constant 22 : i32
        %eq3A_530 = vector.broadcast %eq3A_529 : i32 to vector<16xi32>
        %eq3A_531 = arith.cmpi eq, %get3A_520, %eq3A_530 : vector<16xi32>
        %select_n3A_532 = arith.select %eq3A_531, %broadcast_in_dim3A_5, %broadcast_in_dim3A_7 : vector<16xi1>, vector<16xf32>
        %eq3A_533 = arith.constant 20 : i32
        %eq3A_534 = vector.broadcast %eq3A_533 : i32 to vector<16xi32>
        %eq3A_535 = arith.cmpi eq, %get3A_520, %eq3A_534 : vector<16xi32>
        %or3A_536 = arith.ori %eq3A_531, %eq3A_535 : vector<16xi1>
        tpu.vector_store_idx %arg5[%broadcast_in_dim3A_9, %get3A_524, %add3A_528], %select_n3A_532 masked %or3A_536 : memref<1x40x1024xf32, #tpu.memory_space<vmem>>[vector<16xi32>, vector<16xi32>, vector<16xi32>], vector<16xf32>, vector<16xi1>
        %scan3A_537 = arith.constant 0 : i32
        %scan3A_538 = arith.constant 2 : i32
        %scan3A_539 = arith.addi %scan3A_496, %scan3A_538 : i32
        %mul3A_540 = arith.constant 16 : i32
        %mul3A_541 = arith.muli %scan3A_539, %mul3A_540 : i32
        %get3A_542 = arith.index_cast %mul3A_541 : i32 to index
        %get3A_543 = tpu.vector_load %arg8[%get3A_542] {strides = array<i32>} : memref<1024xi32, #tpu.memory_space<vmem>>, vector<16xi32>,
        %mul3A_544 = arith.constant 16 : i32
        %mul3A_545 = arith.muli %scan3A_539, %mul3A_544 : i32
        %get3A_546 = arith.index_cast %mul3A_545 : i32 to index
        %get3A_547 = tpu.vector_load %arg9[%get3A_546] {strides = array<i32>} : memref<1024xi32, #tpu.memory_space<vmem>>, vector<16xi32>,
        %mul3A_548 = arith.constant 16 : i32
        %mul3A_549 = arith.muli %scan3A_539, %mul3A_548 : i32
        %add3A_550 = vector.broadcast %mul3A_549 : i32 to vector<16xi32>
        %add3A_551 = arith.addi %add3A_550, %iota3A : vector<16xi32>
        %eq3A_552 = arith.constant 22 : i32
        %eq3A_553 = vector.broadcast %eq3A_552 : i32 to vector<16xi32>
        %eq3A_554 = arith.cmpi eq, %get3A_543, %eq3A_553 : vector<16xi32>
        %select_n3A_555 = arith.select %eq3A_554, %broadcast_in_dim3A_5, %broadcast_in_dim3A_7 : vector<16xi1>, vector<16xf32>
        %eq3A_556 = arith.constant 20 : i32
        %eq3A_557 = vector.broadcast %eq3A_556 : i32 to vector<16xi32>
        %eq3A_558 = arith.cmpi eq, %get3A_543, %eq3A_557 : vector<16xi32>
        %or3A_559 = arith.ori %eq3A_554, %eq3A_558 : vector<16xi1>
        tpu.vector_store_idx %arg5[%broadcast_in_dim3A_9, %get3A_547, %add3A_551], %select_n3A_555 masked %or3A_559 : memref<1x40x1024xf32, #tpu.memory_space<vmem>>[vector<16xi32>, vector<16xi32>, vector<16xi32>], vector<16xf32>, vector<16xi1>
        %scan3A_560 = arith.constant 0 : i32
        %scan3A_561 = arith.constant 3 : i32
        %scan3A_562 = arith.addi %scan3A_496, %scan3A_561 : i32
        %mul3A_563 = arith.constant 16 : i32
        %mul3A_564 = arith.muli %scan3A_562, %mul3A_563 : i32
        %get3A_565 = arith.index_cast %mul3A_564 : i32 to index
        %get3A_566 = tpu.vector_load %arg8[%get3A_565] {strides = array<i32>} : memref<1024xi32, #tpu.memory_space<vmem>>, vector<16xi32>,
        %mul3A_567 = arith.constant 16 : i32
        %mul3A_568 = arith.muli %scan3A_562, %mul3A_567 : i32
        %get3A_569 = arith.index_cast %mul3A_568 : i32 to index
        %get3A_570 = tpu.vector_load %arg9[%get3A_569] {strides = array<i32>} : memref<1024xi32, #tpu.memory_space<vmem>>, vector<16xi32>,
        %mul3A_571 = arith.constant 16 : i32
        %mul3A_572 = arith.muli %scan3A_562, %mul3A_571 : i32
        %add3A_573 = vector.broadcast %mul3A_572 : i32 to vector<16xi32>
        %add3A_574 = arith.addi %add3A_573, %iota3A : vector<16xi32>
        %eq3A_575 = arith.constant 22 : i32
        %eq3A_576 = vector.broadcast %eq3A_575 : i32 to vector<16xi32>
        %eq3A_577 = arith.cmpi eq, %get3A_566, %eq3A_576 : vector<16xi32>
        %select_n3A_578 = arith.select %eq3A_577, %broadcast_in_dim3A_5, %broadcast_in_dim3A_7 : vector<16xi1>, vector<16xf32>
        %eq3A_579 = arith.constant 20 : i32
        %eq3A_580 = vector.broadcast %eq3A_579 : i32 to vector<16xi32>
        %eq3A_581 = arith.cmpi eq, %get3A_566, %eq3A_580 : vector<16xi32>
        %or3A_582 = arith.ori %eq3A_577, %eq3A_581 : vector<16xi1>
        tpu.vector_store_idx %arg5[%broadcast_in_dim3A_9, %get3A_570, %add3A_574], %select_n3A_578 masked %or3A_582 : memref<1x40x1024xf32, #tpu.memory_space<vmem>>[vector<16xi32>, vector<16xi32>, vector<16xi32>], vector<16xf32>, vector<16xi1>
        %scan3A_583 = arith.constant 0 : i32
        scf.yield %scan3A_583 : i32
      }
      %scan3A_439 = arith.constant 64 : i32
      %dma_start3A_440 = arith.constant 880 : i32
      %dma_start3A_441 = arith.constant 0 : i32
      %dma_start3A_442 = tpu.memref_slice %arg4[%add3A, %dma_start3A_440, %dma_start3A_441] : memref<26x1000x1024xf32, #tpu.memory_space<hbm>> -> memref<1x40x1024xf32, #tpu.memory_space<hbm>>
      %dma_start3A_443 = arith.constant 880 : i32
      %dma_start3A_444 = arith.constant 0 : i32
      %dma_start3A_445 = tpu.memref_slice %arg4[%add3A, %dma_start3A_443, %dma_start3A_444] : memref<26x1000x1024xf32, #tpu.memory_space<hbm>> -> memref<1x40x1024xf32, #tpu.memory_space<hbm>>
      tpu.enqueue_dma source(%arg5 : memref<1x40x1024xf32, #tpu.memory_space<vmem>>) target(%dma_start3A_445 : memref<1x40x1024xf32, #tpu.memory_space<hbm>>) target_semaphore(%arg10 : memref<!tpu.dma_semaphore, #tpu.memory_space<semaphore_mem>>)
      %dma_wait3A_446 = arith.constant 840 : i32
      %dma_wait3A_447 = arith.constant 0 : i32
      %dma_wait3A_448 = tpu.memref_slice %arg4[%add3A, %dma_wait3A_446, %dma_wait3A_447] : memref<26x1000x1024xf32, #tpu.memory_space<hbm>> -> memref<1x40x1024xf32, #tpu.memory_space<hbm>>
      %dma_wait3A_449 = arith.constant 840 : i32
      %dma_wait3A_450 = arith.constant 0 : i32
      %dma_wait3A_451 = tpu.memref_slice %arg4[%add3A, %dma_wait3A_449, %dma_wait3A_450] : memref<26x1000x1024xf32, #tpu.memory_space<hbm>> -> memref<1x40x1024xf32, #tpu.memory_space<hbm>>
      tpu.wait_dma2 semaphore(%arg11 : memref<!tpu.dma_semaphore, #tpu.memory_space<semaphore_mem>>) src(%arg6 : memref<1x40x1024xf32, #tpu.memory_space<vmem>>) dst(%dma_wait3A_451 : memref<1x40x1024xf32, #tpu.memory_space<hbm>>)
      %scan3A_452 = arith.constant 0 : i32
      %scan3A_453 = arith.constant 0 : i32
      %scan3A_454 = arith.constant 64 : i32
      %scan3A_455 = arith.addi %scan3A_453, %scan3A_454 : i32
      %scan3A_456 = arith.constant 4 : i32
      %scan3A_457 = scf.for %scan3A_496 = %scan3A_453 to %scan3A_455 step %scan3A_456 iter_args(%scan3A_497 = %scan3A_452) -> (i32)  : i32 {
        %mul3A_498 = arith.constant 16 : i32
        %mul3A_499 = arith.muli %scan3A_496, %mul3A_498 : i32
        %get3A = arith.index_cast %mul3A_499 : i32 to index
        %get3A_500 = tpu.vector_load %arg8[%get3A] {strides = array<i32>} : memref<1024xi32, #tpu.memory_space<vmem>>, vector<16xi32>,
        %mul3A_501 = arith.constant 16 : i32
        %mul3A_502 = arith.muli %scan3A_496, %mul3A_501 : i32
        %get3A_503 = arith.index_cast %mul3A_502 : i32 to index
        %get3A_504 = tpu.vector_load %arg9[%get3A_503] {strides = array<i32>} : memref<1024xi32, #tpu.memory_space<vmem>>, vector<16xi32>,
        %mul3A_505 = arith.constant 16 : i32
        %mul3A_506 = arith.muli %scan3A_496, %mul3A_505 : i32
        %add3A_507 = vector.broadcast %mul3A_506 : i32 to vector<16xi32>
        %add3A_508 = arith.addi %add3A_507, %iota3A : vector<16xi32>
        %eq3A = arith.constant 23 : i32
        %eq3A_509 = vector.broadcast %eq3A : i32 to vector<16xi32>
        %eq3A_510 = arith.cmpi eq, %get3A_500, %eq3A_509 : vector<16xi32>
        %select_n3A = arith.select %eq3A_510, %broadcast_in_dim3A_5, %broadcast_in_dim3A_7 : vector<16xi1>, vector<16xf32>
        %eq3A_511 = arith.constant 21 : i32
        %eq3A_512 = vector.broadcast %eq3A_511 : i32 to vector<16xi32>
        %eq3A_513 = arith.cmpi eq, %get3A_500, %eq3A_512 : vector<16xi32>
        %or3A = arith.ori %eq3A_510, %eq3A_513 : vector<16xi1>
        tpu.vector_store_idx %arg6[%broadcast_in_dim3A_9, %get3A_504, %add3A_508], %select_n3A masked %or3A : memref<1x40x1024xf32, #tpu.memory_space<vmem>>[vector<16xi32>, vector<16xi32>, vector<16xi32>], vector<16xf32>, vector<16xi1>
        %scan3A_514 = arith.constant 0 : i32
        %scan3A_515 = arith.constant 1 : i32
        %scan3A_516 = arith.addi %scan3A_496, %scan3A_515 : i32
        %mul3A_517 = arith.constant 16 : i32
        %mul3A_518 = arith.muli %scan3A_516, %mul3A_517 : i32
        %get3A_519 = arith.index_cast %mul3A_518 : i32 to index
        %get3A_520 = tpu.vector_load %arg8[%get3A_519] {strides = array<i32>} : memref<1024xi32, #tpu.memory_space<vmem>>, vector<16xi32>,
        %mul3A_521 = arith.constant 16 : i32
        %mul3A_522 = arith.muli %scan3A_516, %mul3A_521 : i32
        %get3A_523 = arith.index_cast %mul3A_522 : i32 to index
        %get3A_524 = tpu.vector_load %arg9[%get3A_523] {strides = array<i32>} : memref<1024xi32, #tpu.memory_space<vmem>>, vector<16xi32>,
        %mul3A_525 = arith.constant 16 : i32
        %mul3A_526 = arith.muli %scan3A_516, %mul3A_525 : i32
        %add3A_527 = vector.broadcast %mul3A_526 : i32 to vector<16xi32>
        %add3A_528 = arith.addi %add3A_527, %iota3A : vector<16xi32>
        %eq3A_529 = arith.constant 23 : i32
        %eq3A_530 = vector.broadcast %eq3A_529 : i32 to vector<16xi32>
        %eq3A_531 = arith.cmpi eq, %get3A_520, %eq3A_530 : vector<16xi32>
        %select_n3A_532 = arith.select %eq3A_531, %broadcast_in_dim3A_5, %broadcast_in_dim3A_7 : vector<16xi1>, vector<16xf32>
        %eq3A_533 = arith.constant 21 : i32
        %eq3A_534 = vector.broadcast %eq3A_533 : i32 to vector<16xi32>
        %eq3A_535 = arith.cmpi eq, %get3A_520, %eq3A_534 : vector<16xi32>
        %or3A_536 = arith.ori %eq3A_531, %eq3A_535 : vector<16xi1>
        tpu.vector_store_idx %arg6[%broadcast_in_dim3A_9, %get3A_524, %add3A_528], %select_n3A_532 masked %or3A_536 : memref<1x40x1024xf32, #tpu.memory_space<vmem>>[vector<16xi32>, vector<16xi32>, vector<16xi32>], vector<16xf32>, vector<16xi1>
        %scan3A_537 = arith.constant 0 : i32
        %scan3A_538 = arith.constant 2 : i32
        %scan3A_539 = arith.addi %scan3A_496, %scan3A_538 : i32
        %mul3A_540 = arith.constant 16 : i32
        %mul3A_541 = arith.muli %scan3A_539, %mul3A_540 : i32
        %get3A_542 = arith.index_cast %mul3A_541 : i32 to index
        %get3A_543 = tpu.vector_load %arg8[%get3A_542] {strides = array<i32>} : memref<1024xi32, #tpu.memory_space<vmem>>, vector<16xi32>,
        %mul3A_544 = arith.constant 16 : i32
        %mul3A_545 = arith.muli %scan3A_539, %mul3A_544 : i32
        %get3A_546 = arith.index_cast %mul3A_545 : i32 to index
        %get3A_547 = tpu.vector_load %arg9[%get3A_546] {strides = array<i32>} : memref<1024xi32, #tpu.memory_space<vmem>>, vector<16xi32>,
        %mul3A_548 = arith.constant 16 : i32
        %mul3A_549 = arith.muli %scan3A_539, %mul3A_548 : i32
        %add3A_550 = vector.broadcast %mul3A_549 : i32 to vector<16xi32>
        %add3A_551 = arith.addi %add3A_550, %iota3A : vector<16xi32>
        %eq3A_552 = arith.constant 23 : i32
        %eq3A_553 = vector.broadcast %eq3A_552 : i32 to vector<16xi32>
        %eq3A_554 = arith.cmpi eq, %get3A_543, %eq3A_553 : vector<16xi32>
        %select_n3A_555 = arith.select %eq3A_554, %broadcast_in_dim3A_5, %broadcast_in_dim3A_7 : vector<16xi1>, vector<16xf32>
        %eq3A_556 = arith.constant 21 : i32
        %eq3A_557 = vector.broadcast %eq3A_556 : i32 to vector<16xi32>
        %eq3A_558 = arith.cmpi eq, %get3A_543, %eq3A_557 : vector<16xi32>
        %or3A_559 = arith.ori %eq3A_554, %eq3A_558 : vector<16xi1>
        tpu.vector_store_idx %arg6[%broadcast_in_dim3A_9, %get3A_547, %add3A_551], %select_n3A_555 masked %or3A_559 : memref<1x40x1024xf32, #tpu.memory_space<vmem>>[vector<16xi32>, vector<16xi32>, vector<16xi32>], vector<16xf32>, vector<16xi1>
        %scan3A_560 = arith.constant 0 : i32
        %scan3A_561 = arith.constant 3 : i32
        %scan3A_562 = arith.addi %scan3A_496, %scan3A_561 : i32
        %mul3A_563 = arith.constant 16 : i32
        %mul3A_564 = arith.muli %scan3A_562, %mul3A_563 : i32
        %get3A_565 = arith.index_cast %mul3A_564 : i32 to index
        %get3A_566 = tpu.vector_load %arg8[%get3A_565] {strides = array<i32>} : memref<1024xi32, #tpu.memory_space<vmem>>, vector<16xi32>,
        %mul3A_567 = arith.constant 16 : i32
        %mul3A_568 = arith.muli %scan3A_562, %mul3A_567 : i32
        %get3A_569 = arith.index_cast %mul3A_568 : i32 to index
        %get3A_570 = tpu.vector_load %arg9[%get3A_569] {strides = array<i32>} : memref<1024xi32, #tpu.memory_space<vmem>>, vector<16xi32>,
        %mul3A_571 = arith.constant 16 : i32
        %mul3A_572 = arith.muli %scan3A_562, %mul3A_571 : i32
        %add3A_573 = vector.broadcast %mul3A_572 : i32 to vector<16xi32>
        %add3A_574 = arith.addi %add3A_573, %iota3A : vector<16xi32>
        %eq3A_575 = arith.constant 23 : i32
        %eq3A_576 = vector.broadcast %eq3A_575 : i32 to vector<16xi32>
        %eq3A_577 = arith.cmpi eq, %get3A_566, %eq3A_576 : vector<16xi32>
        %select_n3A_578 = arith.select %eq3A_577, %broadcast_in_dim3A_5, %broadcast_in_dim3A_7 : vector<16xi1>, vector<16xf32>
        %eq3A_579 = arith.constant 21 : i32
        %eq3A_580 = vector.broadcast %eq3A_579 : i32 to vector<16xi32>
        %eq3A_581 = arith.cmpi eq, %get3A_566, %eq3A_580 : vector<16xi32>
        %or3A_582 = arith.ori %eq3A_577, %eq3A_581 : vector<16xi1>
        tpu.vector_store_idx %arg6[%broadcast_in_dim3A_9, %get3A_570, %add3A_574], %select_n3A_578 masked %or3A_582 : memref<1x40x1024xf32, #tpu.memory_space<vmem>>[vector<16xi32>, vector<16xi32>, vector<16xi32>], vector<16xf32>, vector<16xi1>
        %scan3A_583 = arith.constant 0 : i32
        scf.yield %scan3A_583 : i32
      }
      %scan3A_458 = arith.constant 64 : i32
      %dma_start3A_459 = arith.constant 920 : i32
      %dma_start3A_460 = arith.constant 0 : i32
      %dma_start3A_461 = tpu.memref_slice %arg4[%add3A, %dma_start3A_459, %dma_start3A_460] : memref<26x1000x1024xf32, #tpu.memory_space<hbm>> -> memref<1x40x1024xf32, #tpu.memory_space<hbm>>
      %dma_start3A_462 = arith.constant 920 : i32
      %dma_start3A_463 = arith.constant 0 : i32
      %dma_start3A_464 = tpu.memref_slice %arg4[%add3A, %dma_start3A_462, %dma_start3A_463] : memref<26x1000x1024xf32, #tpu.memory_space<hbm>> -> memref<1x40x1024xf32, #tpu.memory_space<hbm>>
      tpu.enqueue_dma source(%arg6 : memref<1x40x1024xf32, #tpu.memory_space<vmem>>) target(%dma_start3A_464 : memref<1x40x1024xf32, #tpu.memory_space<hbm>>) target_semaphore(%arg11 : memref<!tpu.dma_semaphore, #tpu.memory_space<semaphore_mem>>)
      %dma_wait3A_465 = arith.constant 880 : i32
      %dma_wait3A_466 = arith.constant 0 : i32
      %dma_wait3A_467 = tpu.memref_slice %arg4[%add3A, %dma_wait3A_465, %dma_wait3A_466] : memref<26x1000x1024xf32, #tpu.memory_space<hbm>> -> memref<1x40x1024xf32, #tpu.memory_space<hbm>>
      %dma_wait3A_468 = arith.constant 880 : i32
      %dma_wait3A_469 = arith.constant 0 : i32
      %dma_wait3A_470 = tpu.memref_slice %arg4[%add3A, %dma_wait3A_468, %dma_wait3A_469] : memref<26x1000x1024xf32, #tpu.memory_space<hbm>> -> memref<1x40x1024xf32, #tpu.memory_space<hbm>>
      tpu.wait_dma2 semaphore(%arg10 : memref<!tpu.dma_semaphore, #tpu.memory_space<semaphore_mem>>) src(%arg5 : memref<1x40x1024xf32, #tpu.memory_space<vmem>>) dst(%dma_wait3A_470 : memref<1x40x1024xf32, #tpu.memory_space<hbm>>)
      %scan3A_471 = arith.constant 0 : i32
      %scan3A_472 = arith.constant 0 : i32
      %scan3A_473 = arith.constant 64 : i32
      %scan3A_474 = arith.addi %scan3A_472, %scan3A_473 : i32
      %scan3A_475 = arith.constant 4 : i32
      %scan3A_476 = scf.for %scan3A_496 = %scan3A_472 to %scan3A_474 step %scan3A_475 iter_args(%scan3A_497 = %scan3A_471) -> (i32)  : i32 {
        %mul3A_498 = arith.constant 16 : i32
        %mul3A_499 = arith.muli %scan3A_496, %mul3A_498 : i32
        %get3A = arith.index_cast %mul3A_499 : i32 to index
        %get3A_500 = tpu.vector_load %arg8[%get3A] {strides = array<i32>} : memref<1024xi32, #tpu.memory_space<vmem>>, vector<16xi32>,
        %mul3A_501 = arith.constant 16 : i32
        %mul3A_502 = arith.muli %scan3A_496, %mul3A_501 : i32
        %get3A_503 = arith.index_cast %mul3A_502 : i32 to index
        %get3A_504 = tpu.vector_load %arg9[%get3A_503] {strides = array<i32>} : memref<1024xi32, #tpu.memory_space<vmem>>, vector<16xi32>,
        %mul3A_505 = arith.constant 16 : i32
        %mul3A_506 = arith.muli %scan3A_496, %mul3A_505 : i32
        %add3A_507 = vector.broadcast %mul3A_506 : i32 to vector<16xi32>
        %add3A_508 = arith.addi %add3A_507, %iota3A : vector<16xi32>
        %eq3A = arith.constant 24 : i32
        %eq3A_509 = vector.broadcast %eq3A : i32 to vector<16xi32>
        %eq3A_510 = arith.cmpi eq, %get3A_500, %eq3A_509 : vector<16xi32>
        %select_n3A = arith.select %eq3A_510, %broadcast_in_dim3A_5, %broadcast_in_dim3A_7 : vector<16xi1>, vector<16xf32>
        %eq3A_511 = arith.constant 22 : i32
        %eq3A_512 = vector.broadcast %eq3A_511 : i32 to vector<16xi32>
        %eq3A_513 = arith.cmpi eq, %get3A_500, %eq3A_512 : vector<16xi32>
        %or3A = arith.ori %eq3A_510, %eq3A_513 : vector<16xi1>
        tpu.vector_store_idx %arg5[%broadcast_in_dim3A_9, %get3A_504, %add3A_508], %select_n3A masked %or3A : memref<1x40x1024xf32, #tpu.memory_space<vmem>>[vector<16xi32>, vector<16xi32>, vector<16xi32>], vector<16xf32>, vector<16xi1>
        %scan3A_514 = arith.constant 0 : i32
        %scan3A_515 = arith.constant 1 : i32
        %scan3A_516 = arith.addi %scan3A_496, %scan3A_515 : i32
        %mul3A_517 = arith.constant 16 : i32
        %mul3A_518 = arith.muli %scan3A_516, %mul3A_517 : i32
        %get3A_519 = arith.index_cast %mul3A_518 : i32 to index
        %get3A_520 = tpu.vector_load %arg8[%get3A_519] {strides = array<i32>} : memref<1024xi32, #tpu.memory_space<vmem>>, vector<16xi32>,
        %mul3A_521 = arith.constant 16 : i32
        %mul3A_522 = arith.muli %scan3A_516, %mul3A_521 : i32
        %get3A_523 = arith.index_cast %mul3A_522 : i32 to index
        %get3A_524 = tpu.vector_load %arg9[%get3A_523] {strides = array<i32>} : memref<1024xi32, #tpu.memory_space<vmem>>, vector<16xi32>,
        %mul3A_525 = arith.constant 16 : i32
        %mul3A_526 = arith.muli %scan3A_516, %mul3A_525 : i32
        %add3A_527 = vector.broadcast %mul3A_526 : i32 to vector<16xi32>
        %add3A_528 = arith.addi %add3A_527, %iota3A : vector<16xi32>
        %eq3A_529 = arith.constant 24 : i32
        %eq3A_530 = vector.broadcast %eq3A_529 : i32 to vector<16xi32>
        %eq3A_531 = arith.cmpi eq, %get3A_520, %eq3A_530 : vector<16xi32>
        %select_n3A_532 = arith.select %eq3A_531, %broadcast_in_dim3A_5, %broadcast_in_dim3A_7 : vector<16xi1>, vector<16xf32>
        %eq3A_533 = arith.constant 22 : i32
        %eq3A_534 = vector.broadcast %eq3A_533 : i32 to vector<16xi32>
        %eq3A_535 = arith.cmpi eq, %get3A_520, %eq3A_534 : vector<16xi32>
        %or3A_536 = arith.ori %eq3A_531, %eq3A_535 : vector<16xi1>
        tpu.vector_store_idx %arg5[%broadcast_in_dim3A_9, %get3A_524, %add3A_528], %select_n3A_532 masked %or3A_536 : memref<1x40x1024xf32, #tpu.memory_space<vmem>>[vector<16xi32>, vector<16xi32>, vector<16xi32>], vector<16xf32>, vector<16xi1>
        %scan3A_537 = arith.constant 0 : i32
        %scan3A_538 = arith.constant 2 : i32
        %scan3A_539 = arith.addi %scan3A_496, %scan3A_538 : i32
        %mul3A_540 = arith.constant 16 : i32
        %mul3A_541 = arith.muli %scan3A_539, %mul3A_540 : i32
        %get3A_542 = arith.index_cast %mul3A_541 : i32 to index
        %get3A_543 = tpu.vector_load %arg8[%get3A_542] {strides = array<i32>} : memref<1024xi32, #tpu.memory_space<vmem>>, vector<16xi32>,
        %mul3A_544 = arith.constant 16 : i32
        %mul3A_545 = arith.muli %scan3A_539, %mul3A_544 : i32
        %get3A_546 = arith.index_cast %mul3A_545 : i32 to index
        %get3A_547 = tpu.vector_load %arg9[%get3A_546] {strides = array<i32>} : memref<1024xi32, #tpu.memory_space<vmem>>, vector<16xi32>,
        %mul3A_548 = arith.constant 16 : i32
        %mul3A_549 = arith.muli %scan3A_539, %mul3A_548 : i32
        %add3A_550 = vector.broadcast %mul3A_549 : i32 to vector<16xi32>
        %add3A_551 = arith.addi %add3A_550, %iota3A : vector<16xi32>
        %eq3A_552 = arith.constant 24 : i32
        %eq3A_553 = vector.broadcast %eq3A_552 : i32 to vector<16xi32>
        %eq3A_554 = arith.cmpi eq, %get3A_543, %eq3A_553 : vector<16xi32>
        %select_n3A_555 = arith.select %eq3A_554, %broadcast_in_dim3A_5, %broadcast_in_dim3A_7 : vector<16xi1>, vector<16xf32>
        %eq3A_556 = arith.constant 22 : i32
        %eq3A_557 = vector.broadcast %eq3A_556 : i32 to vector<16xi32>
        %eq3A_558 = arith.cmpi eq, %get3A_543, %eq3A_557 : vector<16xi32>
        %or3A_559 = arith.ori %eq3A_554, %eq3A_558 : vector<16xi1>
        tpu.vector_store_idx %arg5[%broadcast_in_dim3A_9, %get3A_547, %add3A_551], %select_n3A_555 masked %or3A_559 : memref<1x40x1024xf32, #tpu.memory_space<vmem>>[vector<16xi32>, vector<16xi32>, vector<16xi32>], vector<16xf32>, vector<16xi1>
        %scan3A_560 = arith.constant 0 : i32
        %scan3A_561 = arith.constant 3 : i32
        %scan3A_562 = arith.addi %scan3A_496, %scan3A_561 : i32
        %mul3A_563 = arith.constant 16 : i32
        %mul3A_564 = arith.muli %scan3A_562, %mul3A_563 : i32
        %get3A_565 = arith.index_cast %mul3A_564 : i32 to index
        %get3A_566 = tpu.vector_load %arg8[%get3A_565] {strides = array<i32>} : memref<1024xi32, #tpu.memory_space<vmem>>, vector<16xi32>,
        %mul3A_567 = arith.constant 16 : i32
        %mul3A_568 = arith.muli %scan3A_562, %mul3A_567 : i32
        %get3A_569 = arith.index_cast %mul3A_568 : i32 to index
        %get3A_570 = tpu.vector_load %arg9[%get3A_569] {strides = array<i32>} : memref<1024xi32, #tpu.memory_space<vmem>>, vector<16xi32>,
        %mul3A_571 = arith.constant 16 : i32
        %mul3A_572 = arith.muli %scan3A_562, %mul3A_571 : i32
        %add3A_573 = vector.broadcast %mul3A_572 : i32 to vector<16xi32>
        %add3A_574 = arith.addi %add3A_573, %iota3A : vector<16xi32>
        %eq3A_575 = arith.constant 24 : i32
        %eq3A_576 = vector.broadcast %eq3A_575 : i32 to vector<16xi32>
        %eq3A_577 = arith.cmpi eq, %get3A_566, %eq3A_576 : vector<16xi32>
        %select_n3A_578 = arith.select %eq3A_577, %broadcast_in_dim3A_5, %broadcast_in_dim3A_7 : vector<16xi1>, vector<16xf32>
        %eq3A_579 = arith.constant 22 : i32
        %eq3A_580 = vector.broadcast %eq3A_579 : i32 to vector<16xi32>
        %eq3A_581 = arith.cmpi eq, %get3A_566, %eq3A_580 : vector<16xi32>
        %or3A_582 = arith.ori %eq3A_577, %eq3A_581 : vector<16xi1>
        tpu.vector_store_idx %arg5[%broadcast_in_dim3A_9, %get3A_570, %add3A_574], %select_n3A_578 masked %or3A_582 : memref<1x40x1024xf32, #tpu.memory_space<vmem>>[vector<16xi32>, vector<16xi32>, vector<16xi32>], vector<16xf32>, vector<16xi1>
        %scan3A_583 = arith.constant 0 : i32
        scf.yield %scan3A_583 : i32
      }
      %scan3A_477 = arith.constant 64 : i32
      %dma_start3A_478 = arith.constant 960 : i32
      %dma_start3A_479 = arith.constant 0 : i32
      %dma_start3A_480 = tpu.memref_slice %arg4[%add3A, %dma_start3A_478, %dma_start3A_479] : memref<26x1000x1024xf32, #tpu.memory_space<hbm>> -> memref<1x40x1024xf32, #tpu.memory_space<hbm>>
      %dma_start3A_481 = arith.constant 960 : i32
      %dma_start3A_482 = arith.constant 0 : i32
      %dma_start3A_483 = tpu.memref_slice %arg4[%add3A, %dma_start3A_481, %dma_start3A_482] : memref<26x1000x1024xf32, #tpu.memory_space<hbm>> -> memref<1x40x1024xf32, #tpu.memory_space<hbm>>
      tpu.enqueue_dma source(%arg5 : memref<1x40x1024xf32, #tpu.memory_space<vmem>>) target(%dma_start3A_483 : memref<1x40x1024xf32, #tpu.memory_space<hbm>>) target_semaphore(%arg10 : memref<!tpu.dma_semaphore, #tpu.memory_space<semaphore_mem>>)
      %dma_wait3A_484 = arith.constant 960 : i32
      %dma_wait3A_485 = arith.constant 0 : i32
      %dma_wait3A_486 = tpu.memref_slice %arg4[%add3A, %dma_wait3A_484, %dma_wait3A_485] : memref<26x1000x1024xf32, #tpu.memory_space<hbm>> -> memref<1x40x1024xf32, #tpu.memory_space<hbm>>
      %dma_wait3A_487 = arith.constant 960 : i32
      %dma_wait3A_488 = arith.constant 0 : i32
      %dma_wait3A_489 = tpu.memref_slice %arg4[%add3A, %dma_wait3A_487, %dma_wait3A_488] : memref<26x1000x1024xf32, #tpu.memory_space<hbm>> -> memref<1x40x1024xf32, #tpu.memory_space<hbm>>
      tpu.wait_dma2 semaphore(%arg10 : memref<!tpu.dma_semaphore, #tpu.memory_space<semaphore_mem>>) src(%arg5 : memref<1x40x1024xf32, #tpu.memory_space<vmem>>) dst(%dma_wait3A_489 : memref<1x40x1024xf32, #tpu.memory_space<hbm>>)
      %dma_wait3A_490 = arith.constant 920 : i32
      %dma_wait3A_491 = arith.constant 0 : i32
      %dma_wait3A_492 = tpu.memref_slice %arg4[%add3A, %dma_wait3A_490, %dma_wait3A_491] : memref<26x1000x1024xf32, #tpu.memory_space<hbm>> -> memref<1x40x1024xf32, #tpu.memory_space<hbm>>
      %dma_wait3A_493 = arith.constant 920 : i32
      %dma_wait3A_494 = arith.constant 0 : i32
      %dma_wait3A_495 = tpu.memref_slice %arg4[%add3A, %dma_wait3A_493, %dma_wait3A_494] : memref<26x1000x1024xf32, #tpu.memory_space<hbm>> -> memref<1x40x1024xf32, #tpu.memory_space<hbm>>
      tpu.wait_dma2 semaphore(%arg11 : memref<!tpu.dma_semaphore, #tpu.memory_space<semaphore_mem>>) src(%arg6 : memref<1x40x1024xf32, #tpu.memory_space<vmem>>) dst(%dma_wait3A_495 : memref<1x40x1024xf32, #tpu.memory_space<hbm>>)
    } else {
    }
    return
  }
}

</mosaic_0001>

<sc_bundles>
// kernel: kernel.3.cloned.1.call-start
scs
__scs_entry_jumppad:
0x0: {  	(pc) =	sbr.rel $0x88, $3  }
0x1: {  	(tag) =	ssettag $0x0;
	lr =	simm.s32 $0x1  }
0x2: {  	[smem:$0x3FA0] =	sst lr;
	_ =	strace $0xD0000000  }
0x3: {  	_ = 	snop  }
0x4: {  	_ = 	snop  }
0x5: {  	_ = 	snop  }
0x6: {  	_ = 	snop  }
0x7: {  	_ = 	snop  }
__scs_overlays_trampoline_lowered:
0x8: {  	[smem:$0x3FAF] =	sst s0  }
0x9: {  	[smem:$0x3FB0] =	sst s1  }
0xa: {  	[smem:$0x3FB1] =	sst s2  }
0xb: {  	[smem:$0x3FB2] =	sst s3  }
0xc: {  	[smem:$0x3FB3] =	sst s4  }
0xd: {  	[smem:$0x3FB4] =	sst s5  }
0xe: {  	[smem:$0x3FB5] =	sst s6  }
0xf: {  	[smem:$0x3FB6] =	sst s7  }
0x10: {  	[smem:$0x3FB7] =	sst s8  }
0x11: {  	[smem:$0x3FB8] =	sst s9;
	s0 =	simm.s32 @!p0 $0x0  }
0x12: {  	s1 =	sld [smem:$0x3F9E];
	s0 =	simm.s32 @p0 $0x1  }
0x13: {  	[smem:$0x3FB9] =	sst s0;
	s0 =	simm.s32 @!p1 $0x0  }
0x14: {  	s2 =	sld [smem:$0x3F9D];
	s0 =	simm.s32 @p1 $0x1  }
0x15: {  	[smem:$0x3FBA] =	sst s0;
	s0 =	simm.s32 @!p2 $0x0  }
0x16: {  	s3 =	sld [smem:$0x3FDB];
	s0 =	simm.s32 @p2 $0x1  }
0x17: {  	s4 =	simm.s32 $0x1BF5;
	[smem:$0x3FBC] =	sst s0  }
0x18: {  	s0 =	sld [smem:$0x3F9F];
	_ =	swait.ge [sflag:s4], $0x0  }
0x19: {  	s7 =	sld [smem:$0x3FA0]  }
0x1a: {  	s8 =	sadd.s32 $0xFFFFE003, lr  }
0x1b: {  	s9 =	sadd.s32 $0xFFFFFEF7, lr;
	s5 =	simm.s32 $0xFFFFFFFF;
	p2 =	slt.u32 s8, $0xFFFFF086  }
0x1c: {  	p1 =	slt.u32 s9, $0xF7A;
	s5 =	simm.s32 @!p2 $0x0  }
0x1d: {  	s5 =	simm.s32 @p1 $0x1;
	p0 =	seq.s32 s7, s2  }
0x1e: {  	s7 =	smul.u32 @!p0 $0xF7A, s2;
	p2 =	seq.s32 @!p0 s5, $0x0  }
0x1f: {  	s9 =	smul.u32 $0xF7A, s1;
	s8 =	simm.s32 @!p0 $0x1BF5;
	p2 =	por !p2, p0  }
0x20: {  	[sflag:s8] =	ssyncset.s32 @!p0 $0xFFFFF086;
	s6 =	sadd.s32 @!p0 s3, s7;
	s7 =	simm.s32 @!p0 $0x108  }
0x21: {  	s3 =	sadd.s32 s3, s9;
	s6 =	sadd.s32 @!p0 $0x88, s6;
	s7 =	simm.s32 @p2 $0x1082  }
0x22: {  	[simem:s7], [sflag:s8] =	dma.local @!p0 [hbm:s6], $0xF7A  }
0x23: {  	s9 =	sor.u32 $0xD0000000, s2;
	s6 =	simm.s32 $0x108;
	_ =	swait.ge @!p0 [sflag:s8], $0x0  }
0x24: {  	s3 =	sadd.s32 $0x88, s3;
	s6 =	simm.s32 @!p1 $0x1082;
	[sflag:s4] =	ssyncset.s32 $0xFFFFF086  }
0x25: {  	[simem:s6], [sflag:s4] =	dma.local [hbm:s3], $0xF7A  }
0x26: {  	[smem:$0x3FA0] =	sst s1;
	(tag) =	ssettag s2;
	_ =	strace s9  }
0x27: {  	s1 =	sld [smem:$0x3FB0]  }
0x28: {  	s2 =	sld [smem:$0x3FB1]  }
0x29: {  	s4 =	sld [smem:$0x3FB3]  }
0x2a: {  	p0 =	seq.s32 s5, $0x0;
	s5 =	sld [smem:$0x3FB4]  }
0x2b: {  	s6 =	sld [smem:$0x3FB5]  }
0x2c: {  	s7 =	sld [smem:$0x3FB6]  }
0x2d: {  	s3 =	simm.s32 $0x108;
	s8 =	sld [smem:$0x3FB7]  }
0x2e: {  	s3 =	simm.s32 @!p0 $0x1082;
	s9 =	sld [smem:$0x3FB8]  }
0x2f: {  	lr =	sadd.s32 s0, s3;
	s0 =	sld [smem:$0x3FAF]  }
0x30: {  	s3 =	sld [smem:$0x3FB2]  }
0x31: {  	[smem:$0x3FBB] =	sst s10  }
0x32: {  	s10 =	sld [smem:$0x3FB9];
	_ =	sdelay $0x3  }
0x33: {  	p0 =	seq.s32 s10, $0x1;
	s10 =	sld [smem:$0x3FBB];
	_ =	sdelay $0x3  }
0x34: {  	[smem:$0x3FBB] =	sst s10  }
0x35: {  	s10 =	sld [smem:$0x3FBA];
	_ =	sdelay $0x3  }
0x36: {  	p1 =	seq.s32 s10, $0x1;
	s10 =	sld [smem:$0x3FBB];
	_ =	sdelay $0x3  }
0x37: {  	[smem:$0x3FBB] =	sst s10  }
0x38: {  	s10 =	sld [smem:$0x3FBC]  }
0x39: {  	_ = 	snop;
	(pc) =	sbr.ind lr, $3  }
0x3a: {  	_ = 	snop  }
0x3b: {  	_ = 	snop  }
0x3c: {  	p2 =	seq.s32 s10, $0x1;
	s10 =	sld [smem:$0x3FBB]  }
0x3d: {  	_ =	shalt  }
0x3e: {  	_ =	shalt  }
0x3f: {  	_ =	shalt  }
0x40: {  	_ =	shalt  }
0x41: {  	_ =	shalt  }
0x42: {  	_ =	shalt  }
0x43: {  	_ =	shalt  }
0x44: {  	_ =	shalt  }
0x45: {  	_ =	shalt  }
0x46: {  	_ =	shalt  }
0x47: {  	_ =	shalt  }
0x48: {  	_ =	shalt  }
0x49: {  	_ =	shalt  }
0x4a: {  	_ =	shalt  }
0x4b: {  	_ =	shalt  }
0x4c: {  	_ =	shalt  }
0x4d: {  	_ =	shalt  }
0x4e: {  	_ =	shalt  }
0x4f: {  	_ =	shalt  }
0x50: {  	_ =	shalt  }
0x51: {  	_ =	shalt  }
0x52: {  	_ =	shalt  }
0x53: {  	_ =	shalt  }
0x54: {  	_ =	shalt  }
0x55: {  	_ =	shalt  }
0x56: {  	_ =	shalt  }
0x57: {  	_ =	shalt  }
0x58: {  	_ =	shalt  }
0x59: {  	_ =	shalt  }
0x5a: {  	_ =	shalt  }
0x5b: {  	_ =	shalt  }
0x5c: {  	_ =	shalt  }
0x5d: {  	_ =	shalt  }
0x5e: {  	_ =	shalt  }
0x5f: {  	_ =	shalt  }
0x60: {  	_ =	shalt  }
0x61: {  	_ =	shalt  }
0x62: {  	_ =	shalt  }
0x63: {  	_ =	shalt  }
0x64: {  	_ =	shalt  }
0x65: {  	_ =	shalt  }
0x66: {  	_ =	shalt  }
0x67: {  	_ =	shalt  }
0x68: {  	_ =	shalt  }
0x69: {  	_ =	shalt  }
0x6a: {  	_ =	shalt  }
0x6b: {  	_ =	shalt  }
0x6c: {  	_ =	shalt  }
0x6d: {  	_ =	shalt  }
0x6e: {  	_ =	shalt  }
0x6f: {  	_ =	shalt  }
0x70: {  	_ =	shalt  }
0x71: {  	_ =	shalt  }
0x72: {  	_ =	shalt  }
0x73: {  	_ =	shalt  }
0x74: {  	_ =	shalt  }
0x75: {  	_ =	shalt  }
0x76: {  	_ =	shalt  }
0x77: {  	_ =	shalt  }
0x78: {  	_ =	shalt  }
0x79: {  	_ =	shalt  }
0x7a: {  	_ =	shalt  }
0x7b: {  	_ =	shalt  }
0x7c: {  	_ =	shalt  }
0x7d: {  	_ =	shalt  }
0x7e: {  	_ =	shalt  }
0x7f: {  	_ =	shalt  }
0x80: {  	_ =	shalt  }
0x81: {  	_ =	shalt  }
0x82: {  	_ =	shalt  }
0x83: {  	_ =	shalt  }
0x84: {  	_ =	shalt  }
0x85: {  	_ =	shalt  }
0x86: {  	_ =	shalt  }
0x87: {  	_ =	shalt  }
.Lfunc_end0:
.L_simem_size_0:
called_computation_lowered:
.L_overlay_start_0:
0x88: {  	s2 =	sld [smem:$0x3FD9]  }
0x89: {  	s3 =	sld [smem:$0x3FFE];
	_ =	sdelay $0x1  }
0x8a: {  	s1 =	srdreg.scid  }
0x8b: {  	s0 =	sand.u32 $0x1, s1  }
0x8c: {  	s17 =	sshll.u32 s0, $0xA;
	s2 =	sadd.s32 s3, s2  }
0x8d: {  	s2 =	sadd.s32 s2, s17  }
0x8e: {  	[smem:$0x3FC7] =	sst s2  }
0x8f: {  	_ = 	snop  }
0x90: {  	s2 =	sld [smem:$0x3FD0];
	(tm) =	ssettm $0x1  }
0x91: {  	s18 =	sld [smem:$0x3FFB];
	_ =	sdelay $0x3  }
0x92: {  	_ =	strace s18  }
0x93: {  	s3 =	sld [smem:$0x3FFC];
	_ =	sdelay $0x3  }
0x94: {  	_ =	strace s3  }
0x95: {  	s3 =	sld [smem:$0x3FFD];
	_ =	sdelay $0x3  }
0x96: {  	_ =	strace s3  }
0x97: {  	_ =	strace $0x8FFFFFFF  }
0x98: {  	s19 =	sld [smem:$0x3FDB];
	_ =	sdelay $0x1  }
0x99: {  	s4 =	simm.s32 $_scs_section_size  }
0x9a: {  	s5 =	simm.s32 $_size__tile_overlayer_lowered;
	s6 =	simm.s32 $_tile_overlayer_lowered  }
0x9b: {  	s22 =	simm.s32 $0x1BFF;
	s21 =	sshll.u32 s6, $0x1;
	s3 =	sadd.s32 s4, s19  }
0x9c: {  	s7 =	simm.s32 $0x0;
	s20 =	sshll.u32 s5, $0x1;
	s5 =	sadd.s32 s21, s3  }
0x9d: {  	[timem:s7], [sflag:s22] =	dma.local [hbm:s5], s20  }
0x9e: {  	_ =	swait.ge [sflag:s22], s20  }
0x9f: {  	s4 =	ssub.s32 $0x0, s20;
	[sflag:s22] =	ssyncset.done $0x0  }
0xa0: {  	[sflag:s22] =	ssyncadd.s32 s4;
	_ =	sdelay $0x1  }
0xa1: {  	s23 =	simm.s32 $0x1B8B  }
0xa2: {  	_ =	swait.ge [sflag:s23], $0x1  }
0xa3: {  	[sflag:s23] =	ssyncset.done $0x0  }
0xa4: {  	s25 =	simm.s32 $0x1B8E;
	s24 =	sld [smem:$0x3FFE];
	[sflag:s23] =	ssyncadd.s32 $0xFFFFFFFF  }
0xa5: {  	s26 =	simm.s32 $execute0_lowered;
	[smem:$0x3FD2] =	sst s25  }
0xa6: {  	s5 =	sshll.u32 s26, $0x1;
	_ =	strace $0x80000046;
	[dreg:$0x1] =	wrdreg $0xFFFFFFFF  }
0xa7: {  	s28 =	simm.s32 $_size_execute0_lowered;
	s3 =	sadd.s32 s3, s5;
	[dreg:$0x0] =	wrdreg $0x0  }
0xa8: {  	s5 =	sshll.u32 s28, $0x1;
	[dreg:$0x2] =	wrdreg s3  }
0xa9: {  	[dreg:$0x3] =	wrdreg s5  }
0xaa: {  	[dreg:$0x4] =	wrdreg $0xC0  }
0xab: {  	_ =	task [dreg:s7], $0x5FFFF  }
0xac: {  	[dreg:$0x1] =	wrdreg $0xFFFFFFFF  }
0xad: {  	[dreg:$0x0] =	wrdreg $0x60  }
0xae: {  	[dreg:$0x2] =	wrdreg s24  }
0xaf: {  	[dreg:$0x3] =	wrdreg s2  }
0xb0: {  	[dreg:$0x4] =	wrdreg $0x9  }
0xb1: {  	_ =	task.clear_ibuf [dreg:s7], $0x5FFFF;
	_ =	strace $0x90000046  }
0xb2: {  	s29 =	simm.s32 $0x9;
	_ =	strace $0x80000048  }
0xb3: {  	_ =	swait.ge [sflag:s29], $0x1  }
0xb4: {  	[sflag:s29] =	ssyncadd.s32 $0xFFFFFFFF  }
0xb5: {  	_ =	strace $0x90000048  }
0xb6: {  	_ =	sfence  }
0xb7: {  	s30 =	sld [smem:$0x0];
	_ =	sdelay $0x2  }
0xb8: {  	s31 =	sshll.u32 s1, $0xD;
	s1 =	sshrl.u32 s1, $0x2  }
0xb9: {  	s3 =	sand.u32 $0x4000, s31;
	s1 =	sadd.s32 s1, s30  }
0xba: {  	s0 =	sor.u32 s3, s0;
	s1 =	sshll.u32 s1, $0x11  }
0xbb: {  	s0 =	sor.u32 s1, s0  }
0xbc: {  	s0 =	sadd.s32 $0x8F2B, s0  }
0xbd: {  	[sflag:s0] =	ssyncadd.remote.s32 $0x1  }
0xbe: {  	_ =	sfence.sel $0xFFFF  }
0xbf: {  	[dreg:$0x0] =	wrdreg $0xFFFFFFFF;
	(pc) =	sbr.abs _section_cstart, $3  }
0xc0: {  	[dreg:$0x1] =	wrdreg $0xFFFFFFFF  }
0xc1: {  	_ =	task.clear_ibuf [dreg:s7], $0x2FFFF;
	_ =	strace $0x9FFFFFFF  }
0xc2: {  	(tm) =	ssettm $0x7FFFFFFF  }
0xc3: {  	_ =	shalt  }
tec
execute0_lowered:
.L_overlay_start_1:
0x0: {  	(tag) =	ssettag $0x1  }
0x1: {  	s3 =	stileid.u32  }
0x2: {  	p0 =	sgt.u32 s3, $0xC  }
.Ltmp0:
0x3: {  	_ = 	snop;
	(pc) =	sbr.rel @p0 .LBB2_57-.Ltmp0, $4  }
0x4: {  	_ = 	snop  }
0x5: {  	s0 =	rddreg [dreg:$0x0];
	s2 =	simm.s32 $0x0  }
0x6: {  	[smem:$0x7FF] =	sst s2  }
0x7: {  	s1 =	rddreg [dreg:$0x1];
	_ =	strace $0x80000047  }
0x8: {  	s3 =	srdreg.scid;
	s4 =	stileid.u32  }
0x9: {  	s3 =	sand.u32 $0x1, s3;
	s4 =	sshll.u32 s4, $0x1  }
0xa: {  	s5 =	sor.u32 s3, s4  }
0xb: {  	s4 =	smul.u32 $0xFA000, s5;
	_ =	sdelay $0x1  }
0xc: {  	s6 =	sadd.s32 $0x400, s0;
	s24 =	sadd.s32 $0x1200, s0;
	s4 =	sshrl.u32 s4, $0x3  }
0xd: {  	[dreg:$0x3] =	wrdreg s24;
	s15 =	ssub.s32 $0x2, s3;
	s4 =	sadd.s32 s1, s4  }
0xe: {  	s3 =	simm.s32 $0xA000;
	s25 =	sadd.s32 $0x1400, s4;
	s26 =	sadd.s32 $0x2800, s4  }
0xf: {  	s1 =	sadd.s32 $0x3C00, s4;
	s7 =	sadd.s32 $0x5000, s4;
	[dreg:$0x4] =	wrdreg s25  }
0x10: {  	s8 =	sadd.s32 $0x6400, s4;
	s9 =	sadd.s32 $0x7800, s4;
	[dreg:$0x5] =	wrdreg s26  }
0x11: {  	s10 =	sadd.s32 $0x8C00, s4;
	s11 =	sadd.s32 $0xA000, s4;
	[dreg:$0x6] =	wrdreg s1  }
0x12: {  	s12 =	sadd.s32 $0xB400, s4;
	s13 =	sadd.s32 $0xC800, s4;
	[dreg:$0x7] =	wrdreg s7  }
0x13: {  	s14 =	sadd.s32 $0xDC00, s4;
	s16 =	sadd.s32 $0xF000, s4;
	[dreg:$0x8] =	wrdreg s8  }
0x14: {  	s17 =	sadd.s32 $0x10400, s4;
	s18 =	sadd.s32 $0x11800, s4;
	[dreg:$0x9] =	wrdreg s9  }
0x15: {  	s19 =	sadd.s32 $0x12C00, s4;
	s20 =	sadd.s32 $0x14000, s4;
	[dreg:$0xa] =	wrdreg s10  }
0x16: {  	s21 =	sadd.s32 $0x15400, s4;
	s22 =	sadd.s32 $0x16800, s4;
	[dreg:$0xb] =	wrdreg s11  }
0x17: {  	s23 =	sadd.s32 $0x17C00, s4;
	s24 =	sadd.s32 $0x19000, s4;
	[dreg:$0xc] =	wrdreg s12  }
0x18: {  	s28 =	sadd.s32 $0x1B800, s4;
	s30 =	sadd.s32 $0x1CC00, s4;
	[dreg:$0xd] =	wrdreg s13  }
0x19: {  	s31 =	sadd.s32 $0x1E000, s4;
	[dreg:$0xe] =	wrdreg s14;
	s25 =	sshrl.u32 s15, $0x1  }
0x1a: {  	s26 =	sshll.u32 s5, $0x7;
	s1 =	simm.s32 $0x3;
	s5 =	simm.s32 $0x2  }
0x1b: {  	s0 =	ssub.s32 s15, s25;
	s25 =	sadd.s32 $0x1A400, s4;
	s26 =	sadd.s32 s6, s26  }
0x1c: {  	v0 =	vimm.f32 $0.0e+00;
	v1 =	vlaneseq.u32;
	v2 =	vimm.f32 $1.000000000e+00;
	s6 =	simm.s32 $0x0;
	s29 =	smax.u32 s0, $0x1;
	s0 =	simm.s32 $0x1  }
.LBB2_2:
0x1d: {  	s10 =	simm.s32 $0x0;
	s7 =	rddreg [dreg:$0x3]  }
0x1e: {  	[tilespmem:s10], [sflag:$0x1] =	stream.linear.gather [hbm4b:s7+s10], $0xA000, $0x38;
	[tilespmem:$0x14C00] =	vst v63  }
0x1f: {  	s14 =	simm.s32 $0x14000;
	s15 =	simm.s32 $0x0;
	s9 =	simm.s32 $0x0  }
0x20: {  	[tilespmem:s14], [sflag:$0x3] =	stream.linear.gather [hbm4b:s26+s10], $0x400, $0x38;
	[tilespmem:$0x14C00] =	vst v63  }
0x21: {  	s7 =	sand.u32 $0xE000, s15;
	s8 =	sand.u32 $0x1C00, s10;
	_ =	swait.ge [sflag:s1], $0x400  }
0x22: {  	s9 =	sand.u32 $0x380, s9;
	s7 =	sor.u32 s8, s7;
	[sflag:s1] =	ssyncset.done $0x0  }
0x23: {  	s11 =	sor.u32 s9, s7;
	[sflag:s1] =	ssyncadd.s32 $0xFFFFFC00  }
0x24: {  	[tilespmem:s11+$0xA070] =	vst v0  }
0x25: {  	s12 =	simm.s32 $0x0;
	[tilespmem:s11+$0xA000] =	vst v0  }
0x26: {  	s8 =	simm.s32 $0x14420;
	s9 =	simm.s32 $0x14020;
	s7 =	simm.s32 $0x14820;
	[tilespmem:s11+$0xA010] =	vst v0  }
.LBB2_3:
0x27: {  	s12 =	sadd.s32 $0x8, s12;
	[tilespmem:s11+$0xA020] =	vst v0  }
0x28: {  	s10 =	sadd.s32 $0x400, s10;
	s13 =	sshll.u32 s12, $0x4;
	p0 =	slt.u32 s12, $0x9F8;
	[tilespmem:s11+$0xA030] =	vst v0  }
0x29: {  	s14 =	sand.u32 $0x1C00, s10;
	s15 =	sshll.u32 s12, $0x1;
	s13 =	sand.u32 $0xE000, s13;
	[tilespmem:s11+$0xA040] =	vst v0  }
.Ltmp1:
0x2a: {  	s15 =	sand.u32 $0x380, s15;
	s13 =	sor.u32 s14, s13;
	[tilespmem:s11+$0xA050] =	vst v0;
	(pc) =	sbr.rel @p0 .LBB2_3-.Ltmp1, $4  }
0x2b: {  	[tilespmem:s11+$0xA060] =	vst v0;
	s11 =	sor.u32 s15, s13  }
0x2c: {  	[tilespmem:s11+$0xA070] =	vst v0  }
0x2d: {  	[tilespmem:s11+$0xA000] =	vst v0  }
0x2e: {  	[tilespmem:s11+$0xA010] =	vst v0  }
0x2f: {  	[tilespmem:s11+$0xA020] =	vst v0  }
0x30: {  	[tilespmem:s11+$0xA030] =	vst v0  }
0x31: {  	[tilespmem:s11+$0xA040] =	vst v0  }
0x32: {  	[tilespmem:s11+$0xA050] =	vst v0  }
0x33: {  	[tilespmem:s11+$0xA060] =	vst v0  }
0x34: {  	v3 =	vld [tilespmem:s9+$0xFFFFFFE0];
	_ =	sdelay $0x4  }
0x35: {  	v4 =	vmul.u32 $0x667, v3;
	_ =	sdelay $0x1  }
0x36: {  	v4 =	vshra.s32 v4, $0x10  }
0x37: {  	v5 =	vmul.u32 $0xFFFFFFD8, v4;
	_ =	sdelay $0x1  }
0x38: {  	[tilespmem:s8+$0xFFFFFFE0] =	vst v4;
	v3 =	vadd.s32 v3, v5  }
0x39: {  	[tilespmem:s7+$0xFFFFFFE0] =	vst v3  }
0x3a: {  	v3 =	vld [tilespmem:s9+$0xFFFFFFF0];
	_ =	sdelay $0x4  }
0x3b: {  	v58 =	vmul.u32 $0x667, v3;
	_ =	sdelay $0x1  }
0x3c: {  	v4 =	vshra.s32 v58, $0x10  }
0x3d: {  	v59 =	vmul.u32 $0xFFFFFFD8, v4;
	_ =	sdelay $0x1  }
0x3e: {  	[tilespmem:s8+$0xFFFFFFF0] =	vst v4;
	v3 =	vadd.s32 v3, v59  }
0x3f: {  	[tilespmem:s7+$0xFFFFFFF0] =	vst v3  }
0x40: {  	v3 =	vld [tilespmem:s9+$0x0];
	_ =	sdelay $0x4  }
0x41: {  	v60 =	vmul.u32 $0x667, v3;
	_ =	sdelay $0x1  }
0x42: {  	v4 =	vshra.s32 v60, $0x10  }
0x43: {  	v61 =	vmul.u32 $0xFFFFFFD8, v4;
	_ =	sdelay $0x1  }
0x44: {  	[tilespmem:s8+$0x0] =	vst v4;
	v3 =	vadd.s32 v3, v61  }
0x45: {  	[tilespmem:s7+$0x0] =	vst v3  }
0x46: {  	v3 =	vld [tilespmem:s9+$0x10];
	_ =	sdelay $0x4  }
0x47: {  	v62 =	vmul.u32 $0x667, v3;
	_ =	sdelay $0x1  }
0x48: {  	v4 =	vshra.s32 v62, $0x10  }
0x49: {  	v63 =	vmul.u32 $0xFFFFFFD8, v4;
	_ =	sdelay $0x1  }
0x4a: {  	[tilespmem:s8+$0x10] =	vst v4;
	v3 =	vadd.s32 v3, v63  }
0x4b: {  	s10 =	simm.s32 $0x14060;
	s9 =	simm.s32 $0x0;
	[tilespmem:s7+$0x10] =	vst v3  }
.LBB2_5:
0x4c: {  	v3 =	vld [tilespmem:s10+$0xFFFFFFE0];
	s9 =	sadd.s32 $0x4, s9  }
0x4d: {  	p0 =	slt.u32 s9, $0x3C;
	_ =	sdelay $0x3  }
0x4e: {  	v4 =	vmul.u32 $0x667, v3;
	_ =	sdelay $0x1  }
0x4f: {  	s8 =	sadd.s32 $0x40, s8;
	v4 =	vshra.s32 v4, $0x10  }
0x50: {  	[tilespmem:s8+$0xFFFFFFE0] =	vst v4;
	v4 =	vmul.u32 $0xFFFFFFD8, v4;
	_ =	sdelay $0x1  }
0x51: {  	s7 =	sadd.s32 $0x40, s7;
	v3 =	vadd.s32 v3, v4  }
0x52: {  	[tilespmem:s7+$0xFFFFFFE0] =	vst v3  }
0x53: {  	v3 =	vld [tilespmem:s10+$0xFFFFFFF0];
	_ =	sdelay $0x4  }
0x54: {  	v4 =	vmul.u32 $0x667, v3;
	_ =	sdelay $0x1  }
0x55: {  	v4 =	vshra.s32 v4, $0x10  }
0x56: {  	v5 =	vmul.u32 $0xFFFFFFD8, v4;
	_ =	sdelay $0x1  }
0x57: {  	[tilespmem:s8+$0xFFFFFFF0] =	vst v4;
	v3 =	vadd.s32 v3, v5  }
0x58: {  	[tilespmem:s7+$0xFFFFFFF0] =	vst v3  }
0x59: {  	v3 =	vld [tilespmem:s10+$0x0];
	_ =	sdelay $0x4  }
0x5a: {  	v4 =	vmul.u32 $0x667, v3;
	_ =	sdelay $0x1  }
0x5b: {  	v4 =	vshra.s32 v4, $0x10  }
0x5c: {  	[tilespmem:s8+$0x0] =	vst v4;
	v4 =	vmul.u32 $0xFFFFFFD8, v4;
	_ =	sdelay $0x1  }
0x5d: {  	v3 =	vadd.s32 v3, v4  }
0x5e: {  	[tilespmem:s7+$0x0] =	vst v3  }
0x5f: {  	v3 =	vld [tilespmem:s10+$0x10];
	_ =	sdelay $0x4  }
0x60: {  	v4 =	vmul.u32 $0x667, v3;
	_ =	sdelay $0x1  }
.Ltmp2:
0x61: {  	v4 =	vshra.s32 v4, $0x10;
	(pc) =	sbr.rel @p0 .LBB2_5-.Ltmp2, $3  }
0x62: {  	[tilespmem:s8+$0x10] =	vst v4;
	v4 =	vmul.u32 $0xFFFFFFD8, v4;
	_ =	sdelay $0x1  }
0x63: {  	v3 =	vadd.s32 v3, v4  }
0x64: {  	s10 =	sadd.s32 $0x40, s10;
	[tilespmem:s7+$0x10] =	vst v3  }
0x65: {  	_ =	swait.ge [sflag:s0], $0xA000  }
0x66: {  	s7 =	simm.s32 $0xFFFFFFFC;
	s8 =	simm.s32 $0x0;
	[sflag:s0] =	ssyncset.done $0x0  }
0x67: {  	s9 =	simm.s32 $0x14420;
	s10 =	simm.s32 $0x14820;
	[sflag:s0] =	ssyncadd.s32 $0xFFFF6000  }
.LBB2_7:
0x68: {  	v3 =	vld [tilespmem:s10+$0xFFFFFFE0];
	_ =	sdelay $0x1  }
0x69: {  	v4 =	vld [tilespmem:s9+$0xFFFFFFE0]  }
0x6a: {  	v5 =	vmov s8  }
0x6b: {  	v6 =	vor.u32 s8, v1;
	v5 =	vshll.u32 v5, $0x3  }
0x6c: {  	v6 =	vand.u32 $0x4F, v6;
	v5 =	vand.u32 $0x1C00, v5;
	v7 =	vshll.u32 v3, $0xA  }
0x6d: {  	v5 =	vor.u32 v5, v6;
	v3 =	vshll.u32 v3, $0x7;
	v7 =	vand.u32 $0xFFFFE000, v7  }
0x6e: {  	vm0 =	veq.s32 v4, $0x0;
	v3 =	vand.u32 $0x380, v3;
	v47 =	vor.u32 v7, v5  }
0x6f: {  	v3 =	vor.u32 v3, v47;
	_ =	sdelay $0x4  }
0x70: {  	[tilespmem:v3+s2+$0x0] =	vst.idx.msk vm0, v2  }
0x71: {  	v3 =	vld [tilespmem:s10+$0xFFFFFFF0];
	_ =	sdelay $0x1  }
0x72: {  	s11 =	sadd.s32 $0x10, s8;
	v48 =	vld [tilespmem:s9+$0xFFFFFFF0]  }
0x73: {  	v49 =	vmov s11  }
0x74: {  	v50 =	vor.u32 s11, v1;
	v5 =	vshll.u32 v49, $0x3  }
0x75: {  	v6 =	vand.u32 $0x5F, v50;
	v5 =	vand.u32 $0x1C00, v5;
	v51 =	vshll.u32 v3, $0xA  }
0x76: {  	v5 =	vor.u32 v5, v6;
	v3 =	vshll.u32 v3, $0x7;
	v7 =	vand.u32 $0xFFFFE000, v51  }
0x77: {  	vm13 =	veq.s32 v48, $0x0;
	v3 =	vand.u32 $0x380, v3;
	v52 =	vor.u32 v7, v5  }
0x78: {  	v3 =	vor.u32 v3, v52;
	_ =	sdelay $0x4  }
0x79: {  	[tilespmem:v3+s2+$0x0] =	vst.idx.msk vm13, v2  }
0x7a: {  	v3 =	vld [tilespmem:s10+$0x0];
	_ =	sdelay $0x1  }
0x7b: {  	s14 =	sadd.s32 $0x20, s8;
	v53 =	vld [tilespmem:s9+$0x0]  }
0x7c: {  	v54 =	vmov s14  }
0x7d: {  	v55 =	vor.u32 s14, v1;
	v5 =	vshll.u32 v54, $0x3  }
0x7e: {  	v6 =	vand.u32 $0x6F, v55;
	v5 =	vand.u32 $0x1C00, v5;
	v56 =	vshll.u32 v3, $0xA  }
0x7f: {  	v5 =	vor.u32 v5, v6;
	v3 =	vshll.u32 v3, $0x7;
	v7 =	vand.u32 $0xFFFFE000, v56  }
0x80: {  	vm14 =	veq.s32 v53, $0x0;
	v3 =	vand.u32 $0x380, v3;
	v57 =	vor.u32 v7, v5  }
0x81: {  	v3 =	vor.u32 v3, v57;
	_ =	sdelay $0x4  }
0x82: {  	[tilespmem:v3+s2+$0x0] =	vst.idx.msk vm14, v2  }
0x83: {  	v3 =	vld [tilespmem:s10+$0x10];
	_ =	sdelay $0x1  }
0x84: {  	s15 =	sadd.s32 $0x30, s8;
	v58 =	vld [tilespmem:s9+$0x10]  }
0x85: {  	v59 =	vmov s15  }
0x86: {  	v60 =	vor.u32 s15, v1;
	v5 =	vshll.u32 v59, $0x3  }
0x87: {  	v6 =	vand.u32 $0x7F, v60;
	v5 =	vand.u32 $0x1C00, v5;
	v61 =	vshll.u32 v3, $0xA  }
0x88: {  	v5 =	vor.u32 v5, v6;
	v3 =	vshll.u32 v3, $0x7;
	v62 =	vand.u32 $0xFFFFE000, v61  }
0x89: {  	s7 =	sadd.s32 $0x4, s7;
	vm15 =	veq.s32 v58, $0x0;
	v3 =	vand.u32 $0x380, v3;
	v63 =	vor.u32 v62, v5  }
0x8a: {  	p0 =	slt.u32 s7, $0x3C;
	v3 =	vor.u32 v3, v63  }
.Ltmp3:
0x8b: {  	_ = 	snop;
	(pc) =	sbr.rel @p0 .LBB2_7-.Ltmp3, $2  }
0x8c: {  	_ =	sdelay $0x2  }
0x8d: {  	s8 =	sadd.s32 $0x40, s8;
	s9 =	sadd.s32 $0x40, s9;
	s10 =	sadd.s32 $0x40, s10;
	[tilespmem:v3+s2+$0x0] =	vst.idx.msk vm15, v2  }
0x8e: {  	s7 =	simm.s32 $0x0  }
0x8f: {  	s8 =	simm.s32 $0xFFFFFFFC;
	s9 =	simm.s32 $0x14420;
	s10 =	simm.s32 $0x14820  }
0x90: {  	[hbm4b:s4+s7] =	stream.linear.scatter [tilespmem:s7], [sflag:$0x1], $0xA000, $0x38;
	[tilespmem:$0x14C00] =	vst v63  }
.LBB2_9:
0x91: {  	v3 =	vld [tilespmem:s10+$0xFFFFFFE0];
	_ =	sdelay $0x1  }
0x92: {  	v4 =	vld [tilespmem:s9+$0xFFFFFFE0]  }
0x93: {  	v5 =	vmov s7  }
0x94: {  	v6 =	vor.u32 s7, v1;
	v5 =	vshll.u32 v5, $0x3  }
0x95: {  	v6 =	vand.u32 $0x4F, v6;
	v5 =	vand.u32 $0x1C00, v5;
	v7 =	vshll.u32 v3, $0xA  }
0x96: {  	v5 =	vor.u32 v5, v6;
	v3 =	vshll.u32 v3, $0x7;
	v7 =	vand.u32 $0xFFFFE000, v7  }
0x97: {  	vm0 =	veq.s32 v4, $0x1;
	v3 =	vand.u32 $0x380, v3;
	v47 =	vor.u32 v7, v5  }
0x98: {  	v3 =	vor.u32 v3, v47;
	_ =	sdelay $0x4  }
0x99: {  	[tilespmem:v3+s3+$0x0] =	vst.idx.msk vm0, v2  }
0x9a: {  	v3 =	vld [tilespmem:s10+$0xFFFFFFF0];
	_ =	sdelay $0x1  }
0x9b: {  	s11 =	sadd.s32 $0x10, s7;
	v48 =	vld [tilespmem:s9+$0xFFFFFFF0]  }
0x9c: {  	v49 =	vmov s11  }
0x9d: {  	v50 =	vor.u32 s11, v1;
	v5 =	vshll.u32 v49, $0x3  }
0x9e: {  	v6 =	vand.u32 $0x5F, v50;
	v5 =	vand.u32 $0x1C00, v5;
	v51 =	vshll.u32 v3, $0xA  }
0x9f: {  	v5 =	vor.u32 v5, v6;
	v3 =	vshll.u32 v3, $0x7;
	v7 =	vand.u32 $0xFFFFE000, v51  }
0xa0: {  	vm13 =	veq.s32 v48, $0x1;
	v3 =	vand.u32 $0x380, v3;
	v52 =	vor.u32 v7, v5  }
0xa1: {  	v3 =	vor.u32 v3, v52;
	_ =	sdelay $0x4  }
0xa2: {  	[tilespmem:v3+s3+$0x0] =	vst.idx.msk vm13, v2  }
0xa3: {  	v3 =	vld [tilespmem:s10+$0x0];
	_ =	sdelay $0x1  }
0xa4: {  	s14 =	sadd.s32 $0x20, s7;
	v53 =	vld [tilespmem:s9+$0x0]  }
0xa5: {  	v54 =	vmov s14  }
0xa6: {  	v55 =	vor.u32 s14, v1;
	v5 =	vshll.u32 v54, $0x3  }
0xa7: {  	v6 =	vand.u32 $0x6F, v55;
	v5 =	vand.u32 $0x1C00, v5;
	v56 =	vshll.u32 v3, $0xA  }
0xa8: {  	v5 =	vor.u32 v5, v6;
	v3 =	vshll.u32 v3, $0x7;
	v7 =	vand.u32 $0xFFFFE000, v56  }
0xa9: {  	vm14 =	veq.s32 v53, $0x1;
	v3 =	vand.u32 $0x380, v3;
	v57 =	vor.u32 v7, v5  }
0xaa: {  	v3 =	vor.u32 v3, v57;
	_ =	sdelay $0x4  }
0xab: {  	[tilespmem:v3+s3+$0x0] =	vst.idx.msk vm14, v2  }
0xac: {  	v3 =	vld [tilespmem:s10+$0x10];
	_ =	sdelay $0x1  }
0xad: {  	s15 =	sadd.s32 $0x30, s7;
	v58 =	vld [tilespmem:s9+$0x10]  }
0xae: {  	v59 =	vmov s15  }
0xaf: {  	v60 =	vor.u32 s15, v1;
	v5 =	vshll.u32 v59, $0x3  }
0xb0: {  	v6 =	vand.u32 $0x7F, v60;
	v5 =	vand.u32 $0x1C00, v5;
	v61 =	vshll.u32 v3, $0xA  }
0xb1: {  	v5 =	vor.u32 v5, v6;
	v3 =	vshll.u32 v3, $0x7;
	v62 =	vand.u32 $0xFFFFE000, v61  }
0xb2: {  	s8 =	sadd.s32 $0x4, s8;
	vm15 =	veq.s32 v58, $0x1;
	v3 =	vand.u32 $0x380, v3;
	v63 =	vor.u32 v62, v5  }
0xb3: {  	p0 =	slt.u32 s8, $0x3C;
	v3 =	vor.u32 v3, v63  }
.Ltmp4:
0xb4: {  	_ = 	snop;
	(pc) =	sbr.rel @p0 .LBB2_9-.Ltmp4, $2  }
0xb5: {  	_ =	sdelay $0x2  }
0xb6: {  	s7 =	sadd.s32 $0x40, s7;
	s9 =	sadd.s32 $0x40, s9;
	s10 =	sadd.s32 $0x40, s10;
	[tilespmem:v3+s3+$0x0] =	vst.idx.msk vm15, v2  }
0xb7: {  	s7 =	simm.s32 $0x0;
	s8 =	rddreg [dreg:$0x4]  }
0xb8: {  	[hbm4b:s8+s7] =	stream.linear.scatter [tilespmem:s3], [sflag:$0x2], $0xA000, $0x38;
	[tilespmem:$0x14C00] =	vst v63  }
0xb9: {  	_ =	swait.ge [sflag:s0], $0xA000  }
0xba: {  	s9 =	simm.s32 $0x14420;
	[sflag:s0] =	ssyncset.done $0x0  }
0xbb: {  	s10 =	simm.s32 $0x14820;
	s8 =	simm.s32 $0xFFFFFFFC;
	[sflag:s0] =	ssyncadd.s32 $0xFFFF6000  }
.LBB2_11:
0xbc: {  	v3 =	vld [tilespmem:s9+$0xFFFFFFE0]  }
0xbd: {  	v4 =	vld [tilespmem:s10+$0xFFFFFFE0];
	_ =	sdelay $0x2  }
0xbe: {  	v5 =	vmov s7;
	v6 =	vor.u32 s7, v1  }
0xbf: {  	vm0 =	veq.s32 v3, $0x2;
	vm1 =	veq.s32 v3, $0x0;
	v3 =	vshll.u32 v5, $0x3  }
0xc0: {  	v46 =	vand.u32 $0x4F, v6;
	v47 =	vshll.u32 v4, $0xA;
	v3 =	vand.u32 $0x1C00, v3  }
0xc1: {  	v4 =	vshll.u32 v4, $0x7;
	v6 =	vand.u32 $0xFFFFE000, v47;
	v3 =	vor.u32 v3, v46  }
0xc2: {  	vm1 =	vmor vm0, vm1;
	v4 =	vand.u32 $0x380, v4;
	v3 =	vor.u32 v6, v3  }
0xc3: {  	v3 =	vor.u32 v4, v3;
	_ =	sdelay $0x3  }
0xc4: {  	v48 =	vsel vm0, $0x3F800000, v0  }
0xc5: {  	[tilespmem:v3+s2+$0x0] =	vst.idx.msk vm1, v48  }
0xc6: {  	v3 =	vld [tilespmem:s9+$0xFFFFFFF0]  }
0xc7: {  	v4 =	vld [tilespmem:s10+$0xFFFFFFF0];
	_ =	sdelay $0x1  }
0xc8: {  	s11 =	sadd.s32 $0x10, s7  }
0xc9: {  	v49 =	vmov s11;
	v50 =	vor.u32 s11, v1  }
0xca: {  	vm10 =	veq.s32 v3, $0x2;
	vm11 =	veq.s32 v3, $0x0;
	v3 =	vshll.u32 v49, $0x3  }
0xcb: {  	v51 =	vand.u32 $0x5F, v50;
	v52 =	vshll.u32 v4, $0xA;
	v3 =	vand.u32 $0x1C00, v3  }
0xcc: {  	v4 =	vshll.u32 v4, $0x7;
	v6 =	vand.u32 $0xFFFFE000, v52;
	v3 =	vor.u32 v3, v51  }
0xcd: {  	vm1 =	vmor vm10, vm11;
	v4 =	vand.u32 $0x380, v4;
	v3 =	vor.u32 v6, v3  }
0xce: {  	v3 =	vor.u32 v4, v3;
	_ =	sdelay $0x3  }
0xcf: {  	v53 =	vsel vm10, $0x3F800000, v0  }
0xd0: {  	[tilespmem:v3+s2+$0x0] =	vst.idx.msk vm1, v53  }
0xd1: {  	v3 =	vld [tilespmem:s9+$0x0]  }
0xd2: {  	v4 =	vld [tilespmem:s10+$0x0];
	_ =	sdelay $0x1  }
0xd3: {  	s14 =	sadd.s32 $0x20, s7  }
0xd4: {  	v54 =	vmov s14;
	v55 =	vor.u32 s14, v1  }
0xd5: {  	vm12 =	veq.s32 v3, $0x2;
	vm13 =	veq.s32 v3, $0x0;
	v3 =	vshll.u32 v54, $0x3  }
0xd6: {  	v56 =	vand.u32 $0x6F, v55;
	v57 =	vshll.u32 v4, $0xA;
	v3 =	vand.u32 $0x1C00, v3  }
0xd7: {  	v4 =	vshll.u32 v4, $0x7;
	v6 =	vand.u32 $0xFFFFE000, v57;
	v3 =	vor.u32 v3, v56  }
0xd8: {  	vm1 =	vmor vm12, vm13;
	v4 =	vand.u32 $0x380, v4;
	v3 =	vor.u32 v6, v3  }
0xd9: {  	v3 =	vor.u32 v4, v3;
	_ =	sdelay $0x3  }
0xda: {  	v58 =	vsel vm12, $0x3F800000, v0  }
0xdb: {  	[tilespmem:v3+s2+$0x0] =	vst.idx.msk vm1, v58  }
0xdc: {  	v3 =	vld [tilespmem:s9+$0x10]  }
0xdd: {  	v4 =	vld [tilespmem:s10+$0x10];
	_ =	sdelay $0x1  }
0xde: {  	s15 =	sadd.s32 $0x30, s7  }
0xdf: {  	v59 =	vmov s15;
	v60 =	vor.u32 s15, v1  }
0xe0: {  	vm14 =	veq.s32 v3, $0x2;
	vm15 =	veq.s32 v3, $0x0;
	v3 =	vshll.u32 v59, $0x3  }
0xe1: {  	v61 =	vand.u32 $0x7F, v60;
	v62 =	vshll.u32 v4, $0xA;
	v3 =	vand.u32 $0x1C00, v3  }
0xe2: {  	v4 =	vshll.u32 v4, $0x7;
	v6 =	vand.u32 $0xFFFFE000, v62;
	v3 =	vor.u32 v3, v61  }
0xe3: {  	s8 =	sadd.s32 $0x4, s8;
	vm1 =	vmor vm14, vm15;
	v4 =	vand.u32 $0x380, v4;
	v3 =	vor.u32 v6, v3  }
0xe4: {  	p0 =	slt.u32 s8, $0x3C;
	v3 =	vor.u32 v4, v3  }
.Ltmp5:
0xe5: {  	_ = 	snop;
	(pc) =	sbr.rel @p0 .LBB2_11-.Ltmp5, $3  }
0xe6: {  	_ =	sdelay $0x1  }
0xe7: {  	v63 =	vsel vm14, $0x3F800000, v0  }
0xe8: {  	s7 =	sadd.s32 $0x40, s7;
	s9 =	sadd.s32 $0x40, s9;
	s10 =	sadd.s32 $0x40, s10;
	[tilespmem:v3+s2+$0x0] =	vst.idx.msk vm1, v63  }
0xe9: {  	s7 =	simm.s32 $0x0;
	s8 =	rddreg [dreg:$0x5]  }
0xea: {  	[hbm4b:s8+s7] =	stream.linear.scatter [tilespmem:s7], [sflag:$0x1], $0xA000, $0x38;
	[tilespmem:$0x14C00] =	vst v63  }
0xeb: {  	_ =	swait.ge [sflag:s5], $0xA000  }
0xec: {  	s9 =	simm.s32 $0x14420;
	[sflag:s5] =	ssyncset.done $0x0  }
0xed: {  	s10 =	simm.s32 $0x14820;
	s8 =	simm.s32 $0xFFFFFFFC;
	[sflag:s5] =	ssyncadd.s32 $0xFFFF6000  }
.LBB2_13:
0xee: {  	v3 =	vld [tilespmem:s9+$0xFFFFFFE0]  }
0xef: {  	v4 =	vld [tilespmem:s10+$0xFFFFFFE0];
	_ =	sdelay $0x2  }
0xf0: {  	v5 =	vmov s7;
	v6 =	vor.u32 s7, v1  }
0xf1: {  	vm0 =	veq.s32 v3, $0x3;
	vm1 =	veq.s32 v3, $0x1;
	v3 =	vshll.u32 v5, $0x3  }
0xf2: {  	v46 =	vand.u32 $0x4F, v6;
	v47 =	vshll.u32 v4, $0xA;
	v3 =	vand.u32 $0x1C00, v3  }
0xf3: {  	v4 =	vshll.u32 v4, $0x7;
	v6 =	vand.u32 $0xFFFFE000, v47;
	v3 =	vor.u32 v3, v46  }
0xf4: {  	vm1 =	vmor vm0, vm1;
	v4 =	vand.u32 $0x380, v4;
	v3 =	vor.u32 v6, v3  }
0xf5: {  	v3 =	vor.u32 v4, v3;
	_ =	sdelay $0x3  }
0xf6: {  	v48 =	vsel vm0, $0x3F800000, v0  }
0xf7: {  	[tilespmem:v3+s3+$0x0] =	vst.idx.msk vm1, v48  }
0xf8: {  	v3 =	vld [tilespmem:s9+$0xFFFFFFF0]  }
0xf9: {  	v4 =	vld [tilespmem:s10+$0xFFFFFFF0];
	_ =	sdelay $0x1  }
0xfa: {  	s11 =	sadd.s32 $0x10, s7  }
0xfb: {  	v49 =	vmov s11;
	v50 =	vor.u32 s11, v1  }
0xfc: {  	vm10 =	veq.s32 v3, $0x3;
	vm11 =	veq.s32 v3, $0x1;
	v3 =	vshll.u32 v49, $0x3  }
0xfd: {  	v51 =	vand.u32 $0x5F, v50;
	v52 =	vshll.u32 v4, $0xA;
	v3 =	vand.u32 $0x1C00, v3  }
0xfe: {  	v4 =	vshll.u32 v4, $0x7;
	v6 =	vand.u32 $0xFFFFE000, v52;
	v3 =	vor.u32 v3, v51  }
0xff: {  	vm1 =	vmor vm10, vm11;
	v4 =	vand.u32 $0x380, v4;
	v3 =	vor.u32 v6, v3  }
0x100: {  	v3 =	vor.u32 v4, v3;
	_ =	sdelay $0x3  }
0x101: {  	v53 =	vsel vm10, $0x3F800000, v0  }
0x102: {  	[tilespmem:v3+s3+$0x0] =	vst.idx.msk vm1, v53  }
0x103: {  	v3 =	vld [tilespmem:s9+$0x0]  }
0x104: {  	v4 =	vld [tilespmem:s10+$0x0];
	_ =	sdelay $0x1  }
0x105: {  	s14 =	sadd.s32 $0x20, s7  }
0x106: {  	v54 =	vmov s14;
	v55 =	vor.u32 s14, v1  }
0x107: {  	vm12 =	veq.s32 v3, $0x3;
	vm13 =	veq.s32 v3, $0x1;
	v3 =	vshll.u32 v54, $0x3  }
0x108: {  	v56 =	vand.u32 $0x6F, v55;
	v57 =	vshll.u32 v4, $0xA;
	v3 =	vand.u32 $0x1C00, v3  }
0x109: {  	v4 =	vshll.u32 v4, $0x7;
	v6 =	vand.u32 $0xFFFFE000, v57;
	v3 =	vor.u32 v3, v56  }
0x10a: {  	vm1 =	vmor vm12, vm13;
	v4 =	vand.u32 $0x380, v4;
	v3 =	vor.u32 v6, v3  }
0x10b: {  	v3 =	vor.u32 v4, v3;
	_ =	sdelay $0x3  }
0x10c: {  	v58 =	vsel vm12, $0x3F800000, v0  }
0x10d: {  	[tilespmem:v3+s3+$0x0] =	vst.idx.msk vm1, v58  }
0x10e: {  	v3 =	vld [tilespmem:s9+$0x10]  }
0x10f: {  	v4 =	vld [tilespmem:s10+$0x10];
	_ =	sdelay $0x1  }
0x110: {  	s15 =	sadd.s32 $0x30, s7  }
0x111: {  	v59 =	vmov s15;
	v60 =	vor.u32 s15, v1  }
0x112: {  	vm14 =	veq.s32 v3, $0x3;
	vm15 =	veq.s32 v3, $0x1;
	v3 =	vshll.u32 v59, $0x3  }
0x113: {  	v61 =	vand.u32 $0x7F, v60;
	v62 =	vshll.u32 v4, $0xA;
	v3 =	vand.u32 $0x1C00, v3  }
0x114: {  	v4 =	vshll.u32 v4, $0x7;
	v6 =	vand.u32 $0xFFFFE000, v62;
	v3 =	vor.u32 v3, v61  }
0x115: {  	s8 =	sadd.s32 $0x4, s8;
	vm1 =	vmor vm14, vm15;
	v4 =	vand.u32 $0x380, v4;
	v3 =	vor.u32 v6, v3  }
0x116: {  	p0 =	slt.u32 s8, $0x3C;
	v3 =	vor.u32 v4, v3  }
.Ltmp6:
0x117: {  	_ = 	snop;
	(pc) =	sbr.rel @p0 .LBB2_13-.Ltmp6, $3  }
0x118: {  	_ =	sdelay $0x1  }
0x119: {  	v63 =	vsel vm14, $0x3F800000, v0  }
0x11a: {  	s7 =	sadd.s32 $0x40, s7;
	s9 =	sadd.s32 $0x40, s9;
	s10 =	sadd.s32 $0x40, s10;
	[tilespmem:v3+s3+$0x0] =	vst.idx.msk vm1, v63  }
0x11b: {  	s7 =	simm.s32 $0x0;
	s8 =	rddreg [dreg:$0x6]  }
0x11c: {  	[hbm4b:s8+s7] =	stream.linear.scatter [tilespmem:s3], [sflag:$0x2], $0xA000, $0x38;
	[tilespmem:$0x14C00] =	vst v63  }
0x11d: {  	_ =	swait.ge [sflag:s0], $0xA000  }
0x11e: {  	s9 =	simm.s32 $0x14420;
	[sflag:s0] =	ssyncset.done $0x0  }
0x11f: {  	s10 =	simm.s32 $0x14820;
	s8 =	simm.s32 $0xFFFFFFFC;
	[sflag:s0] =	ssyncadd.s32 $0xFFFF6000  }
.LBB2_15:
0x120: {  	v3 =	vld [tilespmem:s9+$0xFFFFFFE0]  }
0x121: {  	v4 =	vld [tilespmem:s10+$0xFFFFFFE0];
	_ =	sdelay $0x2  }
0x122: {  	v5 =	vmov s7;
	v6 =	vor.u32 s7, v1  }
0x123: {  	vm0 =	veq.s32 v3, $0x4;
	vm1 =	veq.s32 v3, $0x2;
	v3 =	vshll.u32 v5, $0x3  }
0x124: {  	v46 =	vand.u32 $0x4F, v6;
	v47 =	vshll.u32 v4, $0xA;
	v3 =	vand.u32 $0x1C00, v3  }
0x125: {  	v4 =	vshll.u32 v4, $0x7;
	v6 =	vand.u32 $0xFFFFE000, v47;
	v3 =	vor.u32 v3, v46  }
0x126: {  	vm1 =	vmor vm0, vm1;
	v4 =	vand.u32 $0x380, v4;
	v3 =	vor.u32 v6, v3  }
0x127: {  	v3 =	vor.u32 v4, v3;
	_ =	sdelay $0x3  }
0x128: {  	v48 =	vsel vm0, $0x3F800000, v0  }
0x129: {  	[tilespmem:v3+s2+$0x0] =	vst.idx.msk vm1, v48  }
0x12a: {  	v3 =	vld [tilespmem:s9+$0xFFFFFFF0]  }
0x12b: {  	v4 =	vld [tilespmem:s10+$0xFFFFFFF0];
	_ =	sdelay $0x1  }
0x12c: {  	s11 =	sadd.s32 $0x10, s7  }
0x12d: {  	v49 =	vmov s11;
	v50 =	vor.u32 s11, v1  }
0x12e: {  	vm10 =	veq.s32 v3, $0x4;
	vm11 =	veq.s32 v3, $0x2;
	v3 =	vshll.u32 v49, $0x3  }
0x12f: {  	v51 =	vand.u32 $0x5F, v50;
	v52 =	vshll.u32 v4, $0xA;
	v3 =	vand.u32 $0x1C00, v3  }
0x130: {  	v4 =	vshll.u32 v4, $0x7;
	v6 =	vand.u32 $0xFFFFE000, v52;
	v3 =	vor.u32 v3, v51  }
0x131: {  	vm1 =	vmor vm10, vm11;
	v4 =	vand.u32 $0x380, v4;
	v3 =	vor.u32 v6, v3  }
0x132: {  	v3 =	vor.u32 v4, v3;
	_ =	sdelay $0x3  }
0x133: {  	v53 =	vsel vm10, $0x3F800000, v0  }
0x134: {  	[tilespmem:v3+s2+$0x0] =	vst.idx.msk vm1, v53  }
0x135: {  	v3 =	vld [tilespmem:s9+$0x0]  }
0x136: {  	v4 =	vld [tilespmem:s10+$0x0];
	_ =	sdelay $0x1  }
0x137: {  	s14 =	sadd.s32 $0x20, s7  }
0x138: {  	v54 =	vmov s14;
	v55 =	vor.u32 s14, v1  }
0x139: {  	vm12 =	veq.s32 v3, $0x4;
	vm13 =	veq.s32 v3, $0x2;
	v3 =	vshll.u32 v54, $0x3  }
0x13a: {  	v56 =	vand.u32 $0x6F, v55;
	v57 =	vshll.u32 v4, $0xA;
	v3 =	vand.u32 $0x1C00, v3  }
0x13b: {  	v4 =	vshll.u32 v4, $0x7;
	v6 =	vand.u32 $0xFFFFE000, v57;
	v3 =	vor.u32 v3, v56  }
0x13c: {  	vm1 =	vmor vm12, vm13;
	v4 =	vand.u32 $0x380, v4;
	v3 =	vor.u32 v6, v3  }
0x13d: {  	v3 =	vor.u32 v4, v3;
	_ =	sdelay $0x3  }
0x13e: {  	v58 =	vsel vm12, $0x3F800000, v0  }
0x13f: {  	[tilespmem:v3+s2+$0x0] =	vst.idx.msk vm1, v58  }
0x140: {  	v3 =	vld [tilespmem:s9+$0x10]  }
0x141: {  	v4 =	vld [tilespmem:s10+$0x10];
	_ =	sdelay $0x1  }
0x142: {  	s15 =	sadd.s32 $0x30, s7  }
0x143: {  	v59 =	vmov s15;
	v60 =	vor.u32 s15, v1  }
0x144: {  	vm14 =	veq.s32 v3, $0x4;
	vm15 =	veq.s32 v3, $0x2;
	v3 =	vshll.u32 v59, $0x3  }
0x145: {  	v61 =	vand.u32 $0x7F, v60;
	v62 =	vshll.u32 v4, $0xA;
	v3 =	vand.u32 $0x1C00, v3  }
0x146: {  	v4 =	vshll.u32 v4, $0x7;
	v6 =	vand.u32 $0xFFFFE000, v62;
	v3 =	vor.u32 v3, v61  }
0x147: {  	s8 =	sadd.s32 $0x4, s8;
	vm1 =	vmor vm14, vm15;
	v4 =	vand.u32 $0x380, v4;
	v3 =	vor.u32 v6, v3  }
0x148: {  	p0 =	slt.u32 s8, $0x3C;
	v3 =	vor.u32 v4, v3  }
.Ltmp7:
0x149: {  	_ = 	snop;
	(pc) =	sbr.rel @p0 .LBB2_15-.Ltmp7, $3  }
0x14a: {  	_ =	sdelay $0x1  }
0x14b: {  	v63 =	vsel vm14, $0x3F800000, v0  }
0x14c: {  	s7 =	sadd.s32 $0x40, s7;
	s9 =	sadd.s32 $0x40, s9;
	s10 =	sadd.s32 $0x40, s10;
	[tilespmem:v3+s2+$0x0] =	vst.idx.msk vm1, v63  }
0x14d: {  	s7 =	simm.s32 $0x0;
	s8 =	rddreg [dreg:$0x7]  }
0x14e: {  	[hbm4b:s8+s7] =	stream.linear.scatter [tilespmem:s7], [sflag:$0x1], $0xA000, $0x38;
	[tilespmem:$0x14C00] =	vst v63  }
0x14f: {  	_ =	swait.ge [sflag:s5], $0xA000  }
0x150: {  	s9 =	simm.s32 $0x14420;
	[sflag:s5] =	ssyncset.done $0x0  }
0x151: {  	s10 =	simm.s32 $0x14820;
	s8 =	simm.s32 $0xFFFFFFFC;
	[sflag:s5] =	ssyncadd.s32 $0xFFFF6000  }
.LBB2_17:
0x152: {  	v3 =	vld [tilespmem:s9+$0xFFFFFFE0]  }
0x153: {  	v4 =	vld [tilespmem:s10+$0xFFFFFFE0];
	_ =	sdelay $0x2  }
0x154: {  	v5 =	vmov s7;
	v6 =	vor.u32 s7, v1  }
0x155: {  	vm0 =	veq.s32 v3, $0x5;
	vm1 =	veq.s32 v3, $0x3;
	v3 =	vshll.u32 v5, $0x3  }
0x156: {  	v46 =	vand.u32 $0x4F, v6;
	v47 =	vshll.u32 v4, $0xA;
	v3 =	vand.u32 $0x1C00, v3  }
0x157: {  	v4 =	vshll.u32 v4, $0x7;
	v6 =	vand.u32 $0xFFFFE000, v47;
	v3 =	vor.u32 v3, v46  }
0x158: {  	vm1 =	vmor vm0, vm1;
	v4 =	vand.u32 $0x380, v4;
	v3 =	vor.u32 v6, v3  }
0x159: {  	v3 =	vor.u32 v4, v3;
	_ =	sdelay $0x3  }
0x15a: {  	v48 =	vsel vm0, $0x3F800000, v0  }
0x15b: {  	[tilespmem:v3+s3+$0x0] =	vst.idx.msk vm1, v48  }
0x15c: {  	v3 =	vld [tilespmem:s9+$0xFFFFFFF0]  }
0x15d: {  	v4 =	vld [tilespmem:s10+$0xFFFFFFF0];
	_ =	sdelay $0x1  }
0x15e: {  	s11 =	sadd.s32 $0x10, s7  }
0x15f: {  	v49 =	vmov s11;
	v50 =	vor.u32 s11, v1  }
0x160: {  	vm10 =	veq.s32 v3, $0x5;
	vm11 =	veq.s32 v3, $0x3;
	v3 =	vshll.u32 v49, $0x3  }
0x161: {  	v51 =	vand.u32 $0x5F, v50;
	v52 =	vshll.u32 v4, $0xA;
	v3 =	vand.u32 $0x1C00, v3  }
0x162: {  	v4 =	vshll.u32 v4, $0x7;
	v6 =	vand.u32 $0xFFFFE000, v52;
	v3 =	vor.u32 v3, v51  }
0x163: {  	vm1 =	vmor vm10, vm11;
	v4 =	vand.u32 $0x380, v4;
	v3 =	vor.u32 v6, v3  }
0x164: {  	v3 =	vor.u32 v4, v3;
	_ =	sdelay $0x3  }
0x165: {  	v53 =	vsel vm10, $0x3F800000, v0  }
0x166: {  	[tilespmem:v3+s3+$0x0] =	vst.idx.msk vm1, v53  }
0x167: {  	v3 =	vld [tilespmem:s9+$0x0]  }
0x168: {  	v4 =	vld [tilespmem:s10+$0x0];
	_ =	sdelay $0x1  }
0x169: {  	s14 =	sadd.s32 $0x20, s7  }
0x16a: {  	v54 =	vmov s14;
	v55 =	vor.u32 s14, v1  }
0x16b: {  	vm12 =	veq.s32 v3, $0x5;
	vm13 =	veq.s32 v3, $0x3;
	v3 =	vshll.u32 v54, $0x3  }
0x16c: {  	v56 =	vand.u32 $0x6F, v55;
	v57 =	vshll.u32 v4, $0xA;
	v3 =	vand.u32 $0x1C00, v3  }
0x16d: {  	v4 =	vshll.u32 v4, $0x7;
	v6 =	vand.u32 $0xFFFFE000, v57;
	v3 =	vor.u32 v3, v56  }
0x16e: {  	vm1 =	vmor vm12, vm13;
	v4 =	vand.u32 $0x380, v4;
	v3 =	vor.u32 v6, v3  }
0x16f: {  	v3 =	vor.u32 v4, v3;
	_ =	sdelay $0x3  }
0x170: {  	v58 =	vsel vm12, $0x3F800000, v0  }
0x171: {  	[tilespmem:v3+s3+$0x0] =	vst.idx.msk vm1, v58  }
0x172: {  	v3 =	vld [tilespmem:s9+$0x10]  }
0x173: {  	v4 =	vld [tilespmem:s10+$0x10];
	_ =	sdelay $0x1  }
0x174: {  	s15 =	sadd.s32 $0x30, s7  }
0x175: {  	v59 =	vmov s15;
	v60 =	vor.u32 s15, v1  }
0x176: {  	vm14 =	veq.s32 v3, $0x5;
	vm15 =	veq.s32 v3, $0x3;
	v3 =	vshll.u32 v59, $0x3  }
0x177: {  	v61 =	vand.u32 $0x7F, v60;
	v62 =	vshll.u32 v4, $0xA;
	v3 =	vand.u32 $0x1C00, v3  }
0x178: {  	v4 =	vshll.u32 v4, $0x7;
	v6 =	vand.u32 $0xFFFFE000, v62;
	v3 =	vor.u32 v3, v61  }
0x179: {  	s8 =	sadd.s32 $0x4, s8;
	vm1 =	vmor vm14, vm15;
	v4 =	vand.u32 $0x380, v4;
	v3 =	vor.u32 v6, v3  }
0x17a: {  	p0 =	slt.u32 s8, $0x3C;
	v3 =	vor.u32 v4, v3  }
.Ltmp8:
0x17b: {  	_ = 	snop;
	(pc) =	sbr.rel @p0 .LBB2_17-.Ltmp8, $3  }
0x17c: {  	_ =	sdelay $0x1  }
0x17d: {  	v63 =	vsel vm14, $0x3F800000, v0  }
0x17e: {  	s7 =	sadd.s32 $0x40, s7;
	s9 =	sadd.s32 $0x40, s9;
	s10 =	sadd.s32 $0x40, s10;
	[tilespmem:v3+s3+$0x0] =	vst.idx.msk vm1, v63  }
0x17f: {  	s7 =	simm.s32 $0x0;
	s8 =	rddreg [dreg:$0x8]  }
0x180: {  	[hbm4b:s8+s7] =	stream.linear.scatter [tilespmem:s3], [sflag:$0x2], $0xA000, $0x38;
	[tilespmem:$0x14C00] =	vst v63  }
0x181: {  	_ =	swait.ge [sflag:s0], $0xA000  }
0x182: {  	s9 =	simm.s32 $0x14420;
	[sflag:s0] =	ssyncset.done $0x0  }
0x183: {  	s10 =	simm.s32 $0x14820;
	s8 =	simm.s32 $0xFFFFFFFC;
	[sflag:s0] =	ssyncadd.s32 $0xFFFF6000  }
.LBB2_19:
0x184: {  	v3 =	vld [tilespmem:s9+$0xFFFFFFE0]  }
0x185: {  	v4 =	vld [tilespmem:s10+$0xFFFFFFE0];
	_ =	sdelay $0x2  }
0x186: {  	v5 =	vmov s7;
	v6 =	vor.u32 s7, v1  }
0x187: {  	vm0 =	veq.s32 v3, $0x6;
	vm1 =	veq.s32 v3, $0x4;
	v3 =	vshll.u32 v5, $0x3  }
0x188: {  	v46 =	vand.u32 $0x4F, v6;
	v47 =	vshll.u32 v4, $0xA;
	v3 =	vand.u32 $0x1C00, v3  }
0x189: {  	v4 =	vshll.u32 v4, $0x7;
	v6 =	vand.u32 $0xFFFFE000, v47;
	v3 =	vor.u32 v3, v46  }
0x18a: {  	vm1 =	vmor vm0, vm1;
	v4 =	vand.u32 $0x380, v4;
	v3 =	vor.u32 v6, v3  }
0x18b: {  	v3 =	vor.u32 v4, v3;
	_ =	sdelay $0x3  }
0x18c: {  	v48 =	vsel vm0, $0x3F800000, v0  }
0x18d: {  	[tilespmem:v3+s2+$0x0] =	vst.idx.msk vm1, v48  }
0x18e: {  	v3 =	vld [tilespmem:s9+$0xFFFFFFF0]  }
0x18f: {  	v4 =	vld [tilespmem:s10+$0xFFFFFFF0];
	_ =	sdelay $0x1  }
0x190: {  	s11 =	sadd.s32 $0x10, s7  }
0x191: {  	v49 =	vmov s11;
	v50 =	vor.u32 s11, v1  }
0x192: {  	vm10 =	veq.s32 v3, $0x6;
	vm11 =	veq.s32 v3, $0x4;
	v3 =	vshll.u32 v49, $0x3  }
0x193: {  	v51 =	vand.u32 $0x5F, v50;
	v52 =	vshll.u32 v4, $0xA;
	v3 =	vand.u32 $0x1C00, v3  }
0x194: {  	v4 =	vshll.u32 v4, $0x7;
	v6 =	vand.u32 $0xFFFFE000, v52;
	v3 =	vor.u32 v3, v51  }
0x195: {  	vm1 =	vmor vm10, vm11;
	v4 =	vand.u32 $0x380, v4;
	v3 =	vor.u32 v6, v3  }
0x196: {  	v3 =	vor.u32 v4, v3;
	_ =	sdelay $0x3  }
0x197: {  	v53 =	vsel vm10, $0x3F800000, v0  }
0x198: {  	[tilespmem:v3+s2+$0x0] =	vst.idx.msk vm1, v53  }
0x199: {  	v3 =	vld [tilespmem:s9+$0x0]  }
0x19a: {  	v4 =	vld [tilespmem:s10+$0x0];
	_ =	sdelay $0x1  }
0x19b: {  	s14 =	sadd.s32 $0x20, s7  }
0x19c: {  	v54 =	vmov s14;
	v55 =	vor.u32 s14, v1  }
0x19d: {  	vm12 =	veq.s32 v3, $0x6;
	vm13 =	veq.s32 v3, $0x4;
	v3 =	vshll.u32 v54, $0x3  }
0x19e: {  	v56 =	vand.u32 $0x6F, v55;
	v57 =	vshll.u32 v4, $0xA;
	v3 =	vand.u32 $0x1C00, v3  }
0x19f: {  	v4 =	vshll.u32 v4, $0x7;
	v6 =	vand.u32 $0xFFFFE000, v57;
	v3 =	vor.u32 v3, v56  }
0x1a0: {  	vm1 =	vmor vm12, vm13;
	v4 =	vand.u32 $0x380, v4;
	v3 =	vor.u32 v6, v3  }
0x1a1: {  	v3 =	vor.u32 v4, v3;
	_ =	sdelay $0x3  }
0x1a2: {  	v58 =	vsel vm12, $0x3F800000, v0  }
0x1a3: {  	[tilespmem:v3+s2+$0x0] =	vst.idx.msk vm1, v58  }
0x1a4: {  	v3 =	vld [tilespmem:s9+$0x10]  }
0x1a5: {  	v4 =	vld [tilespmem:s10+$0x10];
	_ =	sdelay $0x1  }
0x1a6: {  	s15 =	sadd.s32 $0x30, s7  }
0x1a7: {  	v59 =	vmov s15;
	v60 =	vor.u32 s15, v1  }
0x1a8: {  	vm14 =	veq.s32 v3, $0x6;
	vm15 =	veq.s32 v3, $0x4;
	v3 =	vshll.u32 v59, $0x3  }
0x1a9: {  	v61 =	vand.u32 $0x7F, v60;
	v62 =	vshll.u32 v4, $0xA;
	v3 =	vand.u32 $0x1C00, v3  }
0x1aa: {  	v4 =	vshll.u32 v4, $0x7;
	v6 =	vand.u32 $0xFFFFE000, v62;
	v3 =	vor.u32 v3, v61  }
0x1ab: {  	s8 =	sadd.s32 $0x4, s8;
	vm1 =	vmor vm14, vm15;
	v4 =	vand.u32 $0x380, v4;
	v3 =	vor.u32 v6, v3  }
0x1ac: {  	p0 =	slt.u32 s8, $0x3C;
	v3 =	vor.u32 v4, v3  }
.Ltmp9:
0x1ad: {  	_ = 	snop;
	(pc) =	sbr.rel @p0 .LBB2_19-.Ltmp9, $3  }
0x1ae: {  	_ =	sdelay $0x1  }
0x1af: {  	v63 =	vsel vm14, $0x3F800000, v0  }
0x1b0: {  	s7 =	sadd.s32 $0x40, s7;
	s9 =	sadd.s32 $0x40, s9;
	s10 =	sadd.s32 $0x40, s10;
	[tilespmem:v3+s2+$0x0] =	vst.idx.msk vm1, v63  }
0x1b1: {  	s7 =	simm.s32 $0x0;
	s8 =	rddreg [dreg:$0x9]  }
0x1b2: {  	[hbm4b:s8+s7] =	stream.linear.scatter [tilespmem:s7], [sflag:$0x1], $0xA000, $0x38;
	[tilespmem:$0x14C00] =	vst v63  }
0x1b3: {  	_ =	swait.ge [sflag:s5], $0xA000  }
0x1b4: {  	s9 =	simm.s32 $0x14420;
	[sflag:s5] =	ssyncset.done $0x0  }
0x1b5: {  	s10 =	simm.s32 $0x14820;
	s8 =	simm.s32 $0xFFFFFFFC;
	[sflag:s5] =	ssyncadd.s32 $0xFFFF6000  }
.LBB2_21:
0x1b6: {  	v3 =	vld [tilespmem:s9+$0xFFFFFFE0]  }
0x1b7: {  	v4 =	vld [tilespmem:s10+$0xFFFFFFE0];
	_ =	sdelay $0x2  }
0x1b8: {  	v5 =	vmov s7;
	v6 =	vor.u32 s7, v1  }
0x1b9: {  	vm0 =	veq.s32 v3, $0x7;
	vm1 =	veq.s32 v3, $0x5;
	v3 =	vshll.u32 v5, $0x3  }
0x1ba: {  	v46 =	vand.u32 $0x4F, v6;
	v47 =	vshll.u32 v4, $0xA;
	v3 =	vand.u32 $0x1C00, v3  }
0x1bb: {  	v4 =	vshll.u32 v4, $0x7;
	v6 =	vand.u32 $0xFFFFE000, v47;
	v3 =	vor.u32 v3, v46  }
0x1bc: {  	vm1 =	vmor vm0, vm1;
	v4 =	vand.u32 $0x380, v4;
	v3 =	vor.u32 v6, v3  }
0x1bd: {  	v3 =	vor.u32 v4, v3;
	_ =	sdelay $0x3  }
0x1be: {  	v48 =	vsel vm0, $0x3F800000, v0  }
0x1bf: {  	[tilespmem:v3+s3+$0x0] =	vst.idx.msk vm1, v48  }
0x1c0: {  	v3 =	vld [tilespmem:s9+$0xFFFFFFF0]  }
0x1c1: {  	v4 =	vld [tilespmem:s10+$0xFFFFFFF0];
	_ =	sdelay $0x1  }
0x1c2: {  	s11 =	sadd.s32 $0x10, s7  }
0x1c3: {  	v49 =	vmov s11;
	v50 =	vor.u32 s11, v1  }
0x1c4: {  	vm10 =	veq.s32 v3, $0x7;
	vm11 =	veq.s32 v3, $0x5;
	v3 =	vshll.u32 v49, $0x3  }
0x1c5: {  	v51 =	vand.u32 $0x5F, v50;
	v52 =	vshll.u32 v4, $0xA;
	v3 =	vand.u32 $0x1C00, v3  }
0x1c6: {  	v4 =	vshll.u32 v4, $0x7;
	v6 =	vand.u32 $0xFFFFE000, v52;
	v3 =	vor.u32 v3, v51  }
0x1c7: {  	vm1 =	vmor vm10, vm11;
	v4 =	vand.u32 $0x380, v4;
	v3 =	vor.u32 v6, v3  }
0x1c8: {  	v3 =	vor.u32 v4, v3;
	_ =	sdelay $0x3  }
0x1c9: {  	v53 =	vsel vm10, $0x3F800000, v0  }
0x1ca: {  	[tilespmem:v3+s3+$0x0] =	vst.idx.msk vm1, v53  }
0x1cb: {  	v3 =	vld [tilespmem:s9+$0x0]  }
0x1cc: {  	v4 =	vld [tilespmem:s10+$0x0];
	_ =	sdelay $0x1  }
0x1cd: {  	s14 =	sadd.s32 $0x20, s7  }
0x1ce: {  	v54 =	vmov s14;
	v55 =	vor.u32 s14, v1  }
0x1cf: {  	vm12 =	veq.s32 v3, $0x7;
	vm13 =	veq.s32 v3, $0x5;
	v3 =	vshll.u32 v54, $0x3  }
0x1d0: {  	v56 =	vand.u32 $0x6F, v55;
	v57 =	vshll.u32 v4, $0xA;
	v3 =	vand.u32 $0x1C00, v3  }
0x1d1: {  	v4 =	vshll.u32 v4, $0x7;
	v6 =	vand.u32 $0xFFFFE000, v57;
	v3 =	vor.u32 v3, v56  }
0x1d2: {  	vm1 =	vmor vm12, vm13;
	v4 =	vand.u32 $0x380, v4;
	v3 =	vor.u32 v6, v3  }
0x1d3: {  	v3 =	vor.u32 v4, v3;
	_ =	sdelay $0x3  }
0x1d4: {  	v58 =	vsel vm12, $0x3F800000, v0  }
0x1d5: {  	[tilespmem:v3+s3+$0x0] =	vst.idx.msk vm1, v58  }
0x1d6: {  	v3 =	vld [tilespmem:s9+$0x10]  }
0x1d7: {  	v4 =	vld [tilespmem:s10+$0x10];
	_ =	sdelay $0x1  }
0x1d8: {  	s15 =	sadd.s32 $0x30, s7  }
0x1d9: {  	v59 =	vmov s15;
	v60 =	vor.u32 s15, v1  }
0x1da: {  	vm14 =	veq.s32 v3, $0x7;
	vm15 =	veq.s32 v3, $0x5;
	v3 =	vshll.u32 v59, $0x3  }
0x1db: {  	v61 =	vand.u32 $0x7F, v60;
	v62 =	vshll.u32 v4, $0xA;
	v3 =	vand.u32 $0x1C00, v3  }
0x1dc: {  	v4 =	vshll.u32 v4, $0x7;
	v6 =	vand.u32 $0xFFFFE000, v62;
	v3 =	vor.u32 v3, v61  }
0x1dd: {  	s8 =	sadd.s32 $0x4, s8;
	vm1 =	vmor vm14, vm15;
	v4 =	vand.u32 $0x380, v4;
	v3 =	vor.u32 v6, v3  }
0x1de: {  	p0 =	slt.u32 s8, $0x3C;
	v3 =	vor.u32 v4, v3  }
.Ltmp10:
0x1df: {  	_ = 	snop;
	(pc) =	sbr.rel @p0 .LBB2_21-.Ltmp10, $3  }
0x1e0: {  	_ =	sdelay $0x1  }
0x1e1: {  	v63 =	vsel vm14, $0x3F800000, v0  }
0x1e2: {  	s7 =	sadd.s32 $0x40, s7;
	s9 =	sadd.s32 $0x40, s9;
	s10 =	sadd.s32 $0x40, s10;
	[tilespmem:v3+s3+$0x0] =	vst.idx.msk vm1, v63  }
0x1e3: {  	s7 =	simm.s32 $0x0;
	s8 =	rddreg [dreg:$0xa]  }
0x1e4: {  	[hbm4b:s8+s7] =	stream.linear.scatter [tilespmem:s3], [sflag:$0x2], $0xA000, $0x38;
	[tilespmem:$0x14C00] =	vst v63  }
0x1e5: {  	_ =	swait.ge [sflag:s0], $0xA000  }
0x1e6: {  	s9 =	simm.s32 $0x14420;
	[sflag:s0] =	ssyncset.done $0x0  }
0x1e7: {  	s10 =	simm.s32 $0x14820;
	s8 =	simm.s32 $0xFFFFFFFC;
	[sflag:s0] =	ssyncadd.s32 $0xFFFF6000  }
.LBB2_23:
0x1e8: {  	v3 =	vld [tilespmem:s9+$0xFFFFFFE0]  }
0x1e9: {  	v4 =	vld [tilespmem:s10+$0xFFFFFFE0];
	_ =	sdelay $0x2  }
0x1ea: {  	v5 =	vmov s7;
	v6 =	vor.u32 s7, v1  }
0x1eb: {  	vm0 =	veq.s32 v3, $0x8;
	vm1 =	veq.s32 v3, $0x6;
	v3 =	vshll.u32 v5, $0x3  }
0x1ec: {  	v46 =	vand.u32 $0x4F, v6;
	v47 =	vshll.u32 v4, $0xA;
	v3 =	vand.u32 $0x1C00, v3  }
0x1ed: {  	v4 =	vshll.u32 v4, $0x7;
	v6 =	vand.u32 $0xFFFFE000, v47;
	v3 =	vor.u32 v3, v46  }
0x1ee: {  	vm1 =	vmor vm0, vm1;
	v4 =	vand.u32 $0x380, v4;
	v3 =	vor.u32 v6, v3  }
0x1ef: {  	v3 =	vor.u32 v4, v3;
	_ =	sdelay $0x3  }
0x1f0: {  	v48 =	vsel vm0, $0x3F800000, v0  }
0x1f1: {  	[tilespmem:v3+s2+$0x0] =	vst.idx.msk vm1, v48  }
0x1f2: {  	v3 =	vld [tilespmem:s9+$0xFFFFFFF0]  }
0x1f3: {  	v4 =	vld [tilespmem:s10+$0xFFFFFFF0];
	_ =	sdelay $0x1  }
0x1f4: {  	s11 =	sadd.s32 $0x10, s7  }
0x1f5: {  	v49 =	vmov s11;
	v50 =	vor.u32 s11, v1  }
0x1f6: {  	vm10 =	veq.s32 v3, $0x8;
	vm11 =	veq.s32 v3, $0x6;
	v3 =	vshll.u32 v49, $0x3  }
0x1f7: {  	v51 =	vand.u32 $0x5F, v50;
	v52 =	vshll.u32 v4, $0xA;
	v3 =	vand.u32 $0x1C00, v3  }
0x1f8: {  	v4 =	vshll.u32 v4, $0x7;
	v6 =	vand.u32 $0xFFFFE000, v52;
	v3 =	vor.u32 v3, v51  }
0x1f9: {  	vm1 =	vmor vm10, vm11;
	v4 =	vand.u32 $0x380, v4;
	v3 =	vor.u32 v6, v3  }
0x1fa: {  	v3 =	vor.u32 v4, v3;
	_ =	sdelay $0x3  }
0x1fb: {  	v53 =	vsel vm10, $0x3F800000, v0  }
0x1fc: {  	[tilespmem:v3+s2+$0x0] =	vst.idx.msk vm1, v53  }
0x1fd: {  	v3 =	vld [tilespmem:s9+$0x0]  }
0x1fe: {  	v4 =	vld [tilespmem:s10+$0x0];
	_ =	sdelay $0x1  }
0x1ff: {  	s14 =	sadd.s32 $0x20, s7  }
0x200: {  	v54 =	vmov s14;
	v55 =	vor.u32 s14, v1  }
0x201: {  	vm12 =	veq.s32 v3, $0x8;
	vm13 =	veq.s32 v3, $0x6;
	v3 =	vshll.u32 v54, $0x3  }
0x202: {  	v56 =	vand.u32 $0x6F, v55;
	v57 =	vshll.u32 v4, $0xA;
	v3 =	vand.u32 $0x1C00, v3  }
0x203: {  	v4 =	vshll.u32 v4, $0x7;
	v6 =	vand.u32 $0xFFFFE000, v57;
	v3 =	vor.u32 v3, v56  }
0x204: {  	vm1 =	vmor vm12, vm13;
	v4 =	vand.u32 $0x380, v4;
	v3 =	vor.u32 v6, v3  }
0x205: {  	v3 =	vor.u32 v4, v3;
	_ =	sdelay $0x3  }
0x206: {  	v58 =	vsel vm12, $0x3F800000, v0  }
0x207: {  	[tilespmem:v3+s2+$0x0] =	vst.idx.msk vm1, v58  }
0x208: {  	v3 =	vld [tilespmem:s9+$0x10]  }
0x209: {  	v4 =	vld [tilespmem:s10+$0x10];
	_ =	sdelay $0x1  }
0x20a: {  	s15 =	sadd.s32 $0x30, s7  }
0x20b: {  	v59 =	vmov s15;
	v60 =	vor.u32 s15, v1  }
0x20c: {  	vm14 =	veq.s32 v3, $0x8;
	vm15 =	veq.s32 v3, $0x6;
	v3 =	vshll.u32 v59, $0x3  }
0x20d: {  	v61 =	vand.u32 $0x7F, v60;
	v62 =	vshll.u32 v4, $0xA;
	v3 =	vand.u32 $0x1C00, v3  }
0x20e: {  	v4 =	vshll.u32 v4, $0x7;
	v6 =	vand.u32 $0xFFFFE000, v62;
	v3 =	vor.u32 v3, v61  }
0x20f: {  	s8 =	sadd.s32 $0x4, s8;
	vm1 =	vmor vm14, vm15;
	v4 =	vand.u32 $0x380, v4;
	v3 =	vor.u32 v6, v3  }
0x210: {  	p0 =	slt.u32 s8, $0x3C;
	v3 =	vor.u32 v4, v3  }
.Ltmp11:
0x211: {  	_ = 	snop;
	(pc) =	sbr.rel @p0 .LBB2_23-.Ltmp11, $3  }
0x212: {  	_ =	sdelay $0x1  }
0x213: {  	v63 =	vsel vm14, $0x3F800000, v0  }
0x214: {  	s7 =	sadd.s32 $0x40, s7;
	s9 =	sadd.s32 $0x40, s9;
	s10 =	sadd.s32 $0x40, s10;
	[tilespmem:v3+s2+$0x0] =	vst.idx.msk vm1, v63  }
0x215: {  	s7 =	simm.s32 $0x0;
	s8 =	rddreg [dreg:$0xb]  }
0x216: {  	[hbm4b:s8+s7] =	stream.linear.scatter [tilespmem:s7], [sflag:$0x1], $0xA000, $0x38;
	[tilespmem:$0x14C00] =	vst v63  }
0x217: {  	_ =	swait.ge [sflag:s5], $0xA000  }
0x218: {  	s9 =	simm.s32 $0x14420;
	[sflag:s5] =	ssyncset.done $0x0  }
0x219: {  	s10 =	simm.s32 $0x14820;
	s8 =	simm.s32 $0xFFFFFFFC;
	[sflag:s5] =	ssyncadd.s32 $0xFFFF6000  }
.LBB2_25:
0x21a: {  	v3 =	vld [tilespmem:s9+$0xFFFFFFE0]  }
0x21b: {  	v4 =	vld [tilespmem:s10+$0xFFFFFFE0];
	_ =	sdelay $0x2  }
0x21c: {  	v5 =	vmov s7;
	v6 =	vor.u32 s7, v1  }
0x21d: {  	vm0 =	veq.s32 v3, $0x9;
	vm1 =	veq.s32 v3, $0x7;
	v3 =	vshll.u32 v5, $0x3  }
0x21e: {  	v46 =	vand.u32 $0x4F, v6;
	v47 =	vshll.u32 v4, $0xA;
	v3 =	vand.u32 $0x1C00, v3  }
0x21f: {  	v4 =	vshll.u32 v4, $0x7;
	v6 =	vand.u32 $0xFFFFE000, v47;
	v3 =	vor.u32 v3, v46  }
0x220: {  	vm1 =	vmor vm0, vm1;
	v4 =	vand.u32 $0x380, v4;
	v3 =	vor.u32 v6, v3  }
0x221: {  	v3 =	vor.u32 v4, v3;
	_ =	sdelay $0x3  }
0x222: {  	v48 =	vsel vm0, $0x3F800000, v0  }
0x223: {  	[tilespmem:v3+s3+$0x0] =	vst.idx.msk vm1, v48  }
0x224: {  	v3 =	vld [tilespmem:s9+$0xFFFFFFF0]  }
0x225: {  	v4 =	vld [tilespmem:s10+$0xFFFFFFF0];
	_ =	sdelay $0x1  }
0x226: {  	s11 =	sadd.s32 $0x10, s7  }
0x227: {  	v49 =	vmov s11;
	v50 =	vor.u32 s11, v1  }
0x228: {  	vm10 =	veq.s32 v3, $0x9;
	vm11 =	veq.s32 v3, $0x7;
	v3 =	vshll.u32 v49, $0x3  }
0x229: {  	v51 =	vand.u32 $0x5F, v50;
	v52 =	vshll.u32 v4, $0xA;
	v3 =	vand.u32 $0x1C00, v3  }
0x22a: {  	v4 =	vshll.u32 v4, $0x7;
	v6 =	vand.u32 $0xFFFFE000, v52;
	v3 =	vor.u32 v3, v51  }
0x22b: {  	vm1 =	vmor vm10, vm11;
	v4 =	vand.u32 $0x380, v4;
	v3 =	vor.u32 v6, v3  }
0x22c: {  	v3 =	vor.u32 v4, v3;
	_ =	sdelay $0x3  }
0x22d: {  	v53 =	vsel vm10, $0x3F800000, v0  }
0x22e: {  	[tilespmem:v3+s3+$0x0] =	vst.idx.msk vm1, v53  }
0x22f: {  	v3 =	vld [tilespmem:s9+$0x0]  }
0x230: {  	v4 =	vld [tilespmem:s10+$0x0];
	_ =	sdelay $0x1  }
0x231: {  	s14 =	sadd.s32 $0x20, s7  }
0x232: {  	v54 =	vmov s14;
	v55 =	vor.u32 s14, v1  }
0x233: {  	vm12 =	veq.s32 v3, $0x9;
	vm13 =	veq.s32 v3, $0x7;
	v3 =	vshll.u32 v54, $0x3  }
0x234: {  	v56 =	vand.u32 $0x6F, v55;
	v57 =	vshll.u32 v4, $0xA;
	v3 =	vand.u32 $0x1C00, v3  }
0x235: {  	v4 =	vshll.u32 v4, $0x7;
	v6 =	vand.u32 $0xFFFFE000, v57;
	v3 =	vor.u32 v3, v56  }
0x236: {  	vm1 =	vmor vm12, vm13;
	v4 =	vand.u32 $0x380, v4;
	v3 =	vor.u32 v6, v3  }
0x237: {  	v3 =	vor.u32 v4, v3;
	_ =	sdelay $0x3  }
0x238: {  	v58 =	vsel vm12, $0x3F800000, v0  }
0x239: {  	[tilespmem:v3+s3+$0x0] =	vst.idx.msk vm1, v58  }
0x23a: {  	v3 =	vld [tilespmem:s9+$0x10]  }
0x23b: {  	v4 =	vld [tilespmem:s10+$0x10];
	_ =	sdelay $0x1  }
0x23c: {  	s15 =	sadd.s32 $0x30, s7  }
0x23d: {  	v59 =	vmov s15;
	v60 =	vor.u32 s15, v1  }
0x23e: {  	vm14 =	veq.s32 v3, $0x9;
	vm15 =	veq.s32 v3, $0x7;
	v3 =	vshll.u32 v59, $0x3  }
0x23f: {  	v61 =	vand.u32 $0x7F, v60;
	v62 =	vshll.u32 v4, $0xA;
	v3 =	vand.u32 $0x1C00, v3  }
0x240: {  	v4 =	vshll.u32 v4, $0x7;
	v6 =	vand.u32 $0xFFFFE000, v62;
	v3 =	vor.u32 v3, v61  }
0x241: {  	s8 =	sadd.s32 $0x4, s8;
	vm1 =	vmor vm14, vm15;
	v4 =	vand.u32 $0x380, v4;
	v3 =	vor.u32 v6, v3  }
0x242: {  	p0 =	slt.u32 s8, $0x3C;
	v3 =	vor.u32 v4, v3  }
.Ltmp12:
0x243: {  	_ = 	snop;
	(pc) =	sbr.rel @p0 .LBB2_25-.Ltmp12, $3  }
0x244: {  	_ =	sdelay $0x1  }
0x245: {  	v63 =	vsel vm14, $0x3F800000, v0  }
0x246: {  	s7 =	sadd.s32 $0x40, s7;
	s9 =	sadd.s32 $0x40, s9;
	s10 =	sadd.s32 $0x40, s10;
	[tilespmem:v3+s3+$0x0] =	vst.idx.msk vm1, v63  }
0x247: {  	s7 =	simm.s32 $0x0;
	s8 =	rddreg [dreg:$0xc]  }
0x248: {  	[hbm4b:s8+s7] =	stream.linear.scatter [tilespmem:s3], [sflag:$0x2], $0xA000, $0x38;
	[tilespmem:$0x14C00] =	vst v63  }
0x249: {  	_ =	swait.ge [sflag:s0], $0xA000  }
0x24a: {  	s9 =	simm.s32 $0x14420;
	[sflag:s0] =	ssyncset.done $0x0  }
0x24b: {  	s10 =	simm.s32 $0x14820;
	s8 =	simm.s32 $0xFFFFFFFC;
	[sflag:s0] =	ssyncadd.s32 $0xFFFF6000  }
.LBB2_27:
0x24c: {  	v3 =	vld [tilespmem:s9+$0xFFFFFFE0]  }
0x24d: {  	v4 =	vld [tilespmem:s10+$0xFFFFFFE0];
	_ =	sdelay $0x2  }
0x24e: {  	v5 =	vmov s7;
	v6 =	vor.u32 s7, v1  }
0x24f: {  	vm0 =	veq.s32 v3, $0xA;
	vm1 =	veq.s32 v3, $0x8;
	v3 =	vshll.u32 v5, $0x3  }
0x250: {  	v46 =	vand.u32 $0x4F, v6;
	v47 =	vshll.u32 v4, $0xA;
	v3 =	vand.u32 $0x1C00, v3  }
0x251: {  	v4 =	vshll.u32 v4, $0x7;
	v6 =	vand.u32 $0xFFFFE000, v47;
	v3 =	vor.u32 v3, v46  }
0x252: {  	vm1 =	vmor vm0, vm1;
	v4 =	vand.u32 $0x380, v4;
	v3 =	vor.u32 v6, v3  }
0x253: {  	v3 =	vor.u32 v4, v3;
	_ =	sdelay $0x3  }
0x254: {  	v48 =	vsel vm0, $0x3F800000, v0  }
0x255: {  	[tilespmem:v3+s2+$0x0] =	vst.idx.msk vm1, v48  }
0x256: {  	v3 =	vld [tilespmem:s9+$0xFFFFFFF0]  }
0x257: {  	v4 =	vld [tilespmem:s10+$0xFFFFFFF0];
	_ =	sdelay $0x1  }
0x258: {  	s11 =	sadd.s32 $0x10, s7  }
0x259: {  	v49 =	vmov s11;
	v50 =	vor.u32 s11, v1  }
0x25a: {  	vm10 =	veq.s32 v3, $0xA;
	vm11 =	veq.s32 v3, $0x8;
	v3 =	vshll.u32 v49, $0x3  }
0x25b: {  	v51 =	vand.u32 $0x5F, v50;
	v52 =	vshll.u32 v4, $0xA;
	v3 =	vand.u32 $0x1C00, v3  }
0x25c: {  	v4 =	vshll.u32 v4, $0x7;
	v6 =	vand.u32 $0xFFFFE000, v52;
	v3 =	vor.u32 v3, v51  }
0x25d: {  	vm1 =	vmor vm10, vm11;
	v4 =	vand.u32 $0x380, v4;
	v3 =	vor.u32 v6, v3  }
0x25e: {  	v3 =	vor.u32 v4, v3;
	_ =	sdelay $0x3  }
0x25f: {  	v53 =	vsel vm10, $0x3F800000, v0  }
0x260: {  	[tilespmem:v3+s2+$0x0] =	vst.idx.msk vm1, v53  }
0x261: {  	v3 =	vld [tilespmem:s9+$0x0]  }
0x262: {  	v4 =	vld [tilespmem:s10+$0x0];
	_ =	sdelay $0x1  }
0x263: {  	s14 =	sadd.s32 $0x20, s7  }
0x264: {  	v54 =	vmov s14;
	v55 =	vor.u32 s14, v1  }
0x265: {  	vm12 =	veq.s32 v3, $0xA;
	vm13 =	veq.s32 v3, $0x8;
	v3 =	vshll.u32 v54, $0x3  }
0x266: {  	v56 =	vand.u32 $0x6F, v55;
	v57 =	vshll.u32 v4, $0xA;
	v3 =	vand.u32 $0x1C00, v3  }
0x267: {  	v4 =	vshll.u32 v4, $0x7;
	v6 =	vand.u32 $0xFFFFE000, v57;
	v3 =	vor.u32 v3, v56  }
0x268: {  	vm1 =	vmor vm12, vm13;
	v4 =	vand.u32 $0x380, v4;
	v3 =	vor.u32 v6, v3  }
0x269: {  	v3 =	vor.u32 v4, v3;
	_ =	sdelay $0x3  }
0x26a: {  	v58 =	vsel vm12, $0x3F800000, v0  }
0x26b: {  	[tilespmem:v3+s2+$0x0] =	vst.idx.msk vm1, v58  }
0x26c: {  	v3 =	vld [tilespmem:s9+$0x10]  }
0x26d: {  	v4 =	vld [tilespmem:s10+$0x10];
	_ =	sdelay $0x1  }
0x26e: {  	s15 =	sadd.s32 $0x30, s7  }
0x26f: {  	v59 =	vmov s15;
	v60 =	vor.u32 s15, v1  }
0x270: {  	vm14 =	veq.s32 v3, $0xA;
	vm15 =	veq.s32 v3, $0x8;
	v3 =	vshll.u32 v59, $0x3  }
0x271: {  	v61 =	vand.u32 $0x7F, v60;
	v62 =	vshll.u32 v4, $0xA;
	v3 =	vand.u32 $0x1C00, v3  }
0x272: {  	v4 =	vshll.u32 v4, $0x7;
	v6 =	vand.u32 $0xFFFFE000, v62;
	v3 =	vor.u32 v3, v61  }
0x273: {  	s8 =	sadd.s32 $0x4, s8;
	vm1 =	vmor vm14, vm15;
	v4 =	vand.u32 $0x380, v4;
	v3 =	vor.u32 v6, v3  }
0x274: {  	p0 =	slt.u32 s8, $0x3C;
	v3 =	vor.u32 v4, v3  }
.Ltmp13:
0x275: {  	_ = 	snop;
	(pc) =	sbr.rel @p0 .LBB2_27-.Ltmp13, $3  }
0x276: {  	_ =	sdelay $0x1  }
0x277: {  	v63 =	vsel vm14, $0x3F800000, v0  }
0x278: {  	s7 =	sadd.s32 $0x40, s7;
	s9 =	sadd.s32 $0x40, s9;
	s10 =	sadd.s32 $0x40, s10;
	[tilespmem:v3+s2+$0x0] =	vst.idx.msk vm1, v63  }
0x279: {  	s7 =	simm.s32 $0x0;
	s8 =	rddreg [dreg:$0xd]  }
0x27a: {  	[hbm4b:s8+s7] =	stream.linear.scatter [tilespmem:s7], [sflag:$0x1], $0xA000, $0x38;
	[tilespmem:$0x14C00] =	vst v63  }
0x27b: {  	_ =	swait.ge [sflag:s5], $0xA000  }
0x27c: {  	s9 =	simm.s32 $0x14420;
	[sflag:s5] =	ssyncset.done $0x0  }
0x27d: {  	s10 =	simm.s32 $0x14820;
	s8 =	simm.s32 $0xFFFFFFFC;
	[sflag:s5] =	ssyncadd.s32 $0xFFFF6000  }
.LBB2_29:
0x27e: {  	v3 =	vld [tilespmem:s9+$0xFFFFFFE0]  }
0x27f: {  	v4 =	vld [tilespmem:s10+$0xFFFFFFE0];
	_ =	sdelay $0x2  }
0x280: {  	v5 =	vmov s7;
	v6 =	vor.u32 s7, v1  }
0x281: {  	vm0 =	veq.s32 v3, $0xB;
	vm1 =	veq.s32 v3, $0x9;
	v3 =	vshll.u32 v5, $0x3  }
0x282: {  	v46 =	vand.u32 $0x4F, v6;
	v47 =	vshll.u32 v4, $0xA;
	v3 =	vand.u32 $0x1C00, v3  }
0x283: {  	v4 =	vshll.u32 v4, $0x7;
	v6 =	vand.u32 $0xFFFFE000, v47;
	v3 =	vor.u32 v3, v46  }
0x284: {  	vm1 =	vmor vm0, vm1;
	v4 =	vand.u32 $0x380, v4;
	v3 =	vor.u32 v6, v3  }
0x285: {  	v3 =	vor.u32 v4, v3;
	_ =	sdelay $0x3  }
0x286: {  	v48 =	vsel vm0, $0x3F800000, v0  }
0x287: {  	[tilespmem:v3+s3+$0x0] =	vst.idx.msk vm1, v48  }
0x288: {  	v3 =	vld [tilespmem:s9+$0xFFFFFFF0]  }
0x289: {  	v4 =	vld [tilespmem:s10+$0xFFFFFFF0];
	_ =	sdelay $0x1  }
0x28a: {  	s11 =	sadd.s32 $0x10, s7  }
0x28b: {  	v49 =	vmov s11;
	v50 =	vor.u32 s11, v1  }
0x28c: {  	vm10 =	veq.s32 v3, $0xB;
	vm11 =	veq.s32 v3, $0x9;
	v3 =	vshll.u32 v49, $0x3  }
0x28d: {  	v51 =	vand.u32 $0x5F, v50;
	v52 =	vshll.u32 v4, $0xA;
	v3 =	vand.u32 $0x1C00, v3  }
0x28e: {  	v4 =	vshll.u32 v4, $0x7;
	v6 =	vand.u32 $0xFFFFE000, v52;
	v3 =	vor.u32 v3, v51  }
0x28f: {  	vm1 =	vmor vm10, vm11;
	v4 =	vand.u32 $0x380, v4;
	v3 =	vor.u32 v6, v3  }
0x290: {  	v3 =	vor.u32 v4, v3;
	_ =	sdelay $0x3  }
0x291: {  	v53 =	vsel vm10, $0x3F800000, v0  }
0x292: {  	[tilespmem:v3+s3+$0x0] =	vst.idx.msk vm1, v53  }
0x293: {  	v3 =	vld [tilespmem:s9+$0x0]  }
0x294: {  	v4 =	vld [tilespmem:s10+$0x0];
	_ =	sdelay $0x1  }
0x295: {  	s14 =	sadd.s32 $0x20, s7  }
0x296: {  	v54 =	vmov s14;
	v55 =	vor.u32 s14, v1  }
0x297: {  	vm12 =	veq.s32 v3, $0xB;
	vm13 =	veq.s32 v3, $0x9;
	v3 =	vshll.u32 v54, $0x3  }
0x298: {  	v56 =	vand.u32 $0x6F, v55;
	v57 =	vshll.u32 v4, $0xA;
	v3 =	vand.u32 $0x1C00, v3  }
0x299: {  	v4 =	vshll.u32 v4, $0x7;
	v6 =	vand.u32 $0xFFFFE000, v57;
	v3 =	vor.u32 v3, v56  }
0x29a: {  	vm1 =	vmor vm12, vm13;
	v4 =	vand.u32 $0x380, v4;
	v3 =	vor.u32 v6, v3  }
0x29b: {  	v3 =	vor.u32 v4, v3;
	_ =	sdelay $0x3  }
0x29c: {  	v58 =	vsel vm12, $0x3F800000, v0  }
0x29d: {  	[tilespmem:v3+s3+$0x0] =	vst.idx.msk vm1, v58  }
0x29e: {  	v3 =	vld [tilespmem:s9+$0x10]  }
0x29f: {  	v4 =	vld [tilespmem:s10+$0x10];
	_ =	sdelay $0x1  }
0x2a0: {  	s15 =	sadd.s32 $0x30, s7  }
0x2a1: {  	v59 =	vmov s15;
	v60 =	vor.u32 s15, v1  }
0x2a2: {  	vm14 =	veq.s32 v3, $0xB;
	vm15 =	veq.s32 v3, $0x9;
	v3 =	vshll.u32 v59, $0x3  }
0x2a3: {  	v61 =	vand.u32 $0x7F, v60;
	v62 =	vshll.u32 v4, $0xA;
	v3 =	vand.u32 $0x1C00, v3  }
0x2a4: {  	v4 =	vshll.u32 v4, $0x7;
	v6 =	vand.u32 $0xFFFFE000, v62;
	v3 =	vor.u32 v3, v61  }
0x2a5: {  	s8 =	sadd.s32 $0x4, s8;
	vm1 =	vmor vm14, vm15;
	v4 =	vand.u32 $0x380, v4;
	v3 =	vor.u32 v6, v3  }
0x2a6: {  	p0 =	slt.u32 s8, $0x3C;
	v3 =	vor.u32 v4, v3  }
.Ltmp14:
0x2a7: {  	_ = 	snop;
	(pc) =	sbr.rel @p0 .LBB2_29-.Ltmp14, $3  }
0x2a8: {  	_ =	sdelay $0x1  }
0x2a9: {  	v63 =	vsel vm14, $0x3F800000, v0  }
0x2aa: {  	s7 =	sadd.s32 $0x40, s7;
	s9 =	sadd.s32 $0x40, s9;
	s10 =	sadd.s32 $0x40, s10;
	[tilespmem:v3+s3+$0x0] =	vst.idx.msk vm1, v63  }
0x2ab: {  	s7 =	simm.s32 $0x0;
	s8 =	rddreg [dreg:$0xe]  }
0x2ac: {  	[hbm4b:s8+s7] =	stream.linear.scatter [tilespmem:s3], [sflag:$0x2], $0xA000, $0x38;
	[tilespmem:$0x14C00] =	vst v63  }
0x2ad: {  	_ =	swait.ge [sflag:s0], $0xA000  }
0x2ae: {  	s9 =	simm.s32 $0x14420;
	[sflag:s0] =	ssyncset.done $0x0  }
0x2af: {  	s10 =	simm.s32 $0x14820;
	s8 =	simm.s32 $0xFFFFFFFC;
	[sflag:s0] =	ssyncadd.s32 $0xFFFF6000  }
.LBB2_31:
0x2b0: {  	v3 =	vld [tilespmem:s9+$0xFFFFFFE0]  }
0x2b1: {  	v4 =	vld [tilespmem:s10+$0xFFFFFFE0];
	_ =	sdelay $0x2  }
0x2b2: {  	v5 =	vmov s7;
	v6 =	vor.u32 s7, v1  }
0x2b3: {  	vm0 =	veq.s32 v3, $0xC;
	vm1 =	veq.s32 v3, $0xA;
	v3 =	vshll.u32 v5, $0x3  }
0x2b4: {  	v46 =	vand.u32 $0x4F, v6;
	v47 =	vshll.u32 v4, $0xA;
	v3 =	vand.u32 $0x1C00, v3  }
0x2b5: {  	v4 =	vshll.u32 v4, $0x7;
	v6 =	vand.u32 $0xFFFFE000, v47;
	v3 =	vor.u32 v3, v46  }
0x2b6: {  	vm1 =	vmor vm0, vm1;
	v4 =	vand.u32 $0x380, v4;
	v3 =	vor.u32 v6, v3  }
0x2b7: {  	v3 =	vor.u32 v4, v3;
	_ =	sdelay $0x3  }
0x2b8: {  	v48 =	vsel vm0, $0x3F800000, v0  }
0x2b9: {  	[tilespmem:v3+s2+$0x0] =	vst.idx.msk vm1, v48  }
0x2ba: {  	v3 =	vld [tilespmem:s9+$0xFFFFFFF0]  }
0x2bb: {  	v4 =	vld [tilespmem:s10+$0xFFFFFFF0];
	_ =	sdelay $0x1  }
0x2bc: {  	s11 =	sadd.s32 $0x10, s7  }
0x2bd: {  	v49 =	vmov s11;
	v50 =	vor.u32 s11, v1  }
0x2be: {  	vm10 =	veq.s32 v3, $0xC;
	vm11 =	veq.s32 v3, $0xA;
	v3 =	vshll.u32 v49, $0x3  }
0x2bf: {  	v51 =	vand.u32 $0x5F, v50;
	v52 =	vshll.u32 v4, $0xA;
	v3 =	vand.u32 $0x1C00, v3  }
0x2c0: {  	v4 =	vshll.u32 v4, $0x7;
	v6 =	vand.u32 $0xFFFFE000, v52;
	v3 =	vor.u32 v3, v51  }
0x2c1: {  	vm1 =	vmor vm10, vm11;
	v4 =	vand.u32 $0x380, v4;
	v3 =	vor.u32 v6, v3  }
0x2c2: {  	v3 =	vor.u32 v4, v3;
	_ =	sdelay $0x3  }
0x2c3: {  	v53 =	vsel vm10, $0x3F800000, v0  }
0x2c4: {  	[tilespmem:v3+s2+$0x0] =	vst.idx.msk vm1, v53  }
0x2c5: {  	v3 =	vld [tilespmem:s9+$0x0]  }
0x2c6: {  	v4 =	vld [tilespmem:s10+$0x0];
	_ =	sdelay $0x1  }
0x2c7: {  	s14 =	sadd.s32 $0x20, s7  }
0x2c8: {  	v54 =	vmov s14;
	v55 =	vor.u32 s14, v1  }
0x2c9: {  	vm12 =	veq.s32 v3, $0xC;
	vm13 =	veq.s32 v3, $0xA;
	v3 =	vshll.u32 v54, $0x3  }
0x2ca: {  	v56 =	vand.u32 $0x6F, v55;
	v57 =	vshll.u32 v4, $0xA;
	v3 =	vand.u32 $0x1C00, v3  }
0x2cb: {  	v4 =	vshll.u32 v4, $0x7;
	v6 =	vand.u32 $0xFFFFE000, v57;
	v3 =	vor.u32 v3, v56  }
0x2cc: {  	vm1 =	vmor vm12, vm13;
	v4 =	vand.u32 $0x380, v4;
	v3 =	vor.u32 v6, v3  }
0x2cd: {  	v3 =	vor.u32 v4, v3;
	_ =	sdelay $0x3  }
0x2ce: {  	v58 =	vsel vm12, $0x3F800000, v0  }
0x2cf: {  	[tilespmem:v3+s2+$0x0] =	vst.idx.msk vm1, v58  }
0x2d0: {  	v3 =	vld [tilespmem:s9+$0x10]  }
0x2d1: {  	v4 =	vld [tilespmem:s10+$0x10];
	_ =	sdelay $0x1  }
0x2d2: {  	s15 =	sadd.s32 $0x30, s7  }
0x2d3: {  	v59 =	vmov s15;
	v60 =	vor.u32 s15, v1  }
0x2d4: {  	vm14 =	veq.s32 v3, $0xC;
	vm15 =	veq.s32 v3, $0xA;
	v3 =	vshll.u32 v59, $0x3  }
0x2d5: {  	v61 =	vand.u32 $0x7F, v60;
	v62 =	vshll.u32 v4, $0xA;
	v3 =	vand.u32 $0x1C00, v3  }
0x2d6: {  	v4 =	vshll.u32 v4, $0x7;
	v6 =	vand.u32 $0xFFFFE000, v62;
	v3 =	vor.u32 v3, v61  }
0x2d7: {  	s8 =	sadd.s32 $0x4, s8;
	vm1 =	vmor vm14, vm15;
	v4 =	vand.u32 $0x380, v4;
	v3 =	vor.u32 v6, v3  }
0x2d8: {  	p0 =	slt.u32 s8, $0x3C;
	v3 =	vor.u32 v4, v3  }
.Ltmp15:
0x2d9: {  	_ = 	snop;
	(pc) =	sbr.rel @p0 .LBB2_31-.Ltmp15, $3  }
0x2da: {  	_ =	sdelay $0x1  }
0x2db: {  	v63 =	vsel vm14, $0x3F800000, v0  }
0x2dc: {  	s7 =	sadd.s32 $0x40, s7;
	s9 =	sadd.s32 $0x40, s9;
	s10 =	sadd.s32 $0x40, s10;
	[tilespmem:v3+s2+$0x0] =	vst.idx.msk vm1, v63  }
0x2dd: {  	s7 =	simm.s32 $0x0  }
0x2de: {  	[hbm4b:s16+s7] =	stream.linear.scatter [tilespmem:s7], [sflag:$0x1], $0xA000, $0x38;
	[tilespmem:$0x14C00] =	vst v63  }
0x2df: {  	_ =	swait.ge [sflag:s5], $0xA000  }
0x2e0: {  	s8 =	simm.s32 $0xFFFFFFFC;
	[sflag:s5] =	ssyncset.done $0x0  }
0x2e1: {  	s9 =	simm.s32 $0x14420;
	s10 =	simm.s32 $0x14820;
	[sflag:s5] =	ssyncadd.s32 $0xFFFF6000  }
.LBB2_33:
0x2e2: {  	v3 =	vld [tilespmem:s9+$0xFFFFFFE0]  }
0x2e3: {  	v4 =	vld [tilespmem:s10+$0xFFFFFFE0];
	_ =	sdelay $0x2  }
0x2e4: {  	v5 =	vmov s7;
	v6 =	vor.u32 s7, v1  }
0x2e5: {  	vm0 =	veq.s32 v3, $0xD;
	vm1 =	veq.s32 v3, $0xB;
	v3 =	vshll.u32 v5, $0x3  }
0x2e6: {  	v46 =	vand.u32 $0x4F, v6;
	v47 =	vshll.u32 v4, $0xA;
	v3 =	vand.u32 $0x1C00, v3  }
0x2e7: {  	v4 =	vshll.u32 v4, $0x7;
	v6 =	vand.u32 $0xFFFFE000, v47;
	v3 =	vor.u32 v3, v46  }
0x2e8: {  	vm1 =	vmor vm0, vm1;
	v4 =	vand.u32 $0x380, v4;
	v3 =	vor.u32 v6, v3  }
0x2e9: {  	v3 =	vor.u32 v4, v3;
	_ =	sdelay $0x3  }
0x2ea: {  	v48 =	vsel vm0, $0x3F800000, v0  }
0x2eb: {  	[tilespmem:v3+s3+$0x0] =	vst.idx.msk vm1, v48  }
0x2ec: {  	v3 =	vld [tilespmem:s9+$0xFFFFFFF0]  }
0x2ed: {  	v4 =	vld [tilespmem:s10+$0xFFFFFFF0];
	_ =	sdelay $0x1  }
0x2ee: {  	s11 =	sadd.s32 $0x10, s7  }
0x2ef: {  	v49 =	vmov s11;
	v50 =	vor.u32 s11, v1  }
0x2f0: {  	vm10 =	veq.s32 v3, $0xD;
	vm11 =	veq.s32 v3, $0xB;
	v3 =	vshll.u32 v49, $0x3  }
0x2f1: {  	v51 =	vand.u32 $0x5F, v50;
	v52 =	vshll.u32 v4, $0xA;
	v3 =	vand.u32 $0x1C00, v3  }
0x2f2: {  	v4 =	vshll.u32 v4, $0x7;
	v6 =	vand.u32 $0xFFFFE000, v52;
	v3 =	vor.u32 v3, v51  }
0x2f3: {  	vm1 =	vmor vm10, vm11;
	v4 =	vand.u32 $0x380, v4;
	v3 =	vor.u32 v6, v3  }
0x2f4: {  	v3 =	vor.u32 v4, v3;
	_ =	sdelay $0x3  }
0x2f5: {  	v53 =	vsel vm10, $0x3F800000, v0  }
0x2f6: {  	[tilespmem:v3+s3+$0x0] =	vst.idx.msk vm1, v53  }
0x2f7: {  	v3 =	vld [tilespmem:s9+$0x0]  }
0x2f8: {  	v4 =	vld [tilespmem:s10+$0x0];
	_ =	sdelay $0x1  }
0x2f9: {  	s14 =	sadd.s32 $0x20, s7  }
0x2fa: {  	v54 =	vmov s14;
	v55 =	vor.u32 s14, v1  }
0x2fb: {  	vm12 =	veq.s32 v3, $0xD;
	vm13 =	veq.s32 v3, $0xB;
	v3 =	vshll.u32 v54, $0x3  }
0x2fc: {  	v56 =	vand.u32 $0x6F, v55;
	v57 =	vshll.u32 v4, $0xA;
	v3 =	vand.u32 $0x1C00, v3  }
0x2fd: {  	v4 =	vshll.u32 v4, $0x7;
	v6 =	vand.u32 $0xFFFFE000, v57;
	v3 =	vor.u32 v3, v56  }
0x2fe: {  	vm1 =	vmor vm12, vm13;
	v4 =	vand.u32 $0x380, v4;
	v3 =	vor.u32 v6, v3  }
0x2ff: {  	v3 =	vor.u32 v4, v3;
	_ =	sdelay $0x3  }
0x300: {  	v58 =	vsel vm12, $0x3F800000, v0  }
0x301: {  	[tilespmem:v3+s3+$0x0] =	vst.idx.msk vm1, v58  }
0x302: {  	v3 =	vld [tilespmem:s9+$0x10]  }
0x303: {  	v4 =	vld [tilespmem:s10+$0x10];
	_ =	sdelay $0x1  }
0x304: {  	s15 =	sadd.s32 $0x30, s7  }
0x305: {  	v59 =	vmov s15;
	v60 =	vor.u32 s15, v1  }
0x306: {  	vm14 =	veq.s32 v3, $0xD;
	vm15 =	veq.s32 v3, $0xB;
	v3 =	vshll.u32 v59, $0x3  }
0x307: {  	v61 =	vand.u32 $0x7F, v60;
	v62 =	vshll.u32 v4, $0xA;
	v3 =	vand.u32 $0x1C00, v3  }
0x308: {  	v4 =	vshll.u32 v4, $0x7;
	v6 =	vand.u32 $0xFFFFE000, v62;
	v3 =	vor.u32 v3, v61  }
0x309: {  	s8 =	sadd.s32 $0x4, s8;
	vm1 =	vmor vm14, vm15;
	v4 =	vand.u32 $0x380, v4;
	v3 =	vor.u32 v6, v3  }
0x30a: {  	p0 =	slt.u32 s8, $0x3C;
	v3 =	vor.u32 v4, v3  }
.Ltmp16:
0x30b: {  	_ = 	snop;
	(pc) =	sbr.rel @p0 .LBB2_33-.Ltmp16, $3  }
0x30c: {  	_ =	sdelay $0x1  }
0x30d: {  	v63 =	vsel vm14, $0x3F800000, v0  }
0x30e: {  	s7 =	sadd.s32 $0x40, s7;
	s9 =	sadd.s32 $0x40, s9;
	s10 =	sadd.s32 $0x40, s10;
	[tilespmem:v3+s3+$0x0] =	vst.idx.msk vm1, v63  }
0x30f: {  	s7 =	simm.s32 $0x0  }
0x310: {  	[hbm4b:s17+s7] =	stream.linear.scatter [tilespmem:s3], [sflag:$0x2], $0xA000, $0x38;
	[tilespmem:$0x14C00] =	vst v63  }
0x311: {  	_ =	swait.ge [sflag:s0], $0xA000  }
0x312: {  	s8 =	simm.s32 $0xFFFFFFFC;
	[sflag:s0] =	ssyncset.done $0x0  }
0x313: {  	s9 =	simm.s32 $0x14420;
	s10 =	simm.s32 $0x14820;
	[sflag:s0] =	ssyncadd.s32 $0xFFFF6000  }
.LBB2_35:
0x314: {  	v3 =	vld [tilespmem:s9+$0xFFFFFFE0]  }
0x315: {  	v4 =	vld [tilespmem:s10+$0xFFFFFFE0];
	_ =	sdelay $0x2  }
0x316: {  	v5 =	vmov s7;
	v6 =	vor.u32 s7, v1  }
0x317: {  	vm0 =	veq.s32 v3, $0xE;
	vm1 =	veq.s32 v3, $0xC;
	v3 =	vshll.u32 v5, $0x3  }
0x318: {  	v46 =	vand.u32 $0x4F, v6;
	v47 =	vshll.u32 v4, $0xA;
	v3 =	vand.u32 $0x1C00, v3  }
0x319: {  	v4 =	vshll.u32 v4, $0x7;
	v6 =	vand.u32 $0xFFFFE000, v47;
	v3 =	vor.u32 v3, v46  }
0x31a: {  	vm1 =	vmor vm0, vm1;
	v4 =	vand.u32 $0x380, v4;
	v3 =	vor.u32 v6, v3  }
0x31b: {  	v3 =	vor.u32 v4, v3;
	_ =	sdelay $0x3  }
0x31c: {  	v48 =	vsel vm0, $0x3F800000, v0  }
0x31d: {  	[tilespmem:v3+s2+$0x0] =	vst.idx.msk vm1, v48  }
0x31e: {  	v3 =	vld [tilespmem:s9+$0xFFFFFFF0]  }
0x31f: {  	v4 =	vld [tilespmem:s10+$0xFFFFFFF0];
	_ =	sdelay $0x1  }
0x320: {  	s11 =	sadd.s32 $0x10, s7  }
0x321: {  	v49 =	vmov s11;
	v50 =	vor.u32 s11, v1  }
0x322: {  	vm10 =	veq.s32 v3, $0xE;
	vm11 =	veq.s32 v3, $0xC;
	v3 =	vshll.u32 v49, $0x3  }
0x323: {  	v51 =	vand.u32 $0x5F, v50;
	v52 =	vshll.u32 v4, $0xA;
	v3 =	vand.u32 $0x1C00, v3  }
0x324: {  	v4 =	vshll.u32 v4, $0x7;
	v6 =	vand.u32 $0xFFFFE000, v52;
	v3 =	vor.u32 v3, v51  }
0x325: {  	vm1 =	vmor vm10, vm11;
	v4 =	vand.u32 $0x380, v4;
	v3 =	vor.u32 v6, v3  }
0x326: {  	v3 =	vor.u32 v4, v3;
	_ =	sdelay $0x3  }
0x327: {  	v53 =	vsel vm10, $0x3F800000, v0  }
0x328: {  	[tilespmem:v3+s2+$0x0] =	vst.idx.msk vm1, v53  }
0x329: {  	v3 =	vld [tilespmem:s9+$0x0]  }
0x32a: {  	v4 =	vld [tilespmem:s10+$0x0];
	_ =	sdelay $0x1  }
0x32b: {  	s14 =	sadd.s32 $0x20, s7  }
0x32c: {  	v54 =	vmov s14;
	v55 =	vor.u32 s14, v1  }
0x32d: {  	vm12 =	veq.s32 v3, $0xE;
	vm13 =	veq.s32 v3, $0xC;
	v3 =	vshll.u32 v54, $0x3  }
0x32e: {  	v56 =	vand.u32 $0x6F, v55;
	v57 =	vshll.u32 v4, $0xA;
	v3 =	vand.u32 $0x1C00, v3  }
0x32f: {  	v4 =	vshll.u32 v4, $0x7;
	v6 =	vand.u32 $0xFFFFE000, v57;
	v3 =	vor.u32 v3, v56  }
0x330: {  	vm1 =	vmor vm12, vm13;
	v4 =	vand.u32 $0x380, v4;
	v3 =	vor.u32 v6, v3  }
0x331: {  	v3 =	vor.u32 v4, v3;
	_ =	sdelay $0x3  }
0x332: {  	v58 =	vsel vm12, $0x3F800000, v0  }
0x333: {  	[tilespmem:v3+s2+$0x0] =	vst.idx.msk vm1, v58  }
0x334: {  	v3 =	vld [tilespmem:s9+$0x10]  }
0x335: {  	v4 =	vld [tilespmem:s10+$0x10];
	_ =	sdelay $0x1  }
0x336: {  	s15 =	sadd.s32 $0x30, s7  }
0x337: {  	v59 =	vmov s15;
	v60 =	vor.u32 s15, v1  }
0x338: {  	vm14 =	veq.s32 v3, $0xE;
	vm15 =	veq.s32 v3, $0xC;
	v3 =	vshll.u32 v59, $0x3  }
0x339: {  	v61 =	vand.u32 $0x7F, v60;
	v62 =	vshll.u32 v4, $0xA;
	v3 =	vand.u32 $0x1C00, v3  }
0x33a: {  	v4 =	vshll.u32 v4, $0x7;
	v6 =	vand.u32 $0xFFFFE000, v62;
	v3 =	vor.u32 v3, v61  }
0x33b: {  	s8 =	sadd.s32 $0x4, s8;
	vm1 =	vmor vm14, vm15;
	v4 =	vand.u32 $0x380, v4;
	v3 =	vor.u32 v6, v3  }
0x33c: {  	p0 =	slt.u32 s8, $0x3C;
	v3 =	vor.u32 v4, v3  }
.Ltmp17:
0x33d: {  	_ = 	snop;
	(pc) =	sbr.rel @p0 .LBB2_35-.Ltmp17, $3  }
0x33e: {  	_ =	sdelay $0x1  }
0x33f: {  	v63 =	vsel vm14, $0x3F800000, v0  }
0x340: {  	s7 =	sadd.s32 $0x40, s7;
	s9 =	sadd.s32 $0x40, s9;
	s10 =	sadd.s32 $0x40, s10;
	[tilespmem:v3+s2+$0x0] =	vst.idx.msk vm1, v63  }
0x341: {  	s7 =	simm.s32 $0x0  }
0x342: {  	[hbm4b:s18+s7] =	stream.linear.scatter [tilespmem:s7], [sflag:$0x1], $0xA000, $0x38;
	[tilespmem:$0x14C00] =	vst v63  }
0x343: {  	_ =	swait.ge [sflag:s5], $0xA000  }
0x344: {  	s8 =	simm.s32 $0xFFFFFFFC;
	[sflag:s5] =	ssyncset.done $0x0  }
0x345: {  	s9 =	simm.s32 $0x14420;
	s10 =	simm.s32 $0x14820;
	[sflag:s5] =	ssyncadd.s32 $0xFFFF6000  }
.LBB2_37:
0x346: {  	v3 =	vld [tilespmem:s9+$0xFFFFFFE0]  }
0x347: {  	v4 =	vld [tilespmem:s10+$0xFFFFFFE0];
	_ =	sdelay $0x2  }
0x348: {  	v5 =	vmov s7;
	v6 =	vor.u32 s7, v1  }
0x349: {  	vm0 =	veq.s32 v3, $0xF;
	vm1 =	veq.s32 v3, $0xD;
	v3 =	vshll.u32 v5, $0x3  }
0x34a: {  	v46 =	vand.u32 $0x4F, v6;
	v47 =	vshll.u32 v4, $0xA;
	v3 =	vand.u32 $0x1C00, v3  }
0x34b: {  	v4 =	vshll.u32 v4, $0x7;
	v6 =	vand.u32 $0xFFFFE000, v47;
	v3 =	vor.u32 v3, v46  }
0x34c: {  	vm1 =	vmor vm0, vm1;
	v4 =	vand.u32 $0x380, v4;
	v3 =	vor.u32 v6, v3  }
0x34d: {  	v3 =	vor.u32 v4, v3;
	_ =	sdelay $0x3  }
0x34e: {  	v48 =	vsel vm0, $0x3F800000, v0  }
0x34f: {  	[tilespmem:v3+s3+$0x0] =	vst.idx.msk vm1, v48  }
0x350: {  	v3 =	vld [tilespmem:s9+$0xFFFFFFF0]  }
0x351: {  	v4 =	vld [tilespmem:s10+$0xFFFFFFF0];
	_ =	sdelay $0x1  }
0x352: {  	s11 =	sadd.s32 $0x10, s7  }
0x353: {  	v49 =	vmov s11;
	v50 =	vor.u32 s11, v1  }
0x354: {  	vm10 =	veq.s32 v3, $0xF;
	vm11 =	veq.s32 v3, $0xD;
	v3 =	vshll.u32 v49, $0x3  }
0x355: {  	v51 =	vand.u32 $0x5F, v50;
	v52 =	vshll.u32 v4, $0xA;
	v3 =	vand.u32 $0x1C00, v3  }
0x356: {  	v4 =	vshll.u32 v4, $0x7;
	v6 =	vand.u32 $0xFFFFE000, v52;
	v3 =	vor.u32 v3, v51  }
0x357: {  	vm1 =	vmor vm10, vm11;
	v4 =	vand.u32 $0x380, v4;
	v3 =	vor.u32 v6, v3  }
0x358: {  	v3 =	vor.u32 v4, v3;
	_ =	sdelay $0x3  }
0x359: {  	v53 =	vsel vm10, $0x3F800000, v0  }
0x35a: {  	[tilespmem:v3+s3+$0x0] =	vst.idx.msk vm1, v53  }
0x35b: {  	v3 =	vld [tilespmem:s9+$0x0]  }
0x35c: {  	v4 =	vld [tilespmem:s10+$0x0];
	_ =	sdelay $0x1  }
0x35d: {  	s14 =	sadd.s32 $0x20, s7  }
0x35e: {  	v54 =	vmov s14;
	v55 =	vor.u32 s14, v1  }
0x35f: {  	vm12 =	veq.s32 v3, $0xF;
	vm13 =	veq.s32 v3, $0xD;
	v3 =	vshll.u32 v54, $0x3  }
0x360: {  	v56 =	vand.u32 $0x6F, v55;
	v57 =	vshll.u32 v4, $0xA;
	v3 =	vand.u32 $0x1C00, v3  }
0x361: {  	v4 =	vshll.u32 v4, $0x7;
	v6 =	vand.u32 $0xFFFFE000, v57;
	v3 =	vor.u32 v3, v56  }
0x362: {  	vm1 =	vmor vm12, vm13;
	v4 =	vand.u32 $0x380, v4;
	v3 =	vor.u32 v6, v3  }
0x363: {  	v3 =	vor.u32 v4, v3;
	_ =	sdelay $0x3  }
0x364: {  	v58 =	vsel vm12, $0x3F800000, v0  }
0x365: {  	[tilespmem:v3+s3+$0x0] =	vst.idx.msk vm1, v58  }
0x366: {  	v3 =	vld [tilespmem:s9+$0x10]  }
0x367: {  	v4 =	vld [tilespmem:s10+$0x10];
	_ =	sdelay $0x1  }
0x368: {  	s15 =	sadd.s32 $0x30, s7  }
0x369: {  	v59 =	vmov s15;
	v60 =	vor.u32 s15, v1  }
0x36a: {  	vm14 =	veq.s32 v3, $0xF;
	vm15 =	veq.s32 v3, $0xD;
	v3 =	vshll.u32 v59, $0x3  }
0x36b: {  	v61 =	vand.u32 $0x7F, v60;
	v62 =	vshll.u32 v4, $0xA;
	v3 =	vand.u32 $0x1C00, v3  }
0x36c: {  	v4 =	vshll.u32 v4, $0x7;
	v6 =	vand.u32 $0xFFFFE000, v62;
	v3 =	vor.u32 v3, v61  }
0x36d: {  	s8 =	sadd.s32 $0x4, s8;
	vm1 =	vmor vm14, vm15;
	v4 =	vand.u32 $0x380, v4;
	v3 =	vor.u32 v6, v3  }
0x36e: {  	p0 =	slt.u32 s8, $0x3C;
	v3 =	vor.u32 v4, v3  }
.Ltmp18:
0x36f: {  	_ = 	snop;
	(pc) =	sbr.rel @p0 .LBB2_37-.Ltmp18, $3  }
0x370: {  	_ =	sdelay $0x1  }
0x371: {  	v63 =	vsel vm14, $0x3F800000, v0  }
0x372: {  	s7 =	sadd.s32 $0x40, s7;
	s9 =	sadd.s32 $0x40, s9;
	s10 =	sadd.s32 $0x40, s10;
	[tilespmem:v3+s3+$0x0] =	vst.idx.msk vm1, v63  }
0x373: {  	s7 =	simm.s32 $0x0  }
0x374: {  	[hbm4b:s19+s7] =	stream.linear.scatter [tilespmem:s3], [sflag:$0x2], $0xA000, $0x38;
	[tilespmem:$0x14C00] =	vst v63  }
0x375: {  	_ =	swait.ge [sflag:s0], $0xA000  }
0x376: {  	s8 =	simm.s32 $0xFFFFFFFC;
	[sflag:s0] =	ssyncset.done $0x0  }
0x377: {  	s9 =	simm.s32 $0x14420;
	s10 =	simm.s32 $0x14820;
	[sflag:s0] =	ssyncadd.s32 $0xFFFF6000  }
.LBB2_39:
0x378: {  	v3 =	vld [tilespmem:s9+$0xFFFFFFE0]  }
0x379: {  	v4 =	vld [tilespmem:s10+$0xFFFFFFE0];
	_ =	sdelay $0x2  }
0x37a: {  	v5 =	vmov s7;
	v6 =	vor.u32 s7, v1  }
0x37b: {  	vm0 =	veq.s32 v3, $0x10;
	vm1 =	veq.s32 v3, $0xE;
	v3 =	vshll.u32 v5, $0x3  }
0x37c: {  	v46 =	vand.u32 $0x4F, v6;
	v47 =	vshll.u32 v4, $0xA;
	v3 =	vand.u32 $0x1C00, v3  }
0x37d: {  	v4 =	vshll.u32 v4, $0x7;
	v6 =	vand.u32 $0xFFFFE000, v47;
	v3 =	vor.u32 v3, v46  }
0x37e: {  	vm1 =	vmor vm0, vm1;
	v4 =	vand.u32 $0x380, v4;
	v3 =	vor.u32 v6, v3  }
0x37f: {  	v3 =	vor.u32 v4, v3;
	_ =	sdelay $0x3  }
0x380: {  	v48 =	vsel vm0, $0x3F800000, v0  }
0x381: {  	[tilespmem:v3+s2+$0x0] =	vst.idx.msk vm1, v48  }
0x382: {  	v3 =	vld [tilespmem:s9+$0xFFFFFFF0]  }
0x383: {  	v4 =	vld [tilespmem:s10+$0xFFFFFFF0];
	_ =	sdelay $0x1  }
0x384: {  	s11 =	sadd.s32 $0x10, s7  }
0x385: {  	v49 =	vmov s11;
	v50 =	vor.u32 s11, v1  }
0x386: {  	vm10 =	veq.s32 v3, $0x10;
	vm11 =	veq.s32 v3, $0xE;
	v3 =	vshll.u32 v49, $0x3  }
0x387: {  	v51 =	vand.u32 $0x5F, v50;
	v52 =	vshll.u32 v4, $0xA;
	v3 =	vand.u32 $0x1C00, v3  }
0x388: {  	v4 =	vshll.u32 v4, $0x7;
	v6 =	vand.u32 $0xFFFFE000, v52;
	v3 =	vor.u32 v3, v51  }
0x389: {  	vm1 =	vmor vm10, vm11;
	v4 =	vand.u32 $0x380, v4;
	v3 =	vor.u32 v6, v3  }
0x38a: {  	v3 =	vor.u32 v4, v3;
	_ =	sdelay $0x3  }
0x38b: {  	v53 =	vsel vm10, $0x3F800000, v0  }
0x38c: {  	[tilespmem:v3+s2+$0x0] =	vst.idx.msk vm1, v53  }
0x38d: {  	v3 =	vld [tilespmem:s9+$0x0]  }
0x38e: {  	v4 =	vld [tilespmem:s10+$0x0];
	_ =	sdelay $0x1  }
0x38f: {  	s14 =	sadd.s32 $0x20, s7  }
0x390: {  	v54 =	vmov s14;
	v55 =	vor.u32 s14, v1  }
0x391: {  	vm12 =	veq.s32 v3, $0x10;
	vm13 =	veq.s32 v3, $0xE;
	v3 =	vshll.u32 v54, $0x3  }
0x392: {  	v56 =	vand.u32 $0x6F, v55;
	v57 =	vshll.u32 v4, $0xA;
	v3 =	vand.u32 $0x1C00, v3  }
0x393: {  	v4 =	vshll.u32 v4, $0x7;
	v6 =	vand.u32 $0xFFFFE000, v57;
	v3 =	vor.u32 v3, v56  }
0x394: {  	vm1 =	vmor vm12, vm13;
	v4 =	vand.u32 $0x380, v4;
	v3 =	vor.u32 v6, v3  }
0x395: {  	v3 =	vor.u32 v4, v3;
	_ =	sdelay $0x3  }
0x396: {  	v58 =	vsel vm12, $0x3F800000, v0  }
0x397: {  	[tilespmem:v3+s2+$0x0] =	vst.idx.msk vm1, v58  }
0x398: {  	v3 =	vld [tilespmem:s9+$0x10]  }
0x399: {  	v4 =	vld [tilespmem:s10+$0x10];
	_ =	sdelay $0x1  }
0x39a: {  	s15 =	sadd.s32 $0x30, s7  }
0x39b: {  	v59 =	vmov s15;
	v60 =	vor.u32 s15, v1  }
0x39c: {  	vm14 =	veq.s32 v3, $0x10;
	vm15 =	veq.s32 v3, $0xE;
	v3 =	vshll.u32 v59, $0x3  }
0x39d: {  	v61 =	vand.u32 $0x7F, v60;
	v62 =	vshll.u32 v4, $0xA;
	v3 =	vand.u32 $0x1C00, v3  }
0x39e: {  	v4 =	vshll.u32 v4, $0x7;
	v6 =	vand.u32 $0xFFFFE000, v62;
	v3 =	vor.u32 v3, v61  }
0x39f: {  	s8 =	sadd.s32 $0x4, s8;
	vm1 =	vmor vm14, vm15;
	v4 =	vand.u32 $0x380, v4;
	v3 =	vor.u32 v6, v3  }
0x3a0: {  	p0 =	slt.u32 s8, $0x3C;
	v3 =	vor.u32 v4, v3  }
.Ltmp19:
0x3a1: {  	_ = 	snop;
	(pc) =	sbr.rel @p0 .LBB2_39-.Ltmp19, $3  }
0x3a2: {  	_ =	sdelay $0x1  }
0x3a3: {  	v63 =	vsel vm14, $0x3F800000, v0  }
0x3a4: {  	s7 =	sadd.s32 $0x40, s7;
	s9 =	sadd.s32 $0x40, s9;
	s10 =	sadd.s32 $0x40, s10;
	[tilespmem:v3+s2+$0x0] =	vst.idx.msk vm1, v63  }
0x3a5: {  	s7 =	simm.s32 $0x0  }
0x3a6: {  	[hbm4b:s20+s7] =	stream.linear.scatter [tilespmem:s7], [sflag:$0x1], $0xA000, $0x38;
	[tilespmem:$0x14C00] =	vst v63  }
0x3a7: {  	_ =	swait.ge [sflag:s5], $0xA000  }
0x3a8: {  	s8 =	simm.s32 $0xFFFFFFFC;
	[sflag:s5] =	ssyncset.done $0x0  }
0x3a9: {  	s9 =	simm.s32 $0x14420;
	s10 =	simm.s32 $0x14820;
	[sflag:s5] =	ssyncadd.s32 $0xFFFF6000  }
.LBB2_41:
0x3aa: {  	v3 =	vld [tilespmem:s9+$0xFFFFFFE0]  }
0x3ab: {  	v4 =	vld [tilespmem:s10+$0xFFFFFFE0];
	_ =	sdelay $0x2  }
0x3ac: {  	v5 =	vmov s7;
	v6 =	vor.u32 s7, v1  }
0x3ad: {  	vm0 =	veq.s32 v3, $0x11;
	vm1 =	veq.s32 v3, $0xF;
	v3 =	vshll.u32 v5, $0x3  }
0x3ae: {  	v46 =	vand.u32 $0x4F, v6;
	v47 =	vshll.u32 v4, $0xA;
	v3 =	vand.u32 $0x1C00, v3  }
0x3af: {  	v4 =	vshll.u32 v4, $0x7;
	v6 =	vand.u32 $0xFFFFE000, v47;
	v3 =	vor.u32 v3, v46  }
0x3b0: {  	vm1 =	vmor vm0, vm1;
	v4 =	vand.u32 $0x380, v4;
	v3 =	vor.u32 v6, v3  }
0x3b1: {  	v3 =	vor.u32 v4, v3;
	_ =	sdelay $0x3  }
0x3b2: {  	v48 =	vsel vm0, $0x3F800000, v0  }
0x3b3: {  	[tilespmem:v3+s3+$0x0] =	vst.idx.msk vm1, v48  }
0x3b4: {  	v3 =	vld [tilespmem:s9+$0xFFFFFFF0]  }
0x3b5: {  	v4 =	vld [tilespmem:s10+$0xFFFFFFF0];
	_ =	sdelay $0x1  }
0x3b6: {  	s11 =	sadd.s32 $0x10, s7  }
0x3b7: {  	v49 =	vmov s11;
	v50 =	vor.u32 s11, v1  }
0x3b8: {  	vm10 =	veq.s32 v3, $0x11;
	vm11 =	veq.s32 v3, $0xF;
	v3 =	vshll.u32 v49, $0x3  }
0x3b9: {  	v51 =	vand.u32 $0x5F, v50;
	v52 =	vshll.u32 v4, $0xA;
	v3 =	vand.u32 $0x1C00, v3  }
0x3ba: {  	v4 =	vshll.u32 v4, $0x7;
	v6 =	vand.u32 $0xFFFFE000, v52;
	v3 =	vor.u32 v3, v51  }
0x3bb: {  	vm1 =	vmor vm10, vm11;
	v4 =	vand.u32 $0x380, v4;
	v3 =	vor.u32 v6, v3  }
0x3bc: {  	v3 =	vor.u32 v4, v3;
	_ =	sdelay $0x3  }
0x3bd: {  	v53 =	vsel vm10, $0x3F800000, v0  }
0x3be: {  	[tilespmem:v3+s3+$0x0] =	vst.idx.msk vm1, v53  }
0x3bf: {  	v3 =	vld [tilespmem:s9+$0x0]  }
0x3c0: {  	v4 =	vld [tilespmem:s10+$0x0];
	_ =	sdelay $0x1  }
0x3c1: {  	s14 =	sadd.s32 $0x20, s7  }
0x3c2: {  	v54 =	vmov s14;
	v55 =	vor.u32 s14, v1  }
0x3c3: {  	vm12 =	veq.s32 v3, $0x11;
	vm13 =	veq.s32 v3, $0xF;
	v3 =	vshll.u32 v54, $0x3  }
0x3c4: {  	v56 =	vand.u32 $0x6F, v55;
	v57 =	vshll.u32 v4, $0xA;
	v3 =	vand.u32 $0x1C00, v3  }
0x3c5: {  	v4 =	vshll.u32 v4, $0x7;
	v6 =	vand.u32 $0xFFFFE000, v57;
	v3 =	vor.u32 v3, v56  }
0x3c6: {  	vm1 =	vmor vm12, vm13;
	v4 =	vand.u32 $0x380, v4;
	v3 =	vor.u32 v6, v3  }
0x3c7: {  	v3 =	vor.u32 v4, v3;
	_ =	sdelay $0x3  }
0x3c8: {  	v58 =	vsel vm12, $0x3F800000, v0  }
0x3c9: {  	[tilespmem:v3+s3+$0x0] =	vst.idx.msk vm1, v58  }
0x3ca: {  	v3 =	vld [tilespmem:s9+$0x10]  }
0x3cb: {  	v4 =	vld [tilespmem:s10+$0x10];
	_ =	sdelay $0x1  }
0x3cc: {  	s15 =	sadd.s32 $0x30, s7  }
0x3cd: {  	v59 =	vmov s15;
	v60 =	vor.u32 s15, v1  }
0x3ce: {  	vm14 =	veq.s32 v3, $0x11;
	vm15 =	veq.s32 v3, $0xF;
	v3 =	vshll.u32 v59, $0x3  }
0x3cf: {  	v61 =	vand.u32 $0x7F, v60;
	v62 =	vshll.u32 v4, $0xA;
	v3 =	vand.u32 $0x1C00, v3  }
0x3d0: {  	v4 =	vshll.u32 v4, $0x7;
	v6 =	vand.u32 $0xFFFFE000, v62;
	v3 =	vor.u32 v3, v61  }
0x3d1: {  	s8 =	sadd.s32 $0x4, s8;
	vm1 =	vmor vm14, vm15;
	v4 =	vand.u32 $0x380, v4;
	v3 =	vor.u32 v6, v3  }
0x3d2: {  	p0 =	slt.u32 s8, $0x3C;
	v3 =	vor.u32 v4, v3  }
.Ltmp20:
0x3d3: {  	_ = 	snop;
	(pc) =	sbr.rel @p0 .LBB2_41-.Ltmp20, $3  }
0x3d4: {  	_ =	sdelay $0x1  }
0x3d5: {  	v63 =	vsel vm14, $0x3F800000, v0  }
0x3d6: {  	s7 =	sadd.s32 $0x40, s7;
	s9 =	sadd.s32 $0x40, s9;
	s10 =	sadd.s32 $0x40, s10;
	[tilespmem:v3+s3+$0x0] =	vst.idx.msk vm1, v63  }
0x3d7: {  	s7 =	simm.s32 $0x0  }
0x3d8: {  	[hbm4b:s21+s7] =	stream.linear.scatter [tilespmem:s3], [sflag:$0x2], $0xA000, $0x38;
	[tilespmem:$0x14C00] =	vst v63  }
0x3d9: {  	_ =	swait.ge [sflag:s0], $0xA000  }
0x3da: {  	s8 =	simm.s32 $0xFFFFFFFC;
	[sflag:s0] =	ssyncset.done $0x0  }
0x3db: {  	s9 =	simm.s32 $0x14420;
	s10 =	simm.s32 $0x14820;
	[sflag:s0] =	ssyncadd.s32 $0xFFFF6000  }
.LBB2_43:
0x3dc: {  	v3 =	vld [tilespmem:s9+$0xFFFFFFE0]  }
0x3dd: {  	v4 =	vld [tilespmem:s10+$0xFFFFFFE0];
	_ =	sdelay $0x2  }
0x3de: {  	v5 =	vmov s7;
	v6 =	vor.u32 s7, v1  }
0x3df: {  	vm0 =	veq.s32 v3, $0x12;
	vm1 =	veq.s32 v3, $0x10;
	v3 =	vshll.u32 v5, $0x3  }
0x3e0: {  	v46 =	vand.u32 $0x4F, v6;
	v47 =	vshll.u32 v4, $0xA;
	v3 =	vand.u32 $0x1C00, v3  }
0x3e1: {  	v4 =	vshll.u32 v4, $0x7;
	v6 =	vand.u32 $0xFFFFE000, v47;
	v3 =	vor.u32 v3, v46  }
0x3e2: {  	vm1 =	vmor vm0, vm1;
	v4 =	vand.u32 $0x380, v4;
	v3 =	vor.u32 v6, v3  }
0x3e3: {  	v3 =	vor.u32 v4, v3;
	_ =	sdelay $0x3  }
0x3e4: {  	v48 =	vsel vm0, $0x3F800000, v0  }
0x3e5: {  	[tilespmem:v3+s2+$0x0] =	vst.idx.msk vm1, v48  }
0x3e6: {  	v3 =	vld [tilespmem:s9+$0xFFFFFFF0]  }
0x3e7: {  	v4 =	vld [tilespmem:s10+$0xFFFFFFF0];
	_ =	sdelay $0x1  }
0x3e8: {  	s11 =	sadd.s32 $0x10, s7  }
0x3e9: {  	v49 =	vmov s11;
	v50 =	vor.u32 s11, v1  }
0x3ea: {  	vm10 =	veq.s32 v3, $0x12;
	vm11 =	veq.s32 v3, $0x10;
	v3 =	vshll.u32 v49, $0x3  }
0x3eb: {  	v51 =	vand.u32 $0x5F, v50;
	v52 =	vshll.u32 v4, $0xA;
	v3 =	vand.u32 $0x1C00, v3  }
0x3ec: {  	v4 =	vshll.u32 v4, $0x7;
	v6 =	vand.u32 $0xFFFFE000, v52;
	v3 =	vor.u32 v3, v51  }
0x3ed: {  	vm1 =	vmor vm10, vm11;
	v4 =	vand.u32 $0x380, v4;
	v3 =	vor.u32 v6, v3  }
0x3ee: {  	v3 =	vor.u32 v4, v3;
	_ =	sdelay $0x3  }
0x3ef: {  	v53 =	vsel vm10, $0x3F800000, v0  }
0x3f0: {  	[tilespmem:v3+s2+$0x0] =	vst.idx.msk vm1, v53  }
0x3f1: {  	v3 =	vld [tilespmem:s9+$0x0]  }
0x3f2: {  	v4 =	vld [tilespmem:s10+$0x0];
	_ =	sdelay $0x1  }
0x3f3: {  	s14 =	sadd.s32 $0x20, s7  }
0x3f4: {  	v54 =	vmov s14;
	v55 =	vor.u32 s14, v1  }
0x3f5: {  	vm12 =	veq.s32 v3, $0x12;
	vm13 =	veq.s32 v3, $0x10;
	v3 =	vshll.u32 v54, $0x3  }
0x3f6: {  	v56 =	vand.u32 $0x6F, v55;
	v57 =	vshll.u32 v4, $0xA;
	v3 =	vand.u32 $0x1C00, v3  }
0x3f7: {  	v4 =	vshll.u32 v4, $0x7;
	v6 =	vand.u32 $0xFFFFE000, v57;
	v3 =	vor.u32 v3, v56  }
0x3f8: {  	vm1 =	vmor vm12, vm13;
	v4 =	vand.u32 $0x380, v4;
	v3 =	vor.u32 v6, v3  }
0x3f9: {  	v3 =	vor.u32 v4, v3;
	_ =	sdelay $0x3  }
0x3fa: {  	v58 =	vsel vm12, $0x3F800000, v0  }
0x3fb: {  	[tilespmem:v3+s2+$0x0] =	vst.idx.msk vm1, v58  }
0x3fc: {  	v3 =	vld [tilespmem:s9+$0x10]  }
0x3fd: {  	v4 =	vld [tilespmem:s10+$0x10];
	_ =	sdelay $0x1  }
0x3fe: {  	s15 =	sadd.s32 $0x30, s7  }
0x3ff: {  	v59 =	vmov s15;
	v60 =	vor.u32 s15, v1  }
0x400: {  	vm14 =	veq.s32 v3, $0x12;
	vm15 =	veq.s32 v3, $0x10;
	v3 =	vshll.u32 v59, $0x3  }
0x401: {  	v61 =	vand.u32 $0x7F, v60;
	v62 =	vshll.u32 v4, $0xA;
	v3 =	vand.u32 $0x1C00, v3  }
0x402: {  	v4 =	vshll.u32 v4, $0x7;
	v6 =	vand.u32 $0xFFFFE000, v62;
	v3 =	vor.u32 v3, v61  }
0x403: {  	s8 =	sadd.s32 $0x4, s8;
	vm1 =	vmor vm14, vm15;
	v4 =	vand.u32 $0x380, v4;
	v3 =	vor.u32 v6, v3  }
0x404: {  	p0 =	slt.u32 s8, $0x3C;
	v3 =	vor.u32 v4, v3  }
.Ltmp21:
0x405: {  	_ = 	snop;
	(pc) =	sbr.rel @p0 .LBB2_43-.Ltmp21, $3  }
0x406: {  	_ =	sdelay $0x1  }
0x407: {  	v63 =	vsel vm14, $0x3F800000, v0  }
0x408: {  	s7 =	sadd.s32 $0x40, s7;
	s9 =	sadd.s32 $0x40, s9;
	s10 =	sadd.s32 $0x40, s10;
	[tilespmem:v3+s2+$0x0] =	vst.idx.msk vm1, v63  }
0x409: {  	s7 =	simm.s32 $0x0  }
0x40a: {  	[hbm4b:s22+s7] =	stream.linear.scatter [tilespmem:s7], [sflag:$0x1], $0xA000, $0x38;
	[tilespmem:$0x14C00] =	vst v63  }
0x40b: {  	_ =	swait.ge [sflag:s5], $0xA000  }
0x40c: {  	s8 =	simm.s32 $0xFFFFFFFC;
	[sflag:s5] =	ssyncset.done $0x0  }
0x40d: {  	s9 =	simm.s32 $0x14420;
	s10 =	simm.s32 $0x14820;
	[sflag:s5] =	ssyncadd.s32 $0xFFFF6000  }
.LBB2_45:
0x40e: {  	v3 =	vld [tilespmem:s9+$0xFFFFFFE0]  }
0x40f: {  	v4 =	vld [tilespmem:s10+$0xFFFFFFE0];
	_ =	sdelay $0x2  }
0x410: {  	v5 =	vmov s7;
	v6 =	vor.u32 s7, v1  }
0x411: {  	vm0 =	veq.s32 v3, $0x13;
	vm1 =	veq.s32 v3, $0x11;
	v3 =	vshll.u32 v5, $0x3  }
0x412: {  	v46 =	vand.u32 $0x4F, v6;
	v47 =	vshll.u32 v4, $0xA;
	v3 =	vand.u32 $0x1C00, v3  }
0x413: {  	v4 =	vshll.u32 v4, $0x7;
	v6 =	vand.u32 $0xFFFFE000, v47;
	v3 =	vor.u32 v3, v46  }
0x414: {  	vm1 =	vmor vm0, vm1;
	v4 =	vand.u32 $0x380, v4;
	v3 =	vor.u32 v6, v3  }
0x415: {  	v3 =	vor.u32 v4, v3;
	_ =	sdelay $0x3  }
0x416: {  	v48 =	vsel vm0, $0x3F800000, v0  }
0x417: {  	[tilespmem:v3+s3+$0x0] =	vst.idx.msk vm1, v48  }
0x418: {  	v3 =	vld [tilespmem:s9+$0xFFFFFFF0]  }
0x419: {  	v4 =	vld [tilespmem:s10+$0xFFFFFFF0];
	_ =	sdelay $0x1  }
0x41a: {  	s11 =	sadd.s32 $0x10, s7  }
0x41b: {  	v49 =	vmov s11;
	v50 =	vor.u32 s11, v1  }
0x41c: {  	vm10 =	veq.s32 v3, $0x13;
	vm11 =	veq.s32 v3, $0x11;
	v3 =	vshll.u32 v49, $0x3  }
0x41d: {  	v51 =	vand.u32 $0x5F, v50;
	v52 =	vshll.u32 v4, $0xA;
	v3 =	vand.u32 $0x1C00, v3  }
0x41e: {  	v4 =	vshll.u32 v4, $0x7;
	v6 =	vand.u32 $0xFFFFE000, v52;
	v3 =	vor.u32 v3, v51  }
0x41f: {  	vm1 =	vmor vm10, vm11;
	v4 =	vand.u32 $0x380, v4;
	v3 =	vor.u32 v6, v3  }
0x420: {  	v3 =	vor.u32 v4, v3;
	_ =	sdelay $0x3  }
0x421: {  	v53 =	vsel vm10, $0x3F800000, v0  }
0x422: {  	[tilespmem:v3+s3+$0x0] =	vst.idx.msk vm1, v53  }
0x423: {  	v3 =	vld [tilespmem:s9+$0x0]  }
0x424: {  	v4 =	vld [tilespmem:s10+$0x0];
	_ =	sdelay $0x1  }
0x425: {  	s14 =	sadd.s32 $0x20, s7  }
0x426: {  	v54 =	vmov s14;
	v55 =	vor.u32 s14, v1  }
0x427: {  	vm12 =	veq.s32 v3, $0x13;
	vm13 =	veq.s32 v3, $0x11;
	v3 =	vshll.u32 v54, $0x3  }
0x428: {  	v56 =	vand.u32 $0x6F, v55;
	v57 =	vshll.u32 v4, $0xA;
	v3 =	vand.u32 $0x1C00, v3  }
0x429: {  	v4 =	vshll.u32 v4, $0x7;
	v6 =	vand.u32 $0xFFFFE000, v57;
	v3 =	vor.u32 v3, v56  }
0x42a: {  	vm1 =	vmor vm12, vm13;
	v4 =	vand.u32 $0x380, v4;
	v3 =	vor.u32 v6, v3  }
0x42b: {  	v3 =	vor.u32 v4, v3;
	_ =	sdelay $0x3  }
0x42c: {  	v58 =	vsel vm12, $0x3F800000, v0  }
0x42d: {  	[tilespmem:v3+s3+$0x0] =	vst.idx.msk vm1, v58  }
0x42e: {  	v3 =	vld [tilespmem:s9+$0x10]  }
0x42f: {  	v4 =	vld [tilespmem:s10+$0x10];
	_ =	sdelay $0x1  }
0x430: {  	s15 =	sadd.s32 $0x30, s7  }
0x431: {  	v59 =	vmov s15;
	v60 =	vor.u32 s15, v1  }
0x432: {  	vm14 =	veq.s32 v3, $0x13;
	vm15 =	veq.s32 v3, $0x11;
	v3 =	vshll.u32 v59, $0x3  }
0x433: {  	v61 =	vand.u32 $0x7F, v60;
	v62 =	vshll.u32 v4, $0xA;
	v3 =	vand.u32 $0x1C00, v3  }
0x434: {  	v4 =	vshll.u32 v4, $0x7;
	v6 =	vand.u32 $0xFFFFE000, v62;
	v3 =	vor.u32 v3, v61  }
0x435: {  	s8 =	sadd.s32 $0x4, s8;
	vm1 =	vmor vm14, vm15;
	v4 =	vand.u32 $0x380, v4;
	v3 =	vor.u32 v6, v3  }
0x436: {  	p0 =	slt.u32 s8, $0x3C;
	v3 =	vor.u32 v4, v3  }
.Ltmp22:
0x437: {  	_ = 	snop;
	(pc) =	sbr.rel @p0 .LBB2_45-.Ltmp22, $3  }
0x438: {  	_ =	sdelay $0x1  }
0x439: {  	v63 =	vsel vm14, $0x3F800000, v0  }
0x43a: {  	s7 =	sadd.s32 $0x40, s7;
	s9 =	sadd.s32 $0x40, s9;
	s10 =	sadd.s32 $0x40, s10;
	[tilespmem:v3+s3+$0x0] =	vst.idx.msk vm1, v63  }
0x43b: {  	s7 =	simm.s32 $0x0  }
0x43c: {  	[hbm4b:s23+s7] =	stream.linear.scatter [tilespmem:s3], [sflag:$0x2], $0xA000, $0x38;
	[tilespmem:$0x14C00] =	vst v63  }
0x43d: {  	_ =	swait.ge [sflag:s0], $0xA000  }
0x43e: {  	s8 =	simm.s32 $0xFFFFFFFC;
	[sflag:s0] =	ssyncset.done $0x0  }
0x43f: {  	s9 =	simm.s32 $0x14420;
	s10 =	simm.s32 $0x14820;
	[sflag:s0] =	ssyncadd.s32 $0xFFFF6000  }
.LBB2_47:
0x440: {  	v3 =	vld [tilespmem:s9+$0xFFFFFFE0]  }
0x441: {  	v4 =	vld [tilespmem:s10+$0xFFFFFFE0];
	_ =	sdelay $0x2  }
0x442: {  	v5 =	vmov s7;
	v6 =	vor.u32 s7, v1  }
0x443: {  	vm0 =	veq.s32 v3, $0x14;
	vm1 =	veq.s32 v3, $0x12;
	v3 =	vshll.u32 v5, $0x3  }
0x444: {  	v46 =	vand.u32 $0x4F, v6;
	v47 =	vshll.u32 v4, $0xA;
	v3 =	vand.u32 $0x1C00, v3  }
0x445: {  	v4 =	vshll.u32 v4, $0x7;
	v6 =	vand.u32 $0xFFFFE000, v47;
	v3 =	vor.u32 v3, v46  }
0x446: {  	vm1 =	vmor vm0, vm1;
	v4 =	vand.u32 $0x380, v4;
	v3 =	vor.u32 v6, v3  }
0x447: {  	v3 =	vor.u32 v4, v3;
	_ =	sdelay $0x3  }
0x448: {  	v48 =	vsel vm0, $0x3F800000, v0  }
0x449: {  	[tilespmem:v3+s2+$0x0] =	vst.idx.msk vm1, v48  }
0x44a: {  	v3 =	vld [tilespmem:s9+$0xFFFFFFF0]  }
0x44b: {  	v4 =	vld [tilespmem:s10+$0xFFFFFFF0];
	_ =	sdelay $0x1  }
0x44c: {  	s11 =	sadd.s32 $0x10, s7  }
0x44d: {  	v49 =	vmov s11;
	v50 =	vor.u32 s11, v1  }
0x44e: {  	vm10 =	veq.s32 v3, $0x14;
	vm11 =	veq.s32 v3, $0x12;
	v3 =	vshll.u32 v49, $0x3  }
0x44f: {  	v51 =	vand.u32 $0x5F, v50;
	v52 =	vshll.u32 v4, $0xA;
	v3 =	vand.u32 $0x1C00, v3  }
0x450: {  	v4 =	vshll.u32 v4, $0x7;
	v6 =	vand.u32 $0xFFFFE000, v52;
	v3 =	vor.u32 v3, v51  }
0x451: {  	vm1 =	vmor vm10, vm11;
	v4 =	vand.u32 $0x380, v4;
	v3 =	vor.u32 v6, v3  }
0x452: {  	v3 =	vor.u32 v4, v3;
	_ =	sdelay $0x3  }
0x453: {  	v53 =	vsel vm10, $0x3F800000, v0  }
0x454: {  	[tilespmem:v3+s2+$0x0] =	vst.idx.msk vm1, v53  }
0x455: {  	v3 =	vld [tilespmem:s9+$0x0]  }
0x456: {  	v4 =	vld [tilespmem:s10+$0x0];
	_ =	sdelay $0x1  }
0x457: {  	s14 =	sadd.s32 $0x20, s7  }
0x458: {  	v54 =	vmov s14;
	v55 =	vor.u32 s14, v1  }
0x459: {  	vm12 =	veq.s32 v3, $0x14;
	vm13 =	veq.s32 v3, $0x12;
	v3 =	vshll.u32 v54, $0x3  }
0x45a: {  	v56 =	vand.u32 $0x6F, v55;
	v57 =	vshll.u32 v4, $0xA;
	v3 =	vand.u32 $0x1C00, v3  }
0x45b: {  	v4 =	vshll.u32 v4, $0x7;
	v6 =	vand.u32 $0xFFFFE000, v57;
	v3 =	vor.u32 v3, v56  }
0x45c: {  	vm1 =	vmor vm12, vm13;
	v4 =	vand.u32 $0x380, v4;
	v3 =	vor.u32 v6, v3  }
0x45d: {  	v3 =	vor.u32 v4, v3;
	_ =	sdelay $0x3  }
0x45e: {  	v58 =	vsel vm12, $0x3F800000, v0  }
0x45f: {  	[tilespmem:v3+s2+$0x0] =	vst.idx.msk vm1, v58  }
0x460: {  	v3 =	vld [tilespmem:s9+$0x10]  }
0x461: {  	v4 =	vld [tilespmem:s10+$0x10];
	_ =	sdelay $0x1  }
0x462: {  	s15 =	sadd.s32 $0x30, s7  }
0x463: {  	v59 =	vmov s15;
	v60 =	vor.u32 s15, v1  }
0x464: {  	vm14 =	veq.s32 v3, $0x14;
	vm15 =	veq.s32 v3, $0x12;
	v3 =	vshll.u32 v59, $0x3  }
0x465: {  	v61 =	vand.u32 $0x7F, v60;
	v62 =	vshll.u32 v4, $0xA;
	v3 =	vand.u32 $0x1C00, v3  }
0x466: {  	v4 =	vshll.u32 v4, $0x7;
	v6 =	vand.u32 $0xFFFFE000, v62;
	v3 =	vor.u32 v3, v61  }
0x467: {  	s8 =	sadd.s32 $0x4, s8;
	vm1 =	vmor vm14, vm15;
	v4 =	vand.u32 $0x380, v4;
	v3 =	vor.u32 v6, v3  }
0x468: {  	p0 =	slt.u32 s8, $0x3C;
	v3 =	vor.u32 v4, v3  }
.Ltmp23:
0x469: {  	_ = 	snop;
	(pc) =	sbr.rel @p0 .LBB2_47-.Ltmp23, $3  }
0x46a: {  	_ =	sdelay $0x1  }
0x46b: {  	v63 =	vsel vm14, $0x3F800000, v0  }
0x46c: {  	s7 =	sadd.s32 $0x40, s7;
	s9 =	sadd.s32 $0x40, s9;
	s10 =	sadd.s32 $0x40, s10;
	[tilespmem:v3+s2+$0x0] =	vst.idx.msk vm1, v63  }
0x46d: {  	s7 =	simm.s32 $0x0  }
0x46e: {  	[hbm4b:s24+s7] =	stream.linear.scatter [tilespmem:s7], [sflag:$0x1], $0xA000, $0x38;
	[tilespmem:$0x14C00] =	vst v63  }
0x46f: {  	_ =	swait.ge [sflag:s5], $0xA000  }
0x470: {  	s8 =	simm.s32 $0xFFFFFFFC;
	[sflag:s5] =	ssyncset.done $0x0  }
0x471: {  	s9 =	simm.s32 $0x14420;
	s10 =	simm.s32 $0x14820;
	[sflag:s5] =	ssyncadd.s32 $0xFFFF6000  }
.LBB2_49:
0x472: {  	v3 =	vld [tilespmem:s9+$0xFFFFFFE0]  }
0x473: {  	v4 =	vld [tilespmem:s10+$0xFFFFFFE0];
	_ =	sdelay $0x2  }
0x474: {  	v5 =	vmov s7;
	v6 =	vor.u32 s7, v1  }
0x475: {  	vm0 =	veq.s32 v3, $0x15;
	vm1 =	veq.s32 v3, $0x13;
	v3 =	vshll.u32 v5, $0x3  }
0x476: {  	v46 =	vand.u32 $0x4F, v6;
	v47 =	vshll.u32 v4, $0xA;
	v3 =	vand.u32 $0x1C00, v3  }
0x477: {  	v4 =	vshll.u32 v4, $0x7;
	v6 =	vand.u32 $0xFFFFE000, v47;
	v3 =	vor.u32 v3, v46  }
0x478: {  	vm1 =	vmor vm0, vm1;
	v4 =	vand.u32 $0x380, v4;
	v3 =	vor.u32 v6, v3  }
0x479: {  	v3 =	vor.u32 v4, v3;
	_ =	sdelay $0x3  }
0x47a: {  	v48 =	vsel vm0, $0x3F800000, v0  }
0x47b: {  	[tilespmem:v3+s3+$0x0] =	vst.idx.msk vm1, v48  }
0x47c: {  	v3 =	vld [tilespmem:s9+$0xFFFFFFF0]  }
0x47d: {  	v4 =	vld [tilespmem:s10+$0xFFFFFFF0];
	_ =	sdelay $0x1  }
0x47e: {  	s11 =	sadd.s32 $0x10, s7  }
0x47f: {  	v49 =	vmov s11;
	v50 =	vor.u32 s11, v1  }
0x480: {  	vm10 =	veq.s32 v3, $0x15;
	vm11 =	veq.s32 v3, $0x13;
	v3 =	vshll.u32 v49, $0x3  }
0x481: {  	v51 =	vand.u32 $0x5F, v50;
	v52 =	vshll.u32 v4, $0xA;
	v3 =	vand.u32 $0x1C00, v3  }
0x482: {  	v4 =	vshll.u32 v4, $0x7;
	v6 =	vand.u32 $0xFFFFE000, v52;
	v3 =	vor.u32 v3, v51  }
0x483: {  	vm1 =	vmor vm10, vm11;
	v4 =	vand.u32 $0x380, v4;
	v3 =	vor.u32 v6, v3  }
0x484: {  	v3 =	vor.u32 v4, v3;
	_ =	sdelay $0x3  }
0x485: {  	v53 =	vsel vm10, $0x3F800000, v0  }
0x486: {  	[tilespmem:v3+s3+$0x0] =	vst.idx.msk vm1, v53  }
0x487: {  	v3 =	vld [tilespmem:s9+$0x0]  }
0x488: {  	v4 =	vld [tilespmem:s10+$0x0];
	_ =	sdelay $0x1  }
0x489: {  	s14 =	sadd.s32 $0x20, s7  }
0x48a: {  	v54 =	vmov s14;
	v55 =	vor.u32 s14, v1  }
0x48b: {  	vm12 =	veq.s32 v3, $0x15;
	vm13 =	veq.s32 v3, $0x13;
	v3 =	vshll.u32 v54, $0x3  }
0x48c: {  	v56 =	vand.u32 $0x6F, v55;
	v57 =	vshll.u32 v4, $0xA;
	v3 =	vand.u32 $0x1C00, v3  }
0x48d: {  	v4 =	vshll.u32 v4, $0x7;
	v6 =	vand.u32 $0xFFFFE000, v57;
	v3 =	vor.u32 v3, v56  }
0x48e: {  	vm1 =	vmor vm12, vm13;
	v4 =	vand.u32 $0x380, v4;
	v3 =	vor.u32 v6, v3  }
0x48f: {  	v3 =	vor.u32 v4, v3;
	_ =	sdelay $0x3  }
0x490: {  	v58 =	vsel vm12, $0x3F800000, v0  }
0x491: {  	[tilespmem:v3+s3+$0x0] =	vst.idx.msk vm1, v58  }
0x492: {  	v3 =	vld [tilespmem:s9+$0x10]  }
0x493: {  	v4 =	vld [tilespmem:s10+$0x10];
	_ =	sdelay $0x1  }
0x494: {  	s15 =	sadd.s32 $0x30, s7  }
0x495: {  	v59 =	vmov s15;
	v60 =	vor.u32 s15, v1  }
0x496: {  	vm14 =	veq.s32 v3, $0x15;
	vm15 =	veq.s32 v3, $0x13;
	v3 =	vshll.u32 v59, $0x3  }
0x497: {  	v61 =	vand.u32 $0x7F, v60;
	v62 =	vshll.u32 v4, $0xA;
	v3 =	vand.u32 $0x1C00, v3  }
0x498: {  	v4 =	vshll.u32 v4, $0x7;
	v6 =	vand.u32 $0xFFFFE000, v62;
	v3 =	vor.u32 v3, v61  }
0x499: {  	s8 =	sadd.s32 $0x4, s8;
	vm1 =	vmor vm14, vm15;
	v4 =	vand.u32 $0x380, v4;
	v3 =	vor.u32 v6, v3  }
0x49a: {  	p0 =	slt.u32 s8, $0x3C;
	v3 =	vor.u32 v4, v3  }
.Ltmp24:
0x49b: {  	_ = 	snop;
	(pc) =	sbr.rel @p0 .LBB2_49-.Ltmp24, $3  }
0x49c: {  	_ =	sdelay $0x1  }
0x49d: {  	v63 =	vsel vm14, $0x3F800000, v0  }
0x49e: {  	s7 =	sadd.s32 $0x40, s7;
	s9 =	sadd.s32 $0x40, s9;
	s10 =	sadd.s32 $0x40, s10;
	[tilespmem:v3+s3+$0x0] =	vst.idx.msk vm1, v63  }
0x49f: {  	s7 =	simm.s32 $0x0  }
0x4a0: {  	[hbm4b:s25+s7] =	stream.linear.scatter [tilespmem:s3], [sflag:$0x2], $0xA000, $0x38;
	[tilespmem:$0x14C00] =	vst v63  }
0x4a1: {  	_ =	swait.ge [sflag:s0], $0xA000  }
0x4a2: {  	s8 =	simm.s32 $0xFFFFFFFC;
	[sflag:s0] =	ssyncset.done $0x0  }
0x4a3: {  	s9 =	simm.s32 $0x14420;
	s10 =	simm.s32 $0x14820;
	[sflag:s0] =	ssyncadd.s32 $0xFFFF6000  }
.LBB2_51:
0x4a4: {  	v3 =	vld [tilespmem:s9+$0xFFFFFFE0]  }
0x4a5: {  	v4 =	vld [tilespmem:s10+$0xFFFFFFE0];
	_ =	sdelay $0x2  }
0x4a6: {  	v5 =	vmov s7;
	v6 =	vor.u32 s7, v1  }
0x4a7: {  	vm0 =	veq.s32 v3, $0x16;
	vm1 =	veq.s32 v3, $0x14;
	v3 =	vshll.u32 v5, $0x3  }
0x4a8: {  	v46 =	vand.u32 $0x4F, v6;
	v47 =	vshll.u32 v4, $0xA;
	v3 =	vand.u32 $0x1C00, v3  }
0x4a9: {  	v4 =	vshll.u32 v4, $0x7;
	v6 =	vand.u32 $0xFFFFE000, v47;
	v3 =	vor.u32 v3, v46  }
0x4aa: {  	vm1 =	vmor vm0, vm1;
	v4 =	vand.u32 $0x380, v4;
	v3 =	vor.u32 v6, v3  }
0x4ab: {  	v3 =	vor.u32 v4, v3;
	_ =	sdelay $0x3  }
0x4ac: {  	v48 =	vsel vm0, $0x3F800000, v0  }
0x4ad: {  	[tilespmem:v3+s2+$0x0] =	vst.idx.msk vm1, v48  }
0x4ae: {  	v3 =	vld [tilespmem:s9+$0xFFFFFFF0]  }
0x4af: {  	v4 =	vld [tilespmem:s10+$0xFFFFFFF0];
	_ =	sdelay $0x1  }
0x4b0: {  	s11 =	sadd.s32 $0x10, s7  }
0x4b1: {  	v49 =	vmov s11;
	v50 =	vor.u32 s11, v1  }
0x4b2: {  	vm10 =	veq.s32 v3, $0x16;
	vm11 =	veq.s32 v3, $0x14;
	v3 =	vshll.u32 v49, $0x3  }
0x4b3: {  	v51 =	vand.u32 $0x5F, v50;
	v52 =	vshll.u32 v4, $0xA;
	v3 =	vand.u32 $0x1C00, v3  }
0x4b4: {  	v4 =	vshll.u32 v4, $0x7;
	v6 =	vand.u32 $0xFFFFE000, v52;
	v3 =	vor.u32 v3, v51  }
0x4b5: {  	vm1 =	vmor vm10, vm11;
	v4 =	vand.u32 $0x380, v4;
	v3 =	vor.u32 v6, v3  }
0x4b6: {  	v3 =	vor.u32 v4, v3;
	_ =	sdelay $0x3  }
0x4b7: {  	v53 =	vsel vm10, $0x3F800000, v0  }
0x4b8: {  	[tilespmem:v3+s2+$0x0] =	vst.idx.msk vm1, v53  }
0x4b9: {  	v3 =	vld [tilespmem:s9+$0x0]  }
0x4ba: {  	v4 =	vld [tilespmem:s10+$0x0];
	_ =	sdelay $0x1  }
0x4bb: {  	s14 =	sadd.s32 $0x20, s7  }
0x4bc: {  	v54 =	vmov s14;
	v55 =	vor.u32 s14, v1  }
0x4bd: {  	vm12 =	veq.s32 v3, $0x16;
	vm13 =	veq.s32 v3, $0x14;
	v3 =	vshll.u32 v54, $0x3  }
0x4be: {  	v56 =	vand.u32 $0x6F, v55;
	v57 =	vshll.u32 v4, $0xA;
	v3 =	vand.u32 $0x1C00, v3  }
0x4bf: {  	v4 =	vshll.u32 v4, $0x7;
	v6 =	vand.u32 $0xFFFFE000, v57;
	v3 =	vor.u32 v3, v56  }
0x4c0: {  	vm1 =	vmor vm12, vm13;
	v4 =	vand.u32 $0x380, v4;
	v3 =	vor.u32 v6, v3  }
0x4c1: {  	v3 =	vor.u32 v4, v3;
	_ =	sdelay $0x3  }
0x4c2: {  	v58 =	vsel vm12, $0x3F800000, v0  }
0x4c3: {  	[tilespmem:v3+s2+$0x0] =	vst.idx.msk vm1, v58  }
0x4c4: {  	v3 =	vld [tilespmem:s9+$0x10]  }
0x4c5: {  	v4 =	vld [tilespmem:s10+$0x10];
	_ =	sdelay $0x1  }
0x4c6: {  	s15 =	sadd.s32 $0x30, s7  }
0x4c7: {  	v59 =	vmov s15;
	v60 =	vor.u32 s15, v1  }
0x4c8: {  	vm14 =	veq.s32 v3, $0x16;
	vm15 =	veq.s32 v3, $0x14;
	v3 =	vshll.u32 v59, $0x3  }
0x4c9: {  	v61 =	vand.u32 $0x7F, v60;
	v62 =	vshll.u32 v4, $0xA;
	v3 =	vand.u32 $0x1C00, v3  }
0x4ca: {  	v4 =	vshll.u32 v4, $0x7;
	v6 =	vand.u32 $0xFFFFE000, v62;
	v3 =	vor.u32 v3, v61  }
0x4cb: {  	s8 =	sadd.s32 $0x4, s8;
	vm1 =	vmor vm14, vm15;
	v4 =	vand.u32 $0x380, v4;
	v3 =	vor.u32 v6, v3  }
0x4cc: {  	p0 =	slt.u32 s8, $0x3C;
	v3 =	vor.u32 v4, v3  }
.Ltmp25:
0x4cd: {  	_ = 	snop;
	(pc) =	sbr.rel @p0 .LBB2_51-.Ltmp25, $3  }
0x4ce: {  	_ =	sdelay $0x1  }
0x4cf: {  	v63 =	vsel vm14, $0x3F800000, v0  }
0x4d0: {  	s7 =	sadd.s32 $0x40, s7;
	s9 =	sadd.s32 $0x40, s9;
	s10 =	sadd.s32 $0x40, s10;
	[tilespmem:v3+s2+$0x0] =	vst.idx.msk vm1, v63  }
0x4d1: {  	s7 =	simm.s32 $0x0  }
0x4d2: {  	[hbm4b:s28+s7] =	stream.linear.scatter [tilespmem:s7], [sflag:$0x1], $0xA000, $0x38;
	[tilespmem:$0x14C00] =	vst v63  }
0x4d3: {  	_ =	swait.ge [sflag:s5], $0xA000  }
0x4d4: {  	s8 =	simm.s32 $0xFFFFFFFC;
	[sflag:s5] =	ssyncset.done $0x0  }
0x4d5: {  	s9 =	simm.s32 $0x14420;
	s10 =	simm.s32 $0x14820;
	[sflag:s5] =	ssyncadd.s32 $0xFFFF6000  }
.LBB2_53:
0x4d6: {  	v3 =	vld [tilespmem:s9+$0xFFFFFFE0]  }
0x4d7: {  	v4 =	vld [tilespmem:s10+$0xFFFFFFE0];
	_ =	sdelay $0x2  }
0x4d8: {  	v5 =	vmov s7;
	v6 =	vor.u32 s7, v1  }
0x4d9: {  	vm0 =	veq.s32 v3, $0x17;
	vm1 =	veq.s32 v3, $0x15;
	v3 =	vshll.u32 v5, $0x3  }
0x4da: {  	v46 =	vand.u32 $0x4F, v6;
	v47 =	vshll.u32 v4, $0xA;
	v3 =	vand.u32 $0x1C00, v3  }
0x4db: {  	v4 =	vshll.u32 v4, $0x7;
	v6 =	vand.u32 $0xFFFFE000, v47;
	v3 =	vor.u32 v3, v46  }
0x4dc: {  	vm1 =	vmor vm0, vm1;
	v4 =	vand.u32 $0x380, v4;
	v3 =	vor.u32 v6, v3  }
0x4dd: {  	v3 =	vor.u32 v4, v3;
	_ =	sdelay $0x3  }
0x4de: {  	v48 =	vsel vm0, $0x3F800000, v0  }
0x4df: {  	[tilespmem:v3+s3+$0x0] =	vst.idx.msk vm1, v48  }
0x4e0: {  	v3 =	vld [tilespmem:s9+$0xFFFFFFF0]  }
0x4e1: {  	v4 =	vld [tilespmem:s10+$0xFFFFFFF0];
	_ =	sdelay $0x1  }
0x4e2: {  	s11 =	sadd.s32 $0x10, s7  }
0x4e3: {  	v49 =	vmov s11;
	v50 =	vor.u32 s11, v1  }
0x4e4: {  	vm10 =	veq.s32 v3, $0x17;
	vm11 =	veq.s32 v3, $0x15;
	v3 =	vshll.u32 v49, $0x3  }
0x4e5: {  	v51 =	vand.u32 $0x5F, v50;
	v52 =	vshll.u32 v4, $0xA;
	v3 =	vand.u32 $0x1C00, v3  }
0x4e6: {  	v4 =	vshll.u32 v4, $0x7;
	v6 =	vand.u32 $0xFFFFE000, v52;
	v3 =	vor.u32 v3, v51  }
0x4e7: {  	vm1 =	vmor vm10, vm11;
	v4 =	vand.u32 $0x380, v4;
	v3 =	vor.u32 v6, v3  }
0x4e8: {  	v3 =	vor.u32 v4, v3;
	_ =	sdelay $0x3  }
0x4e9: {  	v53 =	vsel vm10, $0x3F800000, v0  }
0x4ea: {  	[tilespmem:v3+s3+$0x0] =	vst.idx.msk vm1, v53  }
0x4eb: {  	v3 =	vld [tilespmem:s9+$0x0]  }
0x4ec: {  	v4 =	vld [tilespmem:s10+$0x0];
	_ =	sdelay $0x1  }
0x4ed: {  	s14 =	sadd.s32 $0x20, s7  }
0x4ee: {  	v54 =	vmov s14;
	v55 =	vor.u32 s14, v1  }
0x4ef: {  	vm12 =	veq.s32 v3, $0x17;
	vm13 =	veq.s32 v3, $0x15;
	v3 =	vshll.u32 v54, $0x3  }
0x4f0: {  	v56 =	vand.u32 $0x6F, v55;
	v57 =	vshll.u32 v4, $0xA;
	v3 =	vand.u32 $0x1C00, v3  }
0x4f1: {  	v4 =	vshll.u32 v4, $0x7;
	v6 =	vand.u32 $0xFFFFE000, v57;
	v3 =	vor.u32 v3, v56  }
0x4f2: {  	vm1 =	vmor vm12, vm13;
	v4 =	vand.u32 $0x380, v4;
	v3 =	vor.u32 v6, v3  }
0x4f3: {  	v3 =	vor.u32 v4, v3;
	_ =	sdelay $0x3  }
0x4f4: {  	v58 =	vsel vm12, $0x3F800000, v0  }
0x4f5: {  	[tilespmem:v3+s3+$0x0] =	vst.idx.msk vm1, v58  }
0x4f6: {  	v3 =	vld [tilespmem:s9+$0x10]  }
0x4f7: {  	v4 =	vld [tilespmem:s10+$0x10];
	_ =	sdelay $0x1  }
0x4f8: {  	s15 =	sadd.s32 $0x30, s7  }
0x4f9: {  	v59 =	vmov s15;
	v60 =	vor.u32 s15, v1  }
0x4fa: {  	vm14 =	veq.s32 v3, $0x17;
	vm15 =	veq.s32 v3, $0x15;
	v3 =	vshll.u32 v59, $0x3  }
0x4fb: {  	v61 =	vand.u32 $0x7F, v60;
	v62 =	vshll.u32 v4, $0xA;
	v3 =	vand.u32 $0x1C00, v3  }
0x4fc: {  	v4 =	vshll.u32 v4, $0x7;
	v6 =	vand.u32 $0xFFFFE000, v62;
	v3 =	vor.u32 v3, v61  }
0x4fd: {  	s8 =	sadd.s32 $0x4, s8;
	vm1 =	vmor vm14, vm15;
	v4 =	vand.u32 $0x380, v4;
	v3 =	vor.u32 v6, v3  }
0x4fe: {  	p0 =	slt.u32 s8, $0x3C;
	v3 =	vor.u32 v4, v3  }
.Ltmp26:
0x4ff: {  	_ = 	snop;
	(pc) =	sbr.rel @p0 .LBB2_53-.Ltmp26, $3  }
0x500: {  	_ =	sdelay $0x1  }
0x501: {  	v63 =	vsel vm14, $0x3F800000, v0  }
0x502: {  	s7 =	sadd.s32 $0x40, s7;
	s9 =	sadd.s32 $0x40, s9;
	s10 =	sadd.s32 $0x40, s10;
	[tilespmem:v3+s3+$0x0] =	vst.idx.msk vm1, v63  }
0x503: {  	s7 =	simm.s32 $0x0  }
0x504: {  	[hbm4b:s30+s7] =	stream.linear.scatter [tilespmem:s3], [sflag:$0x2], $0xA000, $0x38;
	[tilespmem:$0x14C00] =	vst v63  }
0x505: {  	_ =	swait.ge [sflag:s0], $0xA000  }
0x506: {  	s8 =	simm.s32 $0xFFFFFFFC;
	[sflag:s0] =	ssyncset.done $0x0  }
0x507: {  	s9 =	simm.s32 $0x14420;
	s10 =	simm.s32 $0x14820;
	[sflag:s0] =	ssyncadd.s32 $0xFFFF6000  }
.LBB2_55:
0x508: {  	v3 =	vld [tilespmem:s9+$0xFFFFFFE0]  }
0x509: {  	v4 =	vld [tilespmem:s10+$0xFFFFFFE0];
	_ =	sdelay $0x2  }
0x50a: {  	v5 =	vmov s7;
	v6 =	vor.u32 s7, v1  }
0x50b: {  	vm0 =	veq.s32 v3, $0x18;
	vm1 =	veq.s32 v3, $0x16;
	v3 =	vshll.u32 v5, $0x3  }
0x50c: {  	v46 =	vand.u32 $0x4F, v6;
	v47 =	vshll.u32 v4, $0xA;
	v3 =	vand.u32 $0x1C00, v3  }
0x50d: {  	v4 =	vshll.u32 v4, $0x7;
	v6 =	vand.u32 $0xFFFFE000, v47;
	v3 =	vor.u32 v3, v46  }
0x50e: {  	vm1 =	vmor vm0, vm1;
	v4 =	vand.u32 $0x380, v4;
	v3 =	vor.u32 v6, v3  }
0x50f: {  	v3 =	vor.u32 v4, v3;
	_ =	sdelay $0x3  }
0x510: {  	v48 =	vsel vm0, $0x3F800000, v0  }
0x511: {  	[tilespmem:v3+s2+$0x0] =	vst.idx.msk vm1, v48  }
0x512: {  	v3 =	vld [tilespmem:s9+$0xFFFFFFF0]  }
0x513: {  	v4 =	vld [tilespmem:s10+$0xFFFFFFF0];
	_ =	sdelay $0x1  }
0x514: {  	s11 =	sadd.s32 $0x10, s7  }
0x515: {  	v49 =	vmov s11;
	v50 =	vor.u32 s11, v1  }
0x516: {  	vm10 =	veq.s32 v3, $0x18;
	vm11 =	veq.s32 v3, $0x16;
	v3 =	vshll.u32 v49, $0x3  }
0x517: {  	v51 =	vand.u32 $0x5F, v50;
	v52 =	vshll.u32 v4, $0xA;
	v3 =	vand.u32 $0x1C00, v3  }
0x518: {  	v4 =	vshll.u32 v4, $0x7;
	v6 =	vand.u32 $0xFFFFE000, v52;
	v3 =	vor.u32 v3, v51  }
0x519: {  	vm1 =	vmor vm10, vm11;
	v4 =	vand.u32 $0x380, v4;
	v3 =	vor.u32 v6, v3  }
0x51a: {  	v3 =	vor.u32 v4, v3;
	_ =	sdelay $0x3  }
0x51b: {  	v53 =	vsel vm10, $0x3F800000, v0  }
0x51c: {  	[tilespmem:v3+s2+$0x0] =	vst.idx.msk vm1, v53  }
0x51d: {  	v3 =	vld [tilespmem:s9+$0x0]  }
0x51e: {  	v4 =	vld [tilespmem:s10+$0x0];
	_ =	sdelay $0x1  }
0x51f: {  	s14 =	sadd.s32 $0x20, s7  }
0x520: {  	v54 =	vmov s14;
	v55 =	vor.u32 s14, v1  }
0x521: {  	vm12 =	veq.s32 v3, $0x18;
	vm13 =	veq.s32 v3, $0x16;
	v3 =	vshll.u32 v54, $0x3  }
0x522: {  	v56 =	vand.u32 $0x6F, v55;
	v57 =	vshll.u32 v4, $0xA;
	v3 =	vand.u32 $0x1C00, v3  }
0x523: {  	v4 =	vshll.u32 v4, $0x7;
	v6 =	vand.u32 $0xFFFFE000, v57;
	v3 =	vor.u32 v3, v56  }
0x524: {  	vm1 =	vmor vm12, vm13;
	v4 =	vand.u32 $0x380, v4;
	v3 =	vor.u32 v6, v3  }
0x525: {  	v3 =	vor.u32 v4, v3;
	_ =	sdelay $0x3  }
0x526: {  	v58 =	vsel vm12, $0x3F800000, v0  }
0x527: {  	[tilespmem:v3+s2+$0x0] =	vst.idx.msk vm1, v58  }
0x528: {  	v3 =	vld [tilespmem:s9+$0x10]  }
0x529: {  	v4 =	vld [tilespmem:s10+$0x10];
	_ =	sdelay $0x1  }
0x52a: {  	s15 =	sadd.s32 $0x30, s7  }
0x52b: {  	v59 =	vmov s15;
	v60 =	vor.u32 s15, v1  }
0x52c: {  	vm14 =	veq.s32 v3, $0x18;
	vm15 =	veq.s32 v3, $0x16;
	v3 =	vshll.u32 v59, $0x3  }
0x52d: {  	v61 =	vand.u32 $0x7F, v60;
	v62 =	vshll.u32 v4, $0xA;
	v3 =	vand.u32 $0x1C00, v3  }
0x52e: {  	v4 =	vshll.u32 v4, $0x7;
	v6 =	vand.u32 $0xFFFFE000, v62;
	v3 =	vor.u32 v3, v61  }
0x52f: {  	s8 =	sadd.s32 $0x4, s8;
	vm1 =	vmor vm14, vm15;
	v4 =	vand.u32 $0x380, v4;
	v3 =	vor.u32 v6, v3  }
0x530: {  	p0 =	slt.u32 s8, $0x3C;
	v3 =	vor.u32 v4, v3  }
.Ltmp27:
0x531: {  	_ = 	snop;
	(pc) =	sbr.rel @p0 .LBB2_55-.Ltmp27, $3  }
0x532: {  	_ =	sdelay $0x1  }
0x533: {  	v63 =	vsel vm14, $0x3F800000, v0  }
0x534: {  	s7 =	sadd.s32 $0x40, s7;
	s9 =	sadd.s32 $0x40, s9;
	s10 =	sadd.s32 $0x40, s10;
	[tilespmem:v3+s2+$0x0] =	vst.idx.msk vm1, v63  }
0x535: {  	[hbm4b:s31+s2] =	stream.linear.scatter [tilespmem:s2], [sflag:$0x1], $0xA000, $0x38;
	[tilespmem:$0x14C00] =	vst v63  }
0x536: {  	s6 =	sadd.s32 $0x1, s6  }
0x537: {  	_ =	swait.ge [sflag:s0], $0xA000;
	p0 =	sne.s32 s6, s29  }
.Ltmp28:
0x538: {  	[sflag:s0] =	ssyncset.done $0x0;
	(pc) =	sbr.rel @p0 .LBB2_2-.Ltmp28, $4  }
0x539: {  	[sflag:s0] =	ssyncadd.s32 $0xFFFF6000  }
0x53a: {  	_ =	swait.ge [sflag:s5], $0xA000  }
0x53b: {  	[sflag:s5] =	ssyncset.done $0x0  }
0x53c: {  	[sflag:s5] =	ssyncadd.s32 $0xFFFF6000  }
.LBB2_57:
0x53d: {  	_ =	sfence.sel $0x180000  }
0x53e: {  	[bflag:$0x0] =	sbarrier.arrive $0xFFFF  }
0x53f: {  	_ =	strace $0x90000047  }
0x540: {  	s0 =	stileid.u32;
	[bflag:$0x2] =	sbarrier.arrive $0xFFFF  }
0x541: {  	p0 =	sne.s32 s0, $0x0;
	s0 =	rddreg [dreg:$0x2]  }
0x542: {  	s0 =	sadd.s32 @!p0 $0x100000, s0  }
0x543: {  	[sflag:s0] =	ssyncadd.tile.s32 @!p0 $0x1;
	_ =	shalt  }
.Lfunc_end2:
_tile_overlayer_lowered:
.L_overlay_start_2:
0x544: {  	(tag) =	ssettag $0x2  }
0x545: {  	s0 =	rddreg [dreg:$0x0];
	s2 =	stileid.u32  }
0x546: {  	s1 =	rddreg [dreg:$0x1];
	p0 =	sne.s32 s2, $0x0  }
0x547: {  	s3 =	rddreg [dreg:$0x2];
	[bflag:$0x3] =	sbarrier.arrive $0xFFFF;
	s2 =	simm.s32 @!p0 $0x1C03  }
0x548: {  	[timem:s3], [sflag:s2] =	dma.local @!p0 [hbm:s0], s1  }
0x549: {  	s0 =	simm.s32 @!p0 $0x3  }
0x54a: {  	_ =	swait.ge @!p0 [sflag:s0], s1  }
0x54b: {  	s1 =	ssub.s32 @!p0 $0x0, s1;
	[sflag:s0] =	ssyncset.done @!p0 $0x0  }
0x54c: {  	[sflag:s0] =	ssyncadd.s32 @!p0 s1  }
0x54d: {  	[bflag:$0x3] =	sbarrier.arrive $0xFFFF  }
0x54e: {  	_ =	shalt  }

</sc_bundles>
